<compile_context>
chip_gen: v7x
topology: tpu7x:2x2x1
jax: 0.10.2.dev20260603
libtpu: 0.0.44.dev20260713+nightly
codegen_flags: <defaults>
</compile_context>

<pallas_src>
import functools

import jax
import jax.numpy as jnp
from jax import lax
from jax.experimental import pallas as pl
from jax.experimental.pallas import tpu as pltpu
from jax.experimental.pallas import tpu_sc as plsc

N = 16
D = 1024

_NC = 2
_NS = 16
_RPT = D // _NS
_CH = D // 16


def _fwd_body(theta_ref, mf_ref, carry):
    s = pl.program_id(0)

    @pl.when(s == 0)
    def _():
        carry[...] = jnp.zeros((D,), jnp.float32)

    m = carry[...]
    k = jnp.max(m)
    sm = jnp.sum(jnp.exp(theta_ref[0] + (m - k)[:, None]), axis=0)
    new = k + jnp.log(sm)
    mf_ref[0, 0] = new
    carry[...] = new


_fwd = pl.pallas_call(
    _fwd_body,
    grid=(N - 1,),
    in_specs=[pl.BlockSpec((1, D, D), lambda s: (s, 0, 0))],
    out_specs=pl.BlockSpec((1, 1, D), lambda s: (s, 0, 0)),
    out_shape=jax.ShapeDtypeStruct((N - 1, 1, D), jnp.float32),
    scratch_shapes=[pltpu.VMEM((D,), jnp.float32)],
)


def _vlog(x):
    small = x < 1.0
    z = jnp.where(small, x * jnp.float32(2.0**63) * jnp.float32(2.0**63), x)
    e = jnp.where(small, jnp.float32(-126.0), jnp.float32(0.0))
    for k in (64, 32, 16, 8, 4, 2, 1):
        big = z >= jnp.float32(2.0**k)
        z = jnp.where(big, z * jnp.float32(2.0**-k), z)
        e = e + jnp.where(big, jnp.float32(k), jnp.float32(0.0))
    big = z > 1.41421356
    z = jnp.where(big, z * 0.5, z)
    e = e + jnp.where(big, jnp.float32(1.0), jnp.float32(0.0))
    t = (z - 1.0) / (z + 1.0)
    t2 = t * t
    p = t * (2.0 + t2 * (0.66666667 + t2 * (0.4 + t2 * (0.28571429 + t2 * 0.22222222))))
    return e * 0.69314718 + p


def _lane_shuffle(v, idx):
    dnums = lax.GatherDimensionNumbers(
        offset_dims=(), collapsed_slice_dims=(0,), start_index_map=(0,)
    )
    return lax.gather(
        v, idx[:, None], dnums, (1,),
        mode=lax.GatherScatterMode.PROMISE_IN_BOUNDS,
    )


def _hmax(v):
    iota = lax.iota(jnp.int32, 16)
    for sh in (8, 4, 2, 1):
        v = jnp.maximum(v, _lane_shuffle(v, jnp.bitwise_xor(iota, sh)))
    return v


def _tree_hsum16(vs):
    iota = lax.iota(jnp.int32, 16)
    level = 1
    while len(vs) > 1:
        nvs = []
        sel = jnp.bitwise_and(iota, level) == 0
        for i in range(0, len(vs), 2):
            a, b = vs[i], vs[i + 1]
            sa = a + _lane_shuffle(a, jnp.bitwise_xor(iota, level))
            sb = b + _lane_shuffle(b, jnp.bitwise_xor(iota, level))
            nvs.append(jnp.where(sel, sa, sb))
        vs = nvs
        level <<= 1
    return vs[0]


_sc_mesh = plsc.VectorSubcoreMesh(
    core_axis_name="c", subcore_axis_name="s", num_cores=_NC, num_subcores=_NS
)


@functools.partial(
    pl.kernel,
    out_type=jax.ShapeDtypeStruct((N, D), jnp.float32),
    mesh=_sc_mesh,
    scratch_types=[
        pltpu.VMEM((_RPT // 2, D), jnp.float32),
        pltpu.VMEM((_RPT // 2, D), jnp.float32),
        pltpu.VMEM((D,), jnp.float32),
        pltpu.VMEM((D,), jnp.float32),
        pltpu.VMEM((_RPT,), jnp.float32),
        pltpu.VMEM_SHARED((D,), jnp.float32),
        pltpu.SemaphoreType.DMA,
        pltpu.SemaphoreType.DMA,
    ],
)
def _sc_bwd(theta_hbm, l_hbm, buf_a, buf_b, m_v, ms_v, out64_v, shared, sem_a, sem_b):
    cid = lax.axis_index("c")
    sid = lax.axis_index("s")

    @pl.when(cid == 0)
    def _():
        base = sid * _RPT
        half = _RPT // 2

        for c in range(_CH):
            m_v[pl.ds(c * 16, 16)] = jnp.zeros((16,), jnp.float32)

        pltpu.async_copy(theta_hbm.at[N - 1, pl.ds(base, half), :], buf_a, sem_a)
        pltpu.async_copy(
            theta_hbm.at[N - 1, pl.ds(base + half, half), :], buf_b, sem_b
        )

        def half_sum(buf, g_local, k):
            def cbody(c, carry):
                msc = ms_v[pl.ds(c * 16, 16)]
                return tuple(
                    carry[rr]
                    + jnp.exp(buf[g_local * 16 + rr, pl.ds(c * 16, 16)] + msc)
                    for rr in range(16)
                )

            init = tuple(jnp.zeros((16,), jnp.float32) for _ in range(16))
            accs = lax.fori_loop(0, _CH, cbody, init, unroll=2)
            return _tree_hsum16(list(accs))

        def step(s, _):
            j = N - 1 - s

            gmm = jnp.full((16,), -jnp.inf, jnp.float32)
            for c in range(_CH):
                gmm = jnp.maximum(gmm, m_v[pl.ds(c * 16, 16)])
            k = _hmax(gmm)

            for c in range(_CH):
                ms_v[pl.ds(c * 16, 16)] = m_v[pl.ds(c * 16, 16)] - k

            pltpu.make_async_copy(
                theta_hbm.at[j, pl.ds(base, half), :], buf_a, sem_a
            ).wait()
            for g in range(2):
                s16 = half_sum(buf_a, g, k)
                out64_v[pl.ds(g * 16, 16)] = k + _vlog(s16)

            @pl.when(s < N - 1)
            def _():
                pltpu.async_copy(
                    theta_hbm.at[j - 1, pl.ds(base, half), :], buf_a, sem_a
                )

            pltpu.make_async_copy(
                theta_hbm.at[j, pl.ds(base + half, half), :], buf_b, sem_b
            ).wait()
            for g in range(2):
                s16 = half_sum(buf_b, g, k)
                out64_v[pl.ds((2 + g) * 16, 16)] = k + _vlog(s16)

            @pl.when(s < N - 1)
            def _():
                pltpu.async_copy(
                    theta_hbm.at[j - 1, pl.ds(base + half, half), :], buf_b, sem_b
                )

            pltpu.sync_copy(out64_v, l_hbm.at[j, pl.ds(base, _RPT)])
            pltpu.sync_copy(out64_v, shared.at[pl.ds(base, _RPT)])
            plsc.subcore_barrier()
            pltpu.sync_copy(shared, m_v)
            plsc.subcore_barrier()
            return 0

        lax.fori_loop(0, N, step, 0)


def _fin_body(theta_ref, mf_ref, l_ref, mb_ref, out_ref):
    mf = mf_ref[0, 0]
    lrow = l_ref[0, 0]
    mb = mb_ref[0, 0]
    q = mf + lrow
    qm = jnp.max(q)
    z = qm + jnp.log(jnp.sum(jnp.exp(q - qm)))
    out_ref[0] = theta_ref[0] + mb[None, :] + (mf - z)[:, None]


_fin = pl.pallas_call(
    _fin_body,
    grid=(N,),
    in_specs=[
        pl.BlockSpec((1, D, D), lambda s: (s, 0, 0)),
        pl.BlockSpec((1, 1, D), lambda s: (s, 0, 0)),
        pl.BlockSpec((1, 1, D), lambda s: (s, 0, 0)),
        pl.BlockSpec((1, 1, D), lambda s: (s, 0, 0)),
    ],
    out_specs=pl.BlockSpec((1, D, D), lambda s: (s, 0, 0)),
    out_shape=jax.ShapeDtypeStruct((N, D, D), jnp.float32),
)


def kernel(theta):
    lrows = _sc_bwd(theta)
    mf_tail = _fwd(theta)
    mf = jnp.concatenate([jnp.zeros((1, 1, D), jnp.float32), mf_tail], axis=0)
    lr = lrows.reshape(N, 1, D)
    mb = jnp.concatenate([lr[1:], jnp.zeros((1, 1, D), jnp.float32)], axis=0)
    return _fin(theta, mf, lr, mb)

# --- scband reference (transcript-rebuilt; emitter-appended) ---
"""Pipeline reference for scband-belief-propagation-41515153883659 (READ-ONLY COPY).

The authoritative reference and input builder live on the scoring server;
editing this copy changes nothing except your own understanding.
"""

import jax, jax.numpy as jnp
import numpy as np
from jax.scipy.special import logsumexp

N = 16
D = 1024


def setup_inputs(seed: int = 0) -> dict:
    key = jax.random.key(seed)
    theta = jax.random.normal(key, (N, D, D), dtype=jnp.float32)
    return {"theta": theta}


def reference(theta) -> jnp.ndarray:
    # Faithful translation of BeliefPropagation.forward for a chain junction tree
    # with 16 pairwise cliques of domain 1024x1024 and no index_args (all None).
    # Schedule: forward sweep 0->1->...->15, then backward sweep 15->14->...->0,
    # matching the `messages` list passed to __init__.
    n = theta.shape[0]
    thetas = [theta[i] for i in range(n)]
    received = {i: [] for i in range(n)}
    # (a_idx, b_idx, sum_dim); reshape_dims (True,False) for fwd -> [D,1],
    # (False,True) for bwd -> [1,D]
    schedule = [(i, i + 1, 0) for i in range(n - 1)] + [(i, i - 1, 1) for i in range(n - 1, 0, -1)]
    for a_idx, b_idx, sum_dim in schedule:
        proc = thetas[a_idx]
        for msg, frm in received[a_idx]:
            if frm != b_idx:
                proc = proc + msg
        proc = logsumexp(proc, axis=sum_dim)
        if sum_dim == 0:
            # marginal over shared var, lives in dim 0 of clique b -> [D, 1]
            proc = proc.reshape(proc.shape[0], 1)
        else:
            # shared var lives in dim 1 of clique b -> [1, D]
            proc = proc.reshape(1, proc.shape[0])
        received[b_idx].append((proc, a_idx))
    out = []
    for i in range(n):
        t = thetas[i]
        for msg, _ in received[i]:
            t = t + msg
        Z = logsumexp(t)
        out.append(t - Z)
    return jnp.stack(out)

if __name__ == "__main__":
    import jax
    _d = setup_inputs()
    print(jax.jit(kernel)(*tuple(_d.values())))

</pallas_src>

<mosaic_0001>
#map = affine_map<(d0, d1) -> (0, 0, 0)>
#map1 = affine_map<(d0, d1) -> (0, 0)>
module attributes {stable_mosaic.version = 14 : i64} {
  func.func @_sc_bwd(%arg0: i32, %arg1: i32, %arg2: memref<16x1024x1024xf32, #tpu.memory_space<hbm>>, %arg3: memref<16x1024xf32, #tpu.memory_space<hbm>>, %arg4: memref<32x1024xf32, #tpu.memory_space<vmem>>, %arg5: memref<32x1024xf32, #tpu.memory_space<vmem>>, %arg6: memref<1024xf32, #tpu.memory_space<vmem>>, %arg7: memref<1024xf32, #tpu.memory_space<vmem>>, %arg8: memref<64xf32, #tpu.memory_space<vmem>>, %arg9: memref<1024xf32, #tpu.memory_space<vmem_shared>>, %arg10: memref<!tpu.dma_semaphore, #tpu.memory_space<semaphore_mem>>, %arg11: memref<!tpu.dma_semaphore, #tpu.memory_space<semaphore_mem>>) attributes {dimension_semantics = [#tpu.dimension_semantics<core_parallel>, #tpu.dimension_semantics<subcore_parallel>], iteration_bounds = array<i64: 2, 16>, scalar_prefetch = 0 : i64, scratch_operands = 8 : i64, tpu.core_type = #tpu.core_type<sc_vector_subcore>, window_params = [{transform_indices = #map}, {transform_indices = #map1}]} {
    %eq3A = arith.constant 0 : i32
    %eq3A_0 = arith.cmpi eq, %arg0, %eq3A : i32
    %convert_element_type3A = arith.extui %eq3A_0 : i1 to i32
    %cond3A = arith.constant 0 : i32
    %cond3A_1 = arith.cmpi ne, %convert_element_type3A, %cond3A : i32
    scf.if %cond3A_1 {
      %mul3A = arith.constant 64 : i32
      %mul3A_2 = arith.muli %arg1, %mul3A : i32
      %broadcast_in_dim3A = arith.constant 0.000000e+00 : f32
      %broadcast_in_dim3A_3 = vector.broadcast %broadcast_in_dim3A : f32 to vector<16xf32>
      %swap3A = arith.constant 0 : index
      %swap3A_4 = tpu.vector_load %arg6[%swap3A] {strides = array<i32>} : memref<1024xf32, #tpu.memory_space<vmem>>, vector<16xf32>,
      %swap3A_5 = vector.shape_cast %swap3A_4 : vector<16xf32> to vector<16xf32>
      %swap3A_6 = vector.shape_cast %broadcast_in_dim3A_3 : vector<16xf32> to vector<16xf32>
      tpu.vector_store %arg6[%swap3A], %swap3A_6 {strides = array<i32>} : memref<1024xf32, #tpu.memory_space<vmem>>, vector<16xf32>,
      %broadcast_in_dim3A_7 = arith.constant 0.000000e+00 : f32
      %broadcast_in_dim3A_8 = vector.broadcast %broadcast_in_dim3A_7 : f32 to vector<16xf32>
      %swap3A_9 = arith.constant 16 : index
      %swap3A_10 = tpu.vector_load %arg6[%swap3A_9] {strides = array<i32>} : memref<1024xf32, #tpu.memory_space<vmem>>, vector<16xf32>,
      %swap3A_11 = vector.shape_cast %swap3A_10 : vector<16xf32> to vector<16xf32>
      %swap3A_12 = vector.shape_cast %broadcast_in_dim3A_8 : vector<16xf32> to vector<16xf32>
      tpu.vector_store %arg6[%swap3A_9], %swap3A_12 {strides = array<i32>} : memref<1024xf32, #tpu.memory_space<vmem>>, vector<16xf32>,
      %broadcast_in_dim3A_13 = arith.constant 0.000000e+00 : f32
      %broadcast_in_dim3A_14 = vector.broadcast %broadcast_in_dim3A_13 : f32 to vector<16xf32>
      %swap3A_15 = arith.constant 32 : index
      %swap3A_16 = tpu.vector_load %arg6[%swap3A_15] {strides = array<i32>} : memref<1024xf32, #tpu.memory_space<vmem>>, vector<16xf32>,
      %swap3A_17 = vector.shape_cast %swap3A_16 : vector<16xf32> to vector<16xf32>
      %swap3A_18 = vector.shape_cast %broadcast_in_dim3A_14 : vector<16xf32> to vector<16xf32>
      tpu.vector_store %arg6[%swap3A_15], %swap3A_18 {strides = array<i32>} : memref<1024xf32, #tpu.memory_space<vmem>>, vector<16xf32>,
      %broadcast_in_dim3A_19 = arith.constant 0.000000e+00 : f32
      %broadcast_in_dim3A_20 = vector.broadcast %broadcast_in_dim3A_19 : f32 to vector<16xf32>
      %swap3A_21 = arith.constant 48 : index
      %swap3A_22 = tpu.vector_load %arg6[%swap3A_21] {strides = array<i32>} : memref<1024xf32, #tpu.memory_space<vmem>>, vector<16xf32>,
      %swap3A_23 = vector.shape_cast %swap3A_22 : vector<16xf32> to vector<16xf32>
      %swap3A_24 = vector.shape_cast %broadcast_in_dim3A_20 : vector<16xf32> to vector<16xf32>
      tpu.vector_store %arg6[%swap3A_21], %swap3A_24 {strides = array<i32>} : memref<1024xf32, #tpu.memory_space<vmem>>, vector<16xf32>,
      %broadcast_in_dim3A_25 = arith.constant 0.000000e+00 : f32
      %broadcast_in_dim3A_26 = vector.broadcast %broadcast_in_dim3A_25 : f32 to vector<16xf32>
      %swap3A_27 = arith.constant 64 : index
      %swap3A_28 = tpu.vector_load %arg6[%swap3A_27] {strides = array<i32>} : memref<1024xf32, #tpu.memory_space<vmem>>, vector<16xf32>,
      %swap3A_29 = vector.shape_cast %swap3A_28 : vector<16xf32> to vector<16xf32>
      %swap3A_30 = vector.shape_cast %broadcast_in_dim3A_26 : vector<16xf32> to vector<16xf32>
      tpu.vector_store %arg6[%swap3A_27], %swap3A_30 {strides = array<i32>} : memref<1024xf32, #tpu.memory_space<vmem>>, vector<16xf32>,
      %broadcast_in_dim3A_31 = arith.constant 0.000000e+00 : f32
      %broadcast_in_dim3A_32 = vector.broadcast %broadcast_in_dim3A_31 : f32 to vector<16xf32>
      %swap3A_33 = arith.constant 80 : index
      %swap3A_34 = tpu.vector_load %arg6[%swap3A_33] {strides = array<i32>} : memref<1024xf32, #tpu.memory_space<vmem>>, vector<16xf32>,
      %swap3A_35 = vector.shape_cast %swap3A_34 : vector<16xf32> to vector<16xf32>
      %swap3A_36 = vector.shape_cast %broadcast_in_dim3A_32 : vector<16xf32> to vector<16xf32>
      tpu.vector_store %arg6[%swap3A_33], %swap3A_36 {strides = array<i32>} : memref<1024xf32, #tpu.memory_space<vmem>>, vector<16xf32>,
      %broadcast_in_dim3A_37 = arith.constant 0.000000e+00 : f32
      %broadcast_in_dim3A_38 = vector.broadcast %broadcast_in_dim3A_37 : f32 to vector<16xf32>
      %swap3A_39 = arith.constant 96 : index
      %swap3A_40 = tpu.vector_load %arg6[%swap3A_39] {strides = array<i32>} : memref<1024xf32, #tpu.memory_space<vmem>>, vector<16xf32>,
      %swap3A_41 = vector.shape_cast %swap3A_40 : vector<16xf32> to vector<16xf32>
      %swap3A_42 = vector.shape_cast %broadcast_in_dim3A_38 : vector<16xf32> to vector<16xf32>
      tpu.vector_store %arg6[%swap3A_39], %swap3A_42 {strides = array<i32>} : memref<1024xf32, #tpu.memory_space<vmem>>, vector<16xf32>,
      %broadcast_in_dim3A_43 = arith.constant 0.000000e+00 : f32
      %broadcast_in_dim3A_44 = vector.broadcast %broadcast_in_dim3A_43 : f32 to vector<16xf32>
      %swap3A_45 = arith.constant 112 : index
      %swap3A_46 = tpu.vector_load %arg6[%swap3A_45] {strides = array<i32>} : memref<1024xf32, #tpu.memory_space<vmem>>, vector<16xf32>,
      %swap3A_47 = vector.shape_cast %swap3A_46 : vector<16xf32> to vector<16xf32>
      %swap3A_48 = vector.shape_cast %broadcast_in_dim3A_44 : vector<16xf32> to vector<16xf32>
      tpu.vector_store %arg6[%swap3A_45], %swap3A_48 {strides = array<i32>} : memref<1024xf32, #tpu.memory_space<vmem>>, vector<16xf32>,
      %broadcast_in_dim3A_49 = arith.constant 0.000000e+00 : f32
      %broadcast_in_dim3A_50 = vector.broadcast %broadcast_in_dim3A_49 : f32 to vector<16xf32>
      %swap3A_51 = arith.constant 128 : index
      %swap3A_52 = tpu.vector_load %arg6[%swap3A_51] {strides = array<i32>} : memref<1024xf32, #tpu.memory_space<vmem>>, vector<16xf32>,
      %swap3A_53 = vector.shape_cast %swap3A_52 : vector<16xf32> to vector<16xf32>
      %swap3A_54 = vector.shape_cast %broadcast_in_dim3A_50 : vector<16xf32> to vector<16xf32>
      tpu.vector_store %arg6[%swap3A_51], %swap3A_54 {strides = array<i32>} : memref<1024xf32, #tpu.memory_space<vmem>>, vector<16xf32>,
      %broadcast_in_dim3A_55 = arith.constant 0.000000e+00 : f32
      %broadcast_in_dim3A_56 = vector.broadcast %broadcast_in_dim3A_55 : f32 to vector<16xf32>
      %swap3A_57 = arith.constant 144 : index
      %swap3A_58 = tpu.vector_load %arg6[%swap3A_57] {strides = array<i32>} : memref<1024xf32, #tpu.memory_space<vmem>>, vector<16xf32>,
      %swap3A_59 = vector.shape_cast %swap3A_58 : vector<16xf32> to vector<16xf32>
      %swap3A_60 = vector.shape_cast %broadcast_in_dim3A_56 : vector<16xf32> to vector<16xf32>
      tpu.vector_store %arg6[%swap3A_57], %swap3A_60 {strides = array<i32>} : memref<1024xf32, #tpu.memory_space<vmem>>, vector<16xf32>,
      %broadcast_in_dim3A_61 = arith.constant 0.000000e+00 : f32
      %broadcast_in_dim3A_62 = vector.broadcast %broadcast_in_dim3A_61 : f32 to vector<16xf32>
      %swap3A_63 = arith.constant 160 : index
      %swap3A_64 = tpu.vector_load %arg6[%swap3A_63] {strides = array<i32>} : memref<1024xf32, #tpu.memory_space<vmem>>, vector<16xf32>,
      %swap3A_65 = vector.shape_cast %swap3A_64 : vector<16xf32> to vector<16xf32>
      %swap3A_66 = vector.shape_cast %broadcast_in_dim3A_62 : vector<16xf32> to vector<16xf32>
      tpu.vector_store %arg6[%swap3A_63], %swap3A_66 {strides = array<i32>} : memref<1024xf32, #tpu.memory_space<vmem>>, vector<16xf32>,
      %broadcast_in_dim3A_67 = arith.constant 0.000000e+00 : f32
      %broadcast_in_dim3A_68 = vector.broadcast %broadcast_in_dim3A_67 : f32 to vector<16xf32>
      %swap3A_69 = arith.constant 176 : index
      %swap3A_70 = tpu.vector_load %arg6[%swap3A_69] {strides = array<i32>} : memref<1024xf32, #tpu.memory_space<vmem>>, vector<16xf32>,
      %swap3A_71 = vector.shape_cast %swap3A_70 : vector<16xf32> to vector<16xf32>
      %swap3A_72 = vector.shape_cast %broadcast_in_dim3A_68 : vector<16xf32> to vector<16xf32>
      tpu.vector_store %arg6[%swap3A_69], %swap3A_72 {strides = array<i32>} : memref<1024xf32, #tpu.memory_space<vmem>>, vector<16xf32>,
      %broadcast_in_dim3A_73 = arith.constant 0.000000e+00 : f32
      %broadcast_in_dim3A_74 = vector.broadcast %broadcast_in_dim3A_73 : f32 to vector<16xf32>
      %swap3A_75 = arith.constant 192 : index
      %swap3A_76 = tpu.vector_load %arg6[%swap3A_75] {strides = array<i32>} : memref<1024xf32, #tpu.memory_space<vmem>>, vector<16xf32>,
      %swap3A_77 = vector.shape_cast %swap3A_76 : vector<16xf32> to vector<16xf32>
      %swap3A_78 = vector.shape_cast %broadcast_in_dim3A_74 : vector<16xf32> to vector<16xf32>
      tpu.vector_store %arg6[%swap3A_75], %swap3A_78 {strides = array<i32>} : memref<1024xf32, #tpu.memory_space<vmem>>, vector<16xf32>,
      %broadcast_in_dim3A_79 = arith.constant 0.000000e+00 : f32
      %broadcast_in_dim3A_80 = vector.broadcast %broadcast_in_dim3A_79 : f32 to vector<16xf32>
      %swap3A_81 = arith.constant 208 : index
      %swap3A_82 = tpu.vector_load %arg6[%swap3A_81] {strides = array<i32>} : memref<1024xf32, #tpu.memory_space<vmem>>, vector<16xf32>,
      %swap3A_83 = vector.shape_cast %swap3A_82 : vector<16xf32> to vector<16xf32>
      %swap3A_84 = vector.shape_cast %broadcast_in_dim3A_80 : vector<16xf32> to vector<16xf32>
      tpu.vector_store %arg6[%swap3A_81], %swap3A_84 {strides = array<i32>} : memref<1024xf32, #tpu.memory_space<vmem>>, vector<16xf32>,
      %broadcast_in_dim3A_85 = arith.constant 0.000000e+00 : f32
      %broadcast_in_dim3A_86 = vector.broadcast %broadcast_in_dim3A_85 : f32 to vector<16xf32>
      %swap3A_87 = arith.constant 224 : index
      %swap3A_88 = tpu.vector_load %arg6[%swap3A_87] {strides = array<i32>} : memref<1024xf32, #tpu.memory_space<vmem>>, vector<16xf32>,
      %swap3A_89 = vector.shape_cast %swap3A_88 : vector<16xf32> to vector<16xf32>
      %swap3A_90 = vector.shape_cast %broadcast_in_dim3A_86 : vector<16xf32> to vector<16xf32>
      tpu.vector_store %arg6[%swap3A_87], %swap3A_90 {strides = array<i32>} : memref<1024xf32, #tpu.memory_space<vmem>>, vector<16xf32>,
      %broadcast_in_dim3A_91 = arith.constant 0.000000e+00 : f32
      %broadcast_in_dim3A_92 = vector.broadcast %broadcast_in_dim3A_91 : f32 to vector<16xf32>
      %swap3A_93 = arith.constant 240 : index
      %swap3A_94 = tpu.vector_load %arg6[%swap3A_93] {strides = array<i32>} : memref<1024xf32, #tpu.memory_space<vmem>>, vector<16xf32>,
      %swap3A_95 = vector.shape_cast %swap3A_94 : vector<16xf32> to vector<16xf32>
      %swap3A_96 = vector.shape_cast %broadcast_in_dim3A_92 : vector<16xf32> to vector<16xf32>
      tpu.vector_store %arg6[%swap3A_93], %swap3A_96 {strides = array<i32>} : memref<1024xf32, #tpu.memory_space<vmem>>, vector<16xf32>,
      %broadcast_in_dim3A_97 = arith.constant 0.000000e+00 : f32
      %broadcast_in_dim3A_98 = vector.broadcast %broadcast_in_dim3A_97 : f32 to vector<16xf32>
      %swap3A_99 = arith.constant 256 : index
      %swap3A_100 = tpu.vector_load %arg6[%swap3A_99] {strides = array<i32>} : memref<1024xf32, #tpu.memory_space<vmem>>, vector<16xf32>,
      %swap3A_101 = vector.shape_cast %swap3A_100 : vector<16xf32> to vector<16xf32>
      %swap3A_102 = vector.shape_cast %broadcast_in_dim3A_98 : vector<16xf32> to vector<16xf32>
      tpu.vector_store %arg6[%swap3A_99], %swap3A_102 {strides = array<i32>} : memref<1024xf32, #tpu.memory_space<vmem>>, vector<16xf32>,
      %broadcast_in_dim3A_103 = arith.constant 0.000000e+00 : f32
      %broadcast_in_dim3A_104 = vector.broadcast %broadcast_in_dim3A_103 : f32 to vector<16xf32>
      %swap3A_105 = arith.constant 272 : index
      %swap3A_106 = tpu.vector_load %arg6[%swap3A_105] {strides = array<i32>} : memref<1024xf32, #tpu.memory_space<vmem>>, vector<16xf32>,
      %swap3A_107 = vector.shape_cast %swap3A_106 : vector<16xf32> to vector<16xf32>
      %swap3A_108 = vector.shape_cast %broadcast_in_dim3A_104 : vector<16xf32> to vector<16xf32>
      tpu.vector_store %arg6[%swap3A_105], %swap3A_108 {strides = array<i32>} : memref<1024xf32, #tpu.memory_space<vmem>>, vector<16xf32>,
      %broadcast_in_dim3A_109 = arith.constant 0.000000e+00 : f32
      %broadcast_in_dim3A_110 = vector.broadcast %broadcast_in_dim3A_109 : f32 to vector<16xf32>
      %swap3A_111 = arith.constant 288 : index
      %swap3A_112 = tpu.vector_load %arg6[%swap3A_111] {strides = array<i32>} : memref<1024xf32, #tpu.memory_space<vmem>>, vector<16xf32>,
      %swap3A_113 = vector.shape_cast %swap3A_112 : vector<16xf32> to vector<16xf32>
      %swap3A_114 = vector.shape_cast %broadcast_in_dim3A_110 : vector<16xf32> to vector<16xf32>
      tpu.vector_store %arg6[%swap3A_111], %swap3A_114 {strides = array<i32>} : memref<1024xf32, #tpu.memory_space<vmem>>, vector<16xf32>,
      %broadcast_in_dim3A_115 = arith.constant 0.000000e+00 : f32
      %broadcast_in_dim3A_116 = vector.broadcast %broadcast_in_dim3A_115 : f32 to vector<16xf32>
      %swap3A_117 = arith.constant 304 : index
      %swap3A_118 = tpu.vector_load %arg6[%swap3A_117] {strides = array<i32>} : memref<1024xf32, #tpu.memory_space<vmem>>, vector<16xf32>,
      %swap3A_119 = vector.shape_cast %swap3A_118 : vector<16xf32> to vector<16xf32>
      %swap3A_120 = vector.shape_cast %broadcast_in_dim3A_116 : vector<16xf32> to vector<16xf32>
      tpu.vector_store %arg6[%swap3A_117], %swap3A_120 {strides = array<i32>} : memref<1024xf32, #tpu.memory_space<vmem>>, vector<16xf32>,
      %broadcast_in_dim3A_121 = arith.constant 0.000000e+00 : f32
      %broadcast_in_dim3A_122 = vector.broadcast %broadcast_in_dim3A_121 : f32 to vector<16xf32>
      %swap3A_123 = arith.constant 320 : index
      %swap3A_124 = tpu.vector_load %arg6[%swap3A_123] {strides = array<i32>} : memref<1024xf32, #tpu.memory_space<vmem>>, vector<16xf32>,
      %swap3A_125 = vector.shape_cast %swap3A_124 : vector<16xf32> to vector<16xf32>
      %swap3A_126 = vector.shape_cast %broadcast_in_dim3A_122 : vector<16xf32> to vector<16xf32>
      tpu.vector_store %arg6[%swap3A_123], %swap3A_126 {strides = array<i32>} : memref<1024xf32, #tpu.memory_space<vmem>>, vector<16xf32>,
      %broadcast_in_dim3A_127 = arith.constant 0.000000e+00 : f32
      %broadcast_in_dim3A_128 = vector.broadcast %broadcast_in_dim3A_127 : f32 to vector<16xf32>
      %swap3A_129 = arith.constant 336 : index
      %swap3A_130 = tpu.vector_load %arg6[%swap3A_129] {strides = array<i32>} : memref<1024xf32, #tpu.memory_space<vmem>>, vector<16xf32>,
      %swap3A_131 = vector.shape_cast %swap3A_130 : vector<16xf32> to vector<16xf32>
      %swap3A_132 = vector.shape_cast %broadcast_in_dim3A_128 : vector<16xf32> to vector<16xf32>
      tpu.vector_store %arg6[%swap3A_129], %swap3A_132 {strides = array<i32>} : memref<1024xf32, #tpu.memory_space<vmem>>, vector<16xf32>,
      %broadcast_in_dim3A_133 = arith.constant 0.000000e+00 : f32
      %broadcast_in_dim3A_134 = vector.broadcast %broadcast_in_dim3A_133 : f32 to vector<16xf32>
      %swap3A_135 = arith.constant 352 : index
      %swap3A_136 = tpu.vector_load %arg6[%swap3A_135] {strides = array<i32>} : memref<1024xf32, #tpu.memory_space<vmem>>, vector<16xf32>,
      %swap3A_137 = vector.shape_cast %swap3A_136 : vector<16xf32> to vector<16xf32>
      %swap3A_138 = vector.shape_cast %broadcast_in_dim3A_134 : vector<16xf32> to vector<16xf32>
      tpu.vector_store %arg6[%swap3A_135], %swap3A_138 {strides = array<i32>} : memref<1024xf32, #tpu.memory_space<vmem>>, vector<16xf32>,
      %broadcast_in_dim3A_139 = arith.constant 0.000000e+00 : f32
      %broadcast_in_dim3A_140 = vector.broadcast %broadcast_in_dim3A_139 : f32 to vector<16xf32>
      %swap3A_141 = arith.constant 368 : index
      %swap3A_142 = tpu.vector_load %arg6[%swap3A_141] {strides = array<i32>} : memref<1024xf32, #tpu.memory_space<vmem>>, vector<16xf32>,
      %swap3A_143 = vector.shape_cast %swap3A_142 : vector<16xf32> to vector<16xf32>
      %swap3A_144 = vector.shape_cast %broadcast_in_dim3A_140 : vector<16xf32> to vector<16xf32>
      tpu.vector_store %arg6[%swap3A_141], %swap3A_144 {strides = array<i32>} : memref<1024xf32, #tpu.memory_space<vmem>>, vector<16xf32>,
      %broadcast_in_dim3A_145 = arith.constant 0.000000e+00 : f32
      %broadcast_in_dim3A_146 = vector.broadcast %broadcast_in_dim3A_145 : f32 to vector<16xf32>
      %swap3A_147 = arith.constant 384 : index
      %swap3A_148 = tpu.vector_load %arg6[%swap3A_147] {strides = array<i32>} : memref<1024xf32, #tpu.memory_space<vmem>>, vector<16xf32>,
      %swap3A_149 = vector.shape_cast %swap3A_148 : vector<16xf32> to vector<16xf32>
      %swap3A_150 = vector.shape_cast %broadcast_in_dim3A_146 : vector<16xf32> to vector<16xf32>
      tpu.vector_store %arg6[%swap3A_147], %swap3A_150 {strides = array<i32>} : memref<1024xf32, #tpu.memory_space<vmem>>, vector<16xf32>,
      %broadcast_in_dim3A_151 = arith.constant 0.000000e+00 : f32
      %broadcast_in_dim3A_152 = vector.broadcast %broadcast_in_dim3A_151 : f32 to vector<16xf32>
      %swap3A_153 = arith.constant 400 : index
      %swap3A_154 = tpu.vector_load %arg6[%swap3A_153] {strides = array<i32>} : memref<1024xf32, #tpu.memory_space<vmem>>, vector<16xf32>,
      %swap3A_155 = vector.shape_cast %swap3A_154 : vector<16xf32> to vector<16xf32>
      %swap3A_156 = vector.shape_cast %broadcast_in_dim3A_152 : vector<16xf32> to vector<16xf32>
      tpu.vector_store %arg6[%swap3A_153], %swap3A_156 {strides = array<i32>} : memref<1024xf32, #tpu.memory_space<vmem>>, vector<16xf32>,
      %broadcast_in_dim3A_157 = arith.constant 0.000000e+00 : f32
      %broadcast_in_dim3A_158 = vector.broadcast %broadcast_in_dim3A_157 : f32 to vector<16xf32>
      %swap3A_159 = arith.constant 416 : index
      %swap3A_160 = tpu.vector_load %arg6[%swap3A_159] {strides = array<i32>} : memref<1024xf32, #tpu.memory_space<vmem>>, vector<16xf32>,
      %swap3A_161 = vector.shape_cast %swap3A_160 : vector<16xf32> to vector<16xf32>
      %swap3A_162 = vector.shape_cast %broadcast_in_dim3A_158 : vector<16xf32> to vector<16xf32>
      tpu.vector_store %arg6[%swap3A_159], %swap3A_162 {strides = array<i32>} : memref<1024xf32, #tpu.memory_space<vmem>>, vector<16xf32>,
      %broadcast_in_dim3A_163 = arith.constant 0.000000e+00 : f32
      %broadcast_in_dim3A_164 = vector.broadcast %broadcast_in_dim3A_163 : f32 to vector<16xf32>
      %swap3A_165 = arith.constant 432 : index
      %swap3A_166 = tpu.vector_load %arg6[%swap3A_165] {strides = array<i32>} : memref<1024xf32, #tpu.memory_space<vmem>>, vector<16xf32>,
      %swap3A_167 = vector.shape_cast %swap3A_166 : vector<16xf32> to vector<16xf32>
      %swap3A_168 = vector.shape_cast %broadcast_in_dim3A_164 : vector<16xf32> to vector<16xf32>
      tpu.vector_store %arg6[%swap3A_165], %swap3A_168 {strides = array<i32>} : memref<1024xf32, #tpu.memory_space<vmem>>, vector<16xf32>,
      %broadcast_in_dim3A_169 = arith.constant 0.000000e+00 : f32
      %broadcast_in_dim3A_170 = vector.broadcast %broadcast_in_dim3A_169 : f32 to vector<16xf32>
      %swap3A_171 = arith.constant 448 : index
      %swap3A_172 = tpu.vector_load %arg6[%swap3A_171] {strides = array<i32>} : memref<1024xf32, #tpu.memory_space<vmem>>, vector<16xf32>,
      %swap3A_173 = vector.shape_cast %swap3A_172 : vector<16xf32> to vector<16xf32>
      %swap3A_174 = vector.shape_cast %broadcast_in_dim3A_170 : vector<16xf32> to vector<16xf32>
      tpu.vector_store %arg6[%swap3A_171], %swap3A_174 {strides = array<i32>} : memref<1024xf32, #tpu.memory_space<vmem>>, vector<16xf32>,
      %broadcast_in_dim3A_175 = arith.constant 0.000000e+00 : f32
      %broadcast_in_dim3A_176 = vector.broadcast %broadcast_in_dim3A_175 : f32 to vector<16xf32>
      %swap3A_177 = arith.constant 464 : index
      %swap3A_178 = tpu.vector_load %arg6[%swap3A_177] {strides = array<i32>} : memref<1024xf32, #tpu.memory_space<vmem>>, vector<16xf32>,
      %swap3A_179 = vector.shape_cast %swap3A_178 : vector<16xf32> to vector<16xf32>
      %swap3A_180 = vector.shape_cast %broadcast_in_dim3A_176 : vector<16xf32> to vector<16xf32>
      tpu.vector_store %arg6[%swap3A_177], %swap3A_180 {strides = array<i32>} : memref<1024xf32, #tpu.memory_space<vmem>>, vector<16xf32>,
      %broadcast_in_dim3A_181 = arith.constant 0.000000e+00 : f32
      %broadcast_in_dim3A_182 = vector.broadcast %broadcast_in_dim3A_181 : f32 to vector<16xf32>
      %swap3A_183 = arith.constant 480 : index
      %swap3A_184 = tpu.vector_load %arg6[%swap3A_183] {strides = array<i32>} : memref<1024xf32, #tpu.memory_space<vmem>>, vector<16xf32>,
      %swap3A_185 = vector.shape_cast %swap3A_184 : vector<16xf32> to vector<16xf32>
      %swap3A_186 = vector.shape_cast %broadcast_in_dim3A_182 : vector<16xf32> to vector<16xf32>
      tpu.vector_store %arg6[%swap3A_183], %swap3A_186 {strides = array<i32>} : memref<1024xf32, #tpu.memory_space<vmem>>, vector<16xf32>,
      %broadcast_in_dim3A_187 = arith.constant 0.000000e+00 : f32
      %broadcast_in_dim3A_188 = vector.broadcast %broadcast_in_dim3A_187 : f32 to vector<16xf32>
      %swap3A_189 = arith.constant 496 : index
      %swap3A_190 = tpu.vector_load %arg6[%swap3A_189] {strides = array<i32>} : memref<1024xf32, #tpu.memory_space<vmem>>, vector<16xf32>,
      %swap3A_191 = vector.shape_cast %swap3A_190 : vector<16xf32> to vector<16xf32>
      %swap3A_192 = vector.shape_cast %broadcast_in_dim3A_188 : vector<16xf32> to vector<16xf32>
      tpu.vector_store %arg6[%swap3A_189], %swap3A_192 {strides = array<i32>} : memref<1024xf32, #tpu.memory_space<vmem>>, vector<16xf32>,
      %broadcast_in_dim3A_193 = arith.constant 0.000000e+00 : f32
      %broadcast_in_dim3A_194 = vector.broadcast %broadcast_in_dim3A_193 : f32 to vector<16xf32>
      %swap3A_195 = arith.constant 512 : index
      %swap3A_196 = tpu.vector_load %arg6[%swap3A_195] {strides = array<i32>} : memref<1024xf32, #tpu.memory_space<vmem>>, vector<16xf32>,
      %swap3A_197 = vector.shape_cast %swap3A_196 : vector<16xf32> to vector<16xf32>
      %swap3A_198 = vector.shape_cast %broadcast_in_dim3A_194 : vector<16xf32> to vector<16xf32>
      tpu.vector_store %arg6[%swap3A_195], %swap3A_198 {strides = array<i32>} : memref<1024xf32, #tpu.memory_space<vmem>>, vector<16xf32>,
      %broadcast_in_dim3A_199 = arith.constant 0.000000e+00 : f32
      %broadcast_in_dim3A_200 = vector.broadcast %broadcast_in_dim3A_199 : f32 to vector<16xf32>
      %swap3A_201 = arith.constant 528 : index
      %swap3A_202 = tpu.vector_load %arg6[%swap3A_201] {strides = array<i32>} : memref<1024xf32, #tpu.memory_space<vmem>>, vector<16xf32>,
      %swap3A_203 = vector.shape_cast %swap3A_202 : vector<16xf32> to vector<16xf32>
      %swap3A_204 = vector.shape_cast %broadcast_in_dim3A_200 : vector<16xf32> to vector<16xf32>
      tpu.vector_store %arg6[%swap3A_201], %swap3A_204 {strides = array<i32>} : memref<1024xf32, #tpu.memory_space<vmem>>, vector<16xf32>,
      %broadcast_in_dim3A_205 = arith.constant 0.000000e+00 : f32
      %broadcast_in_dim3A_206 = vector.broadcast %broadcast_in_dim3A_205 : f32 to vector<16xf32>
      %swap3A_207 = arith.constant 544 : index
      %swap3A_208 = tpu.vector_load %arg6[%swap3A_207] {strides = array<i32>} : memref<1024xf32, #tpu.memory_space<vmem>>, vector<16xf32>,
      %swap3A_209 = vector.shape_cast %swap3A_208 : vector<16xf32> to vector<16xf32>
      %swap3A_210 = vector.shape_cast %broadcast_in_dim3A_206 : vector<16xf32> to vector<16xf32>
      tpu.vector_store %arg6[%swap3A_207], %swap3A_210 {strides = array<i32>} : memref<1024xf32, #tpu.memory_space<vmem>>, vector<16xf32>,
      %broadcast_in_dim3A_211 = arith.constant 0.000000e+00 : f32
      %broadcast_in_dim3A_212 = vector.broadcast %broadcast_in_dim3A_211 : f32 to vector<16xf32>
      %swap3A_213 = arith.constant 560 : index
      %swap3A_214 = tpu.vector_load %arg6[%swap3A_213] {strides = array<i32>} : memref<1024xf32, #tpu.memory_space<vmem>>, vector<16xf32>,
      %swap3A_215 = vector.shape_cast %swap3A_214 : vector<16xf32> to vector<16xf32>
      %swap3A_216 = vector.shape_cast %broadcast_in_dim3A_212 : vector<16xf32> to vector<16xf32>
      tpu.vector_store %arg6[%swap3A_213], %swap3A_216 {strides = array<i32>} : memref<1024xf32, #tpu.memory_space<vmem>>, vector<16xf32>,
      %broadcast_in_dim3A_217 = arith.constant 0.000000e+00 : f32
      %broadcast_in_dim3A_218 = vector.broadcast %broadcast_in_dim3A_217 : f32 to vector<16xf32>
      %swap3A_219 = arith.constant 576 : index
      %swap3A_220 = tpu.vector_load %arg6[%swap3A_219] {strides = array<i32>} : memref<1024xf32, #tpu.memory_space<vmem>>, vector<16xf32>,
      %swap3A_221 = vector.shape_cast %swap3A_220 : vector<16xf32> to vector<16xf32>
      %swap3A_222 = vector.shape_cast %broadcast_in_dim3A_218 : vector<16xf32> to vector<16xf32>
      tpu.vector_store %arg6[%swap3A_219], %swap3A_222 {strides = array<i32>} : memref<1024xf32, #tpu.memory_space<vmem>>, vector<16xf32>,
      %broadcast_in_dim3A_223 = arith.constant 0.000000e+00 : f32
      %broadcast_in_dim3A_224 = vector.broadcast %broadcast_in_dim3A_223 : f32 to vector<16xf32>
      %swap3A_225 = arith.constant 592 : index
      %swap3A_226 = tpu.vector_load %arg6[%swap3A_225] {strides = array<i32>} : memref<1024xf32, #tpu.memory_space<vmem>>, vector<16xf32>,
      %swap3A_227 = vector.shape_cast %swap3A_226 : vector<16xf32> to vector<16xf32>
      %swap3A_228 = vector.shape_cast %broadcast_in_dim3A_224 : vector<16xf32> to vector<16xf32>
      tpu.vector_store %arg6[%swap3A_225], %swap3A_228 {strides = array<i32>} : memref<1024xf32, #tpu.memory_space<vmem>>, vector<16xf32>,
      %broadcast_in_dim3A_229 = arith.constant 0.000000e+00 : f32
      %broadcast_in_dim3A_230 = vector.broadcast %broadcast_in_dim3A_229 : f32 to vector<16xf32>
      %swap3A_231 = arith.constant 608 : index
      %swap3A_232 = tpu.vector_load %arg6[%swap3A_231] {strides = array<i32>} : memref<1024xf32, #tpu.memory_space<vmem>>, vector<16xf32>,
      %swap3A_233 = vector.shape_cast %swap3A_232 : vector<16xf32> to vector<16xf32>
      %swap3A_234 = vector.shape_cast %broadcast_in_dim3A_230 : vector<16xf32> to vector<16xf32>
      tpu.vector_store %arg6[%swap3A_231], %swap3A_234 {strides = array<i32>} : memref<1024xf32, #tpu.memory_space<vmem>>, vector<16xf32>,
      %broadcast_in_dim3A_235 = arith.constant 0.000000e+00 : f32
      %broadcast_in_dim3A_236 = vector.broadcast %broadcast_in_dim3A_235 : f32 to vector<16xf32>
      %swap3A_237 = arith.constant 624 : index
      %swap3A_238 = tpu.vector_load %arg6[%swap3A_237] {strides = array<i32>} : memref<1024xf32, #tpu.memory_space<vmem>>, vector<16xf32>,
      %swap3A_239 = vector.shape_cast %swap3A_238 : vector<16xf32> to vector<16xf32>
      %swap3A_240 = vector.shape_cast %broadcast_in_dim3A_236 : vector<16xf32> to vector<16xf32>
      tpu.vector_store %arg6[%swap3A_237], %swap3A_240 {strides = array<i32>} : memref<1024xf32, #tpu.memory_space<vmem>>, vector<16xf32>,
      %broadcast_in_dim3A_241 = arith.constant 0.000000e+00 : f32
      %broadcast_in_dim3A_242 = vector.broadcast %broadcast_in_dim3A_241 : f32 to vector<16xf32>
      %swap3A_243 = arith.constant 640 : index
      %swap3A_244 = tpu.vector_load %arg6[%swap3A_243] {strides = array<i32>} : memref<1024xf32, #tpu.memory_space<vmem>>, vector<16xf32>,
      %swap3A_245 = vector.shape_cast %swap3A_244 : vector<16xf32> to vector<16xf32>
      %swap3A_246 = vector.shape_cast %broadcast_in_dim3A_242 : vector<16xf32> to vector<16xf32>
      tpu.vector_store %arg6[%swap3A_243], %swap3A_246 {strides = array<i32>} : memref<1024xf32, #tpu.memory_space<vmem>>, vector<16xf32>,
      %broadcast_in_dim3A_247 = arith.constant 0.000000e+00 : f32
      %broadcast_in_dim3A_248 = vector.broadcast %broadcast_in_dim3A_247 : f32 to vector<16xf32>
      %swap3A_249 = arith.constant 656 : index
      %swap3A_250 = tpu.vector_load %arg6[%swap3A_249] {strides = array<i32>} : memref<1024xf32, #tpu.memory_space<vmem>>, vector<16xf32>,
      %swap3A_251 = vector.shape_cast %swap3A_250 : vector<16xf32> to vector<16xf32>
      %swap3A_252 = vector.shape_cast %broadcast_in_dim3A_248 : vector<16xf32> to vector<16xf32>
      tpu.vector_store %arg6[%swap3A_249], %swap3A_252 {strides = array<i32>} : memref<1024xf32, #tpu.memory_space<vmem>>, vector<16xf32>,
      %broadcast_in_dim3A_253 = arith.constant 0.000000e+00 : f32
      %broadcast_in_dim3A_254 = vector.broadcast %broadcast_in_dim3A_253 : f32 to vector<16xf32>
      %swap3A_255 = arith.constant 672 : index
      %swap3A_256 = tpu.vector_load %arg6[%swap3A_255] {strides = array<i32>} : memref<1024xf32, #tpu.memory_space<vmem>>, vector<16xf32>,
      %swap3A_257 = vector.shape_cast %swap3A_256 : vector<16xf32> to vector<16xf32>
      %swap3A_258 = vector.shape_cast %broadcast_in_dim3A_254 : vector<16xf32> to vector<16xf32>
      tpu.vector_store %arg6[%swap3A_255], %swap3A_258 {strides = array<i32>} : memref<1024xf32, #tpu.memory_space<vmem>>, vector<16xf32>,
      %broadcast_in_dim3A_259 = arith.constant 0.000000e+00 : f32
      %broadcast_in_dim3A_260 = vector.broadcast %broadcast_in_dim3A_259 : f32 to vector<16xf32>
      %swap3A_261 = arith.constant 688 : index
      %swap3A_262 = tpu.vector_load %arg6[%swap3A_261] {strides = array<i32>} : memref<1024xf32, #tpu.memory_space<vmem>>, vector<16xf32>,
      %swap3A_263 = vector.shape_cast %swap3A_262 : vector<16xf32> to vector<16xf32>
      %swap3A_264 = vector.shape_cast %broadcast_in_dim3A_260 : vector<16xf32> to vector<16xf32>
      tpu.vector_store %arg6[%swap3A_261], %swap3A_264 {strides = array<i32>} : memref<1024xf32, #tpu.memory_space<vmem>>, vector<16xf32>,
      %broadcast_in_dim3A_265 = arith.constant 0.000000e+00 : f32
      %broadcast_in_dim3A_266 = vector.broadcast %broadcast_in_dim3A_265 : f32 to vector<16xf32>
      %swap3A_267 = arith.constant 704 : index
      %swap3A_268 = tpu.vector_load %arg6[%swap3A_267] {strides = array<i32>} : memref<1024xf32, #tpu.memory_space<vmem>>, vector<16xf32>,
      %swap3A_269 = vector.shape_cast %swap3A_268 : vector<16xf32> to vector<16xf32>
      %swap3A_270 = vector.shape_cast %broadcast_in_dim3A_266 : vector<16xf32> to vector<16xf32>
      tpu.vector_store %arg6[%swap3A_267], %swap3A_270 {strides = array<i32>} : memref<1024xf32, #tpu.memory_space<vmem>>, vector<16xf32>,
      %broadcast_in_dim3A_271 = arith.constant 0.000000e+00 : f32
      %broadcast_in_dim3A_272 = vector.broadcast %broadcast_in_dim3A_271 : f32 to vector<16xf32>
      %swap3A_273 = arith.constant 720 : index
      %swap3A_274 = tpu.vector_load %arg6[%swap3A_273] {strides = array<i32>} : memref<1024xf32, #tpu.memory_space<vmem>>, vector<16xf32>,
      %swap3A_275 = vector.shape_cast %swap3A_274 : vector<16xf32> to vector<16xf32>
      %swap3A_276 = vector.shape_cast %broadcast_in_dim3A_272 : vector<16xf32> to vector<16xf32>
      tpu.vector_store %arg6[%swap3A_273], %swap3A_276 {strides = array<i32>} : memref<1024xf32, #tpu.memory_space<vmem>>, vector<16xf32>,
      %broadcast_in_dim3A_277 = arith.constant 0.000000e+00 : f32
      %broadcast_in_dim3A_278 = vector.broadcast %broadcast_in_dim3A_277 : f32 to vector<16xf32>
      %swap3A_279 = arith.constant 736 : index
      %swap3A_280 = tpu.vector_load %arg6[%swap3A_279] {strides = array<i32>} : memref<1024xf32, #tpu.memory_space<vmem>>, vector<16xf32>,
      %swap3A_281 = vector.shape_cast %swap3A_280 : vector<16xf32> to vector<16xf32>
      %swap3A_282 = vector.shape_cast %broadcast_in_dim3A_278 : vector<16xf32> to vector<16xf32>
      tpu.vector_store %arg6[%swap3A_279], %swap3A_282 {strides = array<i32>} : memref<1024xf32, #tpu.memory_space<vmem>>, vector<16xf32>,
      %broadcast_in_dim3A_283 = arith.constant 0.000000e+00 : f32
      %broadcast_in_dim3A_284 = vector.broadcast %broadcast_in_dim3A_283 : f32 to vector<16xf32>
      %swap3A_285 = arith.constant 752 : index
      %swap3A_286 = tpu.vector_load %arg6[%swap3A_285] {strides = array<i32>} : memref<1024xf32, #tpu.memory_space<vmem>>, vector<16xf32>,
      %swap3A_287 = vector.shape_cast %swap3A_286 : vector<16xf32> to vector<16xf32>
      %swap3A_288 = vector.shape_cast %broadcast_in_dim3A_284 : vector<16xf32> to vector<16xf32>
      tpu.vector_store %arg6[%swap3A_285], %swap3A_288 {strides = array<i32>} : memref<1024xf32, #tpu.memory_space<vmem>>, vector<16xf32>,
      %broadcast_in_dim3A_289 = arith.constant 0.000000e+00 : f32
      %broadcast_in_dim3A_290 = vector.broadcast %broadcast_in_dim3A_289 : f32 to vector<16xf32>
      %swap3A_291 = arith.constant 768 : index
      %swap3A_292 = tpu.vector_load %arg6[%swap3A_291] {strides = array<i32>} : memref<1024xf32, #tpu.memory_space<vmem>>, vector<16xf32>,
      %swap3A_293 = vector.shape_cast %swap3A_292 : vector<16xf32> to vector<16xf32>
      %swap3A_294 = vector.shape_cast %broadcast_in_dim3A_290 : vector<16xf32> to vector<16xf32>
      tpu.vector_store %arg6[%swap3A_291], %swap3A_294 {strides = array<i32>} : memref<1024xf32, #tpu.memory_space<vmem>>, vector<16xf32>,
      %broadcast_in_dim3A_295 = arith.constant 0.000000e+00 : f32
      %broadcast_in_dim3A_296 = vector.broadcast %broadcast_in_dim3A_295 : f32 to vector<16xf32>
      %swap3A_297 = arith.constant 784 : index
      %swap3A_298 = tpu.vector_load %arg6[%swap3A_297] {strides = array<i32>} : memref<1024xf32, #tpu.memory_space<vmem>>, vector<16xf32>,
      %swap3A_299 = vector.shape_cast %swap3A_298 : vector<16xf32> to vector<16xf32>
      %swap3A_300 = vector.shape_cast %broadcast_in_dim3A_296 : vector<16xf32> to vector<16xf32>
      tpu.vector_store %arg6[%swap3A_297], %swap3A_300 {strides = array<i32>} : memref<1024xf32, #tpu.memory_space<vmem>>, vector<16xf32>,
      %broadcast_in_dim3A_301 = arith.constant 0.000000e+00 : f32
      %broadcast_in_dim3A_302 = vector.broadcast %broadcast_in_dim3A_301 : f32 to vector<16xf32>
      %swap3A_303 = arith.constant 800 : index
      %swap3A_304 = tpu.vector_load %arg6[%swap3A_303] {strides = array<i32>} : memref<1024xf32, #tpu.memory_space<vmem>>, vector<16xf32>,
      %swap3A_305 = vector.shape_cast %swap3A_304 : vector<16xf32> to vector<16xf32>
      %swap3A_306 = vector.shape_cast %broadcast_in_dim3A_302 : vector<16xf32> to vector<16xf32>
      tpu.vector_store %arg6[%swap3A_303], %swap3A_306 {strides = array<i32>} : memref<1024xf32, #tpu.memory_space<vmem>>, vector<16xf32>,
      %broadcast_in_dim3A_307 = arith.constant 0.000000e+00 : f32
      %broadcast_in_dim3A_308 = vector.broadcast %broadcast_in_dim3A_307 : f32 to vector<16xf32>
      %swap3A_309 = arith.constant 816 : index
      %swap3A_310 = tpu.vector_load %arg6[%swap3A_309] {strides = array<i32>} : memref<1024xf32, #tpu.memory_space<vmem>>, vector<16xf32>,
      %swap3A_311 = vector.shape_cast %swap3A_310 : vector<16xf32> to vector<16xf32>
      %swap3A_312 = vector.shape_cast %broadcast_in_dim3A_308 : vector<16xf32> to vector<16xf32>
      tpu.vector_store %arg6[%swap3A_309], %swap3A_312 {strides = array<i32>} : memref<1024xf32, #tpu.memory_space<vmem>>, vector<16xf32>,
      %broadcast_in_dim3A_313 = arith.constant 0.000000e+00 : f32
      %broadcast_in_dim3A_314 = vector.broadcast %broadcast_in_dim3A_313 : f32 to vector<16xf32>
      %swap3A_315 = arith.constant 832 : index
      %swap3A_316 = tpu.vector_load %arg6[%swap3A_315] {strides = array<i32>} : memref<1024xf32, #tpu.memory_space<vmem>>, vector<16xf32>,
      %swap3A_317 = vector.shape_cast %swap3A_316 : vector<16xf32> to vector<16xf32>
      %swap3A_318 = vector.shape_cast %broadcast_in_dim3A_314 : vector<16xf32> to vector<16xf32>
      tpu.vector_store %arg6[%swap3A_315], %swap3A_318 {strides = array<i32>} : memref<1024xf32, #tpu.memory_space<vmem>>, vector<16xf32>,
      %broadcast_in_dim3A_319 = arith.constant 0.000000e+00 : f32
      %broadcast_in_dim3A_320 = vector.broadcast %broadcast_in_dim3A_319 : f32 to vector<16xf32>
      %swap3A_321 = arith.constant 848 : index
      %swap3A_322 = tpu.vector_load %arg6[%swap3A_321] {strides = array<i32>} : memref<1024xf32, #tpu.memory_space<vmem>>, vector<16xf32>,
      %swap3A_323 = vector.shape_cast %swap3A_322 : vector<16xf32> to vector<16xf32>
      %swap3A_324 = vector.shape_cast %broadcast_in_dim3A_320 : vector<16xf32> to vector<16xf32>
      tpu.vector_store %arg6[%swap3A_321], %swap3A_324 {strides = array<i32>} : memref<1024xf32, #tpu.memory_space<vmem>>, vector<16xf32>,
      %broadcast_in_dim3A_325 = arith.constant 0.000000e+00 : f32
      %broadcast_in_dim3A_326 = vector.broadcast %broadcast_in_dim3A_325 : f32 to vector<16xf32>
      %swap3A_327 = arith.constant 864 : index
      %swap3A_328 = tpu.vector_load %arg6[%swap3A_327] {strides = array<i32>} : memref<1024xf32, #tpu.memory_space<vmem>>, vector<16xf32>,
      %swap3A_329 = vector.shape_cast %swap3A_328 : vector<16xf32> to vector<16xf32>
      %swap3A_330 = vector.shape_cast %broadcast_in_dim3A_326 : vector<16xf32> to vector<16xf32>
      tpu.vector_store %arg6[%swap3A_327], %swap3A_330 {strides = array<i32>} : memref<1024xf32, #tpu.memory_space<vmem>>, vector<16xf32>,
      %broadcast_in_dim3A_331 = arith.constant 0.000000e+00 : f32
      %broadcast_in_dim3A_332 = vector.broadcast %broadcast_in_dim3A_331 : f32 to vector<16xf32>
      %swap3A_333 = arith.constant 880 : index
      %swap3A_334 = tpu.vector_load %arg6[%swap3A_333] {strides = array<i32>} : memref<1024xf32, #tpu.memory_space<vmem>>, vector<16xf32>,
      %swap3A_335 = vector.shape_cast %swap3A_334 : vector<16xf32> to vector<16xf32>
      %swap3A_336 = vector.shape_cast %broadcast_in_dim3A_332 : vector<16xf32> to vector<16xf32>
      tpu.vector_store %arg6[%swap3A_333], %swap3A_336 {strides = array<i32>} : memref<1024xf32, #tpu.memory_space<vmem>>, vector<16xf32>,
      %broadcast_in_dim3A_337 = arith.constant 0.000000e+00 : f32
      %broadcast_in_dim3A_338 = vector.broadcast %broadcast_in_dim3A_337 : f32 to vector<16xf32>
      %swap3A_339 = arith.constant 896 : index
      %swap3A_340 = tpu.vector_load %arg6[%swap3A_339] {strides = array<i32>} : memref<1024xf32, #tpu.memory_space<vmem>>, vector<16xf32>,
      %swap3A_341 = vector.shape_cast %swap3A_340 : vector<16xf32> to vector<16xf32>
      %swap3A_342 = vector.shape_cast %broadcast_in_dim3A_338 : vector<16xf32> to vector<16xf32>
      tpu.vector_store %arg6[%swap3A_339], %swap3A_342 {strides = array<i32>} : memref<1024xf32, #tpu.memory_space<vmem>>, vector<16xf32>,
      %broadcast_in_dim3A_343 = arith.constant 0.000000e+00 : f32
      %broadcast_in_dim3A_344 = vector.broadcast %broadcast_in_dim3A_343 : f32 to vector<16xf32>
      %swap3A_345 = arith.constant 912 : index
      %swap3A_346 = tpu.vector_load %arg6[%swap3A_345] {strides = array<i32>} : memref<1024xf32, #tpu.memory_space<vmem>>, vector<16xf32>,
      %swap3A_347 = vector.shape_cast %swap3A_346 : vector<16xf32> to vector<16xf32>
      %swap3A_348 = vector.shape_cast %broadcast_in_dim3A_344 : vector<16xf32> to vector<16xf32>
      tpu.vector_store %arg6[%swap3A_345], %swap3A_348 {strides = array<i32>} : memref<1024xf32, #tpu.memory_space<vmem>>, vector<16xf32>,
      %broadcast_in_dim3A_349 = arith.constant 0.000000e+00 : f32
      %broadcast_in_dim3A_350 = vector.broadcast %broadcast_in_dim3A_349 : f32 to vector<16xf32>
      %swap3A_351 = arith.constant 928 : index
      %swap3A_352 = tpu.vector_load %arg6[%swap3A_351] {strides = array<i32>} : memref<1024xf32, #tpu.memory_space<vmem>>, vector<16xf32>,
      %swap3A_353 = vector.shape_cast %swap3A_352 : vector<16xf32> to vector<16xf32>
      %swap3A_354 = vector.shape_cast %broadcast_in_dim3A_350 : vector<16xf32> to vector<16xf32>
      tpu.vector_store %arg6[%swap3A_351], %swap3A_354 {strides = array<i32>} : memref<1024xf32, #tpu.memory_space<vmem>>, vector<16xf32>,
      %broadcast_in_dim3A_355 = arith.constant 0.000000e+00 : f32
      %broadcast_in_dim3A_356 = vector.broadcast %broadcast_in_dim3A_355 : f32 to vector<16xf32>
      %swap3A_357 = arith.constant 944 : index
      %swap3A_358 = tpu.vector_load %arg6[%swap3A_357] {strides = array<i32>} : memref<1024xf32, #tpu.memory_space<vmem>>, vector<16xf32>,
      %swap3A_359 = vector.shape_cast %swap3A_358 : vector<16xf32> to vector<16xf32>
      %swap3A_360 = vector.shape_cast %broadcast_in_dim3A_356 : vector<16xf32> to vector<16xf32>
      tpu.vector_store %arg6[%swap3A_357], %swap3A_360 {strides = array<i32>} : memref<1024xf32, #tpu.memory_space<vmem>>, vector<16xf32>,
      %broadcast_in_dim3A_361 = arith.constant 0.000000e+00 : f32
      %broadcast_in_dim3A_362 = vector.broadcast %broadcast_in_dim3A_361 : f32 to vector<16xf32>
      %swap3A_363 = arith.constant 960 : index
      %swap3A_364 = tpu.vector_load %arg6[%swap3A_363] {strides = array<i32>} : memref<1024xf32, #tpu.memory_space<vmem>>, vector<16xf32>,
      %swap3A_365 = vector.shape_cast %swap3A_364 : vector<16xf32> to vector<16xf32>
      %swap3A_366 = vector.shape_cast %broadcast_in_dim3A_362 : vector<16xf32> to vector<16xf32>
      tpu.vector_store %arg6[%swap3A_363], %swap3A_366 {strides = array<i32>} : memref<1024xf32, #tpu.memory_space<vmem>>, vector<16xf32>,
      %broadcast_in_dim3A_367 = arith.constant 0.000000e+00 : f32
      %broadcast_in_dim3A_368 = vector.broadcast %broadcast_in_dim3A_367 : f32 to vector<16xf32>
      %swap3A_369 = arith.constant 976 : index
      %swap3A_370 = tpu.vector_load %arg6[%swap3A_369] {strides = array<i32>} : memref<1024xf32, #tpu.memory_space<vmem>>, vector<16xf32>,
      %swap3A_371 = vector.shape_cast %swap3A_370 : vector<16xf32> to vector<16xf32>
      %swap3A_372 = vector.shape_cast %broadcast_in_dim3A_368 : vector<16xf32> to vector<16xf32>
      tpu.vector_store %arg6[%swap3A_369], %swap3A_372 {strides = array<i32>} : memref<1024xf32, #tpu.memory_space<vmem>>, vector<16xf32>,
      %broadcast_in_dim3A_373 = arith.constant 0.000000e+00 : f32
      %broadcast_in_dim3A_374 = vector.broadcast %broadcast_in_dim3A_373 : f32 to vector<16xf32>
      %swap3A_375 = arith.constant 992 : index
      %swap3A_376 = tpu.vector_load %arg6[%swap3A_375] {strides = array<i32>} : memref<1024xf32, #tpu.memory_space<vmem>>, vector<16xf32>,
      %swap3A_377 = vector.shape_cast %swap3A_376 : vector<16xf32> to vector<16xf32>
      %swap3A_378 = vector.shape_cast %broadcast_in_dim3A_374 : vector<16xf32> to vector<16xf32>
      tpu.vector_store %arg6[%swap3A_375], %swap3A_378 {strides = array<i32>} : memref<1024xf32, #tpu.memory_space<vmem>>, vector<16xf32>,
      %broadcast_in_dim3A_379 = arith.constant 0.000000e+00 : f32
      %broadcast_in_dim3A_380 = vector.broadcast %broadcast_in_dim3A_379 : f32 to vector<16xf32>
      %swap3A_381 = arith.constant 1008 : index
      %swap3A_382 = tpu.vector_load %arg6[%swap3A_381] {strides = array<i32>} : memref<1024xf32, #tpu.memory_space<vmem>>, vector<16xf32>,
      %swap3A_383 = vector.shape_cast %swap3A_382 : vector<16xf32> to vector<16xf32>
      %swap3A_384 = vector.shape_cast %broadcast_in_dim3A_380 : vector<16xf32> to vector<16xf32>
      tpu.vector_store %arg6[%swap3A_381], %swap3A_384 {strides = array<i32>} : memref<1024xf32, #tpu.memory_space<vmem>>, vector<16xf32>,
      %dma_start3A = arith.constant 15 : i32
      %dma_start3A_385 = arith.constant 0 : i32
      %dma_start3A_386 = tpu.memref_slice %arg2[%dma_start3A, %mul3A_2, %dma_start3A_385] : memref<16x1024x1024xf32, #tpu.memory_space<hbm>> -> memref<1x32x1024xf32, #tpu.memory_space<hbm>>
      %dma_start3A_387 = tpu.memref_squeeze %dma_start3A_386 : memref<1x32x1024xf32, #tpu.memory_space<hbm>> -> memref<32x1024xf32, #tpu.memory_space<hbm>>
      %dma_start3A_388 = arith.constant 0 : i32
      %dma_start3A_389 = tpu.memref_slice %arg2[%dma_start3A, %mul3A_2, %dma_start3A_388] : memref<16x1024x1024xf32, #tpu.memory_space<hbm>> -> memref<1x32x1024xf32, #tpu.memory_space<hbm>>
      %dma_start3A_390 = tpu.memref_squeeze %dma_start3A_389 : memref<1x32x1024xf32, #tpu.memory_space<hbm>> -> memref<32x1024xf32, #tpu.memory_space<hbm>>
      tpu.enqueue_dma source(%dma_start3A_390 : memref<32x1024xf32, #tpu.memory_space<hbm>>) target(%arg4 : memref<32x1024xf32, #tpu.memory_space<vmem>>) target_semaphore(%arg10 : memref<!tpu.dma_semaphore, #tpu.memory_space<semaphore_mem>>)
      %add3A = arith.constant 32 : i32
      %add3A_391 = arith.addi %mul3A_2, %add3A : i32
      %dma_start3A_392 = arith.constant 15 : i32
      %dma_start3A_393 = arith.constant 0 : i32
      %dma_start3A_394 = tpu.memref_slice %arg2[%dma_start3A_392, %add3A_391, %dma_start3A_393] : memref<16x1024x1024xf32, #tpu.memory_space<hbm>> -> memref<1x32x1024xf32, #tpu.memory_space<hbm>>
      %dma_start3A_395 = tpu.memref_squeeze %dma_start3A_394 : memref<1x32x1024xf32, #tpu.memory_space<hbm>> -> memref<32x1024xf32, #tpu.memory_space<hbm>>
      %dma_start3A_396 = arith.constant 0 : i32
      %dma_start3A_397 = tpu.memref_slice %arg2[%dma_start3A_392, %add3A_391, %dma_start3A_396] : memref<16x1024x1024xf32, #tpu.memory_space<hbm>> -> memref<1x32x1024xf32, #tpu.memory_space<hbm>>
      %dma_start3A_398 = tpu.memref_squeeze %dma_start3A_397 : memref<1x32x1024xf32, #tpu.memory_space<hbm>> -> memref<32x1024xf32, #tpu.memory_space<hbm>>
      tpu.enqueue_dma source(%dma_start3A_398 : memref<32x1024xf32, #tpu.memory_space<hbm>>) target(%arg5 : memref<32x1024xf32, #tpu.memory_space<vmem>>) target_semaphore(%arg11 : memref<!tpu.dma_semaphore, #tpu.memory_space<semaphore_mem>>)
      %scan3A = arith.constant 0 : i32
      %scan3A_399 = arith.constant 0 : i32
      %scan3A_400 = arith.constant 16 : i32
      %scan3A_401 = arith.addi %scan3A_399, %scan3A_400 : i32
      %scan3A_402 = arith.constant 1 : i32
      %scan3A_403 = scf.for %scan3A_405 = %scan3A_399 to %scan3A_401 step %scan3A_402 iter_args(%scan3A_406 = %scan3A) -> (i32)  : i32 {
        %sub3A = arith.constant 15 : i32
        %sub3A_407 = arith.subi %sub3A, %scan3A_405 : i32
        %broadcast_in_dim3A_408 = arith.constant 0xFF800000 : f32
        %broadcast_in_dim3A_409 = vector.broadcast %broadcast_in_dim3A_408 : f32 to vector<16xf32>
        %get3A = arith.constant 0 : index
        %get3A_410 = tpu.vector_load %arg6[%get3A] {strides = array<i32>} : memref<1024xf32, #tpu.memory_space<vmem>>, vector<16xf32>,
        %get3A_411 = vector.shape_cast %get3A_410 : vector<16xf32> to vector<16xf32>
        %max3A = arith.maximumf %broadcast_in_dim3A_409, %get3A_411 : vector<16xf32>
        %get3A_412 = arith.constant 16 : index
        %get3A_413 = tpu.vector_load %arg6[%get3A_412] {strides = array<i32>} : memref<1024xf32, #tpu.memory_space<vmem>>, vector<16xf32>,
        %get3A_414 = vector.shape_cast %get3A_413 : vector<16xf32> to vector<16xf32>
        %max3A_415 = arith.maximumf %max3A, %get3A_414 : vector<16xf32>
        %get3A_416 = arith.constant 32 : index
        %get3A_417 = tpu.vector_load %arg6[%get3A_416] {strides = array<i32>} : memref<1024xf32, #tpu.memory_space<vmem>>, vector<16xf32>,
        %get3A_418 = vector.shape_cast %get3A_417 : vector<16xf32> to vector<16xf32>
        %max3A_419 = arith.maximumf %max3A_415, %get3A_418 : vector<16xf32>
        %get3A_420 = arith.constant 48 : index
        %get3A_421 = tpu.vector_load %arg6[%get3A_420] {strides = array<i32>} : memref<1024xf32, #tpu.memory_space<vmem>>, vector<16xf32>,
        %get3A_422 = vector.shape_cast %get3A_421 : vector<16xf32> to vector<16xf32>
        %max3A_423 = arith.maximumf %max3A_419, %get3A_422 : vector<16xf32>
        %get3A_424 = arith.constant 64 : index
        %get3A_425 = tpu.vector_load %arg6[%get3A_424] {strides = array<i32>} : memref<1024xf32, #tpu.memory_space<vmem>>, vector<16xf32>,
        %get3A_426 = vector.shape_cast %get3A_425 : vector<16xf32> to vector<16xf32>
        %max3A_427 = arith.maximumf %max3A_423, %get3A_426 : vector<16xf32>
        %get3A_428 = arith.constant 80 : index
        %get3A_429 = tpu.vector_load %arg6[%get3A_428] {strides = array<i32>} : memref<1024xf32, #tpu.memory_space<vmem>>, vector<16xf32>,
        %get3A_430 = vector.shape_cast %get3A_429 : vector<16xf32> to vector<16xf32>
        %max3A_431 = arith.maximumf %max3A_427, %get3A_430 : vector<16xf32>
        %get3A_432 = arith.constant 96 : index
        %get3A_433 = tpu.vector_load %arg6[%get3A_432] {strides = array<i32>} : memref<1024xf32, #tpu.memory_space<vmem>>, vector<16xf32>,
        %get3A_434 = vector.shape_cast %get3A_433 : vector<16xf32> to vector<16xf32>
        %max3A_435 = arith.maximumf %max3A_431, %get3A_434 : vector<16xf32>
        %get3A_436 = arith.constant 112 : index
        %get3A_437 = tpu.vector_load %arg6[%get3A_436] {strides = array<i32>} : memref<1024xf32, #tpu.memory_space<vmem>>, vector<16xf32>,
        %get3A_438 = vector.shape_cast %get3A_437 : vector<16xf32> to vector<16xf32>
        %max3A_439 = arith.maximumf %max3A_435, %get3A_438 : vector<16xf32>
        %get3A_440 = arith.constant 128 : index
        %get3A_441 = tpu.vector_load %arg6[%get3A_440] {strides = array<i32>} : memref<1024xf32, #tpu.memory_space<vmem>>, vector<16xf32>,
        %get3A_442 = vector.shape_cast %get3A_441 : vector<16xf32> to vector<16xf32>
        %max3A_443 = arith.maximumf %max3A_439, %get3A_442 : vector<16xf32>
        %get3A_444 = arith.constant 144 : index
        %get3A_445 = tpu.vector_load %arg6[%get3A_444] {strides = array<i32>} : memref<1024xf32, #tpu.memory_space<vmem>>, vector<16xf32>,
        %get3A_446 = vector.shape_cast %get3A_445 : vector<16xf32> to vector<16xf32>
        %max3A_447 = arith.maximumf %max3A_443, %get3A_446 : vector<16xf32>
        %get3A_448 = arith.constant 160 : index
        %get3A_449 = tpu.vector_load %arg6[%get3A_448] {strides = array<i32>} : memref<1024xf32, #tpu.memory_space<vmem>>, vector<16xf32>,
        %get3A_450 = vector.shape_cast %get3A_449 : vector<16xf32> to vector<16xf32>
        %max3A_451 = arith.maximumf %max3A_447, %get3A_450 : vector<16xf32>
        %get3A_452 = arith.constant 176 : index
        %get3A_453 = tpu.vector_load %arg6[%get3A_452] {strides = array<i32>} : memref<1024xf32, #tpu.memory_space<vmem>>, vector<16xf32>,
        %get3A_454 = vector.shape_cast %get3A_453 : vector<16xf32> to vector<16xf32>
        %max3A_455 = arith.maximumf %max3A_451, %get3A_454 : vector<16xf32>
        %get3A_456 = arith.constant 192 : index
        %get3A_457 = tpu.vector_load %arg6[%get3A_456] {strides = array<i32>} : memref<1024xf32, #tpu.memory_space<vmem>>, vector<16xf32>,
        %get3A_458 = vector.shape_cast %get3A_457 : vector<16xf32> to vector<16xf32>
        %max3A_459 = arith.maximumf %max3A_455, %get3A_458 : vector<16xf32>
        %get3A_460 = arith.constant 208 : index
        %get3A_461 = tpu.vector_load %arg6[%get3A_460] {strides = array<i32>} : memref<1024xf32, #tpu.memory_space<vmem>>, vector<16xf32>,
        %get3A_462 = vector.shape_cast %get3A_461 : vector<16xf32> to vector<16xf32>
        %max3A_463 = arith.maximumf %max3A_459, %get3A_462 : vector<16xf32>
        %get3A_464 = arith.constant 224 : index
        %get3A_465 = tpu.vector_load %arg6[%get3A_464] {strides = array<i32>} : memref<1024xf32, #tpu.memory_space<vmem>>, vector<16xf32>,
        %get3A_466 = vector.shape_cast %get3A_465 : vector<16xf32> to vector<16xf32>
        %max3A_467 = arith.maximumf %max3A_463, %get3A_466 : vector<16xf32>
        %get3A_468 = arith.constant 240 : index
        %get3A_469 = tpu.vector_load %arg6[%get3A_468] {strides = array<i32>} : memref<1024xf32, #tpu.memory_space<vmem>>, vector<16xf32>,
        %get3A_470 = vector.shape_cast %get3A_469 : vector<16xf32> to vector<16xf32>
        %max3A_471 = arith.maximumf %max3A_467, %get3A_470 : vector<16xf32>
        %get3A_472 = arith.constant 256 : index
        %get3A_473 = tpu.vector_load %arg6[%get3A_472] {strides = array<i32>} : memref<1024xf32, #tpu.memory_space<vmem>>, vector<16xf32>,
        %get3A_474 = vector.shape_cast %get3A_473 : vector<16xf32> to vector<16xf32>
        %max3A_475 = arith.maximumf %max3A_471, %get3A_474 : vector<16xf32>
        %get3A_476 = arith.constant 272 : index
        %get3A_477 = tpu.vector_load %arg6[%get3A_476] {strides = array<i32>} : memref<1024xf32, #tpu.memory_space<vmem>>, vector<16xf32>,
        %get3A_478 = vector.shape_cast %get3A_477 : vector<16xf32> to vector<16xf32>
        %max3A_479 = arith.maximumf %max3A_475, %get3A_478 : vector<16xf32>
        %get3A_480 = arith.constant 288 : index
        %get3A_481 = tpu.vector_load %arg6[%get3A_480] {strides = array<i32>} : memref<1024xf32, #tpu.memory_space<vmem>>, vector<16xf32>,
        %get3A_482 = vector.shape_cast %get3A_481 : vector<16xf32> to vector<16xf32>
        %max3A_483 = arith.maximumf %max3A_479, %get3A_482 : vector<16xf32>
        %get3A_484 = arith.constant 304 : index
        %get3A_485 = tpu.vector_load %arg6[%get3A_484] {strides = array<i32>} : memref<1024xf32, #tpu.memory_space<vmem>>, vector<16xf32>,
        %get3A_486 = vector.shape_cast %get3A_485 : vector<16xf32> to vector<16xf32>
        %max3A_487 = arith.maximumf %max3A_483, %get3A_486 : vector<16xf32>
        %get3A_488 = arith.constant 320 : index
        %get3A_489 = tpu.vector_load %arg6[%get3A_488] {strides = array<i32>} : memref<1024xf32, #tpu.memory_space<vmem>>, vector<16xf32>,
        %get3A_490 = vector.shape_cast %get3A_489 : vector<16xf32> to vector<16xf32>
        %max3A_491 = arith.maximumf %max3A_487, %get3A_490 : vector<16xf32>
        %get3A_492 = arith.constant 336 : index
        %get3A_493 = tpu.vector_load %arg6[%get3A_492] {strides = array<i32>} : memref<1024xf32, #tpu.memory_space<vmem>>, vector<16xf32>,
        %get3A_494 = vector.shape_cast %get3A_493 : vector<16xf32> to vector<16xf32>
        %max3A_495 = arith.maximumf %max3A_491, %get3A_494 : vector<16xf32>
        %get3A_496 = arith.constant 352 : index
        %get3A_497 = tpu.vector_load %arg6[%get3A_496] {strides = array<i32>} : memref<1024xf32, #tpu.memory_space<vmem>>, vector<16xf32>,
        %get3A_498 = vector.shape_cast %get3A_497 : vector<16xf32> to vector<16xf32>
        %max3A_499 = arith.maximumf %max3A_495, %get3A_498 : vector<16xf32>
        %get3A_500 = arith.constant 368 : index
        %get3A_501 = tpu.vector_load %arg6[%get3A_500] {strides = array<i32>} : memref<1024xf32, #tpu.memory_space<vmem>>, vector<16xf32>,
        %get3A_502 = vector.shape_cast %get3A_501 : vector<16xf32> to vector<16xf32>
        %max3A_503 = arith.maximumf %max3A_499, %get3A_502 : vector<16xf32>
        %get3A_504 = arith.constant 384 : index
        %get3A_505 = tpu.vector_load %arg6[%get3A_504] {strides = array<i32>} : memref<1024xf32, #tpu.memory_space<vmem>>, vector<16xf32>,
        %get3A_506 = vector.shape_cast %get3A_505 : vector<16xf32> to vector<16xf32>
        %max3A_507 = arith.maximumf %max3A_503, %get3A_506 : vector<16xf32>
        %get3A_508 = arith.constant 400 : index
        %get3A_509 = tpu.vector_load %arg6[%get3A_508] {strides = array<i32>} : memref<1024xf32, #tpu.memory_space<vmem>>, vector<16xf32>,
        %get3A_510 = vector.shape_cast %get3A_509 : vector<16xf32> to vector<16xf32>
        %max3A_511 = arith.maximumf %max3A_507, %get3A_510 : vector<16xf32>
        %get3A_512 = arith.constant 416 : index
        %get3A_513 = tpu.vector_load %arg6[%get3A_512] {strides = array<i32>} : memref<1024xf32, #tpu.memory_space<vmem>>, vector<16xf32>,
        %get3A_514 = vector.shape_cast %get3A_513 : vector<16xf32> to vector<16xf32>
        %max3A_515 = arith.maximumf %max3A_511, %get3A_514 : vector<16xf32>
        %get3A_516 = arith.constant 432 : index
        %get3A_517 = tpu.vector_load %arg6[%get3A_516] {strides = array<i32>} : memref<1024xf32, #tpu.memory_space<vmem>>, vector<16xf32>,
        %get3A_518 = vector.shape_cast %get3A_517 : vector<16xf32> to vector<16xf32>
        %max3A_519 = arith.maximumf %max3A_515, %get3A_518 : vector<16xf32>
        %get3A_520 = arith.constant 448 : index
        %get3A_521 = tpu.vector_load %arg6[%get3A_520] {strides = array<i32>} : memref<1024xf32, #tpu.memory_space<vmem>>, vector<16xf32>,
        %get3A_522 = vector.shape_cast %get3A_521 : vector<16xf32> to vector<16xf32>
        %max3A_523 = arith.maximumf %max3A_519, %get3A_522 : vector<16xf32>
        %get3A_524 = arith.constant 464 : index
        %get3A_525 = tpu.vector_load %arg6[%get3A_524] {strides = array<i32>} : memref<1024xf32, #tpu.memory_space<vmem>>, vector<16xf32>,
        %get3A_526 = vector.shape_cast %get3A_525 : vector<16xf32> to vector<16xf32>
        %max3A_527 = arith.maximumf %max3A_523, %get3A_526 : vector<16xf32>
        %get3A_528 = arith.constant 480 : index
        %get3A_529 = tpu.vector_load %arg6[%get3A_528] {strides = array<i32>} : memref<1024xf32, #tpu.memory_space<vmem>>, vector<16xf32>,
        %get3A_530 = vector.shape_cast %get3A_529 : vector<16xf32> to vector<16xf32>
        %max3A_531 = arith.maximumf %max3A_527, %get3A_530 : vector<16xf32>
        %get3A_532 = arith.constant 496 : index
        %get3A_533 = tpu.vector_load %arg6[%get3A_532] {strides = array<i32>} : memref<1024xf32, #tpu.memory_space<vmem>>, vector<16xf32>,
        %get3A_534 = vector.shape_cast %get3A_533 : vector<16xf32> to vector<16xf32>
        %max3A_535 = arith.maximumf %max3A_531, %get3A_534 : vector<16xf32>
        %get3A_536 = arith.constant 512 : index
        %get3A_537 = tpu.vector_load %arg6[%get3A_536] {strides = array<i32>} : memref<1024xf32, #tpu.memory_space<vmem>>, vector<16xf32>,
        %get3A_538 = vector.shape_cast %get3A_537 : vector<16xf32> to vector<16xf32>
        %max3A_539 = arith.maximumf %max3A_535, %get3A_538 : vector<16xf32>
        %get3A_540 = arith.constant 528 : index
        %get3A_541 = tpu.vector_load %arg6[%get3A_540] {strides = array<i32>} : memref<1024xf32, #tpu.memory_space<vmem>>, vector<16xf32>,
        %get3A_542 = vector.shape_cast %get3A_541 : vector<16xf32> to vector<16xf32>
        %max3A_543 = arith.maximumf %max3A_539, %get3A_542 : vector<16xf32>
        %get3A_544 = arith.constant 544 : index
        %get3A_545 = tpu.vector_load %arg6[%get3A_544] {strides = array<i32>} : memref<1024xf32, #tpu.memory_space<vmem>>, vector<16xf32>,
        %get3A_546 = vector.shape_cast %get3A_545 : vector<16xf32> to vector<16xf32>
        %max3A_547 = arith.maximumf %max3A_543, %get3A_546 : vector<16xf32>
        %get3A_548 = arith.constant 560 : index
        %get3A_549 = tpu.vector_load %arg6[%get3A_548] {strides = array<i32>} : memref<1024xf32, #tpu.memory_space<vmem>>, vector<16xf32>,
        %get3A_550 = vector.shape_cast %get3A_549 : vector<16xf32> to vector<16xf32>
        %max3A_551 = arith.maximumf %max3A_547, %get3A_550 : vector<16xf32>
        %get3A_552 = arith.constant 576 : index
        %get3A_553 = tpu.vector_load %arg6[%get3A_552] {strides = array<i32>} : memref<1024xf32, #tpu.memory_space<vmem>>, vector<16xf32>,
        %get3A_554 = vector.shape_cast %get3A_553 : vector<16xf32> to vector<16xf32>
        %max3A_555 = arith.maximumf %max3A_551, %get3A_554 : vector<16xf32>
        %get3A_556 = arith.constant 592 : index
        %get3A_557 = tpu.vector_load %arg6[%get3A_556] {strides = array<i32>} : memref<1024xf32, #tpu.memory_space<vmem>>, vector<16xf32>,
        %get3A_558 = vector.shape_cast %get3A_557 : vector<16xf32> to vector<16xf32>
        %max3A_559 = arith.maximumf %max3A_555, %get3A_558 : vector<16xf32>
        %get3A_560 = arith.constant 608 : index
        %get3A_561 = tpu.vector_load %arg6[%get3A_560] {strides = array<i32>} : memref<1024xf32, #tpu.memory_space<vmem>>, vector<16xf32>,
        %get3A_562 = vector.shape_cast %get3A_561 : vector<16xf32> to vector<16xf32>
        %max3A_563 = arith.maximumf %max3A_559, %get3A_562 : vector<16xf32>
        %get3A_564 = arith.constant 624 : index
        %get3A_565 = tpu.vector_load %arg6[%get3A_564] {strides = array<i32>} : memref<1024xf32, #tpu.memory_space<vmem>>, vector<16xf32>,
        %get3A_566 = vector.shape_cast %get3A_565 : vector<16xf32> to vector<16xf32>
        %max3A_567 = arith.maximumf %max3A_563, %get3A_566 : vector<16xf32>
        %get3A_568 = arith.constant 640 : index
        %get3A_569 = tpu.vector_load %arg6[%get3A_568] {strides = array<i32>} : memref<1024xf32, #tpu.memory_space<vmem>>, vector<16xf32>,
        %get3A_570 = vector.shape_cast %get3A_569 : vector<16xf32> to vector<16xf32>
        %max3A_571 = arith.maximumf %max3A_567, %get3A_570 : vector<16xf32>
        %get3A_572 = arith.constant 656 : index
        %get3A_573 = tpu.vector_load %arg6[%get3A_572] {strides = array<i32>} : memref<1024xf32, #tpu.memory_space<vmem>>, vector<16xf32>,
        %get3A_574 = vector.shape_cast %get3A_573 : vector<16xf32> to vector<16xf32>
        %max3A_575 = arith.maximumf %max3A_571, %get3A_574 : vector<16xf32>
        %get3A_576 = arith.constant 672 : index
        %get3A_577 = tpu.vector_load %arg6[%get3A_576] {strides = array<i32>} : memref<1024xf32, #tpu.memory_space<vmem>>, vector<16xf32>,
        %get3A_578 = vector.shape_cast %get3A_577 : vector<16xf32> to vector<16xf32>
        %max3A_579 = arith.maximumf %max3A_575, %get3A_578 : vector<16xf32>
        %get3A_580 = arith.constant 688 : index
        %get3A_581 = tpu.vector_load %arg6[%get3A_580] {strides = array<i32>} : memref<1024xf32, #tpu.memory_space<vmem>>, vector<16xf32>,
        %get3A_582 = vector.shape_cast %get3A_581 : vector<16xf32> to vector<16xf32>
        %max3A_583 = arith.maximumf %max3A_579, %get3A_582 : vector<16xf32>
        %get3A_584 = arith.constant 704 : index
        %get3A_585 = tpu.vector_load %arg6[%get3A_584] {strides = array<i32>} : memref<1024xf32, #tpu.memory_space<vmem>>, vector<16xf32>,
        %get3A_586 = vector.shape_cast %get3A_585 : vector<16xf32> to vector<16xf32>
        %max3A_587 = arith.maximumf %max3A_583, %get3A_586 : vector<16xf32>
        %get3A_588 = arith.constant 720 : index
        %get3A_589 = tpu.vector_load %arg6[%get3A_588] {strides = array<i32>} : memref<1024xf32, #tpu.memory_space<vmem>>, vector<16xf32>,
        %get3A_590 = vector.shape_cast %get3A_589 : vector<16xf32> to vector<16xf32>
        %max3A_591 = arith.maximumf %max3A_587, %get3A_590 : vector<16xf32>
        %get3A_592 = arith.constant 736 : index
        %get3A_593 = tpu.vector_load %arg6[%get3A_592] {strides = array<i32>} : memref<1024xf32, #tpu.memory_space<vmem>>, vector<16xf32>,
        %get3A_594 = vector.shape_cast %get3A_593 : vector<16xf32> to vector<16xf32>
        %max3A_595 = arith.maximumf %max3A_591, %get3A_594 : vector<16xf32>
        %get3A_596 = arith.constant 752 : index
        %get3A_597 = tpu.vector_load %arg6[%get3A_596] {strides = array<i32>} : memref<1024xf32, #tpu.memory_space<vmem>>, vector<16xf32>,
        %get3A_598 = vector.shape_cast %get3A_597 : vector<16xf32> to vector<16xf32>
        %max3A_599 = arith.maximumf %max3A_595, %get3A_598 : vector<16xf32>
        %get3A_600 = arith.constant 768 : index
        %get3A_601 = tpu.vector_load %arg6[%get3A_600] {strides = array<i32>} : memref<1024xf32, #tpu.memory_space<vmem>>, vector<16xf32>,
        %get3A_602 = vector.shape_cast %get3A_601 : vector<16xf32> to vector<16xf32>
        %max3A_603 = arith.maximumf %max3A_599, %get3A_602 : vector<16xf32>
        %get3A_604 = arith.constant 784 : index
        %get3A_605 = tpu.vector_load %arg6[%get3A_604] {strides = array<i32>} : memref<1024xf32, #tpu.memory_space<vmem>>, vector<16xf32>,
        %get3A_606 = vector.shape_cast %get3A_605 : vector<16xf32> to vector<16xf32>
        %max3A_607 = arith.maximumf %max3A_603, %get3A_606 : vector<16xf32>
        %get3A_608 = arith.constant 800 : index
        %get3A_609 = tpu.vector_load %arg6[%get3A_608] {strides = array<i32>} : memref<1024xf32, #tpu.memory_space<vmem>>, vector<16xf32>,
        %get3A_610 = vector.shape_cast %get3A_609 : vector<16xf32> to vector<16xf32>
        %max3A_611 = arith.maximumf %max3A_607, %get3A_610 : vector<16xf32>
        %get3A_612 = arith.constant 816 : index
        %get3A_613 = tpu.vector_load %arg6[%get3A_612] {strides = array<i32>} : memref<1024xf32, #tpu.memory_space<vmem>>, vector<16xf32>,
        %get3A_614 = vector.shape_cast %get3A_613 : vector<16xf32> to vector<16xf32>
        %max3A_615 = arith.maximumf %max3A_611, %get3A_614 : vector<16xf32>
        %get3A_616 = arith.constant 832 : index
        %get3A_617 = tpu.vector_load %arg6[%get3A_616] {strides = array<i32>} : memref<1024xf32, #tpu.memory_space<vmem>>, vector<16xf32>,
        %get3A_618 = vector.shape_cast %get3A_617 : vector<16xf32> to vector<16xf32>
        %max3A_619 = arith.maximumf %max3A_615, %get3A_618 : vector<16xf32>
        %get3A_620 = arith.constant 848 : index
        %get3A_621 = tpu.vector_load %arg6[%get3A_620] {strides = array<i32>} : memref<1024xf32, #tpu.memory_space<vmem>>, vector<16xf32>,
        %get3A_622 = vector.shape_cast %get3A_621 : vector<16xf32> to vector<16xf32>
        %max3A_623 = arith.maximumf %max3A_619, %get3A_622 : vector<16xf32>
        %get3A_624 = arith.constant 864 : index
        %get3A_625 = tpu.vector_load %arg6[%get3A_624] {strides = array<i32>} : memref<1024xf32, #tpu.memory_space<vmem>>, vector<16xf32>,
        %get3A_626 = vector.shape_cast %get3A_625 : vector<16xf32> to vector<16xf32>
        %max3A_627 = arith.maximumf %max3A_623, %get3A_626 : vector<16xf32>
        %get3A_628 = arith.constant 880 : index
        %get3A_629 = tpu.vector_load %arg6[%get3A_628] {strides = array<i32>} : memref<1024xf32, #tpu.memory_space<vmem>>, vector<16xf32>,
        %get3A_630 = vector.shape_cast %get3A_629 : vector<16xf32> to vector<16xf32>
        %max3A_631 = arith.maximumf %max3A_627, %get3A_630 : vector<16xf32>
        %get3A_632 = arith.constant 896 : index
        %get3A_633 = tpu.vector_load %arg6[%get3A_632] {strides = array<i32>} : memref<1024xf32, #tpu.memory_space<vmem>>, vector<16xf32>,
        %get3A_634 = vector.shape_cast %get3A_633 : vector<16xf32> to vector<16xf32>
        %max3A_635 = arith.maximumf %max3A_631, %get3A_634 : vector<16xf32>
        %get3A_636 = arith.constant 912 : index
        %get3A_637 = tpu.vector_load %arg6[%get3A_636] {strides = array<i32>} : memref<1024xf32, #tpu.memory_space<vmem>>, vector<16xf32>,
        %get3A_638 = vector.shape_cast %get3A_637 : vector<16xf32> to vector<16xf32>
        %max3A_639 = arith.maximumf %max3A_635, %get3A_638 : vector<16xf32>
        %get3A_640 = arith.constant 928 : index
        %get3A_641 = tpu.vector_load %arg6[%get3A_640] {strides = array<i32>} : memref<1024xf32, #tpu.memory_space<vmem>>, vector<16xf32>,
        %get3A_642 = vector.shape_cast %get3A_641 : vector<16xf32> to vector<16xf32>
        %max3A_643 = arith.maximumf %max3A_639, %get3A_642 : vector<16xf32>
        %get3A_644 = arith.constant 944 : index
        %get3A_645 = tpu.vector_load %arg6[%get3A_644] {strides = array<i32>} : memref<1024xf32, #tpu.memory_space<vmem>>, vector<16xf32>,
        %get3A_646 = vector.shape_cast %get3A_645 : vector<16xf32> to vector<16xf32>
        %max3A_647 = arith.maximumf %max3A_643, %get3A_646 : vector<16xf32>
        %get3A_648 = arith.constant 960 : index
        %get3A_649 = tpu.vector_load %arg6[%get3A_648] {strides = array<i32>} : memref<1024xf32, #tpu.memory_space<vmem>>, vector<16xf32>,
        %get3A_650 = vector.shape_cast %get3A_649 : vector<16xf32> to vector<16xf32>
        %max3A_651 = arith.maximumf %max3A_647, %get3A_650 : vector<16xf32>
        %get3A_652 = arith.constant 976 : index
        %get3A_653 = tpu.vector_load %arg6[%get3A_652] {strides = array<i32>} : memref<1024xf32, #tpu.memory_space<vmem>>, vector<16xf32>,
        %get3A_654 = vector.shape_cast %get3A_653 : vector<16xf32> to vector<16xf32>
        %max3A_655 = arith.maximumf %max3A_651, %get3A_654 : vector<16xf32>
        %get3A_656 = arith.constant 992 : index
        %get3A_657 = tpu.vector_load %arg6[%get3A_656] {strides = array<i32>} : memref<1024xf32, #tpu.memory_space<vmem>>, vector<16xf32>,
        %get3A_658 = vector.shape_cast %get3A_657 : vector<16xf32> to vector<16xf32>
        %max3A_659 = arith.maximumf %max3A_655, %get3A_658 : vector<16xf32>
        %get3A_660 = arith.constant 1008 : index
        %get3A_661 = tpu.vector_load %arg6[%get3A_660] {strides = array<i32>} : memref<1024xf32, #tpu.memory_space<vmem>>, vector<16xf32>,
        %get3A_662 = vector.shape_cast %get3A_661 : vector<16xf32> to vector<16xf32>
        %max3A_663 = arith.maximumf %max3A_659, %get3A_662 : vector<16xf32>
        %iota3A = tpu.iota {dimensions = array<i32: 0>} : vector<16xi32>
        %xor3A = arith.constant 8 : i32
        %xor3A_664 = vector.broadcast %xor3A : i32 to vector<16xi32>
        %xor3A_665 = arith.xori %iota3A, %xor3A_664 : vector<16xi32>
        %broadcast_in_dim3A_666 = vector.shape_cast %xor3A_665 : vector<16xi32> to vector<16x1xi32>
        %gather3A = vector.shape_cast %broadcast_in_dim3A_666 : vector<16x1xi32> to vector<16xi32>
        %gather3A_667 = tpu.dynamic_gather %max3A_663[%gather3A] in [0] : vector<16xf32>, vector<16xi32> -> vector<16xf32>
        %max3A_668 = arith.maximumf %max3A_663, %gather3A_667 : vector<16xf32>
        %xor3A_669 = arith.constant 4 : i32
        %xor3A_670 = vector.broadcast %xor3A_669 : i32 to vector<16xi32>
        %xor3A_671 = arith.xori %iota3A, %xor3A_670 : vector<16xi32>
        %broadcast_in_dim3A_672 = vector.shape_cast %xor3A_671 : vector<16xi32> to vector<16x1xi32>
        %gather3A_673 = vector.shape_cast %broadcast_in_dim3A_672 : vector<16x1xi32> to vector<16xi32>
        %gather3A_674 = tpu.dynamic_gather %max3A_668[%gather3A_673] in [0] : vector<16xf32>, vector<16xi32> -> vector<16xf32>
        %max3A_675 = arith.maximumf %max3A_668, %gather3A_674 : vector<16xf32>
        %xor3A_676 = arith.constant 2 : i32
        %xor3A_677 = vector.broadcast %xor3A_676 : i32 to vector<16xi32>
        %xor3A_678 = arith.xori %iota3A, %xor3A_677 : vector<16xi32>
        %broadcast_in_dim3A_679 = vector.shape_cast %xor3A_678 : vector<16xi32> to vector<16x1xi32>
        %gather3A_680 = vector.shape_cast %broadcast_in_dim3A_679 : vector<16x1xi32> to vector<16xi32>
        %gather3A_681 = tpu.dynamic_gather %max3A_675[%gather3A_680] in [0] : vector<16xf32>, vector<16xi32> -> vector<16xf32>
        %max3A_682 = arith.maximumf %max3A_675, %gather3A_681 : vector<16xf32>
        %xor3A_683 = arith.constant 1 : i32
        %xor3A_684 = vector.broadcast %xor3A_683 : i32 to vector<16xi32>
        %xor3A_685 = arith.xori %iota3A, %xor3A_684 : vector<16xi32>
        %broadcast_in_dim3A_686 = vector.shape_cast %xor3A_685 : vector<16xi32> to vector<16x1xi32>
        %gather3A_687 = vector.shape_cast %broadcast_in_dim3A_686 : vector<16x1xi32> to vector<16xi32>
        %gather3A_688 = tpu.dynamic_gather %max3A_682[%gather3A_687] in [0] : vector<16xf32>, vector<16xi32> -> vector<16xf32>
        %max3A_689 = arith.maximumf %max3A_682, %gather3A_688 : vector<16xf32>
        %get3A_690 = arith.constant 0 : index
        %get3A_691 = tpu.vector_load %arg6[%get3A_690] {strides = array<i32>} : memref<1024xf32, #tpu.memory_space<vmem>>, vector<16xf32>,
        %get3A_692 = vector.shape_cast %get3A_691 : vector<16xf32> to vector<16xf32>
        %sub3A_693 = arith.subf %get3A_692, %max3A_689 : vector<16xf32>
        %swap3A_694 = arith.constant 0 : index
        %swap3A_695 = tpu.vector_load %arg7[%swap3A_694] {strides = array<i32>} : memref<1024xf32, #tpu.memory_space<vmem>>, vector<16xf32>,
        %swap3A_696 = vector.shape_cast %swap3A_695 : vector<16xf32> to vector<16xf32>
        %swap3A_697 = vector.shape_cast %sub3A_693 : vector<16xf32> to vector<16xf32>
        tpu.vector_store %arg7[%swap3A_694], %swap3A_697 {strides = array<i32>} : memref<1024xf32, #tpu.memory_space<vmem>>, vector<16xf32>,
        %get3A_698 = arith.constant 16 : index
        %get3A_699 = tpu.vector_load %arg6[%get3A_698] {strides = array<i32>} : memref<1024xf32, #tpu.memory_space<vmem>>, vector<16xf32>,
        %get3A_700 = vector.shape_cast %get3A_699 : vector<16xf32> to vector<16xf32>
        %sub3A_701 = arith.subf %get3A_700, %max3A_689 : vector<16xf32>
        %swap3A_702 = arith.constant 16 : index
        %swap3A_703 = tpu.vector_load %arg7[%swap3A_702] {strides = array<i32>} : memref<1024xf32, #tpu.memory_space<vmem>>, vector<16xf32>,
        %swap3A_704 = vector.shape_cast %swap3A_703 : vector<16xf32> to vector<16xf32>
        %swap3A_705 = vector.shape_cast %sub3A_701 : vector<16xf32> to vector<16xf32>
        tpu.vector_store %arg7[%swap3A_702], %swap3A_705 {strides = array<i32>} : memref<1024xf32, #tpu.memory_space<vmem>>, vector<16xf32>,
        %get3A_706 = arith.constant 32 : index
        %get3A_707 = tpu.vector_load %arg6[%get3A_706] {strides = array<i32>} : memref<1024xf32, #tpu.memory_space<vmem>>, vector<16xf32>,
        %get3A_708 = vector.shape_cast %get3A_707 : vector<16xf32> to vector<16xf32>
        %sub3A_709 = arith.subf %get3A_708, %max3A_689 : vector<16xf32>
        %swap3A_710 = arith.constant 32 : index
        %swap3A_711 = tpu.vector_load %arg7[%swap3A_710] {strides = array<i32>} : memref<1024xf32, #tpu.memory_space<vmem>>, vector<16xf32>,
        %swap3A_712 = vector.shape_cast %swap3A_711 : vector<16xf32> to vector<16xf32>
        %swap3A_713 = vector.shape_cast %sub3A_709 : vector<16xf32> to vector<16xf32>
        tpu.vector_store %arg7[%swap3A_710], %swap3A_713 {strides = array<i32>} : memref<1024xf32, #tpu.memory_space<vmem>>, vector<16xf32>,
        %get3A_714 = arith.constant 48 : index
        %get3A_715 = tpu.vector_load %arg6[%get3A_714] {strides = array<i32>} : memref<1024xf32, #tpu.memory_space<vmem>>, vector<16xf32>,
        %get3A_716 = vector.shape_cast %get3A_715 : vector<16xf32> to vector<16xf32>
        %sub3A_717 = arith.subf %get3A_716, %max3A_689 : vector<16xf32>
        %swap3A_718 = arith.constant 48 : index
        %swap3A_719 = tpu.vector_load %arg7[%swap3A_718] {strides = array<i32>} : memref<1024xf32, #tpu.memory_space<vmem>>, vector<16xf32>,
        %swap3A_720 = vector.shape_cast %swap3A_719 : vector<16xf32> to vector<16xf32>
        %swap3A_721 = vector.shape_cast %sub3A_717 : vector<16xf32> to vector<16xf32>
        tpu.vector_store %arg7[%swap3A_718], %swap3A_721 {strides = array<i32>} : memref<1024xf32, #tpu.memory_space<vmem>>, vector<16xf32>,
        %get3A_722 = arith.constant 64 : index
        %get3A_723 = tpu.vector_load %arg6[%get3A_722] {strides = array<i32>} : memref<1024xf32, #tpu.memory_space<vmem>>, vector<16xf32>,
        %get3A_724 = vector.shape_cast %get3A_723 : vector<16xf32> to vector<16xf32>
        %sub3A_725 = arith.subf %get3A_724, %max3A_689 : vector<16xf32>
        %swap3A_726 = arith.constant 64 : index
        %swap3A_727 = tpu.vector_load %arg7[%swap3A_726] {strides = array<i32>} : memref<1024xf32, #tpu.memory_space<vmem>>, vector<16xf32>,
        %swap3A_728 = vector.shape_cast %swap3A_727 : vector<16xf32> to vector<16xf32>
        %swap3A_729 = vector.shape_cast %sub3A_725 : vector<16xf32> to vector<16xf32>
        tpu.vector_store %arg7[%swap3A_726], %swap3A_729 {strides = array<i32>} : memref<1024xf32, #tpu.memory_space<vmem>>, vector<16xf32>,
        %get3A_730 = arith.constant 80 : index
        %get3A_731 = tpu.vector_load %arg6[%get3A_730] {strides = array<i32>} : memref<1024xf32, #tpu.memory_space<vmem>>, vector<16xf32>,
        %get3A_732 = vector.shape_cast %get3A_731 : vector<16xf32> to vector<16xf32>
        %sub3A_733 = arith.subf %get3A_732, %max3A_689 : vector<16xf32>
        %swap3A_734 = arith.constant 80 : index
        %swap3A_735 = tpu.vector_load %arg7[%swap3A_734] {strides = array<i32>} : memref<1024xf32, #tpu.memory_space<vmem>>, vector<16xf32>,
        %swap3A_736 = vector.shape_cast %swap3A_735 : vector<16xf32> to vector<16xf32>
        %swap3A_737 = vector.shape_cast %sub3A_733 : vector<16xf32> to vector<16xf32>
        tpu.vector_store %arg7[%swap3A_734], %swap3A_737 {strides = array<i32>} : memref<1024xf32, #tpu.memory_space<vmem>>, vector<16xf32>,
        %get3A_738 = arith.constant 96 : index
        %get3A_739 = tpu.vector_load %arg6[%get3A_738] {strides = array<i32>} : memref<1024xf32, #tpu.memory_space<vmem>>, vector<16xf32>,
        %get3A_740 = vector.shape_cast %get3A_739 : vector<16xf32> to vector<16xf32>
        %sub3A_741 = arith.subf %get3A_740, %max3A_689 : vector<16xf32>
        %swap3A_742 = arith.constant 96 : index
        %swap3A_743 = tpu.vector_load %arg7[%swap3A_742] {strides = array<i32>} : memref<1024xf32, #tpu.memory_space<vmem>>, vector<16xf32>,
        %swap3A_744 = vector.shape_cast %swap3A_743 : vector<16xf32> to vector<16xf32>
        %swap3A_745 = vector.shape_cast %sub3A_741 : vector<16xf32> to vector<16xf32>
        tpu.vector_store %arg7[%swap3A_742], %swap3A_745 {strides = array<i32>} : memref<1024xf32, #tpu.memory_space<vmem>>, vector<16xf32>,
        %get3A_746 = arith.constant 112 : index
        %get3A_747 = tpu.vector_load %arg6[%get3A_746] {strides = array<i32>} : memref<1024xf32, #tpu.memory_space<vmem>>, vector<16xf32>,
        %get3A_748 = vector.shape_cast %get3A_747 : vector<16xf32> to vector<16xf32>
        %sub3A_749 = arith.subf %get3A_748, %max3A_689 : vector<16xf32>
        %swap3A_750 = arith.constant 112 : index
        %swap3A_751 = tpu.vector_load %arg7[%swap3A_750] {strides = array<i32>} : memref<1024xf32, #tpu.memory_space<vmem>>, vector<16xf32>,
        %swap3A_752 = vector.shape_cast %swap3A_751 : vector<16xf32> to vector<16xf32>
        %swap3A_753 = vector.shape_cast %sub3A_749 : vector<16xf32> to vector<16xf32>
        tpu.vector_store %arg7[%swap3A_750], %swap3A_753 {strides = array<i32>} : memref<1024xf32, #tpu.memory_space<vmem>>, vector<16xf32>,
        %get3A_754 = arith.constant 128 : index
        %get3A_755 = tpu.vector_load %arg6[%get3A_754] {strides = array<i32>} : memref<1024xf32, #tpu.memory_space<vmem>>, vector<16xf32>,
        %get3A_756 = vector.shape_cast %get3A_755 : vector<16xf32> to vector<16xf32>
        %sub3A_757 = arith.subf %get3A_756, %max3A_689 : vector<16xf32>
        %swap3A_758 = arith.constant 128 : index
        %swap3A_759 = tpu.vector_load %arg7[%swap3A_758] {strides = array<i32>} : memref<1024xf32, #tpu.memory_space<vmem>>, vector<16xf32>,
        %swap3A_760 = vector.shape_cast %swap3A_759 : vector<16xf32> to vector<16xf32>
        %swap3A_761 = vector.shape_cast %sub3A_757 : vector<16xf32> to vector<16xf32>
        tpu.vector_store %arg7[%swap3A_758], %swap3A_761 {strides = array<i32>} : memref<1024xf32, #tpu.memory_space<vmem>>, vector<16xf32>,
        %get3A_762 = arith.constant 144 : index
        %get3A_763 = tpu.vector_load %arg6[%get3A_762] {strides = array<i32>} : memref<1024xf32, #tpu.memory_space<vmem>>, vector<16xf32>,
        %get3A_764 = vector.shape_cast %get3A_763 : vector<16xf32> to vector<16xf32>
        %sub3A_765 = arith.subf %get3A_764, %max3A_689 : vector<16xf32>
        %swap3A_766 = arith.constant 144 : index
        %swap3A_767 = tpu.vector_load %arg7[%swap3A_766] {strides = array<i32>} : memref<1024xf32, #tpu.memory_space<vmem>>, vector<16xf32>,
        %swap3A_768 = vector.shape_cast %swap3A_767 : vector<16xf32> to vector<16xf32>
        %swap3A_769 = vector.shape_cast %sub3A_765 : vector<16xf32> to vector<16xf32>
        tpu.vector_store %arg7[%swap3A_766], %swap3A_769 {strides = array<i32>} : memref<1024xf32, #tpu.memory_space<vmem>>, vector<16xf32>,
        %get3A_770 = arith.constant 160 : index
        %get3A_771 = tpu.vector_load %arg6[%get3A_770] {strides = array<i32>} : memref<1024xf32, #tpu.memory_space<vmem>>, vector<16xf32>,
        %get3A_772 = vector.shape_cast %get3A_771 : vector<16xf32> to vector<16xf32>
        %sub3A_773 = arith.subf %get3A_772, %max3A_689 : vector<16xf32>
        %swap3A_774 = arith.constant 160 : index
        %swap3A_775 = tpu.vector_load %arg7[%swap3A_774] {strides = array<i32>} : memref<1024xf32, #tpu.memory_space<vmem>>, vector<16xf32>,
        %swap3A_776 = vector.shape_cast %swap3A_775 : vector<16xf32> to vector<16xf32>
        %swap3A_777 = vector.shape_cast %sub3A_773 : vector<16xf32> to vector<16xf32>
        tpu.vector_store %arg7[%swap3A_774], %swap3A_777 {strides = array<i32>} : memref<1024xf32, #tpu.memory_space<vmem>>, vector<16xf32>,
        %get3A_778 = arith.constant 176 : index
        %get3A_779 = tpu.vector_load %arg6[%get3A_778] {strides = array<i32>} : memref<1024xf32, #tpu.memory_space<vmem>>, vector<16xf32>,
        %get3A_780 = vector.shape_cast %get3A_779 : vector<16xf32> to vector<16xf32>
        %sub3A_781 = arith.subf %get3A_780, %max3A_689 : vector<16xf32>
        %swap3A_782 = arith.constant 176 : index
        %swap3A_783 = tpu.vector_load %arg7[%swap3A_782] {strides = array<i32>} : memref<1024xf32, #tpu.memory_space<vmem>>, vector<16xf32>,
        %swap3A_784 = vector.shape_cast %swap3A_783 : vector<16xf32> to vector<16xf32>
        %swap3A_785 = vector.shape_cast %sub3A_781 : vector<16xf32> to vector<16xf32>
        tpu.vector_store %arg7[%swap3A_782], %swap3A_785 {strides = array<i32>} : memref<1024xf32, #tpu.memory_space<vmem>>, vector<16xf32>,
        %get3A_786 = arith.constant 192 : index
        %get3A_787 = tpu.vector_load %arg6[%get3A_786] {strides = array<i32>} : memref<1024xf32, #tpu.memory_space<vmem>>, vector<16xf32>,
        %get3A_788 = vector.shape_cast %get3A_787 : vector<16xf32> to vector<16xf32>
        %sub3A_789 = arith.subf %get3A_788, %max3A_689 : vector<16xf32>
        %swap3A_790 = arith.constant 192 : index
        %swap3A_791 = tpu.vector_load %arg7[%swap3A_790] {strides = array<i32>} : memref<1024xf32, #tpu.memory_space<vmem>>, vector<16xf32>,
        %swap3A_792 = vector.shape_cast %swap3A_791 : vector<16xf32> to vector<16xf32>
        %swap3A_793 = vector.shape_cast %sub3A_789 : vector<16xf32> to vector<16xf32>
        tpu.vector_store %arg7[%swap3A_790], %swap3A_793 {strides = array<i32>} : memref<1024xf32, #tpu.memory_space<vmem>>, vector<16xf32>,
        %get3A_794 = arith.constant 208 : index
        %get3A_795 = tpu.vector_load %arg6[%get3A_794] {strides = array<i32>} : memref<1024xf32, #tpu.memory_space<vmem>>, vector<16xf32>,
        %get3A_796 = vector.shape_cast %get3A_795 : vector<16xf32> to vector<16xf32>
        %sub3A_797 = arith.subf %get3A_796, %max3A_689 : vector<16xf32>
        %swap3A_798 = arith.constant 208 : index
        %swap3A_799 = tpu.vector_load %arg7[%swap3A_798] {strides = array<i32>} : memref<1024xf32, #tpu.memory_space<vmem>>, vector<16xf32>,
        %swap3A_800 = vector.shape_cast %swap3A_799 : vector<16xf32> to vector<16xf32>
        %swap3A_801 = vector.shape_cast %sub3A_797 : vector<16xf32> to vector<16xf32>
        tpu.vector_store %arg7[%swap3A_798], %swap3A_801 {strides = array<i32>} : memref<1024xf32, #tpu.memory_space<vmem>>, vector<16xf32>,
        %get3A_802 = arith.constant 224 : index
        %get3A_803 = tpu.vector_load %arg6[%get3A_802] {strides = array<i32>} : memref<1024xf32, #tpu.memory_space<vmem>>, vector<16xf32>,
        %get3A_804 = vector.shape_cast %get3A_803 : vector<16xf32> to vector<16xf32>
        %sub3A_805 = arith.subf %get3A_804, %max3A_689 : vector<16xf32>
        %swap3A_806 = arith.constant 224 : index
        %swap3A_807 = tpu.vector_load %arg7[%swap3A_806] {strides = array<i32>} : memref<1024xf32, #tpu.memory_space<vmem>>, vector<16xf32>,
        %swap3A_808 = vector.shape_cast %swap3A_807 : vector<16xf32> to vector<16xf32>
        %swap3A_809 = vector.shape_cast %sub3A_805 : vector<16xf32> to vector<16xf32>
        tpu.vector_store %arg7[%swap3A_806], %swap3A_809 {strides = array<i32>} : memref<1024xf32, #tpu.memory_space<vmem>>, vector<16xf32>,
        %get3A_810 = arith.constant 240 : index
        %get3A_811 = tpu.vector_load %arg6[%get3A_810] {strides = array<i32>} : memref<1024xf32, #tpu.memory_space<vmem>>, vector<16xf32>,
        %get3A_812 = vector.shape_cast %get3A_811 : vector<16xf32> to vector<16xf32>
        %sub3A_813 = arith.subf %get3A_812, %max3A_689 : vector<16xf32>
        %swap3A_814 = arith.constant 240 : index
        %swap3A_815 = tpu.vector_load %arg7[%swap3A_814] {strides = array<i32>} : memref<1024xf32, #tpu.memory_space<vmem>>, vector<16xf32>,
        %swap3A_816 = vector.shape_cast %swap3A_815 : vector<16xf32> to vector<16xf32>
        %swap3A_817 = vector.shape_cast %sub3A_813 : vector<16xf32> to vector<16xf32>
        tpu.vector_store %arg7[%swap3A_814], %swap3A_817 {strides = array<i32>} : memref<1024xf32, #tpu.memory_space<vmem>>, vector<16xf32>,
        %get3A_818 = arith.constant 256 : index
        %get3A_819 = tpu.vector_load %arg6[%get3A_818] {strides = array<i32>} : memref<1024xf32, #tpu.memory_space<vmem>>, vector<16xf32>,
        %get3A_820 = vector.shape_cast %get3A_819 : vector<16xf32> to vector<16xf32>
        %sub3A_821 = arith.subf %get3A_820, %max3A_689 : vector<16xf32>
        %swap3A_822 = arith.constant 256 : index
        %swap3A_823 = tpu.vector_load %arg7[%swap3A_822] {strides = array<i32>} : memref<1024xf32, #tpu.memory_space<vmem>>, vector<16xf32>,
        %swap3A_824 = vector.shape_cast %swap3A_823 : vector<16xf32> to vector<16xf32>
        %swap3A_825 = vector.shape_cast %sub3A_821 : vector<16xf32> to vector<16xf32>
        tpu.vector_store %arg7[%swap3A_822], %swap3A_825 {strides = array<i32>} : memref<1024xf32, #tpu.memory_space<vmem>>, vector<16xf32>,
        %get3A_826 = arith.constant 272 : index
        %get3A_827 = tpu.vector_load %arg6[%get3A_826] {strides = array<i32>} : memref<1024xf32, #tpu.memory_space<vmem>>, vector<16xf32>,
        %get3A_828 = vector.shape_cast %get3A_827 : vector<16xf32> to vector<16xf32>
        %sub3A_829 = arith.subf %get3A_828, %max3A_689 : vector<16xf32>
        %swap3A_830 = arith.constant 272 : index
        %swap3A_831 = tpu.vector_load %arg7[%swap3A_830] {strides = array<i32>} : memref<1024xf32, #tpu.memory_space<vmem>>, vector<16xf32>,
        %swap3A_832 = vector.shape_cast %swap3A_831 : vector<16xf32> to vector<16xf32>
        %swap3A_833 = vector.shape_cast %sub3A_829 : vector<16xf32> to vector<16xf32>
        tpu.vector_store %arg7[%swap3A_830], %swap3A_833 {strides = array<i32>} : memref<1024xf32, #tpu.memory_space<vmem>>, vector<16xf32>,
        %get3A_834 = arith.constant 288 : index
        %get3A_835 = tpu.vector_load %arg6[%get3A_834] {strides = array<i32>} : memref<1024xf32, #tpu.memory_space<vmem>>, vector<16xf32>,
        %get3A_836 = vector.shape_cast %get3A_835 : vector<16xf32> to vector<16xf32>
        %sub3A_837 = arith.subf %get3A_836, %max3A_689 : vector<16xf32>
        %swap3A_838 = arith.constant 288 : index
        %swap3A_839 = tpu.vector_load %arg7[%swap3A_838] {strides = array<i32>} : memref<1024xf32, #tpu.memory_space<vmem>>, vector<16xf32>,
        %swap3A_840 = vector.shape_cast %swap3A_839 : vector<16xf32> to vector<16xf32>
        %swap3A_841 = vector.shape_cast %sub3A_837 : vector<16xf32> to vector<16xf32>
        tpu.vector_store %arg7[%swap3A_838], %swap3A_841 {strides = array<i32>} : memref<1024xf32, #tpu.memory_space<vmem>>, vector<16xf32>,
        %get3A_842 = arith.constant 304 : index
        %get3A_843 = tpu.vector_load %arg6[%get3A_842] {strides = array<i32>} : memref<1024xf32, #tpu.memory_space<vmem>>, vector<16xf32>,
        %get3A_844 = vector.shape_cast %get3A_843 : vector<16xf32> to vector<16xf32>
        %sub3A_845 = arith.subf %get3A_844, %max3A_689 : vector<16xf32>
        %swap3A_846 = arith.constant 304 : index
        %swap3A_847 = tpu.vector_load %arg7[%swap3A_846] {strides = array<i32>} : memref<1024xf32, #tpu.memory_space<vmem>>, vector<16xf32>,
        %swap3A_848 = vector.shape_cast %swap3A_847 : vector<16xf32> to vector<16xf32>
        %swap3A_849 = vector.shape_cast %sub3A_845 : vector<16xf32> to vector<16xf32>
        tpu.vector_store %arg7[%swap3A_846], %swap3A_849 {strides = array<i32>} : memref<1024xf32, #tpu.memory_space<vmem>>, vector<16xf32>,
        %get3A_850 = arith.constant 320 : index
        %get3A_851 = tpu.vector_load %arg6[%get3A_850] {strides = array<i32>} : memref<1024xf32, #tpu.memory_space<vmem>>, vector<16xf32>,
        %get3A_852 = vector.shape_cast %get3A_851 : vector<16xf32> to vector<16xf32>
        %sub3A_853 = arith.subf %get3A_852, %max3A_689 : vector<16xf32>
        %swap3A_854 = arith.constant 320 : index
        %swap3A_855 = tpu.vector_load %arg7[%swap3A_854] {strides = array<i32>} : memref<1024xf32, #tpu.memory_space<vmem>>, vector<16xf32>,
        %swap3A_856 = vector.shape_cast %swap3A_855 : vector<16xf32> to vector<16xf32>
        %swap3A_857 = vector.shape_cast %sub3A_853 : vector<16xf32> to vector<16xf32>
        tpu.vector_store %arg7[%swap3A_854], %swap3A_857 {strides = array<i32>} : memref<1024xf32, #tpu.memory_space<vmem>>, vector<16xf32>,
        %get3A_858 = arith.constant 336 : index
        %get3A_859 = tpu.vector_load %arg6[%get3A_858] {strides = array<i32>} : memref<1024xf32, #tpu.memory_space<vmem>>, vector<16xf32>,
        %get3A_860 = vector.shape_cast %get3A_859 : vector<16xf32> to vector<16xf32>
        %sub3A_861 = arith.subf %get3A_860, %max3A_689 : vector<16xf32>
        %swap3A_862 = arith.constant 336 : index
        %swap3A_863 = tpu.vector_load %arg7[%swap3A_862] {strides = array<i32>} : memref<1024xf32, #tpu.memory_space<vmem>>, vector<16xf32>,
        %swap3A_864 = vector.shape_cast %swap3A_863 : vector<16xf32> to vector<16xf32>
        %swap3A_865 = vector.shape_cast %sub3A_861 : vector<16xf32> to vector<16xf32>
        tpu.vector_store %arg7[%swap3A_862], %swap3A_865 {strides = array<i32>} : memref<1024xf32, #tpu.memory_space<vmem>>, vector<16xf32>,
        %get3A_866 = arith.constant 352 : index
        %get3A_867 = tpu.vector_load %arg6[%get3A_866] {strides = array<i32>} : memref<1024xf32, #tpu.memory_space<vmem>>, vector<16xf32>,
        %get3A_868 = vector.shape_cast %get3A_867 : vector<16xf32> to vector<16xf32>
        %sub3A_869 = arith.subf %get3A_868, %max3A_689 : vector<16xf32>
        %swap3A_870 = arith.constant 352 : index
        %swap3A_871 = tpu.vector_load %arg7[%swap3A_870] {strides = array<i32>} : memref<1024xf32, #tpu.memory_space<vmem>>, vector<16xf32>,
        %swap3A_872 = vector.shape_cast %swap3A_871 : vector<16xf32> to vector<16xf32>
        %swap3A_873 = vector.shape_cast %sub3A_869 : vector<16xf32> to vector<16xf32>
        tpu.vector_store %arg7[%swap3A_870], %swap3A_873 {strides = array<i32>} : memref<1024xf32, #tpu.memory_space<vmem>>, vector<16xf32>,
        %get3A_874 = arith.constant 368 : index
        %get3A_875 = tpu.vector_load %arg6[%get3A_874] {strides = array<i32>} : memref<1024xf32, #tpu.memory_space<vmem>>, vector<16xf32>,
        %get3A_876 = vector.shape_cast %get3A_875 : vector<16xf32> to vector<16xf32>
        %sub3A_877 = arith.subf %get3A_876, %max3A_689 : vector<16xf32>
        %swap3A_878 = arith.constant 368 : index
        %swap3A_879 = tpu.vector_load %arg7[%swap3A_878] {strides = array<i32>} : memref<1024xf32, #tpu.memory_space<vmem>>, vector<16xf32>,
        %swap3A_880 = vector.shape_cast %swap3A_879 : vector<16xf32> to vector<16xf32>
        %swap3A_881 = vector.shape_cast %sub3A_877 : vector<16xf32> to vector<16xf32>
        tpu.vector_store %arg7[%swap3A_878], %swap3A_881 {strides = array<i32>} : memref<1024xf32, #tpu.memory_space<vmem>>, vector<16xf32>,
        %get3A_882 = arith.constant 384 : index
        %get3A_883 = tpu.vector_load %arg6[%get3A_882] {strides = array<i32>} : memref<1024xf32, #tpu.memory_space<vmem>>, vector<16xf32>,
        %get3A_884 = vector.shape_cast %get3A_883 : vector<16xf32> to vector<16xf32>
        %sub3A_885 = arith.subf %get3A_884, %max3A_689 : vector<16xf32>
        %swap3A_886 = arith.constant 384 : index
        %swap3A_887 = tpu.vector_load %arg7[%swap3A_886] {strides = array<i32>} : memref<1024xf32, #tpu.memory_space<vmem>>, vector<16xf32>,
        %swap3A_888 = vector.shape_cast %swap3A_887 : vector<16xf32> to vector<16xf32>
        %swap3A_889 = vector.shape_cast %sub3A_885 : vector<16xf32> to vector<16xf32>
        tpu.vector_store %arg7[%swap3A_886], %swap3A_889 {strides = array<i32>} : memref<1024xf32, #tpu.memory_space<vmem>>, vector<16xf32>,
        %get3A_890 = arith.constant 400 : index
        %get3A_891 = tpu.vector_load %arg6[%get3A_890] {strides = array<i32>} : memref<1024xf32, #tpu.memory_space<vmem>>, vector<16xf32>,
        %get3A_892 = vector.shape_cast %get3A_891 : vector<16xf32> to vector<16xf32>
        %sub3A_893 = arith.subf %get3A_892, %max3A_689 : vector<16xf32>
        %swap3A_894 = arith.constant 400 : index
        %swap3A_895 = tpu.vector_load %arg7[%swap3A_894] {strides = array<i32>} : memref<1024xf32, #tpu.memory_space<vmem>>, vector<16xf32>,
        %swap3A_896 = vector.shape_cast %swap3A_895 : vector<16xf32> to vector<16xf32>
        %swap3A_897 = vector.shape_cast %sub3A_893 : vector<16xf32> to vector<16xf32>
        tpu.vector_store %arg7[%swap3A_894], %swap3A_897 {strides = array<i32>} : memref<1024xf32, #tpu.memory_space<vmem>>, vector<16xf32>,
        %get3A_898 = arith.constant 416 : index
        %get3A_899 = tpu.vector_load %arg6[%get3A_898] {strides = array<i32>} : memref<1024xf32, #tpu.memory_space<vmem>>, vector<16xf32>,
        %get3A_900 = vector.shape_cast %get3A_899 : vector<16xf32> to vector<16xf32>
        %sub3A_901 = arith.subf %get3A_900, %max3A_689 : vector<16xf32>
        %swap3A_902 = arith.constant 416 : index
        %swap3A_903 = tpu.vector_load %arg7[%swap3A_902] {strides = array<i32>} : memref<1024xf32, #tpu.memory_space<vmem>>, vector<16xf32>,
        %swap3A_904 = vector.shape_cast %swap3A_903 : vector<16xf32> to vector<16xf32>
        %swap3A_905 = vector.shape_cast %sub3A_901 : vector<16xf32> to vector<16xf32>
        tpu.vector_store %arg7[%swap3A_902], %swap3A_905 {strides = array<i32>} : memref<1024xf32, #tpu.memory_space<vmem>>, vector<16xf32>,
        %get3A_906 = arith.constant 432 : index
        %get3A_907 = tpu.vector_load %arg6[%get3A_906] {strides = array<i32>} : memref<1024xf32, #tpu.memory_space<vmem>>, vector<16xf32>,
        %get3A_908 = vector.shape_cast %get3A_907 : vector<16xf32> to vector<16xf32>
        %sub3A_909 = arith.subf %get3A_908, %max3A_689 : vector<16xf32>
        %swap3A_910 = arith.constant 432 : index
        %swap3A_911 = tpu.vector_load %arg7[%swap3A_910] {strides = array<i32>} : memref<1024xf32, #tpu.memory_space<vmem>>, vector<16xf32>,
        %swap3A_912 = vector.shape_cast %swap3A_911 : vector<16xf32> to vector<16xf32>
        %swap3A_913 = vector.shape_cast %sub3A_909 : vector<16xf32> to vector<16xf32>
        tpu.vector_store %arg7[%swap3A_910], %swap3A_913 {strides = array<i32>} : memref<1024xf32, #tpu.memory_space<vmem>>, vector<16xf32>,
        %get3A_914 = arith.constant 448 : index
        %get3A_915 = tpu.vector_load %arg6[%get3A_914] {strides = array<i32>} : memref<1024xf32, #tpu.memory_space<vmem>>, vector<16xf32>,
        %get3A_916 = vector.shape_cast %get3A_915 : vector<16xf32> to vector<16xf32>
        %sub3A_917 = arith.subf %get3A_916, %max3A_689 : vector<16xf32>
        %swap3A_918 = arith.constant 448 : index
        %swap3A_919 = tpu.vector_load %arg7[%swap3A_918] {strides = array<i32>} : memref<1024xf32, #tpu.memory_space<vmem>>, vector<16xf32>,
        %swap3A_920 = vector.shape_cast %swap3A_919 : vector<16xf32> to vector<16xf32>
        %swap3A_921 = vector.shape_cast %sub3A_917 : vector<16xf32> to vector<16xf32>
        tpu.vector_store %arg7[%swap3A_918], %swap3A_921 {strides = array<i32>} : memref<1024xf32, #tpu.memory_space<vmem>>, vector<16xf32>,
        %get3A_922 = arith.constant 464 : index
        %get3A_923 = tpu.vector_load %arg6[%get3A_922] {strides = array<i32>} : memref<1024xf32, #tpu.memory_space<vmem>>, vector<16xf32>,
        %get3A_924 = vector.shape_cast %get3A_923 : vector<16xf32> to vector<16xf32>
        %sub3A_925 = arith.subf %get3A_924, %max3A_689 : vector<16xf32>
        %swap3A_926 = arith.constant 464 : index
        %swap3A_927 = tpu.vector_load %arg7[%swap3A_926] {strides = array<i32>} : memref<1024xf32, #tpu.memory_space<vmem>>, vector<16xf32>,
        %swap3A_928 = vector.shape_cast %swap3A_927 : vector<16xf32> to vector<16xf32>
        %swap3A_929 = vector.shape_cast %sub3A_925 : vector<16xf32> to vector<16xf32>
        tpu.vector_store %arg7[%swap3A_926], %swap3A_929 {strides = array<i32>} : memref<1024xf32, #tpu.memory_space<vmem>>, vector<16xf32>,
        %get3A_930 = arith.constant 480 : index
        %get3A_931 = tpu.vector_load %arg6[%get3A_930] {strides = array<i32>} : memref<1024xf32, #tpu.memory_space<vmem>>, vector<16xf32>,
        %get3A_932 = vector.shape_cast %get3A_931 : vector<16xf32> to vector<16xf32>
        %sub3A_933 = arith.subf %get3A_932, %max3A_689 : vector<16xf32>
        %swap3A_934 = arith.constant 480 : index
        %swap3A_935 = tpu.vector_load %arg7[%swap3A_934] {strides = array<i32>} : memref<1024xf32, #tpu.memory_space<vmem>>, vector<16xf32>,
        %swap3A_936 = vector.shape_cast %swap3A_935 : vector<16xf32> to vector<16xf32>
        %swap3A_937 = vector.shape_cast %sub3A_933 : vector<16xf32> to vector<16xf32>
        tpu.vector_store %arg7[%swap3A_934], %swap3A_937 {strides = array<i32>} : memref<1024xf32, #tpu.memory_space<vmem>>, vector<16xf32>,
        %get3A_938 = arith.constant 496 : index
        %get3A_939 = tpu.vector_load %arg6[%get3A_938] {strides = array<i32>} : memref<1024xf32, #tpu.memory_space<vmem>>, vector<16xf32>,
        %get3A_940 = vector.shape_cast %get3A_939 : vector<16xf32> to vector<16xf32>
        %sub3A_941 = arith.subf %get3A_940, %max3A_689 : vector<16xf32>
        %swap3A_942 = arith.constant 496 : index
        %swap3A_943 = tpu.vector_load %arg7[%swap3A_942] {strides = array<i32>} : memref<1024xf32, #tpu.memory_space<vmem>>, vector<16xf32>,
        %swap3A_944 = vector.shape_cast %swap3A_943 : vector<16xf32> to vector<16xf32>
        %swap3A_945 = vector.shape_cast %sub3A_941 : vector<16xf32> to vector<16xf32>
        tpu.vector_store %arg7[%swap3A_942], %swap3A_945 {strides = array<i32>} : memref<1024xf32, #tpu.memory_space<vmem>>, vector<16xf32>,
        %get3A_946 = arith.constant 512 : index
        %get3A_947 = tpu.vector_load %arg6[%get3A_946] {strides = array<i32>} : memref<1024xf32, #tpu.memory_space<vmem>>, vector<16xf32>,
        %get3A_948 = vector.shape_cast %get3A_947 : vector<16xf32> to vector<16xf32>
        %sub3A_949 = arith.subf %get3A_948, %max3A_689 : vector<16xf32>
        %swap3A_950 = arith.constant 512 : index
        %swap3A_951 = tpu.vector_load %arg7[%swap3A_950] {strides = array<i32>} : memref<1024xf32, #tpu.memory_space<vmem>>, vector<16xf32>,
        %swap3A_952 = vector.shape_cast %swap3A_951 : vector<16xf32> to vector<16xf32>
        %swap3A_953 = vector.shape_cast %sub3A_949 : vector<16xf32> to vector<16xf32>
        tpu.vector_store %arg7[%swap3A_950], %swap3A_953 {strides = array<i32>} : memref<1024xf32, #tpu.memory_space<vmem>>, vector<16xf32>,
        %get3A_954 = arith.constant 528 : index
        %get3A_955 = tpu.vector_load %arg6[%get3A_954] {strides = array<i32>} : memref<1024xf32, #tpu.memory_space<vmem>>, vector<16xf32>,
        %get3A_956 = vector.shape_cast %get3A_955 : vector<16xf32> to vector<16xf32>
        %sub3A_957 = arith.subf %get3A_956, %max3A_689 : vector<16xf32>
        %swap3A_958 = arith.constant 528 : index
        %swap3A_959 = tpu.vector_load %arg7[%swap3A_958] {strides = array<i32>} : memref<1024xf32, #tpu.memory_space<vmem>>, vector<16xf32>,
        %swap3A_960 = vector.shape_cast %swap3A_959 : vector<16xf32> to vector<16xf32>
        %swap3A_961 = vector.shape_cast %sub3A_957 : vector<16xf32> to vector<16xf32>
        tpu.vector_store %arg7[%swap3A_958], %swap3A_961 {strides = array<i32>} : memref<1024xf32, #tpu.memory_space<vmem>>, vector<16xf32>,
        %get3A_962 = arith.constant 544 : index
        %get3A_963 = tpu.vector_load %arg6[%get3A_962] {strides = array<i32>} : memref<1024xf32, #tpu.memory_space<vmem>>, vector<16xf32>,
        %get3A_964 = vector.shape_cast %get3A_963 : vector<16xf32> to vector<16xf32>
        %sub3A_965 = arith.subf %get3A_964, %max3A_689 : vector<16xf32>
        %swap3A_966 = arith.constant 544 : index
        %swap3A_967 = tpu.vector_load %arg7[%swap3A_966] {strides = array<i32>} : memref<1024xf32, #tpu.memory_space<vmem>>, vector<16xf32>,
        %swap3A_968 = vector.shape_cast %swap3A_967 : vector<16xf32> to vector<16xf32>
        %swap3A_969 = vector.shape_cast %sub3A_965 : vector<16xf32> to vector<16xf32>
        tpu.vector_store %arg7[%swap3A_966], %swap3A_969 {strides = array<i32>} : memref<1024xf32, #tpu.memory_space<vmem>>, vector<16xf32>,
        %get3A_970 = arith.constant 560 : index
        %get3A_971 = tpu.vector_load %arg6[%get3A_970] {strides = array<i32>} : memref<1024xf32, #tpu.memory_space<vmem>>, vector<16xf32>,
        %get3A_972 = vector.shape_cast %get3A_971 : vector<16xf32> to vector<16xf32>
        %sub3A_973 = arith.subf %get3A_972, %max3A_689 : vector<16xf32>
        %swap3A_974 = arith.constant 560 : index
        %swap3A_975 = tpu.vector_load %arg7[%swap3A_974] {strides = array<i32>} : memref<1024xf32, #tpu.memory_space<vmem>>, vector<16xf32>,
        %swap3A_976 = vector.shape_cast %swap3A_975 : vector<16xf32> to vector<16xf32>
        %swap3A_977 = vector.shape_cast %sub3A_973 : vector<16xf32> to vector<16xf32>
        tpu.vector_store %arg7[%swap3A_974], %swap3A_977 {strides = array<i32>} : memref<1024xf32, #tpu.memory_space<vmem>>, vector<16xf32>,
        %get3A_978 = arith.constant 576 : index
        %get3A_979 = tpu.vector_load %arg6[%get3A_978] {strides = array<i32>} : memref<1024xf32, #tpu.memory_space<vmem>>, vector<16xf32>,
        %get3A_980 = vector.shape_cast %get3A_979 : vector<16xf32> to vector<16xf32>
        %sub3A_981 = arith.subf %get3A_980, %max3A_689 : vector<16xf32>
        %swap3A_982 = arith.constant 576 : index
        %swap3A_983 = tpu.vector_load %arg7[%swap3A_982] {strides = array<i32>} : memref<1024xf32, #tpu.memory_space<vmem>>, vector<16xf32>,
        %swap3A_984 = vector.shape_cast %swap3A_983 : vector<16xf32> to vector<16xf32>
        %swap3A_985 = vector.shape_cast %sub3A_981 : vector<16xf32> to vector<16xf32>
        tpu.vector_store %arg7[%swap3A_982], %swap3A_985 {strides = array<i32>} : memref<1024xf32, #tpu.memory_space<vmem>>, vector<16xf32>,
        %get3A_986 = arith.constant 592 : index
        %get3A_987 = tpu.vector_load %arg6[%get3A_986] {strides = array<i32>} : memref<1024xf32, #tpu.memory_space<vmem>>, vector<16xf32>,
        %get3A_988 = vector.shape_cast %get3A_987 : vector<16xf32> to vector<16xf32>
        %sub3A_989 = arith.subf %get3A_988, %max3A_689 : vector<16xf32>
        %swap3A_990 = arith.constant 592 : index
        %swap3A_991 = tpu.vector_load %arg7[%swap3A_990] {strides = array<i32>} : memref<1024xf32, #tpu.memory_space<vmem>>, vector<16xf32>,
        %swap3A_992 = vector.shape_cast %swap3A_991 : vector<16xf32> to vector<16xf32>
        %swap3A_993 = vector.shape_cast %sub3A_989 : vector<16xf32> to vector<16xf32>
        tpu.vector_store %arg7[%swap3A_990], %swap3A_993 {strides = array<i32>} : memref<1024xf32, #tpu.memory_space<vmem>>, vector<16xf32>,
        %get3A_994 = arith.constant 608 : index
        %get3A_995 = tpu.vector_load %arg6[%get3A_994] {strides = array<i32>} : memref<1024xf32, #tpu.memory_space<vmem>>, vector<16xf32>,
        %get3A_996 = vector.shape_cast %get3A_995 : vector<16xf32> to vector<16xf32>
        %sub3A_997 = arith.subf %get3A_996, %max3A_689 : vector<16xf32>
        %swap3A_998 = arith.constant 608 : index
        %swap3A_999 = tpu.vector_load %arg7[%swap3A_998] {strides = array<i32>} : memref<1024xf32, #tpu.memory_space<vmem>>, vector<16xf32>,
        %swap3A_1000 = vector.shape_cast %swap3A_999 : vector<16xf32> to vector<16xf32>
        %swap3A_1001 = vector.shape_cast %sub3A_997 : vector<16xf32> to vector<16xf32>
        tpu.vector_store %arg7[%swap3A_998], %swap3A_1001 {strides = array<i32>} : memref<1024xf32, #tpu.memory_space<vmem>>, vector<16xf32>,
        %get3A_1002 = arith.constant 624 : index
        %get3A_1003 = tpu.vector_load %arg6[%get3A_1002] {strides = array<i32>} : memref<1024xf32, #tpu.memory_space<vmem>>, vector<16xf32>,
        %get3A_1004 = vector.shape_cast %get3A_1003 : vector<16xf32> to vector<16xf32>
        %sub3A_1005 = arith.subf %get3A_1004, %max3A_689 : vector<16xf32>
        %swap3A_1006 = arith.constant 624 : index
        %swap3A_1007 = tpu.vector_load %arg7[%swap3A_1006] {strides = array<i32>} : memref<1024xf32, #tpu.memory_space<vmem>>, vector<16xf32>,
        %swap3A_1008 = vector.shape_cast %swap3A_1007 : vector<16xf32> to vector<16xf32>
        %swap3A_1009 = vector.shape_cast %sub3A_1005 : vector<16xf32> to vector<16xf32>
        tpu.vector_store %arg7[%swap3A_1006], %swap3A_1009 {strides = array<i32>} : memref<1024xf32, #tpu.memory_space<vmem>>, vector<16xf32>,
        %get3A_1010 = arith.constant 640 : index
        %get3A_1011 = tpu.vector_load %arg6[%get3A_1010] {strides = array<i32>} : memref<1024xf32, #tpu.memory_space<vmem>>, vector<16xf32>,
        %get3A_1012 = vector.shape_cast %get3A_1011 : vector<16xf32> to vector<16xf32>
        %sub3A_1013 = arith.subf %get3A_1012, %max3A_689 : vector<16xf32>
        %swap3A_1014 = arith.constant 640 : index
        %swap3A_1015 = tpu.vector_load %arg7[%swap3A_1014] {strides = array<i32>} : memref<1024xf32, #tpu.memory_space<vmem>>, vector<16xf32>,
        %swap3A_1016 = vector.shape_cast %swap3A_1015 : vector<16xf32> to vector<16xf32>
        %swap3A_1017 = vector.shape_cast %sub3A_1013 : vector<16xf32> to vector<16xf32>
        tpu.vector_store %arg7[%swap3A_1014], %swap3A_1017 {strides = array<i32>} : memref<1024xf32, #tpu.memory_space<vmem>>, vector<16xf32>,
        %get3A_1018 = arith.constant 656 : index
        %get3A_1019 = tpu.vector_load %arg6[%get3A_1018] {strides = array<i32>} : memref<1024xf32, #tpu.memory_space<vmem>>, vector<16xf32>,
        %get3A_1020 = vector.shape_cast %get3A_1019 : vector<16xf32> to vector<16xf32>
        %sub3A_1021 = arith.subf %get3A_1020, %max3A_689 : vector<16xf32>
        %swap3A_1022 = arith.constant 656 : index
        %swap3A_1023 = tpu.vector_load %arg7[%swap3A_1022] {strides = array<i32>} : memref<1024xf32, #tpu.memory_space<vmem>>, vector<16xf32>,
        %swap3A_1024 = vector.shape_cast %swap3A_1023 : vector<16xf32> to vector<16xf32>
        %swap3A_1025 = vector.shape_cast %sub3A_1021 : vector<16xf32> to vector<16xf32>
        tpu.vector_store %arg7[%swap3A_1022], %swap3A_1025 {strides = array<i32>} : memref<1024xf32, #tpu.memory_space<vmem>>, vector<16xf32>,
        %get3A_1026 = arith.constant 672 : index
        %get3A_1027 = tpu.vector_load %arg6[%get3A_1026] {strides = array<i32>} : memref<1024xf32, #tpu.memory_space<vmem>>, vector<16xf32>,
        %get3A_1028 = vector.shape_cast %get3A_1027 : vector<16xf32> to vector<16xf32>
        %sub3A_1029 = arith.subf %get3A_1028, %max3A_689 : vector<16xf32>
        %swap3A_1030 = arith.constant 672 : index
        %swap3A_1031 = tpu.vector_load %arg7[%swap3A_1030] {strides = array<i32>} : memref<1024xf32, #tpu.memory_space<vmem>>, vector<16xf32>,
        %swap3A_1032 = vector.shape_cast %swap3A_1031 : vector<16xf32> to vector<16xf32>
        %swap3A_1033 = vector.shape_cast %sub3A_1029 : vector<16xf32> to vector<16xf32>
        tpu.vector_store %arg7[%swap3A_1030], %swap3A_1033 {strides = array<i32>} : memref<1024xf32, #tpu.memory_space<vmem>>, vector<16xf32>,
        %get3A_1034 = arith.constant 688 : index
        %get3A_1035 = tpu.vector_load %arg6[%get3A_1034] {strides = array<i32>} : memref<1024xf32, #tpu.memory_space<vmem>>, vector<16xf32>,
        %get3A_1036 = vector.shape_cast %get3A_1035 : vector<16xf32> to vector<16xf32>
        %sub3A_1037 = arith.subf %get3A_1036, %max3A_689 : vector<16xf32>
        %swap3A_1038 = arith.constant 688 : index
        %swap3A_1039 = tpu.vector_load %arg7[%swap3A_1038] {strides = array<i32>} : memref<1024xf32, #tpu.memory_space<vmem>>, vector<16xf32>,
        %swap3A_1040 = vector.shape_cast %swap3A_1039 : vector<16xf32> to vector<16xf32>
        %swap3A_1041 = vector.shape_cast %sub3A_1037 : vector<16xf32> to vector<16xf32>
        tpu.vector_store %arg7[%swap3A_1038], %swap3A_1041 {strides = array<i32>} : memref<1024xf32, #tpu.memory_space<vmem>>, vector<16xf32>,
        %get3A_1042 = arith.constant 704 : index
        %get3A_1043 = tpu.vector_load %arg6[%get3A_1042] {strides = array<i32>} : memref<1024xf32, #tpu.memory_space<vmem>>, vector<16xf32>,
        %get3A_1044 = vector.shape_cast %get3A_1043 : vector<16xf32> to vector<16xf32>
        %sub3A_1045 = arith.subf %get3A_1044, %max3A_689 : vector<16xf32>
        %swap3A_1046 = arith.constant 704 : index
        %swap3A_1047 = tpu.vector_load %arg7[%swap3A_1046] {strides = array<i32>} : memref<1024xf32, #tpu.memory_space<vmem>>, vector<16xf32>,
        %swap3A_1048 = vector.shape_cast %swap3A_1047 : vector<16xf32> to vector<16xf32>
        %swap3A_1049 = vector.shape_cast %sub3A_1045 : vector<16xf32> to vector<16xf32>
        tpu.vector_store %arg7[%swap3A_1046], %swap3A_1049 {strides = array<i32>} : memref<1024xf32, #tpu.memory_space<vmem>>, vector<16xf32>,
        %get3A_1050 = arith.constant 720 : index
        %get3A_1051 = tpu.vector_load %arg6[%get3A_1050] {strides = array<i32>} : memref<1024xf32, #tpu.memory_space<vmem>>, vector<16xf32>,
        %get3A_1052 = vector.shape_cast %get3A_1051 : vector<16xf32> to vector<16xf32>
        %sub3A_1053 = arith.subf %get3A_1052, %max3A_689 : vector<16xf32>
        %swap3A_1054 = arith.constant 720 : index
        %swap3A_1055 = tpu.vector_load %arg7[%swap3A_1054] {strides = array<i32>} : memref<1024xf32, #tpu.memory_space<vmem>>, vector<16xf32>,
        %swap3A_1056 = vector.shape_cast %swap3A_1055 : vector<16xf32> to vector<16xf32>
        %swap3A_1057 = vector.shape_cast %sub3A_1053 : vector<16xf32> to vector<16xf32>
        tpu.vector_store %arg7[%swap3A_1054], %swap3A_1057 {strides = array<i32>} : memref<1024xf32, #tpu.memory_space<vmem>>, vector<16xf32>,
        %get3A_1058 = arith.constant 736 : index
        %get3A_1059 = tpu.vector_load %arg6[%get3A_1058] {strides = array<i32>} : memref<1024xf32, #tpu.memory_space<vmem>>, vector<16xf32>,
        %get3A_1060 = vector.shape_cast %get3A_1059 : vector<16xf32> to vector<16xf32>
        %sub3A_1061 = arith.subf %get3A_1060, %max3A_689 : vector<16xf32>
        %swap3A_1062 = arith.constant 736 : index
        %swap3A_1063 = tpu.vector_load %arg7[%swap3A_1062] {strides = array<i32>} : memref<1024xf32, #tpu.memory_space<vmem>>, vector<16xf32>,
        %swap3A_1064 = vector.shape_cast %swap3A_1063 : vector<16xf32> to vector<16xf32>
        %swap3A_1065 = vector.shape_cast %sub3A_1061 : vector<16xf32> to vector<16xf32>
        tpu.vector_store %arg7[%swap3A_1062], %swap3A_1065 {strides = array<i32>} : memref<1024xf32, #tpu.memory_space<vmem>>, vector<16xf32>,
        %get3A_1066 = arith.constant 752 : index
        %get3A_1067 = tpu.vector_load %arg6[%get3A_1066] {strides = array<i32>} : memref<1024xf32, #tpu.memory_space<vmem>>, vector<16xf32>,
        %get3A_1068 = vector.shape_cast %get3A_1067 : vector<16xf32> to vector<16xf32>
        %sub3A_1069 = arith.subf %get3A_1068, %max3A_689 : vector<16xf32>
        %swap3A_1070 = arith.constant 752 : index
        %swap3A_1071 = tpu.vector_load %arg7[%swap3A_1070] {strides = array<i32>} : memref<1024xf32, #tpu.memory_space<vmem>>, vector<16xf32>,
        %swap3A_1072 = vector.shape_cast %swap3A_1071 : vector<16xf32> to vector<16xf32>
        %swap3A_1073 = vector.shape_cast %sub3A_1069 : vector<16xf32> to vector<16xf32>
        tpu.vector_store %arg7[%swap3A_1070], %swap3A_1073 {strides = array<i32>} : memref<1024xf32, #tpu.memory_space<vmem>>, vector<16xf32>,
        %get3A_1074 = arith.constant 768 : index
        %get3A_1075 = tpu.vector_load %arg6[%get3A_1074] {strides = array<i32>} : memref<1024xf32, #tpu.memory_space<vmem>>, vector<16xf32>,
        %get3A_1076 = vector.shape_cast %get3A_1075 : vector<16xf32> to vector<16xf32>
        %sub3A_1077 = arith.subf %get3A_1076, %max3A_689 : vector<16xf32>
        %swap3A_1078 = arith.constant 768 : index
        %swap3A_1079 = tpu.vector_load %arg7[%swap3A_1078] {strides = array<i32>} : memref<1024xf32, #tpu.memory_space<vmem>>, vector<16xf32>,
        %swap3A_1080 = vector.shape_cast %swap3A_1079 : vector<16xf32> to vector<16xf32>
        %swap3A_1081 = vector.shape_cast %sub3A_1077 : vector<16xf32> to vector<16xf32>
        tpu.vector_store %arg7[%swap3A_1078], %swap3A_1081 {strides = array<i32>} : memref<1024xf32, #tpu.memory_space<vmem>>, vector<16xf32>,
        %get3A_1082 = arith.constant 784 : index
        %get3A_1083 = tpu.vector_load %arg6[%get3A_1082] {strides = array<i32>} : memref<1024xf32, #tpu.memory_space<vmem>>, vector<16xf32>,
        %get3A_1084 = vector.shape_cast %get3A_1083 : vector<16xf32> to vector<16xf32>
        %sub3A_1085 = arith.subf %get3A_1084, %max3A_689 : vector<16xf32>
        %swap3A_1086 = arith.constant 784 : index
        %swap3A_1087 = tpu.vector_load %arg7[%swap3A_1086] {strides = array<i32>} : memref<1024xf32, #tpu.memory_space<vmem>>, vector<16xf32>,
        %swap3A_1088 = vector.shape_cast %swap3A_1087 : vector<16xf32> to vector<16xf32>
        %swap3A_1089 = vector.shape_cast %sub3A_1085 : vector<16xf32> to vector<16xf32>
        tpu.vector_store %arg7[%swap3A_1086], %swap3A_1089 {strides = array<i32>} : memref<1024xf32, #tpu.memory_space<vmem>>, vector<16xf32>,
        %get3A_1090 = arith.constant 800 : index
        %get3A_1091 = tpu.vector_load %arg6[%get3A_1090] {strides = array<i32>} : memref<1024xf32, #tpu.memory_space<vmem>>, vector<16xf32>,
        %get3A_1092 = vector.shape_cast %get3A_1091 : vector<16xf32> to vector<16xf32>
        %sub3A_1093 = arith.subf %get3A_1092, %max3A_689 : vector<16xf32>
        %swap3A_1094 = arith.constant 800 : index
        %swap3A_1095 = tpu.vector_load %arg7[%swap3A_1094] {strides = array<i32>} : memref<1024xf32, #tpu.memory_space<vmem>>, vector<16xf32>,
        %swap3A_1096 = vector.shape_cast %swap3A_1095 : vector<16xf32> to vector<16xf32>
        %swap3A_1097 = vector.shape_cast %sub3A_1093 : vector<16xf32> to vector<16xf32>
        tpu.vector_store %arg7[%swap3A_1094], %swap3A_1097 {strides = array<i32>} : memref<1024xf32, #tpu.memory_space<vmem>>, vector<16xf32>,
        %get3A_1098 = arith.constant 816 : index
        %get3A_1099 = tpu.vector_load %arg6[%get3A_1098] {strides = array<i32>} : memref<1024xf32, #tpu.memory_space<vmem>>, vector<16xf32>,
        %get3A_1100 = vector.shape_cast %get3A_1099 : vector<16xf32> to vector<16xf32>
        %sub3A_1101 = arith.subf %get3A_1100, %max3A_689 : vector<16xf32>
        %swap3A_1102 = arith.constant 816 : index
        %swap3A_1103 = tpu.vector_load %arg7[%swap3A_1102] {strides = array<i32>} : memref<1024xf32, #tpu.memory_space<vmem>>, vector<16xf32>,
        %swap3A_1104 = vector.shape_cast %swap3A_1103 : vector<16xf32> to vector<16xf32>
        %swap3A_1105 = vector.shape_cast %sub3A_1101 : vector<16xf32> to vector<16xf32>
        tpu.vector_store %arg7[%swap3A_1102], %swap3A_1105 {strides = array<i32>} : memref<1024xf32, #tpu.memory_space<vmem>>, vector<16xf32>,
        %get3A_1106 = arith.constant 832 : index
        %get3A_1107 = tpu.vector_load %arg6[%get3A_1106] {strides = array<i32>} : memref<1024xf32, #tpu.memory_space<vmem>>, vector<16xf32>,
        %get3A_1108 = vector.shape_cast %get3A_1107 : vector<16xf32> to vector<16xf32>
        %sub3A_1109 = arith.subf %get3A_1108, %max3A_689 : vector<16xf32>
        %swap3A_1110 = arith.constant 832 : index
        %swap3A_1111 = tpu.vector_load %arg7[%swap3A_1110] {strides = array<i32>} : memref<1024xf32, #tpu.memory_space<vmem>>, vector<16xf32>,
        %swap3A_1112 = vector.shape_cast %swap3A_1111 : vector<16xf32> to vector<16xf32>
        %swap3A_1113 = vector.shape_cast %sub3A_1109 : vector<16xf32> to vector<16xf32>
        tpu.vector_store %arg7[%swap3A_1110], %swap3A_1113 {strides = array<i32>} : memref<1024xf32, #tpu.memory_space<vmem>>, vector<16xf32>,
        %get3A_1114 = arith.constant 848 : index
        %get3A_1115 = tpu.vector_load %arg6[%get3A_1114] {strides = array<i32>} : memref<1024xf32, #tpu.memory_space<vmem>>, vector<16xf32>,
        %get3A_1116 = vector.shape_cast %get3A_1115 : vector<16xf32> to vector<16xf32>
        %sub3A_1117 = arith.subf %get3A_1116, %max3A_689 : vector<16xf32>
        %swap3A_1118 = arith.constant 848 : index
        %swap3A_1119 = tpu.vector_load %arg7[%swap3A_1118] {strides = array<i32>} : memref<1024xf32, #tpu.memory_space<vmem>>, vector<16xf32>,
        %swap3A_1120 = vector.shape_cast %swap3A_1119 : vector<16xf32> to vector<16xf32>
        %swap3A_1121 = vector.shape_cast %sub3A_1117 : vector<16xf32> to vector<16xf32>
        tpu.vector_store %arg7[%swap3A_1118], %swap3A_1121 {strides = array<i32>} : memref<1024xf32, #tpu.memory_space<vmem>>, vector<16xf32>,
        %get3A_1122 = arith.constant 864 : index
        %get3A_1123 = tpu.vector_load %arg6[%get3A_1122] {strides = array<i32>} : memref<1024xf32, #tpu.memory_space<vmem>>, vector<16xf32>,
        %get3A_1124 = vector.shape_cast %get3A_1123 : vector<16xf32> to vector<16xf32>
        %sub3A_1125 = arith.subf %get3A_1124, %max3A_689 : vector<16xf32>
        %swap3A_1126 = arith.constant 864 : index
        %swap3A_1127 = tpu.vector_load %arg7[%swap3A_1126] {strides = array<i32>} : memref<1024xf32, #tpu.memory_space<vmem>>, vector<16xf32>,
        %swap3A_1128 = vector.shape_cast %swap3A_1127 : vector<16xf32> to vector<16xf32>
        %swap3A_1129 = vector.shape_cast %sub3A_1125 : vector<16xf32> to vector<16xf32>
        tpu.vector_store %arg7[%swap3A_1126], %swap3A_1129 {strides = array<i32>} : memref<1024xf32, #tpu.memory_space<vmem>>, vector<16xf32>,
        %get3A_1130 = arith.constant 880 : index
        %get3A_1131 = tpu.vector_load %arg6[%get3A_1130] {strides = array<i32>} : memref<1024xf32, #tpu.memory_space<vmem>>, vector<16xf32>,
        %get3A_1132 = vector.shape_cast %get3A_1131 : vector<16xf32> to vector<16xf32>
        %sub3A_1133 = arith.subf %get3A_1132, %max3A_689 : vector<16xf32>
        %swap3A_1134 = arith.constant 880 : index
        %swap3A_1135 = tpu.vector_load %arg7[%swap3A_1134] {strides = array<i32>} : memref<1024xf32, #tpu.memory_space<vmem>>, vector<16xf32>,
        %swap3A_1136 = vector.shape_cast %swap3A_1135 : vector<16xf32> to vector<16xf32>
        %swap3A_1137 = vector.shape_cast %sub3A_1133 : vector<16xf32> to vector<16xf32>
        tpu.vector_store %arg7[%swap3A_1134], %swap3A_1137 {strides = array<i32>} : memref<1024xf32, #tpu.memory_space<vmem>>, vector<16xf32>,
        %get3A_1138 = arith.constant 896 : index
        %get3A_1139 = tpu.vector_load %arg6[%get3A_1138] {strides = array<i32>} : memref<1024xf32, #tpu.memory_space<vmem>>, vector<16xf32>,
        %get3A_1140 = vector.shape_cast %get3A_1139 : vector<16xf32> to vector<16xf32>
        %sub3A_1141 = arith.subf %get3A_1140, %max3A_689 : vector<16xf32>
        %swap3A_1142 = arith.constant 896 : index
        %swap3A_1143 = tpu.vector_load %arg7[%swap3A_1142] {strides = array<i32>} : memref<1024xf32, #tpu.memory_space<vmem>>, vector<16xf32>,
        %swap3A_1144 = vector.shape_cast %swap3A_1143 : vector<16xf32> to vector<16xf32>
        %swap3A_1145 = vector.shape_cast %sub3A_1141 : vector<16xf32> to vector<16xf32>
        tpu.vector_store %arg7[%swap3A_1142], %swap3A_1145 {strides = array<i32>} : memref<1024xf32, #tpu.memory_space<vmem>>, vector<16xf32>,
        %get3A_1146 = arith.constant 912 : index
        %get3A_1147 = tpu.vector_load %arg6[%get3A_1146] {strides = array<i32>} : memref<1024xf32, #tpu.memory_space<vmem>>, vector<16xf32>,
        %get3A_1148 = vector.shape_cast %get3A_1147 : vector<16xf32> to vector<16xf32>
        %sub3A_1149 = arith.subf %get3A_1148, %max3A_689 : vector<16xf32>
        %swap3A_1150 = arith.constant 912 : index
        %swap3A_1151 = tpu.vector_load %arg7[%swap3A_1150] {strides = array<i32>} : memref<1024xf32, #tpu.memory_space<vmem>>, vector<16xf32>,
        %swap3A_1152 = vector.shape_cast %swap3A_1151 : vector<16xf32> to vector<16xf32>
        %swap3A_1153 = vector.shape_cast %sub3A_1149 : vector<16xf32> to vector<16xf32>
        tpu.vector_store %arg7[%swap3A_1150], %swap3A_1153 {strides = array<i32>} : memref<1024xf32, #tpu.memory_space<vmem>>, vector<16xf32>,
        %get3A_1154 = arith.constant 928 : index
        %get3A_1155 = tpu.vector_load %arg6[%get3A_1154] {strides = array<i32>} : memref<1024xf32, #tpu.memory_space<vmem>>, vector<16xf32>,
        %get3A_1156 = vector.shape_cast %get3A_1155 : vector<16xf32> to vector<16xf32>
        %sub3A_1157 = arith.subf %get3A_1156, %max3A_689 : vector<16xf32>
        %swap3A_1158 = arith.constant 928 : index
        %swap3A_1159 = tpu.vector_load %arg7[%swap3A_1158] {strides = array<i32>} : memref<1024xf32, #tpu.memory_space<vmem>>, vector<16xf32>,
        %swap3A_1160 = vector.shape_cast %swap3A_1159 : vector<16xf32> to vector<16xf32>
        %swap3A_1161 = vector.shape_cast %sub3A_1157 : vector<16xf32> to vector<16xf32>
        tpu.vector_store %arg7[%swap3A_1158], %swap3A_1161 {strides = array<i32>} : memref<1024xf32, #tpu.memory_space<vmem>>, vector<16xf32>,
        %get3A_1162 = arith.constant 944 : index
        %get3A_1163 = tpu.vector_load %arg6[%get3A_1162] {strides = array<i32>} : memref<1024xf32, #tpu.memory_space<vmem>>, vector<16xf32>,
        %get3A_1164 = vector.shape_cast %get3A_1163 : vector<16xf32> to vector<16xf32>
        %sub3A_1165 = arith.subf %get3A_1164, %max3A_689 : vector<16xf32>
        %swap3A_1166 = arith.constant 944 : index
        %swap3A_1167 = tpu.vector_load %arg7[%swap3A_1166] {strides = array<i32>} : memref<1024xf32, #tpu.memory_space<vmem>>, vector<16xf32>,
        %swap3A_1168 = vector.shape_cast %swap3A_1167 : vector<16xf32> to vector<16xf32>
        %swap3A_1169 = vector.shape_cast %sub3A_1165 : vector<16xf32> to vector<16xf32>
        tpu.vector_store %arg7[%swap3A_1166], %swap3A_1169 {strides = array<i32>} : memref<1024xf32, #tpu.memory_space<vmem>>, vector<16xf32>,
        %get3A_1170 = arith.constant 960 : index
        %get3A_1171 = tpu.vector_load %arg6[%get3A_1170] {strides = array<i32>} : memref<1024xf32, #tpu.memory_space<vmem>>, vector<16xf32>,
        %get3A_1172 = vector.shape_cast %get3A_1171 : vector<16xf32> to vector<16xf32>
        %sub3A_1173 = arith.subf %get3A_1172, %max3A_689 : vector<16xf32>
        %swap3A_1174 = arith.constant 960 : index
        %swap3A_1175 = tpu.vector_load %arg7[%swap3A_1174] {strides = array<i32>} : memref<1024xf32, #tpu.memory_space<vmem>>, vector<16xf32>,
        %swap3A_1176 = vector.shape_cast %swap3A_1175 : vector<16xf32> to vector<16xf32>
        %swap3A_1177 = vector.shape_cast %sub3A_1173 : vector<16xf32> to vector<16xf32>
        tpu.vector_store %arg7[%swap3A_1174], %swap3A_1177 {strides = array<i32>} : memref<1024xf32, #tpu.memory_space<vmem>>, vector<16xf32>,
        %get3A_1178 = arith.constant 976 : index
        %get3A_1179 = tpu.vector_load %arg6[%get3A_1178] {strides = array<i32>} : memref<1024xf32, #tpu.memory_space<vmem>>, vector<16xf32>,
        %get3A_1180 = vector.shape_cast %get3A_1179 : vector<16xf32> to vector<16xf32>
        %sub3A_1181 = arith.subf %get3A_1180, %max3A_689 : vector<16xf32>
        %swap3A_1182 = arith.constant 976 : index
        %swap3A_1183 = tpu.vector_load %arg7[%swap3A_1182] {strides = array<i32>} : memref<1024xf32, #tpu.memory_space<vmem>>, vector<16xf32>,
        %swap3A_1184 = vector.shape_cast %swap3A_1183 : vector<16xf32> to vector<16xf32>
        %swap3A_1185 = vector.shape_cast %sub3A_1181 : vector<16xf32> to vector<16xf32>
        tpu.vector_store %arg7[%swap3A_1182], %swap3A_1185 {strides = array<i32>} : memref<1024xf32, #tpu.memory_space<vmem>>, vector<16xf32>,
        %get3A_1186 = arith.constant 992 : index
        %get3A_1187 = tpu.vector_load %arg6[%get3A_1186] {strides = array<i32>} : memref<1024xf32, #tpu.memory_space<vmem>>, vector<16xf32>,
        %get3A_1188 = vector.shape_cast %get3A_1187 : vector<16xf32> to vector<16xf32>
        %sub3A_1189 = arith.subf %get3A_1188, %max3A_689 : vector<16xf32>
        %swap3A_1190 = arith.constant 992 : index
        %swap3A_1191 = tpu.vector_load %arg7[%swap3A_1190] {strides = array<i32>} : memref<1024xf32, #tpu.memory_space<vmem>>, vector<16xf32>,
        %swap3A_1192 = vector.shape_cast %swap3A_1191 : vector<16xf32> to vector<16xf32>
        %swap3A_1193 = vector.shape_cast %sub3A_1189 : vector<16xf32> to vector<16xf32>
        tpu.vector_store %arg7[%swap3A_1190], %swap3A_1193 {strides = array<i32>} : memref<1024xf32, #tpu.memory_space<vmem>>, vector<16xf32>,
        %get3A_1194 = arith.constant 1008 : index
        %get3A_1195 = tpu.vector_load %arg6[%get3A_1194] {strides = array<i32>} : memref<1024xf32, #tpu.memory_space<vmem>>, vector<16xf32>,
        %get3A_1196 = vector.shape_cast %get3A_1195 : vector<16xf32> to vector<16xf32>
        %sub3A_1197 = arith.subf %get3A_1196, %max3A_689 : vector<16xf32>
        %swap3A_1198 = arith.constant 1008 : index
        %swap3A_1199 = tpu.vector_load %arg7[%swap3A_1198] {strides = array<i32>} : memref<1024xf32, #tpu.memory_space<vmem>>, vector<16xf32>,
        %swap3A_1200 = vector.shape_cast %swap3A_1199 : vector<16xf32> to vector<16xf32>
        %swap3A_1201 = vector.shape_cast %sub3A_1197 : vector<16xf32> to vector<16xf32>
        tpu.vector_store %arg7[%swap3A_1198], %swap3A_1201 {strides = array<i32>} : memref<1024xf32, #tpu.memory_space<vmem>>, vector<16xf32>,
        %dma_wait3A = arith.constant 0 : i32
        %dma_wait3A_1202 = tpu.memref_slice %arg2[%sub3A_407, %mul3A_2, %dma_wait3A] : memref<16x1024x1024xf32, #tpu.memory_space<hbm>> -> memref<1x32x1024xf32, #tpu.memory_space<hbm>>
        %dma_wait3A_1203 = tpu.memref_squeeze %dma_wait3A_1202 : memref<1x32x1024xf32, #tpu.memory_space<hbm>> -> memref<32x1024xf32, #tpu.memory_space<hbm>>
        %dma_wait3A_1204 = arith.constant 0 : i32
        %dma_wait3A_1205 = tpu.memref_slice %arg2[%sub3A_407, %mul3A_2, %dma_wait3A_1204] : memref<16x1024x1024xf32, #tpu.memory_space<hbm>> -> memref<1x32x1024xf32, #tpu.memory_space<hbm>>
        %dma_wait3A_1206 = tpu.memref_squeeze %dma_wait3A_1205 : memref<1x32x1024xf32, #tpu.memory_space<hbm>> -> memref<32x1024xf32, #tpu.memory_space<hbm>>
        tpu.wait_dma2 semaphore(%arg10 : memref<!tpu.dma_semaphore, #tpu.memory_space<semaphore_mem>>) src(%dma_wait3A_1206 : memref<32x1024xf32, #tpu.memory_space<hbm>>) dst(%arg4 : memref<32x1024xf32, #tpu.memory_space<vmem>>)
        %broadcast_in_dim3A_1207 = arith.constant 0.000000e+00 : f32
        %broadcast_in_dim3A_1208 = vector.broadcast %broadcast_in_dim3A_1207 : f32 to vector<16xf32>
        %broadcast_in_dim3A_1209 = arith.constant 0.000000e+00 : f32
        %broadcast_in_dim3A_1210 = vector.broadcast %broadcast_in_dim3A_1209 : f32 to vector<16xf32>
        %broadcast_in_dim3A_1211 = arith.constant 0.000000e+00 : f32
        %broadcast_in_dim3A_1212 = vector.broadcast %broadcast_in_dim3A_1211 : f32 to vector<16xf32>
        %broadcast_in_dim3A_1213 = arith.constant 0.000000e+00 : f32
        %broadcast_in_dim3A_1214 = vector.broadcast %broadcast_in_dim3A_1213 : f32 to vector<16xf32>
        %broadcast_in_dim3A_1215 = arith.constant 0.000000e+00 : f32
        %broadcast_in_dim3A_1216 = vector.broadcast %broadcast_in_dim3A_1215 : f32 to vector<16xf32>
        %broadcast_in_dim3A_1217 = arith.constant 0.000000e+00 : f32
        %broadcast_in_dim3A_1218 = vector.broadcast %broadcast_in_dim3A_1217 : f32 to vector<16xf32>
        %broadcast_in_dim3A_1219 = arith.constant 0.000000e+00 : f32
        %broadcast_in_dim3A_1220 = vector.broadcast %broadcast_in_dim3A_1219 : f32 to vector<16xf32>
        %broadcast_in_dim3A_1221 = arith.constant 0.000000e+00 : f32
        %broadcast_in_dim3A_1222 = vector.broadcast %broadcast_in_dim3A_1221 : f32 to vector<16xf32>
        %broadcast_in_dim3A_1223 = arith.constant 0.000000e+00 : f32
        %broadcast_in_dim3A_1224 = vector.broadcast %broadcast_in_dim3A_1223 : f32 to vector<16xf32>
        %broadcast_in_dim3A_1225 = arith.constant 0.000000e+00 : f32
        %broadcast_in_dim3A_1226 = vector.broadcast %broadcast_in_dim3A_1225 : f32 to vector<16xf32>
        %broadcast_in_dim3A_1227 = arith.constant 0.000000e+00 : f32
        %broadcast_in_dim3A_1228 = vector.broadcast %broadcast_in_dim3A_1227 : f32 to vector<16xf32>
        %broadcast_in_dim3A_1229 = arith.constant 0.000000e+00 : f32
        %broadcast_in_dim3A_1230 = vector.broadcast %broadcast_in_dim3A_1229 : f32 to vector<16xf32>
        %broadcast_in_dim3A_1231 = arith.constant 0.000000e+00 : f32
        %broadcast_in_dim3A_1232 = vector.broadcast %broadcast_in_dim3A_1231 : f32 to vector<16xf32>
        %broadcast_in_dim3A_1233 = arith.constant 0.000000e+00 : f32
        %broadcast_in_dim3A_1234 = vector.broadcast %broadcast_in_dim3A_1233 : f32 to vector<16xf32>
        %broadcast_in_dim3A_1235 = arith.constant 0.000000e+00 : f32
        %broadcast_in_dim3A_1236 = vector.broadcast %broadcast_in_dim3A_1235 : f32 to vector<16xf32>
        %broadcast_in_dim3A_1237 = arith.constant 0.000000e+00 : f32
        %broadcast_in_dim3A_1238 = vector.broadcast %broadcast_in_dim3A_1237 : f32 to vector<16xf32>
        %scan3A_1239 = arith.constant 0 : i32
        %scan3A_1240 = arith.constant 64 : i32
        %scan3A_1241 = arith.addi %scan3A_1239, %scan3A_1240 : i32
        %scan3A_1242 = arith.constant 2 : i32
        %scan3A_1243:16 = scf.for %scan3A_2992 = %scan3A_1239 to %scan3A_1241 step %scan3A_1242 iter_args(%scan3A_2993 = %broadcast_in_dim3A_1208, %scan3A_2994 = %broadcast_in_dim3A_1210, %scan3A_2995 = %broadcast_in_dim3A_1212, %scan3A_2996 = %broadcast_in_dim3A_1214, %scan3A_2997 = %broadcast_in_dim3A_1216, %scan3A_2998 = %broadcast_in_dim3A_1218, %scan3A_2999 = %broadcast_in_dim3A_1220, %scan3A_3000 = %broadcast_in_dim3A_1222, %scan3A_3001 = %broadcast_in_dim3A_1224, %scan3A_3002 = %broadcast_in_dim3A_1226, %scan3A_3003 = %broadcast_in_dim3A_1228, %scan3A_3004 = %broadcast_in_dim3A_1230, %scan3A_3005 = %broadcast_in_dim3A_1232, %scan3A_3006 = %broadcast_in_dim3A_1234, %scan3A_3007 = %broadcast_in_dim3A_1236, %scan3A_3008 = %broadcast_in_dim3A_1238) -> (vector<16xf32>, vector<16xf32>, vector<16xf32>, vector<16xf32>, vector<16xf32>, vector<16xf32>, vector<16xf32>, vector<16xf32>, vector<16xf32>, vector<16xf32>, vector<16xf32>, vector<16xf32>, vector<16xf32>, vector<16xf32>, vector<16xf32>, vector<16xf32>)  : i32 {
          %mul3A_3009 = arith.constant 16 : i32
          %mul3A_3010 = arith.muli %scan3A_2992, %mul3A_3009 : i32
          %get3A_3011 = arith.index_cast %mul3A_3010 : i32 to index
          %get3A_3012 = tpu.vector_load %arg7[%get3A_3011] {strides = array<i32>} : memref<1024xf32, #tpu.memory_space<vmem>>, vector<16xf32>,
          %get3A_3013 = vector.shape_cast %get3A_3012 : vector<16xf32> to vector<16xf32>
          %mul3A_3014 = arith.constant 16 : i32
          %mul3A_3015 = arith.muli %scan3A_2992, %mul3A_3014 : i32
          %get3A_3016 = arith.constant 0 : i32
          %get3A_3017 = arith.index_cast %get3A_3016 : i32 to index
          %get3A_3018 = arith.index_cast %mul3A_3015 : i32 to index
          %get3A_3019 = tpu.vector_load %arg4[%get3A_3017, %get3A_3018] {strides = array<i32>} : memref<32x1024xf32, #tpu.memory_space<vmem>>, vector<1x16xf32>,
          %get3A_3020 = vector.shape_cast %get3A_3019 : vector<1x16xf32> to vector<16xf32>
          %add3A_3021 = arith.addf %get3A_3020, %get3A_3013 : vector<16xf32>
          %exp3A = math.exp %add3A_3021 : vector<16xf32>
          %add3A_3022 = arith.addf %scan3A_2993, %exp3A : vector<16xf32>
          %mul3A_3023 = arith.constant 16 : i32
          %mul3A_3024 = arith.muli %scan3A_2992, %mul3A_3023 : i32
          %get3A_3025 = arith.constant 1 : i32
          %get3A_3026 = arith.index_cast %get3A_3025 : i32 to index
          %get3A_3027 = arith.index_cast %mul3A_3024 : i32 to index
          %get3A_3028 = tpu.vector_load %arg4[%get3A_3026, %get3A_3027] {strides = array<i32>} : memref<32x1024xf32, #tpu.memory_space<vmem>>, vector<1x16xf32>,
          %get3A_3029 = vector.shape_cast %get3A_3028 : vector<1x16xf32> to vector<16xf32>
          %add3A_3030 = arith.addf %get3A_3029, %get3A_3013 : vector<16xf32>
          %exp3A_3031 = math.exp %add3A_3030 : vector<16xf32>
          %add3A_3032 = arith.addf %scan3A_2994, %exp3A_3031 : vector<16xf32>
          %mul3A_3033 = arith.constant 16 : i32
          %mul3A_3034 = arith.muli %scan3A_2992, %mul3A_3033 : i32
          %get3A_3035 = arith.constant 2 : i32
          %get3A_3036 = arith.index_cast %get3A_3035 : i32 to index
          %get3A_3037 = arith.index_cast %mul3A_3034 : i32 to index
          %get3A_3038 = tpu.vector_load %arg4[%get3A_3036, %get3A_3037] {strides = array<i32>} : memref<32x1024xf32, #tpu.memory_space<vmem>>, vector<1x16xf32>,
          %get3A_3039 = vector.shape_cast %get3A_3038 : vector<1x16xf32> to vector<16xf32>
          %add3A_3040 = arith.addf %get3A_3039, %get3A_3013 : vector<16xf32>
          %exp3A_3041 = math.exp %add3A_3040 : vector<16xf32>
          %add3A_3042 = arith.addf %scan3A_2995, %exp3A_3041 : vector<16xf32>
          %mul3A_3043 = arith.constant 16 : i32
          %mul3A_3044 = arith.muli %scan3A_2992, %mul3A_3043 : i32
          %get3A_3045 = arith.constant 3 : i32
          %get3A_3046 = arith.index_cast %get3A_3045 : i32 to index
          %get3A_3047 = arith.index_cast %mul3A_3044 : i32 to index
          %get3A_3048 = tpu.vector_load %arg4[%get3A_3046, %get3A_3047] {strides = array<i32>} : memref<32x1024xf32, #tpu.memory_space<vmem>>, vector<1x16xf32>,
          %get3A_3049 = vector.shape_cast %get3A_3048 : vector<1x16xf32> to vector<16xf32>
          %add3A_3050 = arith.addf %get3A_3049, %get3A_3013 : vector<16xf32>
          %exp3A_3051 = math.exp %add3A_3050 : vector<16xf32>
          %add3A_3052 = arith.addf %scan3A_2996, %exp3A_3051 : vector<16xf32>
          %mul3A_3053 = arith.constant 16 : i32
          %mul3A_3054 = arith.muli %scan3A_2992, %mul3A_3053 : i32
          %get3A_3055 = arith.constant 4 : i32
          %get3A_3056 = arith.index_cast %get3A_3055 : i32 to index
          %get3A_3057 = arith.index_cast %mul3A_3054 : i32 to index
          %get3A_3058 = tpu.vector_load %arg4[%get3A_3056, %get3A_3057] {strides = array<i32>} : memref<32x1024xf32, #tpu.memory_space<vmem>>, vector<1x16xf32>,
          %get3A_3059 = vector.shape_cast %get3A_3058 : vector<1x16xf32> to vector<16xf32>
          %add3A_3060 = arith.addf %get3A_3059, %get3A_3013 : vector<16xf32>
          %exp3A_3061 = math.exp %add3A_3060 : vector<16xf32>
          %add3A_3062 = arith.addf %scan3A_2997, %exp3A_3061 : vector<16xf32>
          %mul3A_3063 = arith.constant 16 : i32
          %mul3A_3064 = arith.muli %scan3A_2992, %mul3A_3063 : i32
          %get3A_3065 = arith.constant 5 : i32
          %get3A_3066 = arith.index_cast %get3A_3065 : i32 to index
          %get3A_3067 = arith.index_cast %mul3A_3064 : i32 to index
          %get3A_3068 = tpu.vector_load %arg4[%get3A_3066, %get3A_3067] {strides = array<i32>} : memref<32x1024xf32, #tpu.memory_space<vmem>>, vector<1x16xf32>,
          %get3A_3069 = vector.shape_cast %get3A_3068 : vector<1x16xf32> to vector<16xf32>
          %add3A_3070 = arith.addf %get3A_3069, %get3A_3013 : vector<16xf32>
          %exp3A_3071 = math.exp %add3A_3070 : vector<16xf32>
          %add3A_3072 = arith.addf %scan3A_2998, %exp3A_3071 : vector<16xf32>
          %mul3A_3073 = arith.constant 16 : i32
          %mul3A_3074 = arith.muli %scan3A_2992, %mul3A_3073 : i32
          %get3A_3075 = arith.constant 6 : i32
          %get3A_3076 = arith.index_cast %get3A_3075 : i32 to index
          %get3A_3077 = arith.index_cast %mul3A_3074 : i32 to index
          %get3A_3078 = tpu.vector_load %arg4[%get3A_3076, %get3A_3077] {strides = array<i32>} : memref<32x1024xf32, #tpu.memory_space<vmem>>, vector<1x16xf32>,
          %get3A_3079 = vector.shape_cast %get3A_3078 : vector<1x16xf32> to vector<16xf32>
          %add3A_3080 = arith.addf %get3A_3079, %get3A_3013 : vector<16xf32>
          %exp3A_3081 = math.exp %add3A_3080 : vector<16xf32>
          %add3A_3082 = arith.addf %scan3A_2999, %exp3A_3081 : vector<16xf32>
          %mul3A_3083 = arith.constant 16 : i32
          %mul3A_3084 = arith.muli %scan3A_2992, %mul3A_3083 : i32
          %get3A_3085 = arith.constant 7 : i32
          %get3A_3086 = arith.index_cast %get3A_3085 : i32 to index
          %get3A_3087 = arith.index_cast %mul3A_3084 : i32 to index
          %get3A_3088 = tpu.vector_load %arg4[%get3A_3086, %get3A_3087] {strides = array<i32>} : memref<32x1024xf32, #tpu.memory_space<vmem>>, vector<1x16xf32>,
          %get3A_3089 = vector.shape_cast %get3A_3088 : vector<1x16xf32> to vector<16xf32>
          %add3A_3090 = arith.addf %get3A_3089, %get3A_3013 : vector<16xf32>
          %exp3A_3091 = math.exp %add3A_3090 : vector<16xf32>
          %add3A_3092 = arith.addf %scan3A_3000, %exp3A_3091 : vector<16xf32>
          %mul3A_3093 = arith.constant 16 : i32
          %mul3A_3094 = arith.muli %scan3A_2992, %mul3A_3093 : i32
          %get3A_3095 = arith.constant 8 : i32
          %get3A_3096 = arith.index_cast %get3A_3095 : i32 to index
          %get3A_3097 = arith.index_cast %mul3A_3094 : i32 to index
          %get3A_3098 = tpu.vector_load %arg4[%get3A_3096, %get3A_3097] {strides = array<i32>} : memref<32x1024xf32, #tpu.memory_space<vmem>>, vector<1x16xf32>,
          %get3A_3099 = vector.shape_cast %get3A_3098 : vector<1x16xf32> to vector<16xf32>
          %add3A_3100 = arith.addf %get3A_3099, %get3A_3013 : vector<16xf32>
          %exp3A_3101 = math.exp %add3A_3100 : vector<16xf32>
          %add3A_3102 = arith.addf %scan3A_3001, %exp3A_3101 : vector<16xf32>
          %mul3A_3103 = arith.constant 16 : i32
          %mul3A_3104 = arith.muli %scan3A_2992, %mul3A_3103 : i32
          %get3A_3105 = arith.constant 9 : i32
          %get3A_3106 = arith.index_cast %get3A_3105 : i32 to index
          %get3A_3107 = arith.index_cast %mul3A_3104 : i32 to index
          %get3A_3108 = tpu.vector_load %arg4[%get3A_3106, %get3A_3107] {strides = array<i32>} : memref<32x1024xf32, #tpu.memory_space<vmem>>, vector<1x16xf32>,
          %get3A_3109 = vector.shape_cast %get3A_3108 : vector<1x16xf32> to vector<16xf32>
          %add3A_3110 = arith.addf %get3A_3109, %get3A_3013 : vector<16xf32>
          %exp3A_3111 = math.exp %add3A_3110 : vector<16xf32>
          %add3A_3112 = arith.addf %scan3A_3002, %exp3A_3111 : vector<16xf32>
          %mul3A_3113 = arith.constant 16 : i32
          %mul3A_3114 = arith.muli %scan3A_2992, %mul3A_3113 : i32
          %get3A_3115 = arith.constant 10 : i32
          %get3A_3116 = arith.index_cast %get3A_3115 : i32 to index
          %get3A_3117 = arith.index_cast %mul3A_3114 : i32 to index
          %get3A_3118 = tpu.vector_load %arg4[%get3A_3116, %get3A_3117] {strides = array<i32>} : memref<32x1024xf32, #tpu.memory_space<vmem>>, vector<1x16xf32>,
          %get3A_3119 = vector.shape_cast %get3A_3118 : vector<1x16xf32> to vector<16xf32>
          %add3A_3120 = arith.addf %get3A_3119, %get3A_3013 : vector<16xf32>
          %exp3A_3121 = math.exp %add3A_3120 : vector<16xf32>
          %add3A_3122 = arith.addf %scan3A_3003, %exp3A_3121 : vector<16xf32>
          %mul3A_3123 = arith.constant 16 : i32
          %mul3A_3124 = arith.muli %scan3A_2992, %mul3A_3123 : i32
          %get3A_3125 = arith.constant 11 : i32
          %get3A_3126 = arith.index_cast %get3A_3125 : i32 to index
          %get3A_3127 = arith.index_cast %mul3A_3124 : i32 to index
          %get3A_3128 = tpu.vector_load %arg4[%get3A_3126, %get3A_3127] {strides = array<i32>} : memref<32x1024xf32, #tpu.memory_space<vmem>>, vector<1x16xf32>,
          %get3A_3129 = vector.shape_cast %get3A_3128 : vector<1x16xf32> to vector<16xf32>
          %add3A_3130 = arith.addf %get3A_3129, %get3A_3013 : vector<16xf32>
          %exp3A_3131 = math.exp %add3A_3130 : vector<16xf32>
          %add3A_3132 = arith.addf %scan3A_3004, %exp3A_3131 : vector<16xf32>
          %mul3A_3133 = arith.constant 16 : i32
          %mul3A_3134 = arith.muli %scan3A_2992, %mul3A_3133 : i32
          %get3A_3135 = arith.constant 12 : i32
          %get3A_3136 = arith.index_cast %get3A_3135 : i32 to index
          %get3A_3137 = arith.index_cast %mul3A_3134 : i32 to index
          %get3A_3138 = tpu.vector_load %arg4[%get3A_3136, %get3A_3137] {strides = array<i32>} : memref<32x1024xf32, #tpu.memory_space<vmem>>, vector<1x16xf32>,
          %get3A_3139 = vector.shape_cast %get3A_3138 : vector<1x16xf32> to vector<16xf32>
          %add3A_3140 = arith.addf %get3A_3139, %get3A_3013 : vector<16xf32>
          %exp3A_3141 = math.exp %add3A_3140 : vector<16xf32>
          %add3A_3142 = arith.addf %scan3A_3005, %exp3A_3141 : vector<16xf32>
          %mul3A_3143 = arith.constant 16 : i32
          %mul3A_3144 = arith.muli %scan3A_2992, %mul3A_3143 : i32
          %get3A_3145 = arith.constant 13 : i32
          %get3A_3146 = arith.index_cast %get3A_3145 : i32 to index
          %get3A_3147 = arith.index_cast %mul3A_3144 : i32 to index
          %get3A_3148 = tpu.vector_load %arg4[%get3A_3146, %get3A_3147] {strides = array<i32>} : memref<32x1024xf32, #tpu.memory_space<vmem>>, vector<1x16xf32>,
          %get3A_3149 = vector.shape_cast %get3A_3148 : vector<1x16xf32> to vector<16xf32>
          %add3A_3150 = arith.addf %get3A_3149, %get3A_3013 : vector<16xf32>
          %exp3A_3151 = math.exp %add3A_3150 : vector<16xf32>
          %add3A_3152 = arith.addf %scan3A_3006, %exp3A_3151 : vector<16xf32>
          %mul3A_3153 = arith.constant 16 : i32
          %mul3A_3154 = arith.muli %scan3A_2992, %mul3A_3153 : i32
          %get3A_3155 = arith.constant 14 : i32
          %get3A_3156 = arith.index_cast %get3A_3155 : i32 to index
          %get3A_3157 = arith.index_cast %mul3A_3154 : i32 to index
          %get3A_3158 = tpu.vector_load %arg4[%get3A_3156, %get3A_3157] {strides = array<i32>} : memref<32x1024xf32, #tpu.memory_space<vmem>>, vector<1x16xf32>,
          %get3A_3159 = vector.shape_cast %get3A_3158 : vector<1x16xf32> to vector<16xf32>
          %add3A_3160 = arith.addf %get3A_3159, %get3A_3013 : vector<16xf32>
          %exp3A_3161 = math.exp %add3A_3160 : vector<16xf32>
          %add3A_3162 = arith.addf %scan3A_3007, %exp3A_3161 : vector<16xf32>
          %mul3A_3163 = arith.constant 16 : i32
          %mul3A_3164 = arith.muli %scan3A_2992, %mul3A_3163 : i32
          %get3A_3165 = arith.constant 15 : i32
          %get3A_3166 = arith.index_cast %get3A_3165 : i32 to index
          %get3A_3167 = arith.index_cast %mul3A_3164 : i32 to index
          %get3A_3168 = tpu.vector_load %arg4[%get3A_3166, %get3A_3167] {strides = array<i32>} : memref<32x1024xf32, #tpu.memory_space<vmem>>, vector<1x16xf32>,
          %get3A_3169 = vector.shape_cast %get3A_3168 : vector<1x16xf32> to vector<16xf32>
          %add3A_3170 = arith.addf %get3A_3169, %get3A_3013 : vector<16xf32>
          %exp3A_3171 = math.exp %add3A_3170 : vector<16xf32>
          %add3A_3172 = arith.addf %scan3A_3008, %exp3A_3171 : vector<16xf32>
          %scan3A_3173 = arith.constant 1 : i32
          %scan3A_3174 = arith.addi %scan3A_2992, %scan3A_3173 : i32
          %mul3A_3175 = arith.constant 16 : i32
          %mul3A_3176 = arith.muli %scan3A_3174, %mul3A_3175 : i32
          %get3A_3177 = arith.index_cast %mul3A_3176 : i32 to index
          %get3A_3178 = tpu.vector_load %arg7[%get3A_3177] {strides = array<i32>} : memref<1024xf32, #tpu.memory_space<vmem>>, vector<16xf32>,
          %get3A_3179 = vector.shape_cast %get3A_3178 : vector<16xf32> to vector<16xf32>
          %mul3A_3180 = arith.constant 16 : i32
          %mul3A_3181 = arith.muli %scan3A_3174, %mul3A_3180 : i32
          %get3A_3182 = arith.constant 0 : i32
          %get3A_3183 = arith.index_cast %get3A_3182 : i32 to index
          %get3A_3184 = arith.index_cast %mul3A_3181 : i32 to index
          %get3A_3185 = tpu.vector_load %arg4[%get3A_3183, %get3A_3184] {strides = array<i32>} : memref<32x1024xf32, #tpu.memory_space<vmem>>, vector<1x16xf32>,
          %get3A_3186 = vector.shape_cast %get3A_3185 : vector<1x16xf32> to vector<16xf32>
          %add3A_3187 = arith.addf %get3A_3186, %get3A_3179 : vector<16xf32>
          %exp3A_3188 = math.exp %add3A_3187 : vector<16xf32>
          %add3A_3189 = arith.addf %add3A_3022, %exp3A_3188 : vector<16xf32>
          %mul3A_3190 = arith.constant 16 : i32
          %mul3A_3191 = arith.muli %scan3A_3174, %mul3A_3190 : i32
          %get3A_3192 = arith.constant 1 : i32
          %get3A_3193 = arith.index_cast %get3A_3192 : i32 to index
          %get3A_3194 = arith.index_cast %mul3A_3191 : i32 to index
          %get3A_3195 = tpu.vector_load %arg4[%get3A_3193, %get3A_3194] {strides = array<i32>} : memref<32x1024xf32, #tpu.memory_space<vmem>>, vector<1x16xf32>,
          %get3A_3196 = vector.shape_cast %get3A_3195 : vector<1x16xf32> to vector<16xf32>
          %add3A_3197 = arith.addf %get3A_3196, %get3A_3179 : vector<16xf32>
          %exp3A_3198 = math.exp %add3A_3197 : vector<16xf32>
          %add3A_3199 = arith.addf %add3A_3032, %exp3A_3198 : vector<16xf32>
          %mul3A_3200 = arith.constant 16 : i32
          %mul3A_3201 = arith.muli %scan3A_3174, %mul3A_3200 : i32
          %get3A_3202 = arith.constant 2 : i32
          %get3A_3203 = arith.index_cast %get3A_3202 : i32 to index
          %get3A_3204 = arith.index_cast %mul3A_3201 : i32 to index
          %get3A_3205 = tpu.vector_load %arg4[%get3A_3203, %get3A_3204] {strides = array<i32>} : memref<32x1024xf32, #tpu.memory_space<vmem>>, vector<1x16xf32>,
          %get3A_3206 = vector.shape_cast %get3A_3205 : vector<1x16xf32> to vector<16xf32>
          %add3A_3207 = arith.addf %get3A_3206, %get3A_3179 : vector<16xf32>
          %exp3A_3208 = math.exp %add3A_3207 : vector<16xf32>
          %add3A_3209 = arith.addf %add3A_3042, %exp3A_3208 : vector<16xf32>
          %mul3A_3210 = arith.constant 16 : i32
          %mul3A_3211 = arith.muli %scan3A_3174, %mul3A_3210 : i32
          %get3A_3212 = arith.constant 3 : i32
          %get3A_3213 = arith.index_cast %get3A_3212 : i32 to index
          %get3A_3214 = arith.index_cast %mul3A_3211 : i32 to index
          %get3A_3215 = tpu.vector_load %arg4[%get3A_3213, %get3A_3214] {strides = array<i32>} : memref<32x1024xf32, #tpu.memory_space<vmem>>, vector<1x16xf32>,
          %get3A_3216 = vector.shape_cast %get3A_3215 : vector<1x16xf32> to vector<16xf32>
          %add3A_3217 = arith.addf %get3A_3216, %get3A_3179 : vector<16xf32>
          %exp3A_3218 = math.exp %add3A_3217 : vector<16xf32>
          %add3A_3219 = arith.addf %add3A_3052, %exp3A_3218 : vector<16xf32>
          %mul3A_3220 = arith.constant 16 : i32
          %mul3A_3221 = arith.muli %scan3A_3174, %mul3A_3220 : i32
          %get3A_3222 = arith.constant 4 : i32
          %get3A_3223 = arith.index_cast %get3A_3222 : i32 to index
          %get3A_3224 = arith.index_cast %mul3A_3221 : i32 to index
          %get3A_3225 = tpu.vector_load %arg4[%get3A_3223, %get3A_3224] {strides = array<i32>} : memref<32x1024xf32, #tpu.memory_space<vmem>>, vector<1x16xf32>,
          %get3A_3226 = vector.shape_cast %get3A_3225 : vector<1x16xf32> to vector<16xf32>
          %add3A_3227 = arith.addf %get3A_3226, %get3A_3179 : vector<16xf32>
          %exp3A_3228 = math.exp %add3A_3227 : vector<16xf32>
          %add3A_3229 = arith.addf %add3A_3062, %exp3A_3228 : vector<16xf32>
          %mul3A_3230 = arith.constant 16 : i32
          %mul3A_3231 = arith.muli %scan3A_3174, %mul3A_3230 : i32
          %get3A_3232 = arith.constant 5 : i32
          %get3A_3233 = arith.index_cast %get3A_3232 : i32 to index
          %get3A_3234 = arith.index_cast %mul3A_3231 : i32 to index
          %get3A_3235 = tpu.vector_load %arg4[%get3A_3233, %get3A_3234] {strides = array<i32>} : memref<32x1024xf32, #tpu.memory_space<vmem>>, vector<1x16xf32>,
          %get3A_3236 = vector.shape_cast %get3A_3235 : vector<1x16xf32> to vector<16xf32>
          %add3A_3237 = arith.addf %get3A_3236, %get3A_3179 : vector<16xf32>
          %exp3A_3238 = math.exp %add3A_3237 : vector<16xf32>
          %add3A_3239 = arith.addf %add3A_3072, %exp3A_3238 : vector<16xf32>
          %mul3A_3240 = arith.constant 16 : i32
          %mul3A_3241 = arith.muli %scan3A_3174, %mul3A_3240 : i32
          %get3A_3242 = arith.constant 6 : i32
          %get3A_3243 = arith.index_cast %get3A_3242 : i32 to index
          %get3A_3244 = arith.index_cast %mul3A_3241 : i32 to index
          %get3A_3245 = tpu.vector_load %arg4[%get3A_3243, %get3A_3244] {strides = array<i32>} : memref<32x1024xf32, #tpu.memory_space<vmem>>, vector<1x16xf32>,
          %get3A_3246 = vector.shape_cast %get3A_3245 : vector<1x16xf32> to vector<16xf32>
          %add3A_3247 = arith.addf %get3A_3246, %get3A_3179 : vector<16xf32>
          %exp3A_3248 = math.exp %add3A_3247 : vector<16xf32>
          %add3A_3249 = arith.addf %add3A_3082, %exp3A_3248 : vector<16xf32>
          %mul3A_3250 = arith.constant 16 : i32
          %mul3A_3251 = arith.muli %scan3A_3174, %mul3A_3250 : i32
          %get3A_3252 = arith.constant 7 : i32
          %get3A_3253 = arith.index_cast %get3A_3252 : i32 to index
          %get3A_3254 = arith.index_cast %mul3A_3251 : i32 to index
          %get3A_3255 = tpu.vector_load %arg4[%get3A_3253, %get3A_3254] {strides = array<i32>} : memref<32x1024xf32, #tpu.memory_space<vmem>>, vector<1x16xf32>,
          %get3A_3256 = vector.shape_cast %get3A_3255 : vector<1x16xf32> to vector<16xf32>
          %add3A_3257 = arith.addf %get3A_3256, %get3A_3179 : vector<16xf32>
          %exp3A_3258 = math.exp %add3A_3257 : vector<16xf32>
          %add3A_3259 = arith.addf %add3A_3092, %exp3A_3258 : vector<16xf32>
          %mul3A_3260 = arith.constant 16 : i32
          %mul3A_3261 = arith.muli %scan3A_3174, %mul3A_3260 : i32
          %get3A_3262 = arith.constant 8 : i32
          %get3A_3263 = arith.index_cast %get3A_3262 : i32 to index
          %get3A_3264 = arith.index_cast %mul3A_3261 : i32 to index
          %get3A_3265 = tpu.vector_load %arg4[%get3A_3263, %get3A_3264] {strides = array<i32>} : memref<32x1024xf32, #tpu.memory_space<vmem>>, vector<1x16xf32>,
          %get3A_3266 = vector.shape_cast %get3A_3265 : vector<1x16xf32> to vector<16xf32>
          %add3A_3267 = arith.addf %get3A_3266, %get3A_3179 : vector<16xf32>
          %exp3A_3268 = math.exp %add3A_3267 : vector<16xf32>
          %add3A_3269 = arith.addf %add3A_3102, %exp3A_3268 : vector<16xf32>
          %mul3A_3270 = arith.constant 16 : i32
          %mul3A_3271 = arith.muli %scan3A_3174, %mul3A_3270 : i32
          %get3A_3272 = arith.constant 9 : i32
          %get3A_3273 = arith.index_cast %get3A_3272 : i32 to index
          %get3A_3274 = arith.index_cast %mul3A_3271 : i32 to index
          %get3A_3275 = tpu.vector_load %arg4[%get3A_3273, %get3A_3274] {strides = array<i32>} : memref<32x1024xf32, #tpu.memory_space<vmem>>, vector<1x16xf32>,
          %get3A_3276 = vector.shape_cast %get3A_3275 : vector<1x16xf32> to vector<16xf32>
          %add3A_3277 = arith.addf %get3A_3276, %get3A_3179 : vector<16xf32>
          %exp3A_3278 = math.exp %add3A_3277 : vector<16xf32>
          %add3A_3279 = arith.addf %add3A_3112, %exp3A_3278 : vector<16xf32>
          %mul3A_3280 = arith.constant 16 : i32
          %mul3A_3281 = arith.muli %scan3A_3174, %mul3A_3280 : i32
          %get3A_3282 = arith.constant 10 : i32
          %get3A_3283 = arith.index_cast %get3A_3282 : i32 to index
          %get3A_3284 = arith.index_cast %mul3A_3281 : i32 to index
          %get3A_3285 = tpu.vector_load %arg4[%get3A_3283, %get3A_3284] {strides = array<i32>} : memref<32x1024xf32, #tpu.memory_space<vmem>>, vector<1x16xf32>,
          %get3A_3286 = vector.shape_cast %get3A_3285 : vector<1x16xf32> to vector<16xf32>
          %add3A_3287 = arith.addf %get3A_3286, %get3A_3179 : vector<16xf32>
          %exp3A_3288 = math.exp %add3A_3287 : vector<16xf32>
          %add3A_3289 = arith.addf %add3A_3122, %exp3A_3288 : vector<16xf32>
          %mul3A_3290 = arith.constant 16 : i32
          %mul3A_3291 = arith.muli %scan3A_3174, %mul3A_3290 : i32
          %get3A_3292 = arith.constant 11 : i32
          %get3A_3293 = arith.index_cast %get3A_3292 : i32 to index
          %get3A_3294 = arith.index_cast %mul3A_3291 : i32 to index
          %get3A_3295 = tpu.vector_load %arg4[%get3A_3293, %get3A_3294] {strides = array<i32>} : memref<32x1024xf32, #tpu.memory_space<vmem>>, vector<1x16xf32>,
          %get3A_3296 = vector.shape_cast %get3A_3295 : vector<1x16xf32> to vector<16xf32>
          %add3A_3297 = arith.addf %get3A_3296, %get3A_3179 : vector<16xf32>
          %exp3A_3298 = math.exp %add3A_3297 : vector<16xf32>
          %add3A_3299 = arith.addf %add3A_3132, %exp3A_3298 : vector<16xf32>
          %mul3A_3300 = arith.constant 16 : i32
          %mul3A_3301 = arith.muli %scan3A_3174, %mul3A_3300 : i32
          %get3A_3302 = arith.constant 12 : i32
          %get3A_3303 = arith.index_cast %get3A_3302 : i32 to index
          %get3A_3304 = arith.index_cast %mul3A_3301 : i32 to index
          %get3A_3305 = tpu.vector_load %arg4[%get3A_3303, %get3A_3304] {strides = array<i32>} : memref<32x1024xf32, #tpu.memory_space<vmem>>, vector<1x16xf32>,
          %get3A_3306 = vector.shape_cast %get3A_3305 : vector<1x16xf32> to vector<16xf32>
          %add3A_3307 = arith.addf %get3A_3306, %get3A_3179 : vector<16xf32>
          %exp3A_3308 = math.exp %add3A_3307 : vector<16xf32>
          %add3A_3309 = arith.addf %add3A_3142, %exp3A_3308 : vector<16xf32>
          %mul3A_3310 = arith.constant 16 : i32
          %mul3A_3311 = arith.muli %scan3A_3174, %mul3A_3310 : i32
          %get3A_3312 = arith.constant 13 : i32
          %get3A_3313 = arith.index_cast %get3A_3312 : i32 to index
          %get3A_3314 = arith.index_cast %mul3A_3311 : i32 to index
          %get3A_3315 = tpu.vector_load %arg4[%get3A_3313, %get3A_3314] {strides = array<i32>} : memref<32x1024xf32, #tpu.memory_space<vmem>>, vector<1x16xf32>,
          %get3A_3316 = vector.shape_cast %get3A_3315 : vector<1x16xf32> to vector<16xf32>
          %add3A_3317 = arith.addf %get3A_3316, %get3A_3179 : vector<16xf32>
          %exp3A_3318 = math.exp %add3A_3317 : vector<16xf32>
          %add3A_3319 = arith.addf %add3A_3152, %exp3A_3318 : vector<16xf32>
          %mul3A_3320 = arith.constant 16 : i32
          %mul3A_3321 = arith.muli %scan3A_3174, %mul3A_3320 : i32
          %get3A_3322 = arith.constant 14 : i32
          %get3A_3323 = arith.index_cast %get3A_3322 : i32 to index
          %get3A_3324 = arith.index_cast %mul3A_3321 : i32 to index
          %get3A_3325 = tpu.vector_load %arg4[%get3A_3323, %get3A_3324] {strides = array<i32>} : memref<32x1024xf32, #tpu.memory_space<vmem>>, vector<1x16xf32>,
          %get3A_3326 = vector.shape_cast %get3A_3325 : vector<1x16xf32> to vector<16xf32>
          %add3A_3327 = arith.addf %get3A_3326, %get3A_3179 : vector<16xf32>
          %exp3A_3328 = math.exp %add3A_3327 : vector<16xf32>
          %add3A_3329 = arith.addf %add3A_3162, %exp3A_3328 : vector<16xf32>
          %mul3A_3330 = arith.constant 16 : i32
          %mul3A_3331 = arith.muli %scan3A_3174, %mul3A_3330 : i32
          %get3A_3332 = arith.constant 15 : i32
          %get3A_3333 = arith.index_cast %get3A_3332 : i32 to index
          %get3A_3334 = arith.index_cast %mul3A_3331 : i32 to index
          %get3A_3335 = tpu.vector_load %arg4[%get3A_3333, %get3A_3334] {strides = array<i32>} : memref<32x1024xf32, #tpu.memory_space<vmem>>, vector<1x16xf32>,
          %get3A_3336 = vector.shape_cast %get3A_3335 : vector<1x16xf32> to vector<16xf32>
          %add3A_3337 = arith.addf %get3A_3336, %get3A_3179 : vector<16xf32>
          %exp3A_3338 = math.exp %add3A_3337 : vector<16xf32>
          %add3A_3339 = arith.addf %add3A_3172, %exp3A_3338 : vector<16xf32>
          scf.yield %add3A_3189, %add3A_3199, %add3A_3209, %add3A_3219, %add3A_3229, %add3A_3239, %add3A_3249, %add3A_3259, %add3A_3269, %add3A_3279, %add3A_3289, %add3A_3299, %add3A_3309, %add3A_3319, %add3A_3329, %add3A_3339 : vector<16xf32>, vector<16xf32>, vector<16xf32>, vector<16xf32>, vector<16xf32>, vector<16xf32>, vector<16xf32>, vector<16xf32>, vector<16xf32>, vector<16xf32>, vector<16xf32>, vector<16xf32>, vector<16xf32>, vector<16xf32>, vector<16xf32>, vector<16xf32>
        }
        %scan3A_1244 = arith.constant 64 : i32
        %iota3A_1245 = tpu.iota {dimensions = array<i32: 0>} : vector<16xi32>
        %and3A = arith.constant 1 : i32
        %and3A_1246 = vector.broadcast %and3A : i32 to vector<16xi32>
        %and3A_1247 = arith.andi %iota3A_1245, %and3A_1246 : vector<16xi32>
        %eq3A_1248 = arith.constant 0 : i32
        %eq3A_1249 = vector.broadcast %eq3A_1248 : i32 to vector<16xi32>
        %eq3A_1250 = arith.cmpi eq, %and3A_1247, %eq3A_1249 : vector<16xi32>
        %xor3A_1251 = arith.constant 1 : i32
        %xor3A_1252 = vector.broadcast %xor3A_1251 : i32 to vector<16xi32>
        %xor3A_1253 = arith.xori %iota3A_1245, %xor3A_1252 : vector<16xi32>
        %broadcast_in_dim3A_1254 = vector.shape_cast %xor3A_1253 : vector<16xi32> to vector<16x1xi32>
        %gather3A_1255 = vector.shape_cast %broadcast_in_dim3A_1254 : vector<16x1xi32> to vector<16xi32>
        %gather3A_1256 = tpu.dynamic_gather %scan3A_1243#0[%gather3A_1255] in [0] : vector<16xf32>, vector<16xi32> -> vector<16xf32>
        %add3A_1257 = arith.addf %scan3A_1243#0, %gather3A_1256 : vector<16xf32>
        %xor3A_1258 = arith.constant 1 : i32
        %xor3A_1259 = vector.broadcast %xor3A_1258 : i32 to vector<16xi32>
        %xor3A_1260 = arith.xori %iota3A_1245, %xor3A_1259 : vector<16xi32>
        %broadcast_in_dim3A_1261 = vector.shape_cast %xor3A_1260 : vector<16xi32> to vector<16x1xi32>
        %gather3A_1262 = vector.shape_cast %broadcast_in_dim3A_1261 : vector<16x1xi32> to vector<16xi32>
        %gather3A_1263 = tpu.dynamic_gather %scan3A_1243#1[%gather3A_1262] in [0] : vector<16xf32>, vector<16xi32> -> vector<16xf32>
        %add3A_1264 = arith.addf %scan3A_1243#1, %gather3A_1263 : vector<16xf32>
        %select_n3A = arith.select %eq3A_1250, %add3A_1257, %add3A_1264 : vector<16xi1>, vector<16xf32>
        %xor3A_1265 = arith.constant 1 : i32
        %xor3A_1266 = vector.broadcast %xor3A_1265 : i32 to vector<16xi32>
        %xor3A_1267 = arith.xori %iota3A_1245, %xor3A_1266 : vector<16xi32>
        %broadcast_in_dim3A_1268 = vector.shape_cast %xor3A_1267 : vector<16xi32> to vector<16x1xi32>
        %gather3A_1269 = vector.shape_cast %broadcast_in_dim3A_1268 : vector<16x1xi32> to vector<16xi32>
        %gather3A_1270 = tpu.dynamic_gather %scan3A_1243#2[%gather3A_1269] in [0] : vector<16xf32>, vector<16xi32> -> vector<16xf32>
        %add3A_1271 = arith.addf %scan3A_1243#2, %gather3A_1270 : vector<16xf32>
        %xor3A_1272 = arith.constant 1 : i32
        %xor3A_1273 = vector.broadcast %xor3A_1272 : i32 to vector<16xi32>
        %xor3A_1274 = arith.xori %iota3A_1245, %xor3A_1273 : vector<16xi32>
        %broadcast_in_dim3A_1275 = vector.shape_cast %xor3A_1274 : vector<16xi32> to vector<16x1xi32>
        %gather3A_1276 = vector.shape_cast %broadcast_in_dim3A_1275 : vector<16x1xi32> to vector<16xi32>
        %gather3A_1277 = tpu.dynamic_gather %scan3A_1243#3[%gather3A_1276] in [0] : vector<16xf32>, vector<16xi32> -> vector<16xf32>
        %add3A_1278 = arith.addf %scan3A_1243#3, %gather3A_1277 : vector<16xf32>
        %select_n3A_1279 = arith.select %eq3A_1250, %add3A_1271, %add3A_1278 : vector<16xi1>, vector<16xf32>
        %xor3A_1280 = arith.constant 1 : i32
        %xor3A_1281 = vector.broadcast %xor3A_1280 : i32 to vector<16xi32>
        %xor3A_1282 = arith.xori %iota3A_1245, %xor3A_1281 : vector<16xi32>
        %broadcast_in_dim3A_1283 = vector.shape_cast %xor3A_1282 : vector<16xi32> to vector<16x1xi32>
        %gather3A_1284 = vector.shape_cast %broadcast_in_dim3A_1283 : vector<16x1xi32> to vector<16xi32>
        %gather3A_1285 = tpu.dynamic_gather %scan3A_1243#4[%gather3A_1284] in [0] : vector<16xf32>, vector<16xi32> -> vector<16xf32>
        %add3A_1286 = arith.addf %scan3A_1243#4, %gather3A_1285 : vector<16xf32>
        %xor3A_1287 = arith.constant 1 : i32
        %xor3A_1288 = vector.broadcast %xor3A_1287 : i32 to vector<16xi32>
        %xor3A_1289 = arith.xori %iota3A_1245, %xor3A_1288 : vector<16xi32>
        %broadcast_in_dim3A_1290 = vector.shape_cast %xor3A_1289 : vector<16xi32> to vector<16x1xi32>
        %gather3A_1291 = vector.shape_cast %broadcast_in_dim3A_1290 : vector<16x1xi32> to vector<16xi32>
        %gather3A_1292 = tpu.dynamic_gather %scan3A_1243#5[%gather3A_1291] in [0] : vector<16xf32>, vector<16xi32> -> vector<16xf32>
        %add3A_1293 = arith.addf %scan3A_1243#5, %gather3A_1292 : vector<16xf32>
        %select_n3A_1294 = arith.select %eq3A_1250, %add3A_1286, %add3A_1293 : vector<16xi1>, vector<16xf32>
        %xor3A_1295 = arith.constant 1 : i32
        %xor3A_1296 = vector.broadcast %xor3A_1295 : i32 to vector<16xi32>
        %xor3A_1297 = arith.xori %iota3A_1245, %xor3A_1296 : vector<16xi32>
        %broadcast_in_dim3A_1298 = vector.shape_cast %xor3A_1297 : vector<16xi32> to vector<16x1xi32>
        %gather3A_1299 = vector.shape_cast %broadcast_in_dim3A_1298 : vector<16x1xi32> to vector<16xi32>
        %gather3A_1300 = tpu.dynamic_gather %scan3A_1243#6[%gather3A_1299] in [0] : vector<16xf32>, vector<16xi32> -> vector<16xf32>
        %add3A_1301 = arith.addf %scan3A_1243#6, %gather3A_1300 : vector<16xf32>
        %xor3A_1302 = arith.constant 1 : i32
        %xor3A_1303 = vector.broadcast %xor3A_1302 : i32 to vector<16xi32>
        %xor3A_1304 = arith.xori %iota3A_1245, %xor3A_1303 : vector<16xi32>
        %broadcast_in_dim3A_1305 = vector.shape_cast %xor3A_1304 : vector<16xi32> to vector<16x1xi32>
        %gather3A_1306 = vector.shape_cast %broadcast_in_dim3A_1305 : vector<16x1xi32> to vector<16xi32>
        %gather3A_1307 = tpu.dynamic_gather %scan3A_1243#7[%gather3A_1306] in [0] : vector<16xf32>, vector<16xi32> -> vector<16xf32>
        %add3A_1308 = arith.addf %scan3A_1243#7, %gather3A_1307 : vector<16xf32>
        %select_n3A_1309 = arith.select %eq3A_1250, %add3A_1301, %add3A_1308 : vector<16xi1>, vector<16xf32>
        %xor3A_1310 = arith.constant 1 : i32
        %xor3A_1311 = vector.broadcast %xor3A_1310 : i32 to vector<16xi32>
        %xor3A_1312 = arith.xori %iota3A_1245, %xor3A_1311 : vector<16xi32>
        %broadcast_in_dim3A_1313 = vector.shape_cast %xor3A_1312 : vector<16xi32> to vector<16x1xi32>
        %gather3A_1314 = vector.shape_cast %broadcast_in_dim3A_1313 : vector<16x1xi32> to vector<16xi32>
        %gather3A_1315 = tpu.dynamic_gather %scan3A_1243#8[%gather3A_1314] in [0] : vector<16xf32>, vector<16xi32> -> vector<16xf32>
        %add3A_1316 = arith.addf %scan3A_1243#8, %gather3A_1315 : vector<16xf32>
        %xor3A_1317 = arith.constant 1 : i32
        %xor3A_1318 = vector.broadcast %xor3A_1317 : i32 to vector<16xi32>
        %xor3A_1319 = arith.xori %iota3A_1245, %xor3A_1318 : vector<16xi32>
        %broadcast_in_dim3A_1320 = vector.shape_cast %xor3A_1319 : vector<16xi32> to vector<16x1xi32>
        %gather3A_1321 = vector.shape_cast %broadcast_in_dim3A_1320 : vector<16x1xi32> to vector<16xi32>
        %gather3A_1322 = tpu.dynamic_gather %scan3A_1243#9[%gather3A_1321] in [0] : vector<16xf32>, vector<16xi32> -> vector<16xf32>
        %add3A_1323 = arith.addf %scan3A_1243#9, %gather3A_1322 : vector<16xf32>
        %select_n3A_1324 = arith.select %eq3A_1250, %add3A_1316, %add3A_1323 : vector<16xi1>, vector<16xf32>
        %xor3A_1325 = arith.constant 1 : i32
        %xor3A_1326 = vector.broadcast %xor3A_1325 : i32 to vector<16xi32>
        %xor3A_1327 = arith.xori %iota3A_1245, %xor3A_1326 : vector<16xi32>
        %broadcast_in_dim3A_1328 = vector.shape_cast %xor3A_1327 : vector<16xi32> to vector<16x1xi32>
        %gather3A_1329 = vector.shape_cast %broadcast_in_dim3A_1328 : vector<16x1xi32> to vector<16xi32>
        %gather3A_1330 = tpu.dynamic_gather %scan3A_1243#10[%gather3A_1329] in [0] : vector<16xf32>, vector<16xi32> -> vector<16xf32>
        %add3A_1331 = arith.addf %scan3A_1243#10, %gather3A_1330 : vector<16xf32>
        %xor3A_1332 = arith.constant 1 : i32
        %xor3A_1333 = vector.broadcast %xor3A_1332 : i32 to vector<16xi32>
        %xor3A_1334 = arith.xori %iota3A_1245, %xor3A_1333 : vector<16xi32>
        %broadcast_in_dim3A_1335 = vector.shape_cast %xor3A_1334 : vector<16xi32> to vector<16x1xi32>
        %gather3A_1336 = vector.shape_cast %broadcast_in_dim3A_1335 : vector<16x1xi32> to vector<16xi32>
        %gather3A_1337 = tpu.dynamic_gather %scan3A_1243#11[%gather3A_1336] in [0] : vector<16xf32>, vector<16xi32> -> vector<16xf32>
        %add3A_1338 = arith.addf %scan3A_1243#11, %gather3A_1337 : vector<16xf32>
        %select_n3A_1339 = arith.select %eq3A_1250, %add3A_1331, %add3A_1338 : vector<16xi1>, vector<16xf32>
        %xor3A_1340 = arith.constant 1 : i32
        %xor3A_1341 = vector.broadcast %xor3A_1340 : i32 to vector<16xi32>
        %xor3A_1342 = arith.xori %iota3A_1245, %xor3A_1341 : vector<16xi32>
        %broadcast_in_dim3A_1343 = vector.shape_cast %xor3A_1342 : vector<16xi32> to vector<16x1xi32>
        %gather3A_1344 = vector.shape_cast %broadcast_in_dim3A_1343 : vector<16x1xi32> to vector<16xi32>
        %gather3A_1345 = tpu.dynamic_gather %scan3A_1243#12[%gather3A_1344] in [0] : vector<16xf32>, vector<16xi32> -> vector<16xf32>
        %add3A_1346 = arith.addf %scan3A_1243#12, %gather3A_1345 : vector<16xf32>
        %xor3A_1347 = arith.constant 1 : i32
        %xor3A_1348 = vector.broadcast %xor3A_1347 : i32 to vector<16xi32>
        %xor3A_1349 = arith.xori %iota3A_1245, %xor3A_1348 : vector<16xi32>
        %broadcast_in_dim3A_1350 = vector.shape_cast %xor3A_1349 : vector<16xi32> to vector<16x1xi32>
        %gather3A_1351 = vector.shape_cast %broadcast_in_dim3A_1350 : vector<16x1xi32> to vector<16xi32>
        %gather3A_1352 = tpu.dynamic_gather %scan3A_1243#13[%gather3A_1351] in [0] : vector<16xf32>, vector<16xi32> -> vector<16xf32>
        %add3A_1353 = arith.addf %scan3A_1243#13, %gather3A_1352 : vector<16xf32>
        %select_n3A_1354 = arith.select %eq3A_1250, %add3A_1346, %add3A_1353 : vector<16xi1>, vector<16xf32>
        %xor3A_1355 = arith.constant 1 : i32
        %xor3A_1356 = vector.broadcast %xor3A_1355 : i32 to vector<16xi32>
        %xor3A_1357 = arith.xori %iota3A_1245, %xor3A_1356 : vector<16xi32>
        %broadcast_in_dim3A_1358 = vector.shape_cast %xor3A_1357 : vector<16xi32> to vector<16x1xi32>
        %gather3A_1359 = vector.shape_cast %broadcast_in_dim3A_1358 : vector<16x1xi32> to vector<16xi32>
        %gather3A_1360 = tpu.dynamic_gather %scan3A_1243#14[%gather3A_1359] in [0] : vector<16xf32>, vector<16xi32> -> vector<16xf32>
        %add3A_1361 = arith.addf %scan3A_1243#14, %gather3A_1360 : vector<16xf32>
        %xor3A_1362 = arith.constant 1 : i32
        %xor3A_1363 = vector.broadcast %xor3A_1362 : i32 to vector<16xi32>
        %xor3A_1364 = arith.xori %iota3A_1245, %xor3A_1363 : vector<16xi32>
        %broadcast_in_dim3A_1365 = vector.shape_cast %xor3A_1364 : vector<16xi32> to vector<16x1xi32>
        %gather3A_1366 = vector.shape_cast %broadcast_in_dim3A_1365 : vector<16x1xi32> to vector<16xi32>
        %gather3A_1367 = tpu.dynamic_gather %scan3A_1243#15[%gather3A_1366] in [0] : vector<16xf32>, vector<16xi32> -> vector<16xf32>
        %add3A_1368 = arith.addf %scan3A_1243#15, %gather3A_1367 : vector<16xf32>
        %select_n3A_1369 = arith.select %eq3A_1250, %add3A_1361, %add3A_1368 : vector<16xi1>, vector<16xf32>
        %and3A_1370 = arith.constant 2 : i32
        %and3A_1371 = vector.broadcast %and3A_1370 : i32 to vector<16xi32>
        %and3A_1372 = arith.andi %iota3A_1245, %and3A_1371 : vector<16xi32>
        %eq3A_1373 = arith.constant 0 : i32
        %eq3A_1374 = vector.broadcast %eq3A_1373 : i32 to vector<16xi32>
        %eq3A_1375 = arith.cmpi eq, %and3A_1372, %eq3A_1374 : vector<16xi32>
        %xor3A_1376 = arith.constant 2 : i32
        %xor3A_1377 = vector.broadcast %xor3A_1376 : i32 to vector<16xi32>
        %xor3A_1378 = arith.xori %iota3A_1245, %xor3A_1377 : vector<16xi32>
        %broadcast_in_dim3A_1379 = vector.shape_cast %xor3A_1378 : vector<16xi32> to vector<16x1xi32>
        %gather3A_1380 = vector.shape_cast %broadcast_in_dim3A_1379 : vector<16x1xi32> to vector<16xi32>
        %gather3A_1381 = tpu.dynamic_gather %select_n3A[%gather3A_1380] in [0] : vector<16xf32>, vector<16xi32> -> vector<16xf32>
        %add3A_1382 = arith.addf %select_n3A, %gather3A_1381 : vector<16xf32>
        %xor3A_1383 = arith.constant 2 : i32
        %xor3A_1384 = vector.broadcast %xor3A_1383 : i32 to vector<16xi32>
        %xor3A_1385 = arith.xori %iota3A_1245, %xor3A_1384 : vector<16xi32>
        %broadcast_in_dim3A_1386 = vector.shape_cast %xor3A_1385 : vector<16xi32> to vector<16x1xi32>
        %gather3A_1387 = vector.shape_cast %broadcast_in_dim3A_1386 : vector<16x1xi32> to vector<16xi32>
        %gather3A_1388 = tpu.dynamic_gather %select_n3A_1279[%gather3A_1387] in [0] : vector<16xf32>, vector<16xi32> -> vector<16xf32>
        %add3A_1389 = arith.addf %select_n3A_1279, %gather3A_1388 : vector<16xf32>
        %select_n3A_1390 = arith.select %eq3A_1375, %add3A_1382, %add3A_1389 : vector<16xi1>, vector<16xf32>
        %xor3A_1391 = arith.constant 2 : i32
        %xor3A_1392 = vector.broadcast %xor3A_1391 : i32 to vector<16xi32>
        %xor3A_1393 = arith.xori %iota3A_1245, %xor3A_1392 : vector<16xi32>
        %broadcast_in_dim3A_1394 = vector.shape_cast %xor3A_1393 : vector<16xi32> to vector<16x1xi32>
        %gather3A_1395 = vector.shape_cast %broadcast_in_dim3A_1394 : vector<16x1xi32> to vector<16xi32>
        %gather3A_1396 = tpu.dynamic_gather %select_n3A_1294[%gather3A_1395] in [0] : vector<16xf32>, vector<16xi32> -> vector<16xf32>
        %add3A_1397 = arith.addf %select_n3A_1294, %gather3A_1396 : vector<16xf32>
        %xor3A_1398 = arith.constant 2 : i32
        %xor3A_1399 = vector.broadcast %xor3A_1398 : i32 to vector<16xi32>
        %xor3A_1400 = arith.xori %iota3A_1245, %xor3A_1399 : vector<16xi32>
        %broadcast_in_dim3A_1401 = vector.shape_cast %xor3A_1400 : vector<16xi32> to vector<16x1xi32>
        %gather3A_1402 = vector.shape_cast %broadcast_in_dim3A_1401 : vector<16x1xi32> to vector<16xi32>
        %gather3A_1403 = tpu.dynamic_gather %select_n3A_1309[%gather3A_1402] in [0] : vector<16xf32>, vector<16xi32> -> vector<16xf32>
        %add3A_1404 = arith.addf %select_n3A_1309, %gather3A_1403 : vector<16xf32>
        %select_n3A_1405 = arith.select %eq3A_1375, %add3A_1397, %add3A_1404 : vector<16xi1>, vector<16xf32>
        %xor3A_1406 = arith.constant 2 : i32
        %xor3A_1407 = vector.broadcast %xor3A_1406 : i32 to vector<16xi32>
        %xor3A_1408 = arith.xori %iota3A_1245, %xor3A_1407 : vector<16xi32>
        %broadcast_in_dim3A_1409 = vector.shape_cast %xor3A_1408 : vector<16xi32> to vector<16x1xi32>
        %gather3A_1410 = vector.shape_cast %broadcast_in_dim3A_1409 : vector<16x1xi32> to vector<16xi32>
        %gather3A_1411 = tpu.dynamic_gather %select_n3A_1324[%gather3A_1410] in [0] : vector<16xf32>, vector<16xi32> -> vector<16xf32>
        %add3A_1412 = arith.addf %select_n3A_1324, %gather3A_1411 : vector<16xf32>
        %xor3A_1413 = arith.constant 2 : i32
        %xor3A_1414 = vector.broadcast %xor3A_1413 : i32 to vector<16xi32>
        %xor3A_1415 = arith.xori %iota3A_1245, %xor3A_1414 : vector<16xi32>
        %broadcast_in_dim3A_1416 = vector.shape_cast %xor3A_1415 : vector<16xi32> to vector<16x1xi32>
        %gather3A_1417 = vector.shape_cast %broadcast_in_dim3A_1416 : vector<16x1xi32> to vector<16xi32>
        %gather3A_1418 = tpu.dynamic_gather %select_n3A_1339[%gather3A_1417] in [0] : vector<16xf32>, vector<16xi32> -> vector<16xf32>
        %add3A_1419 = arith.addf %select_n3A_1339, %gather3A_1418 : vector<16xf32>
        %select_n3A_1420 = arith.select %eq3A_1375, %add3A_1412, %add3A_1419 : vector<16xi1>, vector<16xf32>
        %xor3A_1421 = arith.constant 2 : i32
        %xor3A_1422 = vector.broadcast %xor3A_1421 : i32 to vector<16xi32>
        %xor3A_1423 = arith.xori %iota3A_1245, %xor3A_1422 : vector<16xi32>
        %broadcast_in_dim3A_1424 = vector.shape_cast %xor3A_1423 : vector<16xi32> to vector<16x1xi32>
        %gather3A_1425 = vector.shape_cast %broadcast_in_dim3A_1424 : vector<16x1xi32> to vector<16xi32>
        %gather3A_1426 = tpu.dynamic_gather %select_n3A_1354[%gather3A_1425] in [0] : vector<16xf32>, vector<16xi32> -> vector<16xf32>
        %add3A_1427 = arith.addf %select_n3A_1354, %gather3A_1426 : vector<16xf32>
        %xor3A_1428 = arith.constant 2 : i32
        %xor3A_1429 = vector.broadcast %xor3A_1428 : i32 to vector<16xi32>
        %xor3A_1430 = arith.xori %iota3A_1245, %xor3A_1429 : vector<16xi32>
        %broadcast_in_dim3A_1431 = vector.shape_cast %xor3A_1430 : vector<16xi32> to vector<16x1xi32>
        %gather3A_1432 = vector.shape_cast %broadcast_in_dim3A_1431 : vector<16x1xi32> to vector<16xi32>
        %gather3A_1433 = tpu.dynamic_gather %select_n3A_1369[%gather3A_1432] in [0] : vector<16xf32>, vector<16xi32> -> vector<16xf32>
        %add3A_1434 = arith.addf %select_n3A_1369, %gather3A_1433 : vector<16xf32>
        %select_n3A_1435 = arith.select %eq3A_1375, %add3A_1427, %add3A_1434 : vector<16xi1>, vector<16xf32>
        %and3A_1436 = arith.constant 4 : i32
        %and3A_1437 = vector.broadcast %and3A_1436 : i32 to vector<16xi32>
        %and3A_1438 = arith.andi %iota3A_1245, %and3A_1437 : vector<16xi32>
        %eq3A_1439 = arith.constant 0 : i32
        %eq3A_1440 = vector.broadcast %eq3A_1439 : i32 to vector<16xi32>
        %eq3A_1441 = arith.cmpi eq, %and3A_1438, %eq3A_1440 : vector<16xi32>
        %xor3A_1442 = arith.constant 4 : i32
        %xor3A_1443 = vector.broadcast %xor3A_1442 : i32 to vector<16xi32>
        %xor3A_1444 = arith.xori %iota3A_1245, %xor3A_1443 : vector<16xi32>
        %broadcast_in_dim3A_1445 = vector.shape_cast %xor3A_1444 : vector<16xi32> to vector<16x1xi32>
        %gather3A_1446 = vector.shape_cast %broadcast_in_dim3A_1445 : vector<16x1xi32> to vector<16xi32>
        %gather3A_1447 = tpu.dynamic_gather %select_n3A_1390[%gather3A_1446] in [0] : vector<16xf32>, vector<16xi32> -> vector<16xf32>
        %add3A_1448 = arith.addf %select_n3A_1390, %gather3A_1447 : vector<16xf32>
        %xor3A_1449 = arith.constant 4 : i32
        %xor3A_1450 = vector.broadcast %xor3A_1449 : i32 to vector<16xi32>
        %xor3A_1451 = arith.xori %iota3A_1245, %xor3A_1450 : vector<16xi32>
        %broadcast_in_dim3A_1452 = vector.shape_cast %xor3A_1451 : vector<16xi32> to vector<16x1xi32>
        %gather3A_1453 = vector.shape_cast %broadcast_in_dim3A_1452 : vector<16x1xi32> to vector<16xi32>
        %gather3A_1454 = tpu.dynamic_gather %select_n3A_1405[%gather3A_1453] in [0] : vector<16xf32>, vector<16xi32> -> vector<16xf32>
        %add3A_1455 = arith.addf %select_n3A_1405, %gather3A_1454 : vector<16xf32>
        %select_n3A_1456 = arith.select %eq3A_1441, %add3A_1448, %add3A_1455 : vector<16xi1>, vector<16xf32>
        %xor3A_1457 = arith.constant 4 : i32
        %xor3A_1458 = vector.broadcast %xor3A_1457 : i32 to vector<16xi32>
        %xor3A_1459 = arith.xori %iota3A_1245, %xor3A_1458 : vector<16xi32>
        %broadcast_in_dim3A_1460 = vector.shape_cast %xor3A_1459 : vector<16xi32> to vector<16x1xi32>
        %gather3A_1461 = vector.shape_cast %broadcast_in_dim3A_1460 : vector<16x1xi32> to vector<16xi32>
        %gather3A_1462 = tpu.dynamic_gather %select_n3A_1420[%gather3A_1461] in [0] : vector<16xf32>, vector<16xi32> -> vector<16xf32>
        %add3A_1463 = arith.addf %select_n3A_1420, %gather3A_1462 : vector<16xf32>
        %xor3A_1464 = arith.constant 4 : i32
        %xor3A_1465 = vector.broadcast %xor3A_1464 : i32 to vector<16xi32>
        %xor3A_1466 = arith.xori %iota3A_1245, %xor3A_1465 : vector<16xi32>
        %broadcast_in_dim3A_1467 = vector.shape_cast %xor3A_1466 : vector<16xi32> to vector<16x1xi32>
        %gather3A_1468 = vector.shape_cast %broadcast_in_dim3A_1467 : vector<16x1xi32> to vector<16xi32>
        %gather3A_1469 = tpu.dynamic_gather %select_n3A_1435[%gather3A_1468] in [0] : vector<16xf32>, vector<16xi32> -> vector<16xf32>
        %add3A_1470 = arith.addf %select_n3A_1435, %gather3A_1469 : vector<16xf32>
        %select_n3A_1471 = arith.select %eq3A_1441, %add3A_1463, %add3A_1470 : vector<16xi1>, vector<16xf32>
        %and3A_1472 = arith.constant 8 : i32
        %and3A_1473 = vector.broadcast %and3A_1472 : i32 to vector<16xi32>
        %and3A_1474 = arith.andi %iota3A_1245, %and3A_1473 : vector<16xi32>
        %eq3A_1475 = arith.constant 0 : i32
        %eq3A_1476 = vector.broadcast %eq3A_1475 : i32 to vector<16xi32>
        %eq3A_1477 = arith.cmpi eq, %and3A_1474, %eq3A_1476 : vector<16xi32>
        %xor3A_1478 = arith.constant 8 : i32
        %xor3A_1479 = vector.broadcast %xor3A_1478 : i32 to vector<16xi32>
        %xor3A_1480 = arith.xori %iota3A_1245, %xor3A_1479 : vector<16xi32>
        %broadcast_in_dim3A_1481 = vector.shape_cast %xor3A_1480 : vector<16xi32> to vector<16x1xi32>
        %gather3A_1482 = vector.shape_cast %broadcast_in_dim3A_1481 : vector<16x1xi32> to vector<16xi32>
        %gather3A_1483 = tpu.dynamic_gather %select_n3A_1456[%gather3A_1482] in [0] : vector<16xf32>, vector<16xi32> -> vector<16xf32>
        %add3A_1484 = arith.addf %select_n3A_1456, %gather3A_1483 : vector<16xf32>
        %xor3A_1485 = arith.constant 8 : i32
        %xor3A_1486 = vector.broadcast %xor3A_1485 : i32 to vector<16xi32>
        %xor3A_1487 = arith.xori %iota3A_1245, %xor3A_1486 : vector<16xi32>
        %broadcast_in_dim3A_1488 = vector.shape_cast %xor3A_1487 : vector<16xi32> to vector<16x1xi32>
        %gather3A_1489 = vector.shape_cast %broadcast_in_dim3A_1488 : vector<16x1xi32> to vector<16xi32>
        %gather3A_1490 = tpu.dynamic_gather %select_n3A_1471[%gather3A_1489] in [0] : vector<16xf32>, vector<16xi32> -> vector<16xf32>
        %add3A_1491 = arith.addf %select_n3A_1471, %gather3A_1490 : vector<16xf32>
        %select_n3A_1492 = arith.select %eq3A_1477, %add3A_1484, %add3A_1491 : vector<16xi1>, vector<16xf32>
        %lt3A = arith.constant 1.000000e+00 : f32
        %lt3A_1493 = vector.broadcast %lt3A : f32 to vector<16xf32>
        %lt3A_1494 = arith.cmpf olt, %select_n3A_1492, %lt3A_1493 : vector<16xf32>
        %mul3A_1495 = arith.constant 9.22337203E+18 : f32
        %mul3A_1496 = vector.broadcast %mul3A_1495 : f32 to vector<16xf32>
        %mul3A_1497 = arith.mulf %select_n3A_1492, %mul3A_1496 : vector<16xf32>
        %mul3A_1498 = arith.constant 9.22337203E+18 : f32
        %mul3A_1499 = vector.broadcast %mul3A_1498 : f32 to vector<16xf32>
        %mul3A_1500 = arith.mulf %mul3A_1497, %mul3A_1499 : vector<16xf32>
        %select_n3A_1501 = arith.select %lt3A_1494, %mul3A_1500, %select_n3A_1492 : vector<16xi1>, vector<16xf32>
        %jit3A = arith.constant -1.260000e+02 : f32
        %jit3A_1502 = arith.constant 0.000000e+00 : f32
        %broadcast_in_dim3A_1503 = vector.broadcast %jit3A : f32 to vector<16xf32>
        %broadcast_in_dim3A_1504 = vector.broadcast %jit3A_1502 : f32 to vector<16xf32>
        %select_n3A_1505 = arith.select %lt3A_1494, %broadcast_in_dim3A_1503, %broadcast_in_dim3A_1504 : vector<16xi1>, vector<16xf32>
        %ge3A = arith.constant 1.84467441E+19 : f32
        %ge3A_1506 = vector.broadcast %ge3A : f32 to vector<16xf32>
        %ge3A_1507 = arith.cmpf oge, %select_n3A_1501, %ge3A_1506 : vector<16xf32>
        %mul3A_1508 = arith.constant 5.42101086E-20 : f32
        %mul3A_1509 = vector.broadcast %mul3A_1508 : f32 to vector<16xf32>
        %mul3A_1510 = arith.mulf %select_n3A_1501, %mul3A_1509 : vector<16xf32>
        %select_n3A_1511 = arith.select %ge3A_1507, %mul3A_1510, %select_n3A_1501 : vector<16xi1>, vector<16xf32>
        %jit3A_1512 = arith.constant 6.400000e+01 : f32
        %jit3A_1513 = arith.constant 0.000000e+00 : f32
        %broadcast_in_dim3A_1514 = vector.broadcast %jit3A_1512 : f32 to vector<16xf32>
        %broadcast_in_dim3A_1515 = vector.broadcast %jit3A_1513 : f32 to vector<16xf32>
        %select_n3A_1516 = arith.select %ge3A_1507, %broadcast_in_dim3A_1514, %broadcast_in_dim3A_1515 : vector<16xi1>, vector<16xf32>
        %add3A_1517 = arith.addf %select_n3A_1505, %select_n3A_1516 : vector<16xf32>
        %ge3A_1518 = arith.constant 4.2949673E+9 : f32
        %ge3A_1519 = vector.broadcast %ge3A_1518 : f32 to vector<16xf32>
        %ge3A_1520 = arith.cmpf oge, %select_n3A_1511, %ge3A_1519 : vector<16xf32>
        %mul3A_1521 = arith.constant 2.32830644E-10 : f32
        %mul3A_1522 = vector.broadcast %mul3A_1521 : f32 to vector<16xf32>
        %mul3A_1523 = arith.mulf %select_n3A_1511, %mul3A_1522 : vector<16xf32>
        %select_n3A_1524 = arith.select %ge3A_1520, %mul3A_1523, %select_n3A_1511 : vector<16xi1>, vector<16xf32>
        %jit3A_1525 = arith.constant 3.200000e+01 : f32
        %jit3A_1526 = arith.constant 0.000000e+00 : f32
        %broadcast_in_dim3A_1527 = vector.broadcast %jit3A_1525 : f32 to vector<16xf32>
        %broadcast_in_dim3A_1528 = vector.broadcast %jit3A_1526 : f32 to vector<16xf32>
        %select_n3A_1529 = arith.select %ge3A_1520, %broadcast_in_dim3A_1527, %broadcast_in_dim3A_1528 : vector<16xi1>, vector<16xf32>
        %add3A_1530 = arith.addf %add3A_1517, %select_n3A_1529 : vector<16xf32>
        %ge3A_1531 = arith.constant 6.553600e+04 : f32
        %ge3A_1532 = vector.broadcast %ge3A_1531 : f32 to vector<16xf32>
        %ge3A_1533 = arith.cmpf oge, %select_n3A_1524, %ge3A_1532 : vector<16xf32>
        %mul3A_1534 = arith.constant 1.52587891E-5 : f32
        %mul3A_1535 = vector.broadcast %mul3A_1534 : f32 to vector<16xf32>
        %mul3A_1536 = arith.mulf %select_n3A_1524, %mul3A_1535 : vector<16xf32>
        %select_n3A_1537 = arith.select %ge3A_1533, %mul3A_1536, %select_n3A_1524 : vector<16xi1>, vector<16xf32>
        %jit3A_1538 = arith.constant 1.600000e+01 : f32
        %jit3A_1539 = arith.constant 0.000000e+00 : f32
        %broadcast_in_dim3A_1540 = vector.broadcast %jit3A_1538 : f32 to vector<16xf32>
        %broadcast_in_dim3A_1541 = vector.broadcast %jit3A_1539 : f32 to vector<16xf32>
        %select_n3A_1542 = arith.select %ge3A_1533, %broadcast_in_dim3A_1540, %broadcast_in_dim3A_1541 : vector<16xi1>, vector<16xf32>
        %add3A_1543 = arith.addf %add3A_1530, %select_n3A_1542 : vector<16xf32>
        %ge3A_1544 = arith.constant 2.560000e+02 : f32
        %ge3A_1545 = vector.broadcast %ge3A_1544 : f32 to vector<16xf32>
        %ge3A_1546 = arith.cmpf oge, %select_n3A_1537, %ge3A_1545 : vector<16xf32>
        %mul3A_1547 = arith.constant 3.906250e-03 : f32
        %mul3A_1548 = vector.broadcast %mul3A_1547 : f32 to vector<16xf32>
        %mul3A_1549 = arith.mulf %select_n3A_1537, %mul3A_1548 : vector<16xf32>
        %select_n3A_1550 = arith.select %ge3A_1546, %mul3A_1549, %select_n3A_1537 : vector<16xi1>, vector<16xf32>
        %jit3A_1551 = arith.constant 8.000000e+00 : f32
        %jit3A_1552 = arith.constant 0.000000e+00 : f32
        %broadcast_in_dim3A_1553 = vector.broadcast %jit3A_1551 : f32 to vector<16xf32>
        %broadcast_in_dim3A_1554 = vector.broadcast %jit3A_1552 : f32 to vector<16xf32>
        %select_n3A_1555 = arith.select %ge3A_1546, %broadcast_in_dim3A_1553, %broadcast_in_dim3A_1554 : vector<16xi1>, vector<16xf32>
        %add3A_1556 = arith.addf %add3A_1543, %select_n3A_1555 : vector<16xf32>
        %ge3A_1557 = arith.constant 1.600000e+01 : f32
        %ge3A_1558 = vector.broadcast %ge3A_1557 : f32 to vector<16xf32>
        %ge3A_1559 = arith.cmpf oge, %select_n3A_1550, %ge3A_1558 : vector<16xf32>
        %mul3A_1560 = arith.constant 6.250000e-02 : f32
        %mul3A_1561 = vector.broadcast %mul3A_1560 : f32 to vector<16xf32>
        %mul3A_1562 = arith.mulf %select_n3A_1550, %mul3A_1561 : vector<16xf32>
        %select_n3A_1563 = arith.select %ge3A_1559, %mul3A_1562, %select_n3A_1550 : vector<16xi1>, vector<16xf32>
        %jit3A_1564 = arith.constant 4.000000e+00 : f32
        %jit3A_1565 = arith.constant 0.000000e+00 : f32
        %broadcast_in_dim3A_1566 = vector.broadcast %jit3A_1564 : f32 to vector<16xf32>
        %broadcast_in_dim3A_1567 = vector.broadcast %jit3A_1565 : f32 to vector<16xf32>
        %select_n3A_1568 = arith.select %ge3A_1559, %broadcast_in_dim3A_1566, %broadcast_in_dim3A_1567 : vector<16xi1>, vector<16xf32>
        %add3A_1569 = arith.addf %add3A_1556, %select_n3A_1568 : vector<16xf32>
        %ge3A_1570 = arith.constant 4.000000e+00 : f32
        %ge3A_1571 = vector.broadcast %ge3A_1570 : f32 to vector<16xf32>
        %ge3A_1572 = arith.cmpf oge, %select_n3A_1563, %ge3A_1571 : vector<16xf32>
        %mul3A_1573 = arith.constant 2.500000e-01 : f32
        %mul3A_1574 = vector.broadcast %mul3A_1573 : f32 to vector<16xf32>
        %mul3A_1575 = arith.mulf %select_n3A_1563, %mul3A_1574 : vector<16xf32>
        %select_n3A_1576 = arith.select %ge3A_1572, %mul3A_1575, %select_n3A_1563 : vector<16xi1>, vector<16xf32>
        %jit3A_1577 = arith.constant 2.000000e+00 : f32
        %jit3A_1578 = arith.constant 0.000000e+00 : f32
        %broadcast_in_dim3A_1579 = vector.broadcast %jit3A_1577 : f32 to vector<16xf32>
        %broadcast_in_dim3A_1580 = vector.broadcast %jit3A_1578 : f32 to vector<16xf32>
        %select_n3A_1581 = arith.select %ge3A_1572, %broadcast_in_dim3A_1579, %broadcast_in_dim3A_1580 : vector<16xi1>, vector<16xf32>
        %add3A_1582 = arith.addf %add3A_1569, %select_n3A_1581 : vector<16xf32>
        %ge3A_1583 = arith.constant 2.000000e+00 : f32
        %ge3A_1584 = vector.broadcast %ge3A_1583 : f32 to vector<16xf32>
        %ge3A_1585 = arith.cmpf oge, %select_n3A_1576, %ge3A_1584 : vector<16xf32>
        %mul3A_1586 = arith.constant 5.000000e-01 : f32
        %mul3A_1587 = vector.broadcast %mul3A_1586 : f32 to vector<16xf32>
        %mul3A_1588 = arith.mulf %select_n3A_1576, %mul3A_1587 : vector<16xf32>
        %select_n3A_1589 = arith.select %ge3A_1585, %mul3A_1588, %select_n3A_1576 : vector<16xi1>, vector<16xf32>
        %jit3A_1590 = arith.constant 1.000000e+00 : f32
        %jit3A_1591 = arith.constant 0.000000e+00 : f32
        %broadcast_in_dim3A_1592 = vector.broadcast %jit3A_1590 : f32 to vector<16xf32>
        %broadcast_in_dim3A_1593 = vector.broadcast %jit3A_1591 : f32 to vector<16xf32>
        %select_n3A_1594 = arith.select %ge3A_1585, %broadcast_in_dim3A_1592, %broadcast_in_dim3A_1593 : vector<16xi1>, vector<16xf32>
        %add3A_1595 = arith.addf %add3A_1582, %select_n3A_1594 : vector<16xf32>
        %gt3A = arith.constant 1.41421354 : f32
        %gt3A_1596 = vector.broadcast %gt3A : f32 to vector<16xf32>
        %gt3A_1597 = arith.cmpf ogt, %select_n3A_1589, %gt3A_1596 : vector<16xf32>
        %mul3A_1598 = arith.constant 5.000000e-01 : f32
        %mul3A_1599 = vector.broadcast %mul3A_1598 : f32 to vector<16xf32>
        %mul3A_1600 = arith.mulf %select_n3A_1589, %mul3A_1599 : vector<16xf32>
        %select_n3A_1601 = arith.select %gt3A_1597, %mul3A_1600, %select_n3A_1589 : vector<16xi1>, vector<16xf32>
        %jit3A_1602 = arith.constant 1.000000e+00 : f32
        %jit3A_1603 = arith.constant 0.000000e+00 : f32
        %broadcast_in_dim3A_1604 = vector.broadcast %jit3A_1602 : f32 to vector<16xf32>
        %broadcast_in_dim3A_1605 = vector.broadcast %jit3A_1603 : f32 to vector<16xf32>
        %select_n3A_1606 = arith.select %gt3A_1597, %broadcast_in_dim3A_1604, %broadcast_in_dim3A_1605 : vector<16xi1>, vector<16xf32>
        %add3A_1607 = arith.addf %add3A_1595, %select_n3A_1606 : vector<16xf32>
        %sub3A_1608 = arith.constant 1.000000e+00 : f32
        %sub3A_1609 = vector.broadcast %sub3A_1608 : f32 to vector<16xf32>
        %sub3A_1610 = arith.subf %select_n3A_1601, %sub3A_1609 : vector<16xf32>
        %add3A_1611 = arith.constant 1.000000e+00 : f32
        %add3A_1612 = vector.broadcast %add3A_1611 : f32 to vector<16xf32>
        %add3A_1613 = arith.addf %select_n3A_1601, %add3A_1612 : vector<16xf32>
        %div3A = arith.divf %sub3A_1610, %add3A_1613 : vector<16xf32>
        %mul3A_1614 = arith.mulf %div3A, %div3A : vector<16xf32>
        %mul3A_1615 = arith.constant 0.222222224 : f32
        %mul3A_1616 = vector.broadcast %mul3A_1615 : f32 to vector<16xf32>
        %mul3A_1617 = arith.mulf %mul3A_1614, %mul3A_1616 : vector<16xf32>
        %add3A_1618 = arith.constant 0.285714298 : f32
        %add3A_1619 = vector.broadcast %add3A_1618 : f32 to vector<16xf32>
        %add3A_1620 = arith.addf %add3A_1619, %mul3A_1617 : vector<16xf32>
        %mul3A_1621 = arith.mulf %mul3A_1614, %add3A_1620 : vector<16xf32>
        %add3A_1622 = arith.constant 4.000000e-01 : f32
        %add3A_1623 = vector.broadcast %add3A_1622 : f32 to vector<16xf32>
        %add3A_1624 = arith.addf %add3A_1623, %mul3A_1621 : vector<16xf32>
        %mul3A_1625 = arith.mulf %mul3A_1614, %add3A_1624 : vector<16xf32>
        %add3A_1626 = arith.constant 0.666666686 : f32
        %add3A_1627 = vector.broadcast %add3A_1626 : f32 to vector<16xf32>
        %add3A_1628 = arith.addf %add3A_1627, %mul3A_1625 : vector<16xf32>
        %mul3A_1629 = arith.mulf %mul3A_1614, %add3A_1628 : vector<16xf32>
        %add3A_1630 = arith.constant 2.000000e+00 : f32
        %add3A_1631 = vector.broadcast %add3A_1630 : f32 to vector<16xf32>
        %add3A_1632 = arith.addf %add3A_1631, %mul3A_1629 : vector<16xf32>
        %mul3A_1633 = arith.mulf %div3A, %add3A_1632 : vector<16xf32>
        %mul3A_1634 = arith.constant 0.693147182 : f32
        %mul3A_1635 = vector.broadcast %mul3A_1634 : f32 to vector<16xf32>
        %mul3A_1636 = arith.mulf %add3A_1607, %mul3A_1635 : vector<16xf32>
        %add3A_1637 = arith.addf %mul3A_1636, %mul3A_1633 : vector<16xf32>
        %add3A_1638 = arith.addf %max3A_689, %add3A_1637 : vector<16xf32>
        %swap3A_1639 = arith.constant 0 : index
        %swap3A_1640 = tpu.vector_load %arg8[%swap3A_1639] {strides = array<i32>} : memref<64xf32, #tpu.memory_space<vmem>>, vector<16xf32>,
        %swap3A_1641 = vector.shape_cast %swap3A_1640 : vector<16xf32> to vector<16xf32>
        %swap3A_1642 = vector.shape_cast %add3A_1638 : vector<16xf32> to vector<16xf32>
        tpu.vector_store %arg8[%swap3A_1639], %swap3A_1642 {strides = array<i32>} : memref<64xf32, #tpu.memory_space<vmem>>, vector<16xf32>,
        %broadcast_in_dim3A_1643 = arith.constant 0.000000e+00 : f32
        %broadcast_in_dim3A_1644 = vector.broadcast %broadcast_in_dim3A_1643 : f32 to vector<16xf32>
        %broadcast_in_dim3A_1645 = arith.constant 0.000000e+00 : f32
        %broadcast_in_dim3A_1646 = vector.broadcast %broadcast_in_dim3A_1645 : f32 to vector<16xf32>
        %broadcast_in_dim3A_1647 = arith.constant 0.000000e+00 : f32
        %broadcast_in_dim3A_1648 = vector.broadcast %broadcast_in_dim3A_1647 : f32 to vector<16xf32>
        %broadcast_in_dim3A_1649 = arith.constant 0.000000e+00 : f32
        %broadcast_in_dim3A_1650 = vector.broadcast %broadcast_in_dim3A_1649 : f32 to vector<16xf32>
        %broadcast_in_dim3A_1651 = arith.constant 0.000000e+00 : f32
        %broadcast_in_dim3A_1652 = vector.broadcast %broadcast_in_dim3A_1651 : f32 to vector<16xf32>
        %broadcast_in_dim3A_1653 = arith.constant 0.000000e+00 : f32
        %broadcast_in_dim3A_1654 = vector.broadcast %broadcast_in_dim3A_1653 : f32 to vector<16xf32>
        %broadcast_in_dim3A_1655 = arith.constant 0.000000e+00 : f32
        %broadcast_in_dim3A_1656 = vector.broadcast %broadcast_in_dim3A_1655 : f32 to vector<16xf32>
        %broadcast_in_dim3A_1657 = arith.constant 0.000000e+00 : f32
        %broadcast_in_dim3A_1658 = vector.broadcast %broadcast_in_dim3A_1657 : f32 to vector<16xf32>
        %broadcast_in_dim3A_1659 = arith.constant 0.000000e+00 : f32
        %broadcast_in_dim3A_1660 = vector.broadcast %broadcast_in_dim3A_1659 : f32 to vector<16xf32>
        %broadcast_in_dim3A_1661 = arith.constant 0.000000e+00 : f32
        %broadcast_in_dim3A_1662 = vector.broadcast %broadcast_in_dim3A_1661 : f32 to vector<16xf32>
        %broadcast_in_dim3A_1663 = arith.constant 0.000000e+00 : f32
        %broadcast_in_dim3A_1664 = vector.broadcast %broadcast_in_dim3A_1663 : f32 to vector<16xf32>
        %broadcast_in_dim3A_1665 = arith.constant 0.000000e+00 : f32
        %broadcast_in_dim3A_1666 = vector.broadcast %broadcast_in_dim3A_1665 : f32 to vector<16xf32>
        %broadcast_in_dim3A_1667 = arith.constant 0.000000e+00 : f32
        %broadcast_in_dim3A_1668 = vector.broadcast %broadcast_in_dim3A_1667 : f32 to vector<16xf32>
        %broadcast_in_dim3A_1669 = arith.constant 0.000000e+00 : f32
        %broadcast_in_dim3A_1670 = vector.broadcast %broadcast_in_dim3A_1669 : f32 to vector<16xf32>
        %broadcast_in_dim3A_1671 = arith.constant 0.000000e+00 : f32
        %broadcast_in_dim3A_1672 = vector.broadcast %broadcast_in_dim3A_1671 : f32 to vector<16xf32>
        %broadcast_in_dim3A_1673 = arith.constant 0.000000e+00 : f32
        %broadcast_in_dim3A_1674 = vector.broadcast %broadcast_in_dim3A_1673 : f32 to vector<16xf32>
        %scan3A_1675 = arith.constant 0 : i32
        %scan3A_1676 = arith.constant 64 : i32
        %scan3A_1677 = arith.addi %scan3A_1675, %scan3A_1676 : i32
        %scan3A_1678 = arith.constant 2 : i32
        %scan3A_1679:16 = scf.for %scan3A_2992 = %scan3A_1675 to %scan3A_1677 step %scan3A_1678 iter_args(%scan3A_2993 = %broadcast_in_dim3A_1644, %scan3A_2994 = %broadcast_in_dim3A_1646, %scan3A_2995 = %broadcast_in_dim3A_1648, %scan3A_2996 = %broadcast_in_dim3A_1650, %scan3A_2997 = %broadcast_in_dim3A_1652, %scan3A_2998 = %broadcast_in_dim3A_1654, %scan3A_2999 = %broadcast_in_dim3A_1656, %scan3A_3000 = %broadcast_in_dim3A_1658, %scan3A_3001 = %broadcast_in_dim3A_1660, %scan3A_3002 = %broadcast_in_dim3A_1662, %scan3A_3003 = %broadcast_in_dim3A_1664, %scan3A_3004 = %broadcast_in_dim3A_1666, %scan3A_3005 = %broadcast_in_dim3A_1668, %scan3A_3006 = %broadcast_in_dim3A_1670, %scan3A_3007 = %broadcast_in_dim3A_1672, %scan3A_3008 = %broadcast_in_dim3A_1674) -> (vector<16xf32>, vector<16xf32>, vector<16xf32>, vector<16xf32>, vector<16xf32>, vector<16xf32>, vector<16xf32>, vector<16xf32>, vector<16xf32>, vector<16xf32>, vector<16xf32>, vector<16xf32>, vector<16xf32>, vector<16xf32>, vector<16xf32>, vector<16xf32>)  : i32 {
          %mul3A_3009 = arith.constant 16 : i32
          %mul3A_3010 = arith.muli %scan3A_2992, %mul3A_3009 : i32
          %get3A_3011 = arith.index_cast %mul3A_3010 : i32 to index
          %get3A_3012 = tpu.vector_load %arg7[%get3A_3011] {strides = array<i32>} : memref<1024xf32, #tpu.memory_space<vmem>>, vector<16xf32>,
          %get3A_3013 = vector.shape_cast %get3A_3012 : vector<16xf32> to vector<16xf32>
          %mul3A_3014 = arith.constant 16 : i32
          %mul3A_3015 = arith.muli %scan3A_2992, %mul3A_3014 : i32
          %get3A_3016 = arith.constant 16 : i32
          %get3A_3017 = arith.index_cast %get3A_3016 : i32 to index
          %get3A_3018 = arith.index_cast %mul3A_3015 : i32 to index
          %get3A_3019 = tpu.vector_load %arg4[%get3A_3017, %get3A_3018] {strides = array<i32>} : memref<32x1024xf32, #tpu.memory_space<vmem>>, vector<1x16xf32>,
          %get3A_3020 = vector.shape_cast %get3A_3019 : vector<1x16xf32> to vector<16xf32>
          %add3A_3021 = arith.addf %get3A_3020, %get3A_3013 : vector<16xf32>
          %exp3A = math.exp %add3A_3021 : vector<16xf32>
          %add3A_3022 = arith.addf %scan3A_2993, %exp3A : vector<16xf32>
          %mul3A_3023 = arith.constant 16 : i32
          %mul3A_3024 = arith.muli %scan3A_2992, %mul3A_3023 : i32
          %get3A_3025 = arith.constant 17 : i32
          %get3A_3026 = arith.index_cast %get3A_3025 : i32 to index
          %get3A_3027 = arith.index_cast %mul3A_3024 : i32 to index
          %get3A_3028 = tpu.vector_load %arg4[%get3A_3026, %get3A_3027] {strides = array<i32>} : memref<32x1024xf32, #tpu.memory_space<vmem>>, vector<1x16xf32>,
          %get3A_3029 = vector.shape_cast %get3A_3028 : vector<1x16xf32> to vector<16xf32>
          %add3A_3030 = arith.addf %get3A_3029, %get3A_3013 : vector<16xf32>
          %exp3A_3031 = math.exp %add3A_3030 : vector<16xf32>
          %add3A_3032 = arith.addf %scan3A_2994, %exp3A_3031 : vector<16xf32>
          %mul3A_3033 = arith.constant 16 : i32
          %mul3A_3034 = arith.muli %scan3A_2992, %mul3A_3033 : i32
          %get3A_3035 = arith.constant 18 : i32
          %get3A_3036 = arith.index_cast %get3A_3035 : i32 to index
          %get3A_3037 = arith.index_cast %mul3A_3034 : i32 to index
          %get3A_3038 = tpu.vector_load %arg4[%get3A_3036, %get3A_3037] {strides = array<i32>} : memref<32x1024xf32, #tpu.memory_space<vmem>>, vector<1x16xf32>,
          %get3A_3039 = vector.shape_cast %get3A_3038 : vector<1x16xf32> to vector<16xf32>
          %add3A_3040 = arith.addf %get3A_3039, %get3A_3013 : vector<16xf32>
          %exp3A_3041 = math.exp %add3A_3040 : vector<16xf32>
          %add3A_3042 = arith.addf %scan3A_2995, %exp3A_3041 : vector<16xf32>
          %mul3A_3043 = arith.constant 16 : i32
          %mul3A_3044 = arith.muli %scan3A_2992, %mul3A_3043 : i32
          %get3A_3045 = arith.constant 19 : i32
          %get3A_3046 = arith.index_cast %get3A_3045 : i32 to index
          %get3A_3047 = arith.index_cast %mul3A_3044 : i32 to index
          %get3A_3048 = tpu.vector_load %arg4[%get3A_3046, %get3A_3047] {strides = array<i32>} : memref<32x1024xf32, #tpu.memory_space<vmem>>, vector<1x16xf32>,
          %get3A_3049 = vector.shape_cast %get3A_3048 : vector<1x16xf32> to vector<16xf32>
          %add3A_3050 = arith.addf %get3A_3049, %get3A_3013 : vector<16xf32>
          %exp3A_3051 = math.exp %add3A_3050 : vector<16xf32>
          %add3A_3052 = arith.addf %scan3A_2996, %exp3A_3051 : vector<16xf32>
          %mul3A_3053 = arith.constant 16 : i32
          %mul3A_3054 = arith.muli %scan3A_2992, %mul3A_3053 : i32
          %get3A_3055 = arith.constant 20 : i32
          %get3A_3056 = arith.index_cast %get3A_3055 : i32 to index
          %get3A_3057 = arith.index_cast %mul3A_3054 : i32 to index
          %get3A_3058 = tpu.vector_load %arg4[%get3A_3056, %get3A_3057] {strides = array<i32>} : memref<32x1024xf32, #tpu.memory_space<vmem>>, vector<1x16xf32>,
          %get3A_3059 = vector.shape_cast %get3A_3058 : vector<1x16xf32> to vector<16xf32>
          %add3A_3060 = arith.addf %get3A_3059, %get3A_3013 : vector<16xf32>
          %exp3A_3061 = math.exp %add3A_3060 : vector<16xf32>
          %add3A_3062 = arith.addf %scan3A_2997, %exp3A_3061 : vector<16xf32>
          %mul3A_3063 = arith.constant 16 : i32
          %mul3A_3064 = arith.muli %scan3A_2992, %mul3A_3063 : i32
          %get3A_3065 = arith.constant 21 : i32
          %get3A_3066 = arith.index_cast %get3A_3065 : i32 to index
          %get3A_3067 = arith.index_cast %mul3A_3064 : i32 to index
          %get3A_3068 = tpu.vector_load %arg4[%get3A_3066, %get3A_3067] {strides = array<i32>} : memref<32x1024xf32, #tpu.memory_space<vmem>>, vector<1x16xf32>,
          %get3A_3069 = vector.shape_cast %get3A_3068 : vector<1x16xf32> to vector<16xf32>
          %add3A_3070 = arith.addf %get3A_3069, %get3A_3013 : vector<16xf32>
          %exp3A_3071 = math.exp %add3A_3070 : vector<16xf32>
          %add3A_3072 = arith.addf %scan3A_2998, %exp3A_3071 : vector<16xf32>
          %mul3A_3073 = arith.constant 16 : i32
          %mul3A_3074 = arith.muli %scan3A_2992, %mul3A_3073 : i32
          %get3A_3075 = arith.constant 22 : i32
          %get3A_3076 = arith.index_cast %get3A_3075 : i32 to index
          %get3A_3077 = arith.index_cast %mul3A_3074 : i32 to index
          %get3A_3078 = tpu.vector_load %arg4[%get3A_3076, %get3A_3077] {strides = array<i32>} : memref<32x1024xf32, #tpu.memory_space<vmem>>, vector<1x16xf32>,
          %get3A_3079 = vector.shape_cast %get3A_3078 : vector<1x16xf32> to vector<16xf32>
          %add3A_3080 = arith.addf %get3A_3079, %get3A_3013 : vector<16xf32>
          %exp3A_3081 = math.exp %add3A_3080 : vector<16xf32>
          %add3A_3082 = arith.addf %scan3A_2999, %exp3A_3081 : vector<16xf32>
          %mul3A_3083 = arith.constant 16 : i32
          %mul3A_3084 = arith.muli %scan3A_2992, %mul3A_3083 : i32
          %get3A_3085 = arith.constant 23 : i32
          %get3A_3086 = arith.index_cast %get3A_3085 : i32 to index
          %get3A_3087 = arith.index_cast %mul3A_3084 : i32 to index
          %get3A_3088 = tpu.vector_load %arg4[%get3A_3086, %get3A_3087] {strides = array<i32>} : memref<32x1024xf32, #tpu.memory_space<vmem>>, vector<1x16xf32>,
          %get3A_3089 = vector.shape_cast %get3A_3088 : vector<1x16xf32> to vector<16xf32>
          %add3A_3090 = arith.addf %get3A_3089, %get3A_3013 : vector<16xf32>
          %exp3A_3091 = math.exp %add3A_3090 : vector<16xf32>
          %add3A_3092 = arith.addf %scan3A_3000, %exp3A_3091 : vector<16xf32>
          %mul3A_3093 = arith.constant 16 : i32
          %mul3A_3094 = arith.muli %scan3A_2992, %mul3A_3093 : i32
          %get3A_3095 = arith.constant 24 : i32
          %get3A_3096 = arith.index_cast %get3A_3095 : i32 to index
          %get3A_3097 = arith.index_cast %mul3A_3094 : i32 to index
          %get3A_3098 = tpu.vector_load %arg4[%get3A_3096, %get3A_3097] {strides = array<i32>} : memref<32x1024xf32, #tpu.memory_space<vmem>>, vector<1x16xf32>,
          %get3A_3099 = vector.shape_cast %get3A_3098 : vector<1x16xf32> to vector<16xf32>
          %add3A_3100 = arith.addf %get3A_3099, %get3A_3013 : vector<16xf32>
          %exp3A_3101 = math.exp %add3A_3100 : vector<16xf32>
          %add3A_3102 = arith.addf %scan3A_3001, %exp3A_3101 : vector<16xf32>
          %mul3A_3103 = arith.constant 16 : i32
          %mul3A_3104 = arith.muli %scan3A_2992, %mul3A_3103 : i32
          %get3A_3105 = arith.constant 25 : i32
          %get3A_3106 = arith.index_cast %get3A_3105 : i32 to index
          %get3A_3107 = arith.index_cast %mul3A_3104 : i32 to index
          %get3A_3108 = tpu.vector_load %arg4[%get3A_3106, %get3A_3107] {strides = array<i32>} : memref<32x1024xf32, #tpu.memory_space<vmem>>, vector<1x16xf32>,
          %get3A_3109 = vector.shape_cast %get3A_3108 : vector<1x16xf32> to vector<16xf32>
          %add3A_3110 = arith.addf %get3A_3109, %get3A_3013 : vector<16xf32>
          %exp3A_3111 = math.exp %add3A_3110 : vector<16xf32>
          %add3A_3112 = arith.addf %scan3A_3002, %exp3A_3111 : vector<16xf32>
          %mul3A_3113 = arith.constant 16 : i32
          %mul3A_3114 = arith.muli %scan3A_2992, %mul3A_3113 : i32
          %get3A_3115 = arith.constant 26 : i32
          %get3A_3116 = arith.index_cast %get3A_3115 : i32 to index
          %get3A_3117 = arith.index_cast %mul3A_3114 : i32 to index
          %get3A_3118 = tpu.vector_load %arg4[%get3A_3116, %get3A_3117] {strides = array<i32>} : memref<32x1024xf32, #tpu.memory_space<vmem>>, vector<1x16xf32>,
          %get3A_3119 = vector.shape_cast %get3A_3118 : vector<1x16xf32> to vector<16xf32>
          %add3A_3120 = arith.addf %get3A_3119, %get3A_3013 : vector<16xf32>
          %exp3A_3121 = math.exp %add3A_3120 : vector<16xf32>
          %add3A_3122 = arith.addf %scan3A_3003, %exp3A_3121 : vector<16xf32>
          %mul3A_3123 = arith.constant 16 : i32
          %mul3A_3124 = arith.muli %scan3A_2992, %mul3A_3123 : i32
          %get3A_3125 = arith.constant 27 : i32
          %get3A_3126 = arith.index_cast %get3A_3125 : i32 to index
          %get3A_3127 = arith.index_cast %mul3A_3124 : i32 to index
          %get3A_3128 = tpu.vector_load %arg4[%get3A_3126, %get3A_3127] {strides = array<i32>} : memref<32x1024xf32, #tpu.memory_space<vmem>>, vector<1x16xf32>,
          %get3A_3129 = vector.shape_cast %get3A_3128 : vector<1x16xf32> to vector<16xf32>
          %add3A_3130 = arith.addf %get3A_3129, %get3A_3013 : vector<16xf32>
          %exp3A_3131 = math.exp %add3A_3130 : vector<16xf32>
          %add3A_3132 = arith.addf %scan3A_3004, %exp3A_3131 : vector<16xf32>
          %mul3A_3133 = arith.constant 16 : i32
          %mul3A_3134 = arith.muli %scan3A_2992, %mul3A_3133 : i32
          %get3A_3135 = arith.constant 28 : i32
          %get3A_3136 = arith.index_cast %get3A_3135 : i32 to index
          %get3A_3137 = arith.index_cast %mul3A_3134 : i32 to index
          %get3A_3138 = tpu.vector_load %arg4[%get3A_3136, %get3A_3137] {strides = array<i32>} : memref<32x1024xf32, #tpu.memory_space<vmem>>, vector<1x16xf32>,
          %get3A_3139 = vector.shape_cast %get3A_3138 : vector<1x16xf32> to vector<16xf32>
          %add3A_3140 = arith.addf %get3A_3139, %get3A_3013 : vector<16xf32>
          %exp3A_3141 = math.exp %add3A_3140 : vector<16xf32>
          %add3A_3142 = arith.addf %scan3A_3005, %exp3A_3141 : vector<16xf32>
          %mul3A_3143 = arith.constant 16 : i32
          %mul3A_3144 = arith.muli %scan3A_2992, %mul3A_3143 : i32
          %get3A_3145 = arith.constant 29 : i32
          %get3A_3146 = arith.index_cast %get3A_3145 : i32 to index
          %get3A_3147 = arith.index_cast %mul3A_3144 : i32 to index
          %get3A_3148 = tpu.vector_load %arg4[%get3A_3146, %get3A_3147] {strides = array<i32>} : memref<32x1024xf32, #tpu.memory_space<vmem>>, vector<1x16xf32>,
          %get3A_3149 = vector.shape_cast %get3A_3148 : vector<1x16xf32> to vector<16xf32>
          %add3A_3150 = arith.addf %get3A_3149, %get3A_3013 : vector<16xf32>
          %exp3A_3151 = math.exp %add3A_3150 : vector<16xf32>
          %add3A_3152 = arith.addf %scan3A_3006, %exp3A_3151 : vector<16xf32>
          %mul3A_3153 = arith.constant 16 : i32
          %mul3A_3154 = arith.muli %scan3A_2992, %mul3A_3153 : i32
          %get3A_3155 = arith.constant 30 : i32
          %get3A_3156 = arith.index_cast %get3A_3155 : i32 to index
          %get3A_3157 = arith.index_cast %mul3A_3154 : i32 to index
          %get3A_3158 = tpu.vector_load %arg4[%get3A_3156, %get3A_3157] {strides = array<i32>} : memref<32x1024xf32, #tpu.memory_space<vmem>>, vector<1x16xf32>,
          %get3A_3159 = vector.shape_cast %get3A_3158 : vector<1x16xf32> to vector<16xf32>
          %add3A_3160 = arith.addf %get3A_3159, %get3A_3013 : vector<16xf32>
          %exp3A_3161 = math.exp %add3A_3160 : vector<16xf32>
          %add3A_3162 = arith.addf %scan3A_3007, %exp3A_3161 : vector<16xf32>
          %mul3A_3163 = arith.constant 16 : i32
          %mul3A_3164 = arith.muli %scan3A_2992, %mul3A_3163 : i32
          %get3A_3165 = arith.constant 31 : i32
          %get3A_3166 = arith.index_cast %get3A_3165 : i32 to index
          %get3A_3167 = arith.index_cast %mul3A_3164 : i32 to index
          %get3A_3168 = tpu.vector_load %arg4[%get3A_3166, %get3A_3167] {strides = array<i32>} : memref<32x1024xf32, #tpu.memory_space<vmem>>, vector<1x16xf32>,
          %get3A_3169 = vector.shape_cast %get3A_3168 : vector<1x16xf32> to vector<16xf32>
          %add3A_3170 = arith.addf %get3A_3169, %get3A_3013 : vector<16xf32>
          %exp3A_3171 = math.exp %add3A_3170 : vector<16xf32>
          %add3A_3172 = arith.addf %scan3A_3008, %exp3A_3171 : vector<16xf32>
          %scan3A_3173 = arith.constant 1 : i32
          %scan3A_3174 = arith.addi %scan3A_2992, %scan3A_3173 : i32
          %mul3A_3175 = arith.constant 16 : i32
          %mul3A_3176 = arith.muli %scan3A_3174, %mul3A_3175 : i32
          %get3A_3177 = arith.index_cast %mul3A_3176 : i32 to index
          %get3A_3178 = tpu.vector_load %arg7[%get3A_3177] {strides = array<i32>} : memref<1024xf32, #tpu.memory_space<vmem>>, vector<16xf32>,
          %get3A_3179 = vector.shape_cast %get3A_3178 : vector<16xf32> to vector<16xf32>
          %mul3A_3180 = arith.constant 16 : i32
          %mul3A_3181 = arith.muli %scan3A_3174, %mul3A_3180 : i32
          %get3A_3182 = arith.constant 16 : i32
          %get3A_3183 = arith.index_cast %get3A_3182 : i32 to index
          %get3A_3184 = arith.index_cast %mul3A_3181 : i32 to index
          %get3A_3185 = tpu.vector_load %arg4[%get3A_3183, %get3A_3184] {strides = array<i32>} : memref<32x1024xf32, #tpu.memory_space<vmem>>, vector<1x16xf32>,
          %get3A_3186 = vector.shape_cast %get3A_3185 : vector<1x16xf32> to vector<16xf32>
          %add3A_3187 = arith.addf %get3A_3186, %get3A_3179 : vector<16xf32>
          %exp3A_3188 = math.exp %add3A_3187 : vector<16xf32>
          %add3A_3189 = arith.addf %add3A_3022, %exp3A_3188 : vector<16xf32>
          %mul3A_3190 = arith.constant 16 : i32
          %mul3A_3191 = arith.muli %scan3A_3174, %mul3A_3190 : i32
          %get3A_3192 = arith.constant 17 : i32
          %get3A_3193 = arith.index_cast %get3A_3192 : i32 to index
          %get3A_3194 = arith.index_cast %mul3A_3191 : i32 to index
          %get3A_3195 = tpu.vector_load %arg4[%get3A_3193, %get3A_3194] {strides = array<i32>} : memref<32x1024xf32, #tpu.memory_space<vmem>>, vector<1x16xf32>,
          %get3A_3196 = vector.shape_cast %get3A_3195 : vector<1x16xf32> to vector<16xf32>
          %add3A_3197 = arith.addf %get3A_3196, %get3A_3179 : vector<16xf32>
          %exp3A_3198 = math.exp %add3A_3197 : vector<16xf32>
          %add3A_3199 = arith.addf %add3A_3032, %exp3A_3198 : vector<16xf32>
          %mul3A_3200 = arith.constant 16 : i32
          %mul3A_3201 = arith.muli %scan3A_3174, %mul3A_3200 : i32
          %get3A_3202 = arith.constant 18 : i32
          %get3A_3203 = arith.index_cast %get3A_3202 : i32 to index
          %get3A_3204 = arith.index_cast %mul3A_3201 : i32 to index
          %get3A_3205 = tpu.vector_load %arg4[%get3A_3203, %get3A_3204] {strides = array<i32>} : memref<32x1024xf32, #tpu.memory_space<vmem>>, vector<1x16xf32>,
          %get3A_3206 = vector.shape_cast %get3A_3205 : vector<1x16xf32> to vector<16xf32>
          %add3A_3207 = arith.addf %get3A_3206, %get3A_3179 : vector<16xf32>
          %exp3A_3208 = math.exp %add3A_3207 : vector<16xf32>
          %add3A_3209 = arith.addf %add3A_3042, %exp3A_3208 : vector<16xf32>
          %mul3A_3210 = arith.constant 16 : i32
          %mul3A_3211 = arith.muli %scan3A_3174, %mul3A_3210 : i32
          %get3A_3212 = arith.constant 19 : i32
          %get3A_3213 = arith.index_cast %get3A_3212 : i32 to index
          %get3A_3214 = arith.index_cast %mul3A_3211 : i32 to index
          %get3A_3215 = tpu.vector_load %arg4[%get3A_3213, %get3A_3214] {strides = array<i32>} : memref<32x1024xf32, #tpu.memory_space<vmem>>, vector<1x16xf32>,
          %get3A_3216 = vector.shape_cast %get3A_3215 : vector<1x16xf32> to vector<16xf32>
          %add3A_3217 = arith.addf %get3A_3216, %get3A_3179 : vector<16xf32>
          %exp3A_3218 = math.exp %add3A_3217 : vector<16xf32>
          %add3A_3219 = arith.addf %add3A_3052, %exp3A_3218 : vector<16xf32>
          %mul3A_3220 = arith.constant 16 : i32
          %mul3A_3221 = arith.muli %scan3A_3174, %mul3A_3220 : i32
          %get3A_3222 = arith.constant 20 : i32
          %get3A_3223 = arith.index_cast %get3A_3222 : i32 to index
          %get3A_3224 = arith.index_cast %mul3A_3221 : i32 to index
          %get3A_3225 = tpu.vector_load %arg4[%get3A_3223, %get3A_3224] {strides = array<i32>} : memref<32x1024xf32, #tpu.memory_space<vmem>>, vector<1x16xf32>,
          %get3A_3226 = vector.shape_cast %get3A_3225 : vector<1x16xf32> to vector<16xf32>
          %add3A_3227 = arith.addf %get3A_3226, %get3A_3179 : vector<16xf32>
          %exp3A_3228 = math.exp %add3A_3227 : vector<16xf32>
          %add3A_3229 = arith.addf %add3A_3062, %exp3A_3228 : vector<16xf32>
          %mul3A_3230 = arith.constant 16 : i32
          %mul3A_3231 = arith.muli %scan3A_3174, %mul3A_3230 : i32
          %get3A_3232 = arith.constant 21 : i32
          %get3A_3233 = arith.index_cast %get3A_3232 : i32 to index
          %get3A_3234 = arith.index_cast %mul3A_3231 : i32 to index
          %get3A_3235 = tpu.vector_load %arg4[%get3A_3233, %get3A_3234] {strides = array<i32>} : memref<32x1024xf32, #tpu.memory_space<vmem>>, vector<1x16xf32>,
          %get3A_3236 = vector.shape_cast %get3A_3235 : vector<1x16xf32> to vector<16xf32>
          %add3A_3237 = arith.addf %get3A_3236, %get3A_3179 : vector<16xf32>
          %exp3A_3238 = math.exp %add3A_3237 : vector<16xf32>
          %add3A_3239 = arith.addf %add3A_3072, %exp3A_3238 : vector<16xf32>
          %mul3A_3240 = arith.constant 16 : i32
          %mul3A_3241 = arith.muli %scan3A_3174, %mul3A_3240 : i32
          %get3A_3242 = arith.constant 22 : i32
          %get3A_3243 = arith.index_cast %get3A_3242 : i32 to index
          %get3A_3244 = arith.index_cast %mul3A_3241 : i32 to index
          %get3A_3245 = tpu.vector_load %arg4[%get3A_3243, %get3A_3244] {strides = array<i32>} : memref<32x1024xf32, #tpu.memory_space<vmem>>, vector<1x16xf32>,
          %get3A_3246 = vector.shape_cast %get3A_3245 : vector<1x16xf32> to vector<16xf32>
          %add3A_3247 = arith.addf %get3A_3246, %get3A_3179 : vector<16xf32>
          %exp3A_3248 = math.exp %add3A_3247 : vector<16xf32>
          %add3A_3249 = arith.addf %add3A_3082, %exp3A_3248 : vector<16xf32>
          %mul3A_3250 = arith.constant 16 : i32
          %mul3A_3251 = arith.muli %scan3A_3174, %mul3A_3250 : i32
          %get3A_3252 = arith.constant 23 : i32
          %get3A_3253 = arith.index_cast %get3A_3252 : i32 to index
          %get3A_3254 = arith.index_cast %mul3A_3251 : i32 to index
          %get3A_3255 = tpu.vector_load %arg4[%get3A_3253, %get3A_3254] {strides = array<i32>} : memref<32x1024xf32, #tpu.memory_space<vmem>>, vector<1x16xf32>,
          %get3A_3256 = vector.shape_cast %get3A_3255 : vector<1x16xf32> to vector<16xf32>
          %add3A_3257 = arith.addf %get3A_3256, %get3A_3179 : vector<16xf32>
          %exp3A_3258 = math.exp %add3A_3257 : vector<16xf32>
          %add3A_3259 = arith.addf %add3A_3092, %exp3A_3258 : vector<16xf32>
          %mul3A_3260 = arith.constant 16 : i32
          %mul3A_3261 = arith.muli %scan3A_3174, %mul3A_3260 : i32
          %get3A_3262 = arith.constant 24 : i32
          %get3A_3263 = arith.index_cast %get3A_3262 : i32 to index
          %get3A_3264 = arith.index_cast %mul3A_3261 : i32 to index
          %get3A_3265 = tpu.vector_load %arg4[%get3A_3263, %get3A_3264] {strides = array<i32>} : memref<32x1024xf32, #tpu.memory_space<vmem>>, vector<1x16xf32>,
          %get3A_3266 = vector.shape_cast %get3A_3265 : vector<1x16xf32> to vector<16xf32>
          %add3A_3267 = arith.addf %get3A_3266, %get3A_3179 : vector<16xf32>
          %exp3A_3268 = math.exp %add3A_3267 : vector<16xf32>
          %add3A_3269 = arith.addf %add3A_3102, %exp3A_3268 : vector<16xf32>
          %mul3A_3270 = arith.constant 16 : i32
          %mul3A_3271 = arith.muli %scan3A_3174, %mul3A_3270 : i32
          %get3A_3272 = arith.constant 25 : i32
          %get3A_3273 = arith.index_cast %get3A_3272 : i32 to index
          %get3A_3274 = arith.index_cast %mul3A_3271 : i32 to index
          %get3A_3275 = tpu.vector_load %arg4[%get3A_3273, %get3A_3274] {strides = array<i32>} : memref<32x1024xf32, #tpu.memory_space<vmem>>, vector<1x16xf32>,
          %get3A_3276 = vector.shape_cast %get3A_3275 : vector<1x16xf32> to vector<16xf32>
          %add3A_3277 = arith.addf %get3A_3276, %get3A_3179 : vector<16xf32>
          %exp3A_3278 = math.exp %add3A_3277 : vector<16xf32>
          %add3A_3279 = arith.addf %add3A_3112, %exp3A_3278 : vector<16xf32>
          %mul3A_3280 = arith.constant 16 : i32
          %mul3A_3281 = arith.muli %scan3A_3174, %mul3A_3280 : i32
          %get3A_3282 = arith.constant 26 : i32
          %get3A_3283 = arith.index_cast %get3A_3282 : i32 to index
          %get3A_3284 = arith.index_cast %mul3A_3281 : i32 to index
          %get3A_3285 = tpu.vector_load %arg4[%get3A_3283, %get3A_3284] {strides = array<i32>} : memref<32x1024xf32, #tpu.memory_space<vmem>>, vector<1x16xf32>,
          %get3A_3286 = vector.shape_cast %get3A_3285 : vector<1x16xf32> to vector<16xf32>
          %add3A_3287 = arith.addf %get3A_3286, %get3A_3179 : vector<16xf32>
          %exp3A_3288 = math.exp %add3A_3287 : vector<16xf32>
          %add3A_3289 = arith.addf %add3A_3122, %exp3A_3288 : vector<16xf32>
          %mul3A_3290 = arith.constant 16 : i32
          %mul3A_3291 = arith.muli %scan3A_3174, %mul3A_3290 : i32
          %get3A_3292 = arith.constant 27 : i32
          %get3A_3293 = arith.index_cast %get3A_3292 : i32 to index
          %get3A_3294 = arith.index_cast %mul3A_3291 : i32 to index
          %get3A_3295 = tpu.vector_load %arg4[%get3A_3293, %get3A_3294] {strides = array<i32>} : memref<32x1024xf32, #tpu.memory_space<vmem>>, vector<1x16xf32>,
          %get3A_3296 = vector.shape_cast %get3A_3295 : vector<1x16xf32> to vector<16xf32>
          %add3A_3297 = arith.addf %get3A_3296, %get3A_3179 : vector<16xf32>
          %exp3A_3298 = math.exp %add3A_3297 : vector<16xf32>
          %add3A_3299 = arith.addf %add3A_3132, %exp3A_3298 : vector<16xf32>
          %mul3A_3300 = arith.constant 16 : i32
          %mul3A_3301 = arith.muli %scan3A_3174, %mul3A_3300 : i32
          %get3A_3302 = arith.constant 28 : i32
          %get3A_3303 = arith.index_cast %get3A_3302 : i32 to index
          %get3A_3304 = arith.index_cast %mul3A_3301 : i32 to index
          %get3A_3305 = tpu.vector_load %arg4[%get3A_3303, %get3A_3304] {strides = array<i32>} : memref<32x1024xf32, #tpu.memory_space<vmem>>, vector<1x16xf32>,
          %get3A_3306 = vector.shape_cast %get3A_3305 : vector<1x16xf32> to vector<16xf32>
          %add3A_3307 = arith.addf %get3A_3306, %get3A_3179 : vector<16xf32>
          %exp3A_3308 = math.exp %add3A_3307 : vector<16xf32>
          %add3A_3309 = arith.addf %add3A_3142, %exp3A_3308 : vector<16xf32>
          %mul3A_3310 = arith.constant 16 : i32
          %mul3A_3311 = arith.muli %scan3A_3174, %mul3A_3310 : i32
          %get3A_3312 = arith.constant 29 : i32
          %get3A_3313 = arith.index_cast %get3A_3312 : i32 to index
          %get3A_3314 = arith.index_cast %mul3A_3311 : i32 to index
          %get3A_3315 = tpu.vector_load %arg4[%get3A_3313, %get3A_3314] {strides = array<i32>} : memref<32x1024xf32, #tpu.memory_space<vmem>>, vector<1x16xf32>,
          %get3A_3316 = vector.shape_cast %get3A_3315 : vector<1x16xf32> to vector<16xf32>
          %add3A_3317 = arith.addf %get3A_3316, %get3A_3179 : vector<16xf32>
          %exp3A_3318 = math.exp %add3A_3317 : vector<16xf32>
          %add3A_3319 = arith.addf %add3A_3152, %exp3A_3318 : vector<16xf32>
          %mul3A_3320 = arith.constant 16 : i32
          %mul3A_3321 = arith.muli %scan3A_3174, %mul3A_3320 : i32
          %get3A_3322 = arith.constant 30 : i32
          %get3A_3323 = arith.index_cast %get3A_3322 : i32 to index
          %get3A_3324 = arith.index_cast %mul3A_3321 : i32 to index
          %get3A_3325 = tpu.vector_load %arg4[%get3A_3323, %get3A_3324] {strides = array<i32>} : memref<32x1024xf32, #tpu.memory_space<vmem>>, vector<1x16xf32>,
          %get3A_3326 = vector.shape_cast %get3A_3325 : vector<1x16xf32> to vector<16xf32>
          %add3A_3327 = arith.addf %get3A_3326, %get3A_3179 : vector<16xf32>
          %exp3A_3328 = math.exp %add3A_3327 : vector<16xf32>
          %add3A_3329 = arith.addf %add3A_3162, %exp3A_3328 : vector<16xf32>
          %mul3A_3330 = arith.constant 16 : i32
          %mul3A_3331 = arith.muli %scan3A_3174, %mul3A_3330 : i32
          %get3A_3332 = arith.constant 31 : i32
          %get3A_3333 = arith.index_cast %get3A_3332 : i32 to index
          %get3A_3334 = arith.index_cast %mul3A_3331 : i32 to index
          %get3A_3335 = tpu.vector_load %arg4[%get3A_3333, %get3A_3334] {strides = array<i32>} : memref<32x1024xf32, #tpu.memory_space<vmem>>, vector<1x16xf32>,
          %get3A_3336 = vector.shape_cast %get3A_3335 : vector<1x16xf32> to vector<16xf32>
          %add3A_3337 = arith.addf %get3A_3336, %get3A_3179 : vector<16xf32>
          %exp3A_3338 = math.exp %add3A_3337 : vector<16xf32>
          %add3A_3339 = arith.addf %add3A_3172, %exp3A_3338 : vector<16xf32>
          scf.yield %add3A_3189, %add3A_3199, %add3A_3209, %add3A_3219, %add3A_3229, %add3A_3239, %add3A_3249, %add3A_3259, %add3A_3269, %add3A_3279, %add3A_3289, %add3A_3299, %add3A_3309, %add3A_3319, %add3A_3329, %add3A_3339 : vector<16xf32>, vector<16xf32>, vector<16xf32>, vector<16xf32>, vector<16xf32>, vector<16xf32>, vector<16xf32>, vector<16xf32>, vector<16xf32>, vector<16xf32>, vector<16xf32>, vector<16xf32>, vector<16xf32>, vector<16xf32>, vector<16xf32>, vector<16xf32>
        }
        %scan3A_1680 = arith.constant 64 : i32
        %iota3A_1681 = tpu.iota {dimensions = array<i32: 0>} : vector<16xi32>
        %and3A_1682 = arith.constant 1 : i32
        %and3A_1683 = vector.broadcast %and3A_1682 : i32 to vector<16xi32>
        %and3A_1684 = arith.andi %iota3A_1681, %and3A_1683 : vector<16xi32>
        %eq3A_1685 = arith.constant 0 : i32
        %eq3A_1686 = vector.broadcast %eq3A_1685 : i32 to vector<16xi32>
        %eq3A_1687 = arith.cmpi eq, %and3A_1684, %eq3A_1686 : vector<16xi32>
        %xor3A_1688 = arith.constant 1 : i32
        %xor3A_1689 = vector.broadcast %xor3A_1688 : i32 to vector<16xi32>
        %xor3A_1690 = arith.xori %iota3A_1681, %xor3A_1689 : vector<16xi32>
        %broadcast_in_dim3A_1691 = vector.shape_cast %xor3A_1690 : vector<16xi32> to vector<16x1xi32>
        %gather3A_1692 = vector.shape_cast %broadcast_in_dim3A_1691 : vector<16x1xi32> to vector<16xi32>
        %gather3A_1693 = tpu.dynamic_gather %scan3A_1679#0[%gather3A_1692] in [0] : vector<16xf32>, vector<16xi32> -> vector<16xf32>
        %add3A_1694 = arith.addf %scan3A_1679#0, %gather3A_1693 : vector<16xf32>
        %xor3A_1695 = arith.constant 1 : i32
        %xor3A_1696 = vector.broadcast %xor3A_1695 : i32 to vector<16xi32>
        %xor3A_1697 = arith.xori %iota3A_1681, %xor3A_1696 : vector<16xi32>
        %broadcast_in_dim3A_1698 = vector.shape_cast %xor3A_1697 : vector<16xi32> to vector<16x1xi32>
        %gather3A_1699 = vector.shape_cast %broadcast_in_dim3A_1698 : vector<16x1xi32> to vector<16xi32>
        %gather3A_1700 = tpu.dynamic_gather %scan3A_1679#1[%gather3A_1699] in [0] : vector<16xf32>, vector<16xi32> -> vector<16xf32>
        %add3A_1701 = arith.addf %scan3A_1679#1, %gather3A_1700 : vector<16xf32>
        %select_n3A_1702 = arith.select %eq3A_1687, %add3A_1694, %add3A_1701 : vector<16xi1>, vector<16xf32>
        %xor3A_1703 = arith.constant 1 : i32
        %xor3A_1704 = vector.broadcast %xor3A_1703 : i32 to vector<16xi32>
        %xor3A_1705 = arith.xori %iota3A_1681, %xor3A_1704 : vector<16xi32>
        %broadcast_in_dim3A_1706 = vector.shape_cast %xor3A_1705 : vector<16xi32> to vector<16x1xi32>
        %gather3A_1707 = vector.shape_cast %broadcast_in_dim3A_1706 : vector<16x1xi32> to vector<16xi32>
        %gather3A_1708 = tpu.dynamic_gather %scan3A_1679#2[%gather3A_1707] in [0] : vector<16xf32>, vector<16xi32> -> vector<16xf32>
        %add3A_1709 = arith.addf %scan3A_1679#2, %gather3A_1708 : vector<16xf32>
        %xor3A_1710 = arith.constant 1 : i32
        %xor3A_1711 = vector.broadcast %xor3A_1710 : i32 to vector<16xi32>
        %xor3A_1712 = arith.xori %iota3A_1681, %xor3A_1711 : vector<16xi32>
        %broadcast_in_dim3A_1713 = vector.shape_cast %xor3A_1712 : vector<16xi32> to vector<16x1xi32>
        %gather3A_1714 = vector.shape_cast %broadcast_in_dim3A_1713 : vector<16x1xi32> to vector<16xi32>
        %gather3A_1715 = tpu.dynamic_gather %scan3A_1679#3[%gather3A_1714] in [0] : vector<16xf32>, vector<16xi32> -> vector<16xf32>
        %add3A_1716 = arith.addf %scan3A_1679#3, %gather3A_1715 : vector<16xf32>
        %select_n3A_1717 = arith.select %eq3A_1687, %add3A_1709, %add3A_1716 : vector<16xi1>, vector<16xf32>
        %xor3A_1718 = arith.constant 1 : i32
        %xor3A_1719 = vector.broadcast %xor3A_1718 : i32 to vector<16xi32>
        %xor3A_1720 = arith.xori %iota3A_1681, %xor3A_1719 : vector<16xi32>
        %broadcast_in_dim3A_1721 = vector.shape_cast %xor3A_1720 : vector<16xi32> to vector<16x1xi32>
        %gather3A_1722 = vector.shape_cast %broadcast_in_dim3A_1721 : vector<16x1xi32> to vector<16xi32>
        %gather3A_1723 = tpu.dynamic_gather %scan3A_1679#4[%gather3A_1722] in [0] : vector<16xf32>, vector<16xi32> -> vector<16xf32>
        %add3A_1724 = arith.addf %scan3A_1679#4, %gather3A_1723 : vector<16xf32>
        %xor3A_1725 = arith.constant 1 : i32
        %xor3A_1726 = vector.broadcast %xor3A_1725 : i32 to vector<16xi32>
        %xor3A_1727 = arith.xori %iota3A_1681, %xor3A_1726 : vector<16xi32>
        %broadcast_in_dim3A_1728 = vector.shape_cast %xor3A_1727 : vector<16xi32> to vector<16x1xi32>
        %gather3A_1729 = vector.shape_cast %broadcast_in_dim3A_1728 : vector<16x1xi32> to vector<16xi32>
        %gather3A_1730 = tpu.dynamic_gather %scan3A_1679#5[%gather3A_1729] in [0] : vector<16xf32>, vector<16xi32> -> vector<16xf32>
        %add3A_1731 = arith.addf %scan3A_1679#5, %gather3A_1730 : vector<16xf32>
        %select_n3A_1732 = arith.select %eq3A_1687, %add3A_1724, %add3A_1731 : vector<16xi1>, vector<16xf32>
        %xor3A_1733 = arith.constant 1 : i32
        %xor3A_1734 = vector.broadcast %xor3A_1733 : i32 to vector<16xi32>
        %xor3A_1735 = arith.xori %iota3A_1681, %xor3A_1734 : vector<16xi32>
        %broadcast_in_dim3A_1736 = vector.shape_cast %xor3A_1735 : vector<16xi32> to vector<16x1xi32>
        %gather3A_1737 = vector.shape_cast %broadcast_in_dim3A_1736 : vector<16x1xi32> to vector<16xi32>
        %gather3A_1738 = tpu.dynamic_gather %scan3A_1679#6[%gather3A_1737] in [0] : vector<16xf32>, vector<16xi32> -> vector<16xf32>
        %add3A_1739 = arith.addf %scan3A_1679#6, %gather3A_1738 : vector<16xf32>
        %xor3A_1740 = arith.constant 1 : i32
        %xor3A_1741 = vector.broadcast %xor3A_1740 : i32 to vector<16xi32>
        %xor3A_1742 = arith.xori %iota3A_1681, %xor3A_1741 : vector<16xi32>
        %broadcast_in_dim3A_1743 = vector.shape_cast %xor3A_1742 : vector<16xi32> to vector<16x1xi32>
        %gather3A_1744 = vector.shape_cast %broadcast_in_dim3A_1743 : vector<16x1xi32> to vector<16xi32>
        %gather3A_1745 = tpu.dynamic_gather %scan3A_1679#7[%gather3A_1744] in [0] : vector<16xf32>, vector<16xi32> -> vector<16xf32>
        %add3A_1746 = arith.addf %scan3A_1679#7, %gather3A_1745 : vector<16xf32>
        %select_n3A_1747 = arith.select %eq3A_1687, %add3A_1739, %add3A_1746 : vector<16xi1>, vector<16xf32>
        %xor3A_1748 = arith.constant 1 : i32
        %xor3A_1749 = vector.broadcast %xor3A_1748 : i32 to vector<16xi32>
        %xor3A_1750 = arith.xori %iota3A_1681, %xor3A_1749 : vector<16xi32>
        %broadcast_in_dim3A_1751 = vector.shape_cast %xor3A_1750 : vector<16xi32> to vector<16x1xi32>
        %gather3A_1752 = vector.shape_cast %broadcast_in_dim3A_1751 : vector<16x1xi32> to vector<16xi32>
        %gather3A_1753 = tpu.dynamic_gather %scan3A_1679#8[%gather3A_1752] in [0] : vector<16xf32>, vector<16xi32> -> vector<16xf32>
        %add3A_1754 = arith.addf %scan3A_1679#8, %gather3A_1753 : vector<16xf32>
        %xor3A_1755 = arith.constant 1 : i32
        %xor3A_1756 = vector.broadcast %xor3A_1755 : i32 to vector<16xi32>
        %xor3A_1757 = arith.xori %iota3A_1681, %xor3A_1756 : vector<16xi32>
        %broadcast_in_dim3A_1758 = vector.shape_cast %xor3A_1757 : vector<16xi32> to vector<16x1xi32>
        %gather3A_1759 = vector.shape_cast %broadcast_in_dim3A_1758 : vector<16x1xi32> to vector<16xi32>
        %gather3A_1760 = tpu.dynamic_gather %scan3A_1679#9[%gather3A_1759] in [0] : vector<16xf32>, vector<16xi32> -> vector<16xf32>
        %add3A_1761 = arith.addf %scan3A_1679#9, %gather3A_1760 : vector<16xf32>
        %select_n3A_1762 = arith.select %eq3A_1687, %add3A_1754, %add3A_1761 : vector<16xi1>, vector<16xf32>
        %xor3A_1763 = arith.constant 1 : i32
        %xor3A_1764 = vector.broadcast %xor3A_1763 : i32 to vector<16xi32>
        %xor3A_1765 = arith.xori %iota3A_1681, %xor3A_1764 : vector<16xi32>
        %broadcast_in_dim3A_1766 = vector.shape_cast %xor3A_1765 : vector<16xi32> to vector<16x1xi32>
        %gather3A_1767 = vector.shape_cast %broadcast_in_dim3A_1766 : vector<16x1xi32> to vector<16xi32>
        %gather3A_1768 = tpu.dynamic_gather %scan3A_1679#10[%gather3A_1767] in [0] : vector<16xf32>, vector<16xi32> -> vector<16xf32>
        %add3A_1769 = arith.addf %scan3A_1679#10, %gather3A_1768 : vector<16xf32>
        %xor3A_1770 = arith.constant 1 : i32
        %xor3A_1771 = vector.broadcast %xor3A_1770 : i32 to vector<16xi32>
        %xor3A_1772 = arith.xori %iota3A_1681, %xor3A_1771 : vector<16xi32>
        %broadcast_in_dim3A_1773 = vector.shape_cast %xor3A_1772 : vector<16xi32> to vector<16x1xi32>
        %gather3A_1774 = vector.shape_cast %broadcast_in_dim3A_1773 : vector<16x1xi32> to vector<16xi32>
        %gather3A_1775 = tpu.dynamic_gather %scan3A_1679#11[%gather3A_1774] in [0] : vector<16xf32>, vector<16xi32> -> vector<16xf32>
        %add3A_1776 = arith.addf %scan3A_1679#11, %gather3A_1775 : vector<16xf32>
        %select_n3A_1777 = arith.select %eq3A_1687, %add3A_1769, %add3A_1776 : vector<16xi1>, vector<16xf32>
        %xor3A_1778 = arith.constant 1 : i32
        %xor3A_1779 = vector.broadcast %xor3A_1778 : i32 to vector<16xi32>
        %xor3A_1780 = arith.xori %iota3A_1681, %xor3A_1779 : vector<16xi32>
        %broadcast_in_dim3A_1781 = vector.shape_cast %xor3A_1780 : vector<16xi32> to vector<16x1xi32>
        %gather3A_1782 = vector.shape_cast %broadcast_in_dim3A_1781 : vector<16x1xi32> to vector<16xi32>
        %gather3A_1783 = tpu.dynamic_gather %scan3A_1679#12[%gather3A_1782] in [0] : vector<16xf32>, vector<16xi32> -> vector<16xf32>
        %add3A_1784 = arith.addf %scan3A_1679#12, %gather3A_1783 : vector<16xf32>
        %xor3A_1785 = arith.constant 1 : i32
        %xor3A_1786 = vector.broadcast %xor3A_1785 : i32 to vector<16xi32>
        %xor3A_1787 = arith.xori %iota3A_1681, %xor3A_1786 : vector<16xi32>
        %broadcast_in_dim3A_1788 = vector.shape_cast %xor3A_1787 : vector<16xi32> to vector<16x1xi32>
        %gather3A_1789 = vector.shape_cast %broadcast_in_dim3A_1788 : vector<16x1xi32> to vector<16xi32>
        %gather3A_1790 = tpu.dynamic_gather %scan3A_1679#13[%gather3A_1789] in [0] : vector<16xf32>, vector<16xi32> -> vector<16xf32>
        %add3A_1791 = arith.addf %scan3A_1679#13, %gather3A_1790 : vector<16xf32>
        %select_n3A_1792 = arith.select %eq3A_1687, %add3A_1784, %add3A_1791 : vector<16xi1>, vector<16xf32>
        %xor3A_1793 = arith.constant 1 : i32
        %xor3A_1794 = vector.broadcast %xor3A_1793 : i32 to vector<16xi32>
        %xor3A_1795 = arith.xori %iota3A_1681, %xor3A_1794 : vector<16xi32>
        %broadcast_in_dim3A_1796 = vector.shape_cast %xor3A_1795 : vector<16xi32> to vector<16x1xi32>
        %gather3A_1797 = vector.shape_cast %broadcast_in_dim3A_1796 : vector<16x1xi32> to vector<16xi32>
        %gather3A_1798 = tpu.dynamic_gather %scan3A_1679#14[%gather3A_1797] in [0] : vector<16xf32>, vector<16xi32> -> vector<16xf32>
        %add3A_1799 = arith.addf %scan3A_1679#14, %gather3A_1798 : vector<16xf32>
        %xor3A_1800 = arith.constant 1 : i32
        %xor3A_1801 = vector.broadcast %xor3A_1800 : i32 to vector<16xi32>
        %xor3A_1802 = arith.xori %iota3A_1681, %xor3A_1801 : vector<16xi32>
        %broadcast_in_dim3A_1803 = vector.shape_cast %xor3A_1802 : vector<16xi32> to vector<16x1xi32>
        %gather3A_1804 = vector.shape_cast %broadcast_in_dim3A_1803 : vector<16x1xi32> to vector<16xi32>
        %gather3A_1805 = tpu.dynamic_gather %scan3A_1679#15[%gather3A_1804] in [0] : vector<16xf32>, vector<16xi32> -> vector<16xf32>
        %add3A_1806 = arith.addf %scan3A_1679#15, %gather3A_1805 : vector<16xf32>
        %select_n3A_1807 = arith.select %eq3A_1687, %add3A_1799, %add3A_1806 : vector<16xi1>, vector<16xf32>
        %and3A_1808 = arith.constant 2 : i32
        %and3A_1809 = vector.broadcast %and3A_1808 : i32 to vector<16xi32>
        %and3A_1810 = arith.andi %iota3A_1681, %and3A_1809 : vector<16xi32>
        %eq3A_1811 = arith.constant 0 : i32
        %eq3A_1812 = vector.broadcast %eq3A_1811 : i32 to vector<16xi32>
        %eq3A_1813 = arith.cmpi eq, %and3A_1810, %eq3A_1812 : vector<16xi32>
        %xor3A_1814 = arith.constant 2 : i32
        %xor3A_1815 = vector.broadcast %xor3A_1814 : i32 to vector<16xi32>
        %xor3A_1816 = arith.xori %iota3A_1681, %xor3A_1815 : vector<16xi32>
        %broadcast_in_dim3A_1817 = vector.shape_cast %xor3A_1816 : vector<16xi32> to vector<16x1xi32>
        %gather3A_1818 = vector.shape_cast %broadcast_in_dim3A_1817 : vector<16x1xi32> to vector<16xi32>
        %gather3A_1819 = tpu.dynamic_gather %select_n3A_1702[%gather3A_1818] in [0] : vector<16xf32>, vector<16xi32> -> vector<16xf32>
        %add3A_1820 = arith.addf %select_n3A_1702, %gather3A_1819 : vector<16xf32>
        %xor3A_1821 = arith.constant 2 : i32
        %xor3A_1822 = vector.broadcast %xor3A_1821 : i32 to vector<16xi32>
        %xor3A_1823 = arith.xori %iota3A_1681, %xor3A_1822 : vector<16xi32>
        %broadcast_in_dim3A_1824 = vector.shape_cast %xor3A_1823 : vector<16xi32> to vector<16x1xi32>
        %gather3A_1825 = vector.shape_cast %broadcast_in_dim3A_1824 : vector<16x1xi32> to vector<16xi32>
        %gather3A_1826 = tpu.dynamic_gather %select_n3A_1717[%gather3A_1825] in [0] : vector<16xf32>, vector<16xi32> -> vector<16xf32>
        %add3A_1827 = arith.addf %select_n3A_1717, %gather3A_1826 : vector<16xf32>
        %select_n3A_1828 = arith.select %eq3A_1813, %add3A_1820, %add3A_1827 : vector<16xi1>, vector<16xf32>
        %xor3A_1829 = arith.constant 2 : i32
        %xor3A_1830 = vector.broadcast %xor3A_1829 : i32 to vector<16xi32>
        %xor3A_1831 = arith.xori %iota3A_1681, %xor3A_1830 : vector<16xi32>
        %broadcast_in_dim3A_1832 = vector.shape_cast %xor3A_1831 : vector<16xi32> to vector<16x1xi32>
        %gather3A_1833 = vector.shape_cast %broadcast_in_dim3A_1832 : vector<16x1xi32> to vector<16xi32>
        %gather3A_1834 = tpu.dynamic_gather %select_n3A_1732[%gather3A_1833] in [0] : vector<16xf32>, vector<16xi32> -> vector<16xf32>
        %add3A_1835 = arith.addf %select_n3A_1732, %gather3A_1834 : vector<16xf32>
        %xor3A_1836 = arith.constant 2 : i32
        %xor3A_1837 = vector.broadcast %xor3A_1836 : i32 to vector<16xi32>
        %xor3A_1838 = arith.xori %iota3A_1681, %xor3A_1837 : vector<16xi32>
        %broadcast_in_dim3A_1839 = vector.shape_cast %xor3A_1838 : vector<16xi32> to vector<16x1xi32>
        %gather3A_1840 = vector.shape_cast %broadcast_in_dim3A_1839 : vector<16x1xi32> to vector<16xi32>
        %gather3A_1841 = tpu.dynamic_gather %select_n3A_1747[%gather3A_1840] in [0] : vector<16xf32>, vector<16xi32> -> vector<16xf32>
        %add3A_1842 = arith.addf %select_n3A_1747, %gather3A_1841 : vector<16xf32>
        %select_n3A_1843 = arith.select %eq3A_1813, %add3A_1835, %add3A_1842 : vector<16xi1>, vector<16xf32>
        %xor3A_1844 = arith.constant 2 : i32
        %xor3A_1845 = vector.broadcast %xor3A_1844 : i32 to vector<16xi32>
        %xor3A_1846 = arith.xori %iota3A_1681, %xor3A_1845 : vector<16xi32>
        %broadcast_in_dim3A_1847 = vector.shape_cast %xor3A_1846 : vector<16xi32> to vector<16x1xi32>
        %gather3A_1848 = vector.shape_cast %broadcast_in_dim3A_1847 : vector<16x1xi32> to vector<16xi32>
        %gather3A_1849 = tpu.dynamic_gather %select_n3A_1762[%gather3A_1848] in [0] : vector<16xf32>, vector<16xi32> -> vector<16xf32>
        %add3A_1850 = arith.addf %select_n3A_1762, %gather3A_1849 : vector<16xf32>
        %xor3A_1851 = arith.constant 2 : i32
        %xor3A_1852 = vector.broadcast %xor3A_1851 : i32 to vector<16xi32>
        %xor3A_1853 = arith.xori %iota3A_1681, %xor3A_1852 : vector<16xi32>
        %broadcast_in_dim3A_1854 = vector.shape_cast %xor3A_1853 : vector<16xi32> to vector<16x1xi32>
        %gather3A_1855 = vector.shape_cast %broadcast_in_dim3A_1854 : vector<16x1xi32> to vector<16xi32>
        %gather3A_1856 = tpu.dynamic_gather %select_n3A_1777[%gather3A_1855] in [0] : vector<16xf32>, vector<16xi32> -> vector<16xf32>
        %add3A_1857 = arith.addf %select_n3A_1777, %gather3A_1856 : vector<16xf32>
        %select_n3A_1858 = arith.select %eq3A_1813, %add3A_1850, %add3A_1857 : vector<16xi1>, vector<16xf32>
        %xor3A_1859 = arith.constant 2 : i32
        %xor3A_1860 = vector.broadcast %xor3A_1859 : i32 to vector<16xi32>
        %xor3A_1861 = arith.xori %iota3A_1681, %xor3A_1860 : vector<16xi32>
        %broadcast_in_dim3A_1862 = vector.shape_cast %xor3A_1861 : vector<16xi32> to vector<16x1xi32>
        %gather3A_1863 = vector.shape_cast %broadcast_in_dim3A_1862 : vector<16x1xi32> to vector<16xi32>
        %gather3A_1864 = tpu.dynamic_gather %select_n3A_1792[%gather3A_1863] in [0] : vector<16xf32>, vector<16xi32> -> vector<16xf32>
        %add3A_1865 = arith.addf %select_n3A_1792, %gather3A_1864 : vector<16xf32>
        %xor3A_1866 = arith.constant 2 : i32
        %xor3A_1867 = vector.broadcast %xor3A_1866 : i32 to vector<16xi32>
        %xor3A_1868 = arith.xori %iota3A_1681, %xor3A_1867 : vector<16xi32>
        %broadcast_in_dim3A_1869 = vector.shape_cast %xor3A_1868 : vector<16xi32> to vector<16x1xi32>
        %gather3A_1870 = vector.shape_cast %broadcast_in_dim3A_1869 : vector<16x1xi32> to vector<16xi32>
        %gather3A_1871 = tpu.dynamic_gather %select_n3A_1807[%gather3A_1870] in [0] : vector<16xf32>, vector<16xi32> -> vector<16xf32>
        %add3A_1872 = arith.addf %select_n3A_1807, %gather3A_1871 : vector<16xf32>
        %select_n3A_1873 = arith.select %eq3A_1813, %add3A_1865, %add3A_1872 : vector<16xi1>, vector<16xf32>
        %and3A_1874 = arith.constant 4 : i32
        %and3A_1875 = vector.broadcast %and3A_1874 : i32 to vector<16xi32>
        %and3A_1876 = arith.andi %iota3A_1681, %and3A_1875 : vector<16xi32>
        %eq3A_1877 = arith.constant 0 : i32
        %eq3A_1878 = vector.broadcast %eq3A_1877 : i32 to vector<16xi32>
        %eq3A_1879 = arith.cmpi eq, %and3A_1876, %eq3A_1878 : vector<16xi32>
        %xor3A_1880 = arith.constant 4 : i32
        %xor3A_1881 = vector.broadcast %xor3A_1880 : i32 to vector<16xi32>
        %xor3A_1882 = arith.xori %iota3A_1681, %xor3A_1881 : vector<16xi32>
        %broadcast_in_dim3A_1883 = vector.shape_cast %xor3A_1882 : vector<16xi32> to vector<16x1xi32>
        %gather3A_1884 = vector.shape_cast %broadcast_in_dim3A_1883 : vector<16x1xi32> to vector<16xi32>
        %gather3A_1885 = tpu.dynamic_gather %select_n3A_1828[%gather3A_1884] in [0] : vector<16xf32>, vector<16xi32> -> vector<16xf32>
        %add3A_1886 = arith.addf %select_n3A_1828, %gather3A_1885 : vector<16xf32>
        %xor3A_1887 = arith.constant 4 : i32
        %xor3A_1888 = vector.broadcast %xor3A_1887 : i32 to vector<16xi32>
        %xor3A_1889 = arith.xori %iota3A_1681, %xor3A_1888 : vector<16xi32>
        %broadcast_in_dim3A_1890 = vector.shape_cast %xor3A_1889 : vector<16xi32> to vector<16x1xi32>
        %gather3A_1891 = vector.shape_cast %broadcast_in_dim3A_1890 : vector<16x1xi32> to vector<16xi32>
        %gather3A_1892 = tpu.dynamic_gather %select_n3A_1843[%gather3A_1891] in [0] : vector<16xf32>, vector<16xi32> -> vector<16xf32>
        %add3A_1893 = arith.addf %select_n3A_1843, %gather3A_1892 : vector<16xf32>
        %select_n3A_1894 = arith.select %eq3A_1879, %add3A_1886, %add3A_1893 : vector<16xi1>, vector<16xf32>
        %xor3A_1895 = arith.constant 4 : i32
        %xor3A_1896 = vector.broadcast %xor3A_1895 : i32 to vector<16xi32>
        %xor3A_1897 = arith.xori %iota3A_1681, %xor3A_1896 : vector<16xi32>
        %broadcast_in_dim3A_1898 = vector.shape_cast %xor3A_1897 : vector<16xi32> to vector<16x1xi32>
        %gather3A_1899 = vector.shape_cast %broadcast_in_dim3A_1898 : vector<16x1xi32> to vector<16xi32>
        %gather3A_1900 = tpu.dynamic_gather %select_n3A_1858[%gather3A_1899] in [0] : vector<16xf32>, vector<16xi32> -> vector<16xf32>
        %add3A_1901 = arith.addf %select_n3A_1858, %gather3A_1900 : vector<16xf32>
        %xor3A_1902 = arith.constant 4 : i32
        %xor3A_1903 = vector.broadcast %xor3A_1902 : i32 to vector<16xi32>
        %xor3A_1904 = arith.xori %iota3A_1681, %xor3A_1903 : vector<16xi32>
        %broadcast_in_dim3A_1905 = vector.shape_cast %xor3A_1904 : vector<16xi32> to vector<16x1xi32>
        %gather3A_1906 = vector.shape_cast %broadcast_in_dim3A_1905 : vector<16x1xi32> to vector<16xi32>
        %gather3A_1907 = tpu.dynamic_gather %select_n3A_1873[%gather3A_1906] in [0] : vector<16xf32>, vector<16xi32> -> vector<16xf32>
        %add3A_1908 = arith.addf %select_n3A_1873, %gather3A_1907 : vector<16xf32>
        %select_n3A_1909 = arith.select %eq3A_1879, %add3A_1901, %add3A_1908 : vector<16xi1>, vector<16xf32>
        %and3A_1910 = arith.constant 8 : i32
        %and3A_1911 = vector.broadcast %and3A_1910 : i32 to vector<16xi32>
        %and3A_1912 = arith.andi %iota3A_1681, %and3A_1911 : vector<16xi32>
        %eq3A_1913 = arith.constant 0 : i32
        %eq3A_1914 = vector.broadcast %eq3A_1913 : i32 to vector<16xi32>
        %eq3A_1915 = arith.cmpi eq, %and3A_1912, %eq3A_1914 : vector<16xi32>
        %xor3A_1916 = arith.constant 8 : i32
        %xor3A_1917 = vector.broadcast %xor3A_1916 : i32 to vector<16xi32>
        %xor3A_1918 = arith.xori %iota3A_1681, %xor3A_1917 : vector<16xi32>
        %broadcast_in_dim3A_1919 = vector.shape_cast %xor3A_1918 : vector<16xi32> to vector<16x1xi32>
        %gather3A_1920 = vector.shape_cast %broadcast_in_dim3A_1919 : vector<16x1xi32> to vector<16xi32>
        %gather3A_1921 = tpu.dynamic_gather %select_n3A_1894[%gather3A_1920] in [0] : vector<16xf32>, vector<16xi32> -> vector<16xf32>
        %add3A_1922 = arith.addf %select_n3A_1894, %gather3A_1921 : vector<16xf32>
        %xor3A_1923 = arith.constant 8 : i32
        %xor3A_1924 = vector.broadcast %xor3A_1923 : i32 to vector<16xi32>
        %xor3A_1925 = arith.xori %iota3A_1681, %xor3A_1924 : vector<16xi32>
        %broadcast_in_dim3A_1926 = vector.shape_cast %xor3A_1925 : vector<16xi32> to vector<16x1xi32>
        %gather3A_1927 = vector.shape_cast %broadcast_in_dim3A_1926 : vector<16x1xi32> to vector<16xi32>
        %gather3A_1928 = tpu.dynamic_gather %select_n3A_1909[%gather3A_1927] in [0] : vector<16xf32>, vector<16xi32> -> vector<16xf32>
        %add3A_1929 = arith.addf %select_n3A_1909, %gather3A_1928 : vector<16xf32>
        %select_n3A_1930 = arith.select %eq3A_1915, %add3A_1922, %add3A_1929 : vector<16xi1>, vector<16xf32>
        %lt3A_1931 = arith.constant 1.000000e+00 : f32
        %lt3A_1932 = vector.broadcast %lt3A_1931 : f32 to vector<16xf32>
        %lt3A_1933 = arith.cmpf olt, %select_n3A_1930, %lt3A_1932 : vector<16xf32>
        %mul3A_1934 = arith.constant 9.22337203E+18 : f32
        %mul3A_1935 = vector.broadcast %mul3A_1934 : f32 to vector<16xf32>
        %mul3A_1936 = arith.mulf %select_n3A_1930, %mul3A_1935 : vector<16xf32>
        %mul3A_1937 = arith.constant 9.22337203E+18 : f32
        %mul3A_1938 = vector.broadcast %mul3A_1937 : f32 to vector<16xf32>
        %mul3A_1939 = arith.mulf %mul3A_1936, %mul3A_1938 : vector<16xf32>
        %select_n3A_1940 = arith.select %lt3A_1933, %mul3A_1939, %select_n3A_1930 : vector<16xi1>, vector<16xf32>
        %jit3A_1941 = arith.constant -1.260000e+02 : f32
        %jit3A_1942 = arith.constant 0.000000e+00 : f32
        %broadcast_in_dim3A_1943 = vector.broadcast %jit3A_1941 : f32 to vector<16xf32>
        %broadcast_in_dim3A_1944 = vector.broadcast %jit3A_1942 : f32 to vector<16xf32>
        %select_n3A_1945 = arith.select %lt3A_1933, %broadcast_in_dim3A_1943, %broadcast_in_dim3A_1944 : vector<16xi1>, vector<16xf32>
        %ge3A_1946 = arith.constant 1.84467441E+19 : f32
        %ge3A_1947 = vector.broadcast %ge3A_1946 : f32 to vector<16xf32>
        %ge3A_1948 = arith.cmpf oge, %select_n3A_1940, %ge3A_1947 : vector<16xf32>
        %mul3A_1949 = arith.constant 5.42101086E-20 : f32
        %mul3A_1950 = vector.broadcast %mul3A_1949 : f32 to vector<16xf32>
        %mul3A_1951 = arith.mulf %select_n3A_1940, %mul3A_1950 : vector<16xf32>
        %select_n3A_1952 = arith.select %ge3A_1948, %mul3A_1951, %select_n3A_1940 : vector<16xi1>, vector<16xf32>
        %jit3A_1953 = arith.constant 6.400000e+01 : f32
        %jit3A_1954 = arith.constant 0.000000e+00 : f32
        %broadcast_in_dim3A_1955 = vector.broadcast %jit3A_1953 : f32 to vector<16xf32>
        %broadcast_in_dim3A_1956 = vector.broadcast %jit3A_1954 : f32 to vector<16xf32>
        %select_n3A_1957 = arith.select %ge3A_1948, %broadcast_in_dim3A_1955, %broadcast_in_dim3A_1956 : vector<16xi1>, vector<16xf32>
        %add3A_1958 = arith.addf %select_n3A_1945, %select_n3A_1957 : vector<16xf32>
        %ge3A_1959 = arith.constant 4.2949673E+9 : f32
        %ge3A_1960 = vector.broadcast %ge3A_1959 : f32 to vector<16xf32>
        %ge3A_1961 = arith.cmpf oge, %select_n3A_1952, %ge3A_1960 : vector<16xf32>
        %mul3A_1962 = arith.constant 2.32830644E-10 : f32
        %mul3A_1963 = vector.broadcast %mul3A_1962 : f32 to vector<16xf32>
        %mul3A_1964 = arith.mulf %select_n3A_1952, %mul3A_1963 : vector<16xf32>
        %select_n3A_1965 = arith.select %ge3A_1961, %mul3A_1964, %select_n3A_1952 : vector<16xi1>, vector<16xf32>
        %jit3A_1966 = arith.constant 3.200000e+01 : f32
        %jit3A_1967 = arith.constant 0.000000e+00 : f32
        %broadcast_in_dim3A_1968 = vector.broadcast %jit3A_1966 : f32 to vector<16xf32>
        %broadcast_in_dim3A_1969 = vector.broadcast %jit3A_1967 : f32 to vector<16xf32>
        %select_n3A_1970 = arith.select %ge3A_1961, %broadcast_in_dim3A_1968, %broadcast_in_dim3A_1969 : vector<16xi1>, vector<16xf32>
        %add3A_1971 = arith.addf %add3A_1958, %select_n3A_1970 : vector<16xf32>
        %ge3A_1972 = arith.constant 6.553600e+04 : f32
        %ge3A_1973 = vector.broadcast %ge3A_1972 : f32 to vector<16xf32>
        %ge3A_1974 = arith.cmpf oge, %select_n3A_1965, %ge3A_1973 : vector<16xf32>
        %mul3A_1975 = arith.constant 1.52587891E-5 : f32
        %mul3A_1976 = vector.broadcast %mul3A_1975 : f32 to vector<16xf32>
        %mul3A_1977 = arith.mulf %select_n3A_1965, %mul3A_1976 : vector<16xf32>
        %select_n3A_1978 = arith.select %ge3A_1974, %mul3A_1977, %select_n3A_1965 : vector<16xi1>, vector<16xf32>
        %jit3A_1979 = arith.constant 1.600000e+01 : f32
        %jit3A_1980 = arith.constant 0.000000e+00 : f32
        %broadcast_in_dim3A_1981 = vector.broadcast %jit3A_1979 : f32 to vector<16xf32>
        %broadcast_in_dim3A_1982 = vector.broadcast %jit3A_1980 : f32 to vector<16xf32>
        %select_n3A_1983 = arith.select %ge3A_1974, %broadcast_in_dim3A_1981, %broadcast_in_dim3A_1982 : vector<16xi1>, vector<16xf32>
        %add3A_1984 = arith.addf %add3A_1971, %select_n3A_1983 : vector<16xf32>
        %ge3A_1985 = arith.constant 2.560000e+02 : f32
        %ge3A_1986 = vector.broadcast %ge3A_1985 : f32 to vector<16xf32>
        %ge3A_1987 = arith.cmpf oge, %select_n3A_1978, %ge3A_1986 : vector<16xf32>
        %mul3A_1988 = arith.constant 3.906250e-03 : f32
        %mul3A_1989 = vector.broadcast %mul3A_1988 : f32 to vector<16xf32>
        %mul3A_1990 = arith.mulf %select_n3A_1978, %mul3A_1989 : vector<16xf32>
        %select_n3A_1991 = arith.select %ge3A_1987, %mul3A_1990, %select_n3A_1978 : vector<16xi1>, vector<16xf32>
        %jit3A_1992 = arith.constant 8.000000e+00 : f32
        %jit3A_1993 = arith.constant 0.000000e+00 : f32
        %broadcast_in_dim3A_1994 = vector.broadcast %jit3A_1992 : f32 to vector<16xf32>
        %broadcast_in_dim3A_1995 = vector.broadcast %jit3A_1993 : f32 to vector<16xf32>
        %select_n3A_1996 = arith.select %ge3A_1987, %broadcast_in_dim3A_1994, %broadcast_in_dim3A_1995 : vector<16xi1>, vector<16xf32>
        %add3A_1997 = arith.addf %add3A_1984, %select_n3A_1996 : vector<16xf32>
        %ge3A_1998 = arith.constant 1.600000e+01 : f32
        %ge3A_1999 = vector.broadcast %ge3A_1998 : f32 to vector<16xf32>
        %ge3A_2000 = arith.cmpf oge, %select_n3A_1991, %ge3A_1999 : vector<16xf32>
        %mul3A_2001 = arith.constant 6.250000e-02 : f32
        %mul3A_2002 = vector.broadcast %mul3A_2001 : f32 to vector<16xf32>
        %mul3A_2003 = arith.mulf %select_n3A_1991, %mul3A_2002 : vector<16xf32>
        %select_n3A_2004 = arith.select %ge3A_2000, %mul3A_2003, %select_n3A_1991 : vector<16xi1>, vector<16xf32>
        %jit3A_2005 = arith.constant 4.000000e+00 : f32
        %jit3A_2006 = arith.constant 0.000000e+00 : f32
        %broadcast_in_dim3A_2007 = vector.broadcast %jit3A_2005 : f32 to vector<16xf32>
        %broadcast_in_dim3A_2008 = vector.broadcast %jit3A_2006 : f32 to vector<16xf32>
        %select_n3A_2009 = arith.select %ge3A_2000, %broadcast_in_dim3A_2007, %broadcast_in_dim3A_2008 : vector<16xi1>, vector<16xf32>
        %add3A_2010 = arith.addf %add3A_1997, %select_n3A_2009 : vector<16xf32>
        %ge3A_2011 = arith.constant 4.000000e+00 : f32
        %ge3A_2012 = vector.broadcast %ge3A_2011 : f32 to vector<16xf32>
        %ge3A_2013 = arith.cmpf oge, %select_n3A_2004, %ge3A_2012 : vector<16xf32>
        %mul3A_2014 = arith.constant 2.500000e-01 : f32
        %mul3A_2015 = vector.broadcast %mul3A_2014 : f32 to vector<16xf32>
        %mul3A_2016 = arith.mulf %select_n3A_2004, %mul3A_2015 : vector<16xf32>
        %select_n3A_2017 = arith.select %ge3A_2013, %mul3A_2016, %select_n3A_2004 : vector<16xi1>, vector<16xf32>
        %jit3A_2018 = arith.constant 2.000000e+00 : f32
        %jit3A_2019 = arith.constant 0.000000e+00 : f32
        %broadcast_in_dim3A_2020 = vector.broadcast %jit3A_2018 : f32 to vector<16xf32>
        %broadcast_in_dim3A_2021 = vector.broadcast %jit3A_2019 : f32 to vector<16xf32>
        %select_n3A_2022 = arith.select %ge3A_2013, %broadcast_in_dim3A_2020, %broadcast_in_dim3A_2021 : vector<16xi1>, vector<16xf32>
        %add3A_2023 = arith.addf %add3A_2010, %select_n3A_2022 : vector<16xf32>
        %ge3A_2024 = arith.constant 2.000000e+00 : f32
        %ge3A_2025 = vector.broadcast %ge3A_2024 : f32 to vector<16xf32>
        %ge3A_2026 = arith.cmpf oge, %select_n3A_2017, %ge3A_2025 : vector<16xf32>
        %mul3A_2027 = arith.constant 5.000000e-01 : f32
        %mul3A_2028 = vector.broadcast %mul3A_2027 : f32 to vector<16xf32>
        %mul3A_2029 = arith.mulf %select_n3A_2017, %mul3A_2028 : vector<16xf32>
        %select_n3A_2030 = arith.select %ge3A_2026, %mul3A_2029, %select_n3A_2017 : vector<16xi1>, vector<16xf32>
        %jit3A_2031 = arith.constant 1.000000e+00 : f32
        %jit3A_2032 = arith.constant 0.000000e+00 : f32
        %broadcast_in_dim3A_2033 = vector.broadcast %jit3A_2031 : f32 to vector<16xf32>
        %broadcast_in_dim3A_2034 = vector.broadcast %jit3A_2032 : f32 to vector<16xf32>
        %select_n3A_2035 = arith.select %ge3A_2026, %broadcast_in_dim3A_2033, %broadcast_in_dim3A_2034 : vector<16xi1>, vector<16xf32>
        %add3A_2036 = arith.addf %add3A_2023, %select_n3A_2035 : vector<16xf32>
        %gt3A_2037 = arith.constant 1.41421354 : f32
        %gt3A_2038 = vector.broadcast %gt3A_2037 : f32 to vector<16xf32>
        %gt3A_2039 = arith.cmpf ogt, %select_n3A_2030, %gt3A_2038 : vector<16xf32>
        %mul3A_2040 = arith.constant 5.000000e-01 : f32
        %mul3A_2041 = vector.broadcast %mul3A_2040 : f32 to vector<16xf32>
        %mul3A_2042 = arith.mulf %select_n3A_2030, %mul3A_2041 : vector<16xf32>
        %select_n3A_2043 = arith.select %gt3A_2039, %mul3A_2042, %select_n3A_2030 : vector<16xi1>, vector<16xf32>
        %jit3A_2044 = arith.constant 1.000000e+00 : f32
        %jit3A_2045 = arith.constant 0.000000e+00 : f32
        %broadcast_in_dim3A_2046 = vector.broadcast %jit3A_2044 : f32 to vector<16xf32>
        %broadcast_in_dim3A_2047 = vector.broadcast %jit3A_2045 : f32 to vector<16xf32>
        %select_n3A_2048 = arith.select %gt3A_2039, %broadcast_in_dim3A_2046, %broadcast_in_dim3A_2047 : vector<16xi1>, vector<16xf32>
        %add3A_2049 = arith.addf %add3A_2036, %select_n3A_2048 : vector<16xf32>
        %sub3A_2050 = arith.constant 1.000000e+00 : f32
        %sub3A_2051 = vector.broadcast %sub3A_2050 : f32 to vector<16xf32>
        %sub3A_2052 = arith.subf %select_n3A_2043, %sub3A_2051 : vector<16xf32>
        %add3A_2053 = arith.constant 1.000000e+00 : f32
        %add3A_2054 = vector.broadcast %add3A_2053 : f32 to vector<16xf32>
        %add3A_2055 = arith.addf %select_n3A_2043, %add3A_2054 : vector<16xf32>
        %div3A_2056 = arith.divf %sub3A_2052, %add3A_2055 : vector<16xf32>
        %mul3A_2057 = arith.mulf %div3A_2056, %div3A_2056 : vector<16xf32>
        %mul3A_2058 = arith.constant 0.222222224 : f32
        %mul3A_2059 = vector.broadcast %mul3A_2058 : f32 to vector<16xf32>
        %mul3A_2060 = arith.mulf %mul3A_2057, %mul3A_2059 : vector<16xf32>
        %add3A_2061 = arith.constant 0.285714298 : f32
        %add3A_2062 = vector.broadcast %add3A_2061 : f32 to vector<16xf32>
        %add3A_2063 = arith.addf %add3A_2062, %mul3A_2060 : vector<16xf32>
        %mul3A_2064 = arith.mulf %mul3A_2057, %add3A_2063 : vector<16xf32>
        %add3A_2065 = arith.constant 4.000000e-01 : f32
        %add3A_2066 = vector.broadcast %add3A_2065 : f32 to vector<16xf32>
        %add3A_2067 = arith.addf %add3A_2066, %mul3A_2064 : vector<16xf32>
        %mul3A_2068 = arith.mulf %mul3A_2057, %add3A_2067 : vector<16xf32>
        %add3A_2069 = arith.constant 0.666666686 : f32
        %add3A_2070 = vector.broadcast %add3A_2069 : f32 to vector<16xf32>
        %add3A_2071 = arith.addf %add3A_2070, %mul3A_2068 : vector<16xf32>
        %mul3A_2072 = arith.mulf %mul3A_2057, %add3A_2071 : vector<16xf32>
        %add3A_2073 = arith.constant 2.000000e+00 : f32
        %add3A_2074 = vector.broadcast %add3A_2073 : f32 to vector<16xf32>
        %add3A_2075 = arith.addf %add3A_2074, %mul3A_2072 : vector<16xf32>
        %mul3A_2076 = arith.mulf %div3A_2056, %add3A_2075 : vector<16xf32>
        %mul3A_2077 = arith.constant 0.693147182 : f32
        %mul3A_2078 = vector.broadcast %mul3A_2077 : f32 to vector<16xf32>
        %mul3A_2079 = arith.mulf %add3A_2049, %mul3A_2078 : vector<16xf32>
        %add3A_2080 = arith.addf %mul3A_2079, %mul3A_2076 : vector<16xf32>
        %add3A_2081 = arith.addf %max3A_689, %add3A_2080 : vector<16xf32>
        %swap3A_2082 = arith.constant 16 : index
        %swap3A_2083 = tpu.vector_load %arg8[%swap3A_2082] {strides = array<i32>} : memref<64xf32, #tpu.memory_space<vmem>>, vector<16xf32>,
        %swap3A_2084 = vector.shape_cast %swap3A_2083 : vector<16xf32> to vector<16xf32>
        %swap3A_2085 = vector.shape_cast %add3A_2081 : vector<16xf32> to vector<16xf32>
        tpu.vector_store %arg8[%swap3A_2082], %swap3A_2085 {strides = array<i32>} : memref<64xf32, #tpu.memory_space<vmem>>, vector<16xf32>,
        %lt3A_2086 = arith.constant 15 : i32
        %lt3A_2087 = arith.cmpi slt, %scan3A_405, %lt3A_2086 : i32
        %convert_element_type3A_2088 = arith.extui %lt3A_2087 : i1 to i32
        %cond3A_2089 = arith.constant 0 : i32
        %cond3A_2090 = arith.cmpi ne, %convert_element_type3A_2088, %cond3A_2089 : i32
        scf.if %cond3A_2090 {
          %sub3A_2992 = arith.constant 1 : i32
          %sub3A_2993 = arith.subi %sub3A_407, %sub3A_2992 : i32
          %dma_start3A_2994 = arith.constant 0 : i32
          %dma_start3A_2995 = tpu.memref_slice %arg2[%sub3A_2993, %mul3A_2, %dma_start3A_2994] : memref<16x1024x1024xf32, #tpu.memory_space<hbm>> -> memref<1x32x1024xf32, #tpu.memory_space<hbm>>
          %dma_start3A_2996 = tpu.memref_squeeze %dma_start3A_2995 : memref<1x32x1024xf32, #tpu.memory_space<hbm>> -> memref<32x1024xf32, #tpu.memory_space<hbm>>
          %dma_start3A_2997 = arith.constant 0 : i32
          %dma_start3A_2998 = tpu.memref_slice %arg2[%sub3A_2993, %mul3A_2, %dma_start3A_2997] : memref<16x1024x1024xf32, #tpu.memory_space<hbm>> -> memref<1x32x1024xf32, #tpu.memory_space<hbm>>
          %dma_start3A_2999 = tpu.memref_squeeze %dma_start3A_2998 : memref<1x32x1024xf32, #tpu.memory_space<hbm>> -> memref<32x1024xf32, #tpu.memory_space<hbm>>
          tpu.enqueue_dma source(%dma_start3A_2999 : memref<32x1024xf32, #tpu.memory_space<hbm>>) target(%arg4 : memref<32x1024xf32, #tpu.memory_space<vmem>>) target_semaphore(%arg10 : memref<!tpu.dma_semaphore, #tpu.memory_space<semaphore_mem>>)
        } else {
        }
        %add3A_2091 = arith.constant 32 : i32
        %add3A_2092 = arith.addi %mul3A_2, %add3A_2091 : i32
        %dma_wait3A_2093 = arith.constant 0 : i32
        %dma_wait3A_2094 = tpu.memref_slice %arg2[%sub3A_407, %add3A_2092, %dma_wait3A_2093] : memref<16x1024x1024xf32, #tpu.memory_space<hbm>> -> memref<1x32x1024xf32, #tpu.memory_space<hbm>>
        %dma_wait3A_2095 = tpu.memref_squeeze %dma_wait3A_2094 : memref<1x32x1024xf32, #tpu.memory_space<hbm>> -> memref<32x1024xf32, #tpu.memory_space<hbm>>
        %dma_wait3A_2096 = arith.constant 0 : i32
        %dma_wait3A_2097 = tpu.memref_slice %arg2[%sub3A_407, %add3A_2092, %dma_wait3A_2096] : memref<16x1024x1024xf32, #tpu.memory_space<hbm>> -> memref<1x32x1024xf32, #tpu.memory_space<hbm>>
        %dma_wait3A_2098 = tpu.memref_squeeze %dma_wait3A_2097 : memref<1x32x1024xf32, #tpu.memory_space<hbm>> -> memref<32x1024xf32, #tpu.memory_space<hbm>>
        tpu.wait_dma2 semaphore(%arg11 : memref<!tpu.dma_semaphore, #tpu.memory_space<semaphore_mem>>) src(%dma_wait3A_2098 : memref<32x1024xf32, #tpu.memory_space<hbm>>) dst(%arg5 : memref<32x1024xf32, #tpu.memory_space<vmem>>)
        %broadcast_in_dim3A_2099 = arith.constant 0.000000e+00 : f32
        %broadcast_in_dim3A_2100 = vector.broadcast %broadcast_in_dim3A_2099 : f32 to vector<16xf32>
        %broadcast_in_dim3A_2101 = arith.constant 0.000000e+00 : f32
        %broadcast_in_dim3A_2102 = vector.broadcast %broadcast_in_dim3A_2101 : f32 to vector<16xf32>
        %broadcast_in_dim3A_2103 = arith.constant 0.000000e+00 : f32
        %broadcast_in_dim3A_2104 = vector.broadcast %broadcast_in_dim3A_2103 : f32 to vector<16xf32>
        %broadcast_in_dim3A_2105 = arith.constant 0.000000e+00 : f32
        %broadcast_in_dim3A_2106 = vector.broadcast %broadcast_in_dim3A_2105 : f32 to vector<16xf32>
        %broadcast_in_dim3A_2107 = arith.constant 0.000000e+00 : f32
        %broadcast_in_dim3A_2108 = vector.broadcast %broadcast_in_dim3A_2107 : f32 to vector<16xf32>
        %broadcast_in_dim3A_2109 = arith.constant 0.000000e+00 : f32
        %broadcast_in_dim3A_2110 = vector.broadcast %broadcast_in_dim3A_2109 : f32 to vector<16xf32>
        %broadcast_in_dim3A_2111 = arith.constant 0.000000e+00 : f32
        %broadcast_in_dim3A_2112 = vector.broadcast %broadcast_in_dim3A_2111 : f32 to vector<16xf32>
        %broadcast_in_dim3A_2113 = arith.constant 0.000000e+00 : f32
        %broadcast_in_dim3A_2114 = vector.broadcast %broadcast_in_dim3A_2113 : f32 to vector<16xf32>
        %broadcast_in_dim3A_2115 = arith.constant 0.000000e+00 : f32
        %broadcast_in_dim3A_2116 = vector.broadcast %broadcast_in_dim3A_2115 : f32 to vector<16xf32>
        %broadcast_in_dim3A_2117 = arith.constant 0.000000e+00 : f32
        %broadcast_in_dim3A_2118 = vector.broadcast %broadcast_in_dim3A_2117 : f32 to vector<16xf32>
        %broadcast_in_dim3A_2119 = arith.constant 0.000000e+00 : f32
        %broadcast_in_dim3A_2120 = vector.broadcast %broadcast_in_dim3A_2119 : f32 to vector<16xf32>
        %broadcast_in_dim3A_2121 = arith.constant 0.000000e+00 : f32
        %broadcast_in_dim3A_2122 = vector.broadcast %broadcast_in_dim3A_2121 : f32 to vector<16xf32>
        %broadcast_in_dim3A_2123 = arith.constant 0.000000e+00 : f32
        %broadcast_in_dim3A_2124 = vector.broadcast %broadcast_in_dim3A_2123 : f32 to vector<16xf32>
        %broadcast_in_dim3A_2125 = arith.constant 0.000000e+00 : f32
        %broadcast_in_dim3A_2126 = vector.broadcast %broadcast_in_dim3A_2125 : f32 to vector<16xf32>
        %broadcast_in_dim3A_2127 = arith.constant 0.000000e+00 : f32
        %broadcast_in_dim3A_2128 = vector.broadcast %broadcast_in_dim3A_2127 : f32 to vector<16xf32>
        %broadcast_in_dim3A_2129 = arith.constant 0.000000e+00 : f32
        %broadcast_in_dim3A_2130 = vector.broadcast %broadcast_in_dim3A_2129 : f32 to vector<16xf32>
        %scan3A_2131 = arith.constant 0 : i32
        %scan3A_2132 = arith.constant 64 : i32
        %scan3A_2133 = arith.addi %scan3A_2131, %scan3A_2132 : i32
        %scan3A_2134 = arith.constant 2 : i32
        %scan3A_2135:16 = scf.for %scan3A_2992 = %scan3A_2131 to %scan3A_2133 step %scan3A_2134 iter_args(%scan3A_2993 = %broadcast_in_dim3A_2100, %scan3A_2994 = %broadcast_in_dim3A_2102, %scan3A_2995 = %broadcast_in_dim3A_2104, %scan3A_2996 = %broadcast_in_dim3A_2106, %scan3A_2997 = %broadcast_in_dim3A_2108, %scan3A_2998 = %broadcast_in_dim3A_2110, %scan3A_2999 = %broadcast_in_dim3A_2112, %scan3A_3000 = %broadcast_in_dim3A_2114, %scan3A_3001 = %broadcast_in_dim3A_2116, %scan3A_3002 = %broadcast_in_dim3A_2118, %scan3A_3003 = %broadcast_in_dim3A_2120, %scan3A_3004 = %broadcast_in_dim3A_2122, %scan3A_3005 = %broadcast_in_dim3A_2124, %scan3A_3006 = %broadcast_in_dim3A_2126, %scan3A_3007 = %broadcast_in_dim3A_2128, %scan3A_3008 = %broadcast_in_dim3A_2130) -> (vector<16xf32>, vector<16xf32>, vector<16xf32>, vector<16xf32>, vector<16xf32>, vector<16xf32>, vector<16xf32>, vector<16xf32>, vector<16xf32>, vector<16xf32>, vector<16xf32>, vector<16xf32>, vector<16xf32>, vector<16xf32>, vector<16xf32>, vector<16xf32>)  : i32 {
          %mul3A_3009 = arith.constant 16 : i32
          %mul3A_3010 = arith.muli %scan3A_2992, %mul3A_3009 : i32
          %get3A_3011 = arith.index_cast %mul3A_3010 : i32 to index
          %get3A_3012 = tpu.vector_load %arg7[%get3A_3011] {strides = array<i32>} : memref<1024xf32, #tpu.memory_space<vmem>>, vector<16xf32>,
          %get3A_3013 = vector.shape_cast %get3A_3012 : vector<16xf32> to vector<16xf32>
          %mul3A_3014 = arith.constant 16 : i32
          %mul3A_3015 = arith.muli %scan3A_2992, %mul3A_3014 : i32
          %get3A_3016 = arith.constant 0 : i32
          %get3A_3017 = arith.index_cast %get3A_3016 : i32 to index
          %get3A_3018 = arith.index_cast %mul3A_3015 : i32 to index
          %get3A_3019 = tpu.vector_load %arg5[%get3A_3017, %get3A_3018] {strides = array<i32>} : memref<32x1024xf32, #tpu.memory_space<vmem>>, vector<1x16xf32>,
          %get3A_3020 = vector.shape_cast %get3A_3019 : vector<1x16xf32> to vector<16xf32>
          %add3A_3021 = arith.addf %get3A_3020, %get3A_3013 : vector<16xf32>
          %exp3A = math.exp %add3A_3021 : vector<16xf32>
          %add3A_3022 = arith.addf %scan3A_2993, %exp3A : vector<16xf32>
          %mul3A_3023 = arith.constant 16 : i32
          %mul3A_3024 = arith.muli %scan3A_2992, %mul3A_3023 : i32
          %get3A_3025 = arith.constant 1 : i32
          %get3A_3026 = arith.index_cast %get3A_3025 : i32 to index
          %get3A_3027 = arith.index_cast %mul3A_3024 : i32 to index
          %get3A_3028 = tpu.vector_load %arg5[%get3A_3026, %get3A_3027] {strides = array<i32>} : memref<32x1024xf32, #tpu.memory_space<vmem>>, vector<1x16xf32>,
          %get3A_3029 = vector.shape_cast %get3A_3028 : vector<1x16xf32> to vector<16xf32>
          %add3A_3030 = arith.addf %get3A_3029, %get3A_3013 : vector<16xf32>
          %exp3A_3031 = math.exp %add3A_3030 : vector<16xf32>
          %add3A_3032 = arith.addf %scan3A_2994, %exp3A_3031 : vector<16xf32>
          %mul3A_3033 = arith.constant 16 : i32
          %mul3A_3034 = arith.muli %scan3A_2992, %mul3A_3033 : i32
          %get3A_3035 = arith.constant 2 : i32
          %get3A_3036 = arith.index_cast %get3A_3035 : i32 to index
          %get3A_3037 = arith.index_cast %mul3A_3034 : i32 to index
          %get3A_3038 = tpu.vector_load %arg5[%get3A_3036, %get3A_3037] {strides = array<i32>} : memref<32x1024xf32, #tpu.memory_space<vmem>>, vector<1x16xf32>,
          %get3A_3039 = vector.shape_cast %get3A_3038 : vector<1x16xf32> to vector<16xf32>
          %add3A_3040 = arith.addf %get3A_3039, %get3A_3013 : vector<16xf32>
          %exp3A_3041 = math.exp %add3A_3040 : vector<16xf32>
          %add3A_3042 = arith.addf %scan3A_2995, %exp3A_3041 : vector<16xf32>
          %mul3A_3043 = arith.constant 16 : i32
          %mul3A_3044 = arith.muli %scan3A_2992, %mul3A_3043 : i32
          %get3A_3045 = arith.constant 3 : i32
          %get3A_3046 = arith.index_cast %get3A_3045 : i32 to index
          %get3A_3047 = arith.index_cast %mul3A_3044 : i32 to index
          %get3A_3048 = tpu.vector_load %arg5[%get3A_3046, %get3A_3047] {strides = array<i32>} : memref<32x1024xf32, #tpu.memory_space<vmem>>, vector<1x16xf32>,
          %get3A_3049 = vector.shape_cast %get3A_3048 : vector<1x16xf32> to vector<16xf32>
          %add3A_3050 = arith.addf %get3A_3049, %get3A_3013 : vector<16xf32>
          %exp3A_3051 = math.exp %add3A_3050 : vector<16xf32>
          %add3A_3052 = arith.addf %scan3A_2996, %exp3A_3051 : vector<16xf32>
          %mul3A_3053 = arith.constant 16 : i32
          %mul3A_3054 = arith.muli %scan3A_2992, %mul3A_3053 : i32
          %get3A_3055 = arith.constant 4 : i32
          %get3A_3056 = arith.index_cast %get3A_3055 : i32 to index
          %get3A_3057 = arith.index_cast %mul3A_3054 : i32 to index
          %get3A_3058 = tpu.vector_load %arg5[%get3A_3056, %get3A_3057] {strides = array<i32>} : memref<32x1024xf32, #tpu.memory_space<vmem>>, vector<1x16xf32>,
          %get3A_3059 = vector.shape_cast %get3A_3058 : vector<1x16xf32> to vector<16xf32>
          %add3A_3060 = arith.addf %get3A_3059, %get3A_3013 : vector<16xf32>
          %exp3A_3061 = math.exp %add3A_3060 : vector<16xf32>
          %add3A_3062 = arith.addf %scan3A_2997, %exp3A_3061 : vector<16xf32>
          %mul3A_3063 = arith.constant 16 : i32
          %mul3A_3064 = arith.muli %scan3A_2992, %mul3A_3063 : i32
          %get3A_3065 = arith.constant 5 : i32
          %get3A_3066 = arith.index_cast %get3A_3065 : i32 to index
          %get3A_3067 = arith.index_cast %mul3A_3064 : i32 to index
          %get3A_3068 = tpu.vector_load %arg5[%get3A_3066, %get3A_3067] {strides = array<i32>} : memref<32x1024xf32, #tpu.memory_space<vmem>>, vector<1x16xf32>,
          %get3A_3069 = vector.shape_cast %get3A_3068 : vector<1x16xf32> to vector<16xf32>
          %add3A_3070 = arith.addf %get3A_3069, %get3A_3013 : vector<16xf32>
          %exp3A_3071 = math.exp %add3A_3070 : vector<16xf32>
          %add3A_3072 = arith.addf %scan3A_2998, %exp3A_3071 : vector<16xf32>
          %mul3A_3073 = arith.constant 16 : i32
          %mul3A_3074 = arith.muli %scan3A_2992, %mul3A_3073 : i32
          %get3A_3075 = arith.constant 6 : i32
          %get3A_3076 = arith.index_cast %get3A_3075 : i32 to index
          %get3A_3077 = arith.index_cast %mul3A_3074 : i32 to index
          %get3A_3078 = tpu.vector_load %arg5[%get3A_3076, %get3A_3077] {strides = array<i32>} : memref<32x1024xf32, #tpu.memory_space<vmem>>, vector<1x16xf32>,
          %get3A_3079 = vector.shape_cast %get3A_3078 : vector<1x16xf32> to vector<16xf32>
          %add3A_3080 = arith.addf %get3A_3079, %get3A_3013 : vector<16xf32>
          %exp3A_3081 = math.exp %add3A_3080 : vector<16xf32>
          %add3A_3082 = arith.addf %scan3A_2999, %exp3A_3081 : vector<16xf32>
          %mul3A_3083 = arith.constant 16 : i32
          %mul3A_3084 = arith.muli %scan3A_2992, %mul3A_3083 : i32
          %get3A_3085 = arith.constant 7 : i32
          %get3A_3086 = arith.index_cast %get3A_3085 : i32 to index
          %get3A_3087 = arith.index_cast %mul3A_3084 : i32 to index
          %get3A_3088 = tpu.vector_load %arg5[%get3A_3086, %get3A_3087] {strides = array<i32>} : memref<32x1024xf32, #tpu.memory_space<vmem>>, vector<1x16xf32>,
          %get3A_3089 = vector.shape_cast %get3A_3088 : vector<1x16xf32> to vector<16xf32>
          %add3A_3090 = arith.addf %get3A_3089, %get3A_3013 : vector<16xf32>
          %exp3A_3091 = math.exp %add3A_3090 : vector<16xf32>
          %add3A_3092 = arith.addf %scan3A_3000, %exp3A_3091 : vector<16xf32>
          %mul3A_3093 = arith.constant 16 : i32
          %mul3A_3094 = arith.muli %scan3A_2992, %mul3A_3093 : i32
          %get3A_3095 = arith.constant 8 : i32
          %get3A_3096 = arith.index_cast %get3A_3095 : i32 to index
          %get3A_3097 = arith.index_cast %mul3A_3094 : i32 to index
          %get3A_3098 = tpu.vector_load %arg5[%get3A_3096, %get3A_3097] {strides = array<i32>} : memref<32x1024xf32, #tpu.memory_space<vmem>>, vector<1x16xf32>,
          %get3A_3099 = vector.shape_cast %get3A_3098 : vector<1x16xf32> to vector<16xf32>
          %add3A_3100 = arith.addf %get3A_3099, %get3A_3013 : vector<16xf32>
          %exp3A_3101 = math.exp %add3A_3100 : vector<16xf32>
          %add3A_3102 = arith.addf %scan3A_3001, %exp3A_3101 : vector<16xf32>
          %mul3A_3103 = arith.constant 16 : i32
          %mul3A_3104 = arith.muli %scan3A_2992, %mul3A_3103 : i32
          %get3A_3105 = arith.constant 9 : i32
          %get3A_3106 = arith.index_cast %get3A_3105 : i32 to index
          %get3A_3107 = arith.index_cast %mul3A_3104 : i32 to index
          %get3A_3108 = tpu.vector_load %arg5[%get3A_3106, %get3A_3107] {strides = array<i32>} : memref<32x1024xf32, #tpu.memory_space<vmem>>, vector<1x16xf32>,
          %get3A_3109 = vector.shape_cast %get3A_3108 : vector<1x16xf32> to vector<16xf32>
          %add3A_3110 = arith.addf %get3A_3109, %get3A_3013 : vector<16xf32>
          %exp3A_3111 = math.exp %add3A_3110 : vector<16xf32>
          %add3A_3112 = arith.addf %scan3A_3002, %exp3A_3111 : vector<16xf32>
          %mul3A_3113 = arith.constant 16 : i32
          %mul3A_3114 = arith.muli %scan3A_2992, %mul3A_3113 : i32
          %get3A_3115 = arith.constant 10 : i32
          %get3A_3116 = arith.index_cast %get3A_3115 : i32 to index
          %get3A_3117 = arith.index_cast %mul3A_3114 : i32 to index
          %get3A_3118 = tpu.vector_load %arg5[%get3A_3116, %get3A_3117] {strides = array<i32>} : memref<32x1024xf32, #tpu.memory_space<vmem>>, vector<1x16xf32>,
          %get3A_3119 = vector.shape_cast %get3A_3118 : vector<1x16xf32> to vector<16xf32>
          %add3A_3120 = arith.addf %get3A_3119, %get3A_3013 : vector<16xf32>
          %exp3A_3121 = math.exp %add3A_3120 : vector<16xf32>
          %add3A_3122 = arith.addf %scan3A_3003, %exp3A_3121 : vector<16xf32>
          %mul3A_3123 = arith.constant 16 : i32
          %mul3A_3124 = arith.muli %scan3A_2992, %mul3A_3123 : i32
          %get3A_3125 = arith.constant 11 : i32
          %get3A_3126 = arith.index_cast %get3A_3125 : i32 to index
          %get3A_3127 = arith.index_cast %mul3A_3124 : i32 to index
          %get3A_3128 = tpu.vector_load %arg5[%get3A_3126, %get3A_3127] {strides = array<i32>} : memref<32x1024xf32, #tpu.memory_space<vmem>>, vector<1x16xf32>,
          %get3A_3129 = vector.shape_cast %get3A_3128 : vector<1x16xf32> to vector<16xf32>
          %add3A_3130 = arith.addf %get3A_3129, %get3A_3013 : vector<16xf32>
          %exp3A_3131 = math.exp %add3A_3130 : vector<16xf32>
          %add3A_3132 = arith.addf %scan3A_3004, %exp3A_3131 : vector<16xf32>
          %mul3A_3133 = arith.constant 16 : i32
          %mul3A_3134 = arith.muli %scan3A_2992, %mul3A_3133 : i32
          %get3A_3135 = arith.constant 12 : i32
          %get3A_3136 = arith.index_cast %get3A_3135 : i32 to index
          %get3A_3137 = arith.index_cast %mul3A_3134 : i32 to index
          %get3A_3138 = tpu.vector_load %arg5[%get3A_3136, %get3A_3137] {strides = array<i32>} : memref<32x1024xf32, #tpu.memory_space<vmem>>, vector<1x16xf32>,
          %get3A_3139 = vector.shape_cast %get3A_3138 : vector<1x16xf32> to vector<16xf32>
          %add3A_3140 = arith.addf %get3A_3139, %get3A_3013 : vector<16xf32>
          %exp3A_3141 = math.exp %add3A_3140 : vector<16xf32>
          %add3A_3142 = arith.addf %scan3A_3005, %exp3A_3141 : vector<16xf32>
          %mul3A_3143 = arith.constant 16 : i32
          %mul3A_3144 = arith.muli %scan3A_2992, %mul3A_3143 : i32
          %get3A_3145 = arith.constant 13 : i32
          %get3A_3146 = arith.index_cast %get3A_3145 : i32 to index
          %get3A_3147 = arith.index_cast %mul3A_3144 : i32 to index
          %get3A_3148 = tpu.vector_load %arg5[%get3A_3146, %get3A_3147] {strides = array<i32>} : memref<32x1024xf32, #tpu.memory_space<vmem>>, vector<1x16xf32>,
          %get3A_3149 = vector.shape_cast %get3A_3148 : vector<1x16xf32> to vector<16xf32>
          %add3A_3150 = arith.addf %get3A_3149, %get3A_3013 : vector<16xf32>
          %exp3A_3151 = math.exp %add3A_3150 : vector<16xf32>
          %add3A_3152 = arith.addf %scan3A_3006, %exp3A_3151 : vector<16xf32>
          %mul3A_3153 = arith.constant 16 : i32
          %mul3A_3154 = arith.muli %scan3A_2992, %mul3A_3153 : i32
          %get3A_3155 = arith.constant 14 : i32
          %get3A_3156 = arith.index_cast %get3A_3155 : i32 to index
          %get3A_3157 = arith.index_cast %mul3A_3154 : i32 to index
          %get3A_3158 = tpu.vector_load %arg5[%get3A_3156, %get3A_3157] {strides = array<i32>} : memref<32x1024xf32, #tpu.memory_space<vmem>>, vector<1x16xf32>,
          %get3A_3159 = vector.shape_cast %get3A_3158 : vector<1x16xf32> to vector<16xf32>
          %add3A_3160 = arith.addf %get3A_3159, %get3A_3013 : vector<16xf32>
          %exp3A_3161 = math.exp %add3A_3160 : vector<16xf32>
          %add3A_3162 = arith.addf %scan3A_3007, %exp3A_3161 : vector<16xf32>
          %mul3A_3163 = arith.constant 16 : i32
          %mul3A_3164 = arith.muli %scan3A_2992, %mul3A_3163 : i32
          %get3A_3165 = arith.constant 15 : i32
          %get3A_3166 = arith.index_cast %get3A_3165 : i32 to index
          %get3A_3167 = arith.index_cast %mul3A_3164 : i32 to index
          %get3A_3168 = tpu.vector_load %arg5[%get3A_3166, %get3A_3167] {strides = array<i32>} : memref<32x1024xf32, #tpu.memory_space<vmem>>, vector<1x16xf32>,
          %get3A_3169 = vector.shape_cast %get3A_3168 : vector<1x16xf32> to vector<16xf32>
          %add3A_3170 = arith.addf %get3A_3169, %get3A_3013 : vector<16xf32>
          %exp3A_3171 = math.exp %add3A_3170 : vector<16xf32>
          %add3A_3172 = arith.addf %scan3A_3008, %exp3A_3171 : vector<16xf32>
          %scan3A_3173 = arith.constant 1 : i32
          %scan3A_3174 = arith.addi %scan3A_2992, %scan3A_3173 : i32
          %mul3A_3175 = arith.constant 16 : i32
          %mul3A_3176 = arith.muli %scan3A_3174, %mul3A_3175 : i32
          %get3A_3177 = arith.index_cast %mul3A_3176 : i32 to index
          %get3A_3178 = tpu.vector_load %arg7[%get3A_3177] {strides = array<i32>} : memref<1024xf32, #tpu.memory_space<vmem>>, vector<16xf32>,
          %get3A_3179 = vector.shape_cast %get3A_3178 : vector<16xf32> to vector<16xf32>
          %mul3A_3180 = arith.constant 16 : i32
          %mul3A_3181 = arith.muli %scan3A_3174, %mul3A_3180 : i32
          %get3A_3182 = arith.constant 0 : i32
          %get3A_3183 = arith.index_cast %get3A_3182 : i32 to index
          %get3A_3184 = arith.index_cast %mul3A_3181 : i32 to index
          %get3A_3185 = tpu.vector_load %arg5[%get3A_3183, %get3A_3184] {strides = array<i32>} : memref<32x1024xf32, #tpu.memory_space<vmem>>, vector<1x16xf32>,
          %get3A_3186 = vector.shape_cast %get3A_3185 : vector<1x16xf32> to vector<16xf32>
          %add3A_3187 = arith.addf %get3A_3186, %get3A_3179 : vector<16xf32>
          %exp3A_3188 = math.exp %add3A_3187 : vector<16xf32>
          %add3A_3189 = arith.addf %add3A_3022, %exp3A_3188 : vector<16xf32>
          %mul3A_3190 = arith.constant 16 : i32
          %mul3A_3191 = arith.muli %scan3A_3174, %mul3A_3190 : i32
          %get3A_3192 = arith.constant 1 : i32
          %get3A_3193 = arith.index_cast %get3A_3192 : i32 to index
          %get3A_3194 = arith.index_cast %mul3A_3191 : i32 to index
          %get3A_3195 = tpu.vector_load %arg5[%get3A_3193, %get3A_3194] {strides = array<i32>} : memref<32x1024xf32, #tpu.memory_space<vmem>>, vector<1x16xf32>,
          %get3A_3196 = vector.shape_cast %get3A_3195 : vector<1x16xf32> to vector<16xf32>
          %add3A_3197 = arith.addf %get3A_3196, %get3A_3179 : vector<16xf32>
          %exp3A_3198 = math.exp %add3A_3197 : vector<16xf32>
          %add3A_3199 = arith.addf %add3A_3032, %exp3A_3198 : vector<16xf32>
          %mul3A_3200 = arith.constant 16 : i32
          %mul3A_3201 = arith.muli %scan3A_3174, %mul3A_3200 : i32
          %get3A_3202 = arith.constant 2 : i32
          %get3A_3203 = arith.index_cast %get3A_3202 : i32 to index
          %get3A_3204 = arith.index_cast %mul3A_3201 : i32 to index
          %get3A_3205 = tpu.vector_load %arg5[%get3A_3203, %get3A_3204] {strides = array<i32>} : memref<32x1024xf32, #tpu.memory_space<vmem>>, vector<1x16xf32>,
          %get3A_3206 = vector.shape_cast %get3A_3205 : vector<1x16xf32> to vector<16xf32>
          %add3A_3207 = arith.addf %get3A_3206, %get3A_3179 : vector<16xf32>
          %exp3A_3208 = math.exp %add3A_3207 : vector<16xf32>
          %add3A_3209 = arith.addf %add3A_3042, %exp3A_3208 : vector<16xf32>
          %mul3A_3210 = arith.constant 16 : i32
          %mul3A_3211 = arith.muli %scan3A_3174, %mul3A_3210 : i32
          %get3A_3212 = arith.constant 3 : i32
          %get3A_3213 = arith.index_cast %get3A_3212 : i32 to index
          %get3A_3214 = arith.index_cast %mul3A_3211 : i32 to index
          %get3A_3215 = tpu.vector_load %arg5[%get3A_3213, %get3A_3214] {strides = array<i32>} : memref<32x1024xf32, #tpu.memory_space<vmem>>, vector<1x16xf32>,
          %get3A_3216 = vector.shape_cast %get3A_3215 : vector<1x16xf32> to vector<16xf32>
          %add3A_3217 = arith.addf %get3A_3216, %get3A_3179 : vector<16xf32>
          %exp3A_3218 = math.exp %add3A_3217 : vector<16xf32>
          %add3A_3219 = arith.addf %add3A_3052, %exp3A_3218 : vector<16xf32>
          %mul3A_3220 = arith.constant 16 : i32
          %mul3A_3221 = arith.muli %scan3A_3174, %mul3A_3220 : i32
          %get3A_3222 = arith.constant 4 : i32
          %get3A_3223 = arith.index_cast %get3A_3222 : i32 to index
          %get3A_3224 = arith.index_cast %mul3A_3221 : i32 to index
          %get3A_3225 = tpu.vector_load %arg5[%get3A_3223, %get3A_3224] {strides = array<i32>} : memref<32x1024xf32, #tpu.memory_space<vmem>>, vector<1x16xf32>,
          %get3A_3226 = vector.shape_cast %get3A_3225 : vector<1x16xf32> to vector<16xf32>
          %add3A_3227 = arith.addf %get3A_3226, %get3A_3179 : vector<16xf32>
          %exp3A_3228 = math.exp %add3A_3227 : vector<16xf32>
          %add3A_3229 = arith.addf %add3A_3062, %exp3A_3228 : vector<16xf32>
          %mul3A_3230 = arith.constant 16 : i32
          %mul3A_3231 = arith.muli %scan3A_3174, %mul3A_3230 : i32
          %get3A_3232 = arith.constant 5 : i32
          %get3A_3233 = arith.index_cast %get3A_3232 : i32 to index
          %get3A_3234 = arith.index_cast %mul3A_3231 : i32 to index
          %get3A_3235 = tpu.vector_load %arg5[%get3A_3233, %get3A_3234] {strides = array<i32>} : memref<32x1024xf32, #tpu.memory_space<vmem>>, vector<1x16xf32>,
          %get3A_3236 = vector.shape_cast %get3A_3235 : vector<1x16xf32> to vector<16xf32>
          %add3A_3237 = arith.addf %get3A_3236, %get3A_3179 : vector<16xf32>
          %exp3A_3238 = math.exp %add3A_3237 : vector<16xf32>
          %add3A_3239 = arith.addf %add3A_3072, %exp3A_3238 : vector<16xf32>
          %mul3A_3240 = arith.constant 16 : i32
          %mul3A_3241 = arith.muli %scan3A_3174, %mul3A_3240 : i32
          %get3A_3242 = arith.constant 6 : i32
          %get3A_3243 = arith.index_cast %get3A_3242 : i32 to index
          %get3A_3244 = arith.index_cast %mul3A_3241 : i32 to index
          %get3A_3245 = tpu.vector_load %arg5[%get3A_3243, %get3A_3244] {strides = array<i32>} : memref<32x1024xf32, #tpu.memory_space<vmem>>, vector<1x16xf32>,
          %get3A_3246 = vector.shape_cast %get3A_3245 : vector<1x16xf32> to vector<16xf32>
          %add3A_3247 = arith.addf %get3A_3246, %get3A_3179 : vector<16xf32>
          %exp3A_3248 = math.exp %add3A_3247 : vector<16xf32>
          %add3A_3249 = arith.addf %add3A_3082, %exp3A_3248 : vector<16xf32>
          %mul3A_3250 = arith.constant 16 : i32
          %mul3A_3251 = arith.muli %scan3A_3174, %mul3A_3250 : i32
          %get3A_3252 = arith.constant 7 : i32
          %get3A_3253 = arith.index_cast %get3A_3252 : i32 to index
          %get3A_3254 = arith.index_cast %mul3A_3251 : i32 to index
          %get3A_3255 = tpu.vector_load %arg5[%get3A_3253, %get3A_3254] {strides = array<i32>} : memref<32x1024xf32, #tpu.memory_space<vmem>>, vector<1x16xf32>,
          %get3A_3256 = vector.shape_cast %get3A_3255 : vector<1x16xf32> to vector<16xf32>
          %add3A_3257 = arith.addf %get3A_3256, %get3A_3179 : vector<16xf32>
          %exp3A_3258 = math.exp %add3A_3257 : vector<16xf32>
          %add3A_3259 = arith.addf %add3A_3092, %exp3A_3258 : vector<16xf32>
          %mul3A_3260 = arith.constant 16 : i32
          %mul3A_3261 = arith.muli %scan3A_3174, %mul3A_3260 : i32
          %get3A_3262 = arith.constant 8 : i32
          %get3A_3263 = arith.index_cast %get3A_3262 : i32 to index
          %get3A_3264 = arith.index_cast %mul3A_3261 : i32 to index
          %get3A_3265 = tpu.vector_load %arg5[%get3A_3263, %get3A_3264] {strides = array<i32>} : memref<32x1024xf32, #tpu.memory_space<vmem>>, vector<1x16xf32>,
          %get3A_3266 = vector.shape_cast %get3A_3265 : vector<1x16xf32> to vector<16xf32>
          %add3A_3267 = arith.addf %get3A_3266, %get3A_3179 : vector<16xf32>
          %exp3A_3268 = math.exp %add3A_3267 : vector<16xf32>
          %add3A_3269 = arith.addf %add3A_3102, %exp3A_3268 : vector<16xf32>
          %mul3A_3270 = arith.constant 16 : i32
          %mul3A_3271 = arith.muli %scan3A_3174, %mul3A_3270 : i32
          %get3A_3272 = arith.constant 9 : i32
          %get3A_3273 = arith.index_cast %get3A_3272 : i32 to index
          %get3A_3274 = arith.index_cast %mul3A_3271 : i32 to index
          %get3A_3275 = tpu.vector_load %arg5[%get3A_3273, %get3A_3274] {strides = array<i32>} : memref<32x1024xf32, #tpu.memory_space<vmem>>, vector<1x16xf32>,
          %get3A_3276 = vector.shape_cast %get3A_3275 : vector<1x16xf32> to vector<16xf32>
          %add3A_3277 = arith.addf %get3A_3276, %get3A_3179 : vector<16xf32>
          %exp3A_3278 = math.exp %add3A_3277 : vector<16xf32>
          %add3A_3279 = arith.addf %add3A_3112, %exp3A_3278 : vector<16xf32>
          %mul3A_3280 = arith.constant 16 : i32
          %mul3A_3281 = arith.muli %scan3A_3174, %mul3A_3280 : i32
          %get3A_3282 = arith.constant 10 : i32
          %get3A_3283 = arith.index_cast %get3A_3282 : i32 to index
          %get3A_3284 = arith.index_cast %mul3A_3281 : i32 to index
          %get3A_3285 = tpu.vector_load %arg5[%get3A_3283, %get3A_3284] {strides = array<i32>} : memref<32x1024xf32, #tpu.memory_space<vmem>>, vector<1x16xf32>,
          %get3A_3286 = vector.shape_cast %get3A_3285 : vector<1x16xf32> to vector<16xf32>
          %add3A_3287 = arith.addf %get3A_3286, %get3A_3179 : vector<16xf32>
          %exp3A_3288 = math.exp %add3A_3287 : vector<16xf32>
          %add3A_3289 = arith.addf %add3A_3122, %exp3A_3288 : vector<16xf32>
          %mul3A_3290 = arith.constant 16 : i32
          %mul3A_3291 = arith.muli %scan3A_3174, %mul3A_3290 : i32
          %get3A_3292 = arith.constant 11 : i32
          %get3A_3293 = arith.index_cast %get3A_3292 : i32 to index
          %get3A_3294 = arith.index_cast %mul3A_3291 : i32 to index
          %get3A_3295 = tpu.vector_load %arg5[%get3A_3293, %get3A_3294] {strides = array<i32>} : memref<32x1024xf32, #tpu.memory_space<vmem>>, vector<1x16xf32>,
          %get3A_3296 = vector.shape_cast %get3A_3295 : vector<1x16xf32> to vector<16xf32>
          %add3A_3297 = arith.addf %get3A_3296, %get3A_3179 : vector<16xf32>
          %exp3A_3298 = math.exp %add3A_3297 : vector<16xf32>
          %add3A_3299 = arith.addf %add3A_3132, %exp3A_3298 : vector<16xf32>
          %mul3A_3300 = arith.constant 16 : i32
          %mul3A_3301 = arith.muli %scan3A_3174, %mul3A_3300 : i32
          %get3A_3302 = arith.constant 12 : i32
          %get3A_3303 = arith.index_cast %get3A_3302 : i32 to index
          %get3A_3304 = arith.index_cast %mul3A_3301 : i32 to index
          %get3A_3305 = tpu.vector_load %arg5[%get3A_3303, %get3A_3304] {strides = array<i32>} : memref<32x1024xf32, #tpu.memory_space<vmem>>, vector<1x16xf32>,
          %get3A_3306 = vector.shape_cast %get3A_3305 : vector<1x16xf32> to vector<16xf32>
          %add3A_3307 = arith.addf %get3A_3306, %get3A_3179 : vector<16xf32>
          %exp3A_3308 = math.exp %add3A_3307 : vector<16xf32>
          %add3A_3309 = arith.addf %add3A_3142, %exp3A_3308 : vector<16xf32>
          %mul3A_3310 = arith.constant 16 : i32
          %mul3A_3311 = arith.muli %scan3A_3174, %mul3A_3310 : i32
          %get3A_3312 = arith.constant 13 : i32
          %get3A_3313 = arith.index_cast %get3A_3312 : i32 to index
          %get3A_3314 = arith.index_cast %mul3A_3311 : i32 to index
          %get3A_3315 = tpu.vector_load %arg5[%get3A_3313, %get3A_3314] {strides = array<i32>} : memref<32x1024xf32, #tpu.memory_space<vmem>>, vector<1x16xf32>,
          %get3A_3316 = vector.shape_cast %get3A_3315 : vector<1x16xf32> to vector<16xf32>
          %add3A_3317 = arith.addf %get3A_3316, %get3A_3179 : vector<16xf32>
          %exp3A_3318 = math.exp %add3A_3317 : vector<16xf32>
          %add3A_3319 = arith.addf %add3A_3152, %exp3A_3318 : vector<16xf32>
          %mul3A_3320 = arith.constant 16 : i32
          %mul3A_3321 = arith.muli %scan3A_3174, %mul3A_3320 : i32
          %get3A_3322 = arith.constant 14 : i32
          %get3A_3323 = arith.index_cast %get3A_3322 : i32 to index
          %get3A_3324 = arith.index_cast %mul3A_3321 : i32 to index
          %get3A_3325 = tpu.vector_load %arg5[%get3A_3323, %get3A_3324] {strides = array<i32>} : memref<32x1024xf32, #tpu.memory_space<vmem>>, vector<1x16xf32>,
          %get3A_3326 = vector.shape_cast %get3A_3325 : vector<1x16xf32> to vector<16xf32>
          %add3A_3327 = arith.addf %get3A_3326, %get3A_3179 : vector<16xf32>
          %exp3A_3328 = math.exp %add3A_3327 : vector<16xf32>
          %add3A_3329 = arith.addf %add3A_3162, %exp3A_3328 : vector<16xf32>
          %mul3A_3330 = arith.constant 16 : i32
          %mul3A_3331 = arith.muli %scan3A_3174, %mul3A_3330 : i32
          %get3A_3332 = arith.constant 15 : i32
          %get3A_3333 = arith.index_cast %get3A_3332 : i32 to index
          %get3A_3334 = arith.index_cast %mul3A_3331 : i32 to index
          %get3A_3335 = tpu.vector_load %arg5[%get3A_3333, %get3A_3334] {strides = array<i32>} : memref<32x1024xf32, #tpu.memory_space<vmem>>, vector<1x16xf32>,
          %get3A_3336 = vector.shape_cast %get3A_3335 : vector<1x16xf32> to vector<16xf32>
          %add3A_3337 = arith.addf %get3A_3336, %get3A_3179 : vector<16xf32>
          %exp3A_3338 = math.exp %add3A_3337 : vector<16xf32>
          %add3A_3339 = arith.addf %add3A_3172, %exp3A_3338 : vector<16xf32>
          scf.yield %add3A_3189, %add3A_3199, %add3A_3209, %add3A_3219, %add3A_3229, %add3A_3239, %add3A_3249, %add3A_3259, %add3A_3269, %add3A_3279, %add3A_3289, %add3A_3299, %add3A_3309, %add3A_3319, %add3A_3329, %add3A_3339 : vector<16xf32>, vector<16xf32>, vector<16xf32>, vector<16xf32>, vector<16xf32>, vector<16xf32>, vector<16xf32>, vector<16xf32>, vector<16xf32>, vector<16xf32>, vector<16xf32>, vector<16xf32>, vector<16xf32>, vector<16xf32>, vector<16xf32>, vector<16xf32>
        }
        %scan3A_2136 = arith.constant 64 : i32
        %iota3A_2137 = tpu.iota {dimensions = array<i32: 0>} : vector<16xi32>
        %and3A_2138 = arith.constant 1 : i32
        %and3A_2139 = vector.broadcast %and3A_2138 : i32 to vector<16xi32>
        %and3A_2140 = arith.andi %iota3A_2137, %and3A_2139 : vector<16xi32>
        %eq3A_2141 = arith.constant 0 : i32
        %eq3A_2142 = vector.broadcast %eq3A_2141 : i32 to vector<16xi32>
        %eq3A_2143 = arith.cmpi eq, %and3A_2140, %eq3A_2142 : vector<16xi32>
        %xor3A_2144 = arith.constant 1 : i32
        %xor3A_2145 = vector.broadcast %xor3A_2144 : i32 to vector<16xi32>
        %xor3A_2146 = arith.xori %iota3A_2137, %xor3A_2145 : vector<16xi32>
        %broadcast_in_dim3A_2147 = vector.shape_cast %xor3A_2146 : vector<16xi32> to vector<16x1xi32>
        %gather3A_2148 = vector.shape_cast %broadcast_in_dim3A_2147 : vector<16x1xi32> to vector<16xi32>
        %gather3A_2149 = tpu.dynamic_gather %scan3A_2135#0[%gather3A_2148] in [0] : vector<16xf32>, vector<16xi32> -> vector<16xf32>
        %add3A_2150 = arith.addf %scan3A_2135#0, %gather3A_2149 : vector<16xf32>
        %xor3A_2151 = arith.constant 1 : i32
        %xor3A_2152 = vector.broadcast %xor3A_2151 : i32 to vector<16xi32>
        %xor3A_2153 = arith.xori %iota3A_2137, %xor3A_2152 : vector<16xi32>
        %broadcast_in_dim3A_2154 = vector.shape_cast %xor3A_2153 : vector<16xi32> to vector<16x1xi32>
        %gather3A_2155 = vector.shape_cast %broadcast_in_dim3A_2154 : vector<16x1xi32> to vector<16xi32>
        %gather3A_2156 = tpu.dynamic_gather %scan3A_2135#1[%gather3A_2155] in [0] : vector<16xf32>, vector<16xi32> -> vector<16xf32>
        %add3A_2157 = arith.addf %scan3A_2135#1, %gather3A_2156 : vector<16xf32>
        %select_n3A_2158 = arith.select %eq3A_2143, %add3A_2150, %add3A_2157 : vector<16xi1>, vector<16xf32>
        %xor3A_2159 = arith.constant 1 : i32
        %xor3A_2160 = vector.broadcast %xor3A_2159 : i32 to vector<16xi32>
        %xor3A_2161 = arith.xori %iota3A_2137, %xor3A_2160 : vector<16xi32>
        %broadcast_in_dim3A_2162 = vector.shape_cast %xor3A_2161 : vector<16xi32> to vector<16x1xi32>
        %gather3A_2163 = vector.shape_cast %broadcast_in_dim3A_2162 : vector<16x1xi32> to vector<16xi32>
        %gather3A_2164 = tpu.dynamic_gather %scan3A_2135#2[%gather3A_2163] in [0] : vector<16xf32>, vector<16xi32> -> vector<16xf32>
        %add3A_2165 = arith.addf %scan3A_2135#2, %gather3A_2164 : vector<16xf32>
        %xor3A_2166 = arith.constant 1 : i32
        %xor3A_2167 = vector.broadcast %xor3A_2166 : i32 to vector<16xi32>
        %xor3A_2168 = arith.xori %iota3A_2137, %xor3A_2167 : vector<16xi32>
        %broadcast_in_dim3A_2169 = vector.shape_cast %xor3A_2168 : vector<16xi32> to vector<16x1xi32>
        %gather3A_2170 = vector.shape_cast %broadcast_in_dim3A_2169 : vector<16x1xi32> to vector<16xi32>
        %gather3A_2171 = tpu.dynamic_gather %scan3A_2135#3[%gather3A_2170] in [0] : vector<16xf32>, vector<16xi32> -> vector<16xf32>
        %add3A_2172 = arith.addf %scan3A_2135#3, %gather3A_2171 : vector<16xf32>
        %select_n3A_2173 = arith.select %eq3A_2143, %add3A_2165, %add3A_2172 : vector<16xi1>, vector<16xf32>
        %xor3A_2174 = arith.constant 1 : i32
        %xor3A_2175 = vector.broadcast %xor3A_2174 : i32 to vector<16xi32>
        %xor3A_2176 = arith.xori %iota3A_2137, %xor3A_2175 : vector<16xi32>
        %broadcast_in_dim3A_2177 = vector.shape_cast %xor3A_2176 : vector<16xi32> to vector<16x1xi32>
        %gather3A_2178 = vector.shape_cast %broadcast_in_dim3A_2177 : vector<16x1xi32> to vector<16xi32>
        %gather3A_2179 = tpu.dynamic_gather %scan3A_2135#4[%gather3A_2178] in [0] : vector<16xf32>, vector<16xi32> -> vector<16xf32>
        %add3A_2180 = arith.addf %scan3A_2135#4, %gather3A_2179 : vector<16xf32>
        %xor3A_2181 = arith.constant 1 : i32
        %xor3A_2182 = vector.broadcast %xor3A_2181 : i32 to vector<16xi32>
        %xor3A_2183 = arith.xori %iota3A_2137, %xor3A_2182 : vector<16xi32>
        %broadcast_in_dim3A_2184 = vector.shape_cast %xor3A_2183 : vector<16xi32> to vector<16x1xi32>
        %gather3A_2185 = vector.shape_cast %broadcast_in_dim3A_2184 : vector<16x1xi32> to vector<16xi32>
        %gather3A_2186 = tpu.dynamic_gather %scan3A_2135#5[%gather3A_2185] in [0] : vector<16xf32>, vector<16xi32> -> vector<16xf32>
        %add3A_2187 = arith.addf %scan3A_2135#5, %gather3A_2186 : vector<16xf32>
        %select_n3A_2188 = arith.select %eq3A_2143, %add3A_2180, %add3A_2187 : vector<16xi1>, vector<16xf32>
        %xor3A_2189 = arith.constant 1 : i32
        %xor3A_2190 = vector.broadcast %xor3A_2189 : i32 to vector<16xi32>
        %xor3A_2191 = arith.xori %iota3A_2137, %xor3A_2190 : vector<16xi32>
        %broadcast_in_dim3A_2192 = vector.shape_cast %xor3A_2191 : vector<16xi32> to vector<16x1xi32>
        %gather3A_2193 = vector.shape_cast %broadcast_in_dim3A_2192 : vector<16x1xi32> to vector<16xi32>
        %gather3A_2194 = tpu.dynamic_gather %scan3A_2135#6[%gather3A_2193] in [0] : vector<16xf32>, vector<16xi32> -> vector<16xf32>
        %add3A_2195 = arith.addf %scan3A_2135#6, %gather3A_2194 : vector<16xf32>
        %xor3A_2196 = arith.constant 1 : i32
        %xor3A_2197 = vector.broadcast %xor3A_2196 : i32 to vector<16xi32>
        %xor3A_2198 = arith.xori %iota3A_2137, %xor3A_2197 : vector<16xi32>
        %broadcast_in_dim3A_2199 = vector.shape_cast %xor3A_2198 : vector<16xi32> to vector<16x1xi32>
        %gather3A_2200 = vector.shape_cast %broadcast_in_dim3A_2199 : vector<16x1xi32> to vector<16xi32>
        %gather3A_2201 = tpu.dynamic_gather %scan3A_2135#7[%gather3A_2200] in [0] : vector<16xf32>, vector<16xi32> -> vector<16xf32>
        %add3A_2202 = arith.addf %scan3A_2135#7, %gather3A_2201 : vector<16xf32>
        %select_n3A_2203 = arith.select %eq3A_2143, %add3A_2195, %add3A_2202 : vector<16xi1>, vector<16xf32>
        %xor3A_2204 = arith.constant 1 : i32
        %xor3A_2205 = vector.broadcast %xor3A_2204 : i32 to vector<16xi32>
        %xor3A_2206 = arith.xori %iota3A_2137, %xor3A_2205 : vector<16xi32>
        %broadcast_in_dim3A_2207 = vector.shape_cast %xor3A_2206 : vector<16xi32> to vector<16x1xi32>
        %gather3A_2208 = vector.shape_cast %broadcast_in_dim3A_2207 : vector<16x1xi32> to vector<16xi32>
        %gather3A_2209 = tpu.dynamic_gather %scan3A_2135#8[%gather3A_2208] in [0] : vector<16xf32>, vector<16xi32> -> vector<16xf32>
        %add3A_2210 = arith.addf %scan3A_2135#8, %gather3A_2209 : vector<16xf32>
        %xor3A_2211 = arith.constant 1 : i32
        %xor3A_2212 = vector.broadcast %xor3A_2211 : i32 to vector<16xi32>
        %xor3A_2213 = arith.xori %iota3A_2137, %xor3A_2212 : vector<16xi32>
        %broadcast_in_dim3A_2214 = vector.shape_cast %xor3A_2213 : vector<16xi32> to vector<16x1xi32>
        %gather3A_2215 = vector.shape_cast %broadcast_in_dim3A_2214 : vector<16x1xi32> to vector<16xi32>
        %gather3A_2216 = tpu.dynamic_gather %scan3A_2135#9[%gather3A_2215] in [0] : vector<16xf32>, vector<16xi32> -> vector<16xf32>
        %add3A_2217 = arith.addf %scan3A_2135#9, %gather3A_2216 : vector<16xf32>
        %select_n3A_2218 = arith.select %eq3A_2143, %add3A_2210, %add3A_2217 : vector<16xi1>, vector<16xf32>
        %xor3A_2219 = arith.constant 1 : i32
        %xor3A_2220 = vector.broadcast %xor3A_2219 : i32 to vector<16xi32>
        %xor3A_2221 = arith.xori %iota3A_2137, %xor3A_2220 : vector<16xi32>
        %broadcast_in_dim3A_2222 = vector.shape_cast %xor3A_2221 : vector<16xi32> to vector<16x1xi32>
        %gather3A_2223 = vector.shape_cast %broadcast_in_dim3A_2222 : vector<16x1xi32> to vector<16xi32>
        %gather3A_2224 = tpu.dynamic_gather %scan3A_2135#10[%gather3A_2223] in [0] : vector<16xf32>, vector<16xi32> -> vector<16xf32>
        %add3A_2225 = arith.addf %scan3A_2135#10, %gather3A_2224 : vector<16xf32>
        %xor3A_2226 = arith.constant 1 : i32
        %xor3A_2227 = vector.broadcast %xor3A_2226 : i32 to vector<16xi32>
        %xor3A_2228 = arith.xori %iota3A_2137, %xor3A_2227 : vector<16xi32>
        %broadcast_in_dim3A_2229 = vector.shape_cast %xor3A_2228 : vector<16xi32> to vector<16x1xi32>
        %gather3A_2230 = vector.shape_cast %broadcast_in_dim3A_2229 : vector<16x1xi32> to vector<16xi32>
        %gather3A_2231 = tpu.dynamic_gather %scan3A_2135#11[%gather3A_2230] in [0] : vector<16xf32>, vector<16xi32> -> vector<16xf32>
        %add3A_2232 = arith.addf %scan3A_2135#11, %gather3A_2231 : vector<16xf32>
        %select_n3A_2233 = arith.select %eq3A_2143, %add3A_2225, %add3A_2232 : vector<16xi1>, vector<16xf32>
        %xor3A_2234 = arith.constant 1 : i32
        %xor3A_2235 = vector.broadcast %xor3A_2234 : i32 to vector<16xi32>
        %xor3A_2236 = arith.xori %iota3A_2137, %xor3A_2235 : vector<16xi32>
        %broadcast_in_dim3A_2237 = vector.shape_cast %xor3A_2236 : vector<16xi32> to vector<16x1xi32>
        %gather3A_2238 = vector.shape_cast %broadcast_in_dim3A_2237 : vector<16x1xi32> to vector<16xi32>
        %gather3A_2239 = tpu.dynamic_gather %scan3A_2135#12[%gather3A_2238] in [0] : vector<16xf32>, vector<16xi32> -> vector<16xf32>
        %add3A_2240 = arith.addf %scan3A_2135#12, %gather3A_2239 : vector<16xf32>
        %xor3A_2241 = arith.constant 1 : i32
        %xor3A_2242 = vector.broadcast %xor3A_2241 : i32 to vector<16xi32>
        %xor3A_2243 = arith.xori %iota3A_2137, %xor3A_2242 : vector<16xi32>
        %broadcast_in_dim3A_2244 = vector.shape_cast %xor3A_2243 : vector<16xi32> to vector<16x1xi32>
        %gather3A_2245 = vector.shape_cast %broadcast_in_dim3A_2244 : vector<16x1xi32> to vector<16xi32>
        %gather3A_2246 = tpu.dynamic_gather %scan3A_2135#13[%gather3A_2245] in [0] : vector<16xf32>, vector<16xi32> -> vector<16xf32>
        %add3A_2247 = arith.addf %scan3A_2135#13, %gather3A_2246 : vector<16xf32>
        %select_n3A_2248 = arith.select %eq3A_2143, %add3A_2240, %add3A_2247 : vector<16xi1>, vector<16xf32>
        %xor3A_2249 = arith.constant 1 : i32
        %xor3A_2250 = vector.broadcast %xor3A_2249 : i32 to vector<16xi32>
        %xor3A_2251 = arith.xori %iota3A_2137, %xor3A_2250 : vector<16xi32>
        %broadcast_in_dim3A_2252 = vector.shape_cast %xor3A_2251 : vector<16xi32> to vector<16x1xi32>
        %gather3A_2253 = vector.shape_cast %broadcast_in_dim3A_2252 : vector<16x1xi32> to vector<16xi32>
        %gather3A_2254 = tpu.dynamic_gather %scan3A_2135#14[%gather3A_2253] in [0] : vector<16xf32>, vector<16xi32> -> vector<16xf32>
        %add3A_2255 = arith.addf %scan3A_2135#14, %gather3A_2254 : vector<16xf32>
        %xor3A_2256 = arith.constant 1 : i32
        %xor3A_2257 = vector.broadcast %xor3A_2256 : i32 to vector<16xi32>
        %xor3A_2258 = arith.xori %iota3A_2137, %xor3A_2257 : vector<16xi32>
        %broadcast_in_dim3A_2259 = vector.shape_cast %xor3A_2258 : vector<16xi32> to vector<16x1xi32>
        %gather3A_2260 = vector.shape_cast %broadcast_in_dim3A_2259 : vector<16x1xi32> to vector<16xi32>
        %gather3A_2261 = tpu.dynamic_gather %scan3A_2135#15[%gather3A_2260] in [0] : vector<16xf32>, vector<16xi32> -> vector<16xf32>
        %add3A_2262 = arith.addf %scan3A_2135#15, %gather3A_2261 : vector<16xf32>
        %select_n3A_2263 = arith.select %eq3A_2143, %add3A_2255, %add3A_2262 : vector<16xi1>, vector<16xf32>
        %and3A_2264 = arith.constant 2 : i32
        %and3A_2265 = vector.broadcast %and3A_2264 : i32 to vector<16xi32>
        %and3A_2266 = arith.andi %iota3A_2137, %and3A_2265 : vector<16xi32>
        %eq3A_2267 = arith.constant 0 : i32
        %eq3A_2268 = vector.broadcast %eq3A_2267 : i32 to vector<16xi32>
        %eq3A_2269 = arith.cmpi eq, %and3A_2266, %eq3A_2268 : vector<16xi32>
        %xor3A_2270 = arith.constant 2 : i32
        %xor3A_2271 = vector.broadcast %xor3A_2270 : i32 to vector<16xi32>
        %xor3A_2272 = arith.xori %iota3A_2137, %xor3A_2271 : vector<16xi32>
        %broadcast_in_dim3A_2273 = vector.shape_cast %xor3A_2272 : vector<16xi32> to vector<16x1xi32>
        %gather3A_2274 = vector.shape_cast %broadcast_in_dim3A_2273 : vector<16x1xi32> to vector<16xi32>
        %gather3A_2275 = tpu.dynamic_gather %select_n3A_2158[%gather3A_2274] in [0] : vector<16xf32>, vector<16xi32> -> vector<16xf32>
        %add3A_2276 = arith.addf %select_n3A_2158, %gather3A_2275 : vector<16xf32>
        %xor3A_2277 = arith.constant 2 : i32
        %xor3A_2278 = vector.broadcast %xor3A_2277 : i32 to vector<16xi32>
        %xor3A_2279 = arith.xori %iota3A_2137, %xor3A_2278 : vector<16xi32>
        %broadcast_in_dim3A_2280 = vector.shape_cast %xor3A_2279 : vector<16xi32> to vector<16x1xi32>
        %gather3A_2281 = vector.shape_cast %broadcast_in_dim3A_2280 : vector<16x1xi32> to vector<16xi32>
        %gather3A_2282 = tpu.dynamic_gather %select_n3A_2173[%gather3A_2281] in [0] : vector<16xf32>, vector<16xi32> -> vector<16xf32>
        %add3A_2283 = arith.addf %select_n3A_2173, %gather3A_2282 : vector<16xf32>
        %select_n3A_2284 = arith.select %eq3A_2269, %add3A_2276, %add3A_2283 : vector<16xi1>, vector<16xf32>
        %xor3A_2285 = arith.constant 2 : i32
        %xor3A_2286 = vector.broadcast %xor3A_2285 : i32 to vector<16xi32>
        %xor3A_2287 = arith.xori %iota3A_2137, %xor3A_2286 : vector<16xi32>
        %broadcast_in_dim3A_2288 = vector.shape_cast %xor3A_2287 : vector<16xi32> to vector<16x1xi32>
        %gather3A_2289 = vector.shape_cast %broadcast_in_dim3A_2288 : vector<16x1xi32> to vector<16xi32>
        %gather3A_2290 = tpu.dynamic_gather %select_n3A_2188[%gather3A_2289] in [0] : vector<16xf32>, vector<16xi32> -> vector<16xf32>
        %add3A_2291 = arith.addf %select_n3A_2188, %gather3A_2290 : vector<16xf32>
        %xor3A_2292 = arith.constant 2 : i32
        %xor3A_2293 = vector.broadcast %xor3A_2292 : i32 to vector<16xi32>
        %xor3A_2294 = arith.xori %iota3A_2137, %xor3A_2293 : vector<16xi32>
        %broadcast_in_dim3A_2295 = vector.shape_cast %xor3A_2294 : vector<16xi32> to vector<16x1xi32>
        %gather3A_2296 = vector.shape_cast %broadcast_in_dim3A_2295 : vector<16x1xi32> to vector<16xi32>
        %gather3A_2297 = tpu.dynamic_gather %select_n3A_2203[%gather3A_2296] in [0] : vector<16xf32>, vector<16xi32> -> vector<16xf32>
        %add3A_2298 = arith.addf %select_n3A_2203, %gather3A_2297 : vector<16xf32>
        %select_n3A_2299 = arith.select %eq3A_2269, %add3A_2291, %add3A_2298 : vector<16xi1>, vector<16xf32>
        %xor3A_2300 = arith.constant 2 : i32
        %xor3A_2301 = vector.broadcast %xor3A_2300 : i32 to vector<16xi32>
        %xor3A_2302 = arith.xori %iota3A_2137, %xor3A_2301 : vector<16xi32>
        %broadcast_in_dim3A_2303 = vector.shape_cast %xor3A_2302 : vector<16xi32> to vector<16x1xi32>
        %gather3A_2304 = vector.shape_cast %broadcast_in_dim3A_2303 : vector<16x1xi32> to vector<16xi32>
        %gather3A_2305 = tpu.dynamic_gather %select_n3A_2218[%gather3A_2304] in [0] : vector<16xf32>, vector<16xi32> -> vector<16xf32>
        %add3A_2306 = arith.addf %select_n3A_2218, %gather3A_2305 : vector<16xf32>
        %xor3A_2307 = arith.constant 2 : i32
        %xor3A_2308 = vector.broadcast %xor3A_2307 : i32 to vector<16xi32>
        %xor3A_2309 = arith.xori %iota3A_2137, %xor3A_2308 : vector<16xi32>
        %broadcast_in_dim3A_2310 = vector.shape_cast %xor3A_2309 : vector<16xi32> to vector<16x1xi32>
        %gather3A_2311 = vector.shape_cast %broadcast_in_dim3A_2310 : vector<16x1xi32> to vector<16xi32>
        %gather3A_2312 = tpu.dynamic_gather %select_n3A_2233[%gather3A_2311] in [0] : vector<16xf32>, vector<16xi32> -> vector<16xf32>
        %add3A_2313 = arith.addf %select_n3A_2233, %gather3A_2312 : vector<16xf32>
        %select_n3A_2314 = arith.select %eq3A_2269, %add3A_2306, %add3A_2313 : vector<16xi1>, vector<16xf32>
        %xor3A_2315 = arith.constant 2 : i32
        %xor3A_2316 = vector.broadcast %xor3A_2315 : i32 to vector<16xi32>
        %xor3A_2317 = arith.xori %iota3A_2137, %xor3A_2316 : vector<16xi32>
        %broadcast_in_dim3A_2318 = vector.shape_cast %xor3A_2317 : vector<16xi32> to vector<16x1xi32>
        %gather3A_2319 = vector.shape_cast %broadcast_in_dim3A_2318 : vector<16x1xi32> to vector<16xi32>
        %gather3A_2320 = tpu.dynamic_gather %select_n3A_2248[%gather3A_2319] in [0] : vector<16xf32>, vector<16xi32> -> vector<16xf32>
        %add3A_2321 = arith.addf %select_n3A_2248, %gather3A_2320 : vector<16xf32>
        %xor3A_2322 = arith.constant 2 : i32
        %xor3A_2323 = vector.broadcast %xor3A_2322 : i32 to vector<16xi32>
        %xor3A_2324 = arith.xori %iota3A_2137, %xor3A_2323 : vector<16xi32>
        %broadcast_in_dim3A_2325 = vector.shape_cast %xor3A_2324 : vector<16xi32> to vector<16x1xi32>
        %gather3A_2326 = vector.shape_cast %broadcast_in_dim3A_2325 : vector<16x1xi32> to vector<16xi32>
        %gather3A_2327 = tpu.dynamic_gather %select_n3A_2263[%gather3A_2326] in [0] : vector<16xf32>, vector<16xi32> -> vector<16xf32>
        %add3A_2328 = arith.addf %select_n3A_2263, %gather3A_2327 : vector<16xf32>
        %select_n3A_2329 = arith.select %eq3A_2269, %add3A_2321, %add3A_2328 : vector<16xi1>, vector<16xf32>
        %and3A_2330 = arith.constant 4 : i32
        %and3A_2331 = vector.broadcast %and3A_2330 : i32 to vector<16xi32>
        %and3A_2332 = arith.andi %iota3A_2137, %and3A_2331 : vector<16xi32>
        %eq3A_2333 = arith.constant 0 : i32
        %eq3A_2334 = vector.broadcast %eq3A_2333 : i32 to vector<16xi32>
        %eq3A_2335 = arith.cmpi eq, %and3A_2332, %eq3A_2334 : vector<16xi32>
        %xor3A_2336 = arith.constant 4 : i32
        %xor3A_2337 = vector.broadcast %xor3A_2336 : i32 to vector<16xi32>
        %xor3A_2338 = arith.xori %iota3A_2137, %xor3A_2337 : vector<16xi32>
        %broadcast_in_dim3A_2339 = vector.shape_cast %xor3A_2338 : vector<16xi32> to vector<16x1xi32>
        %gather3A_2340 = vector.shape_cast %broadcast_in_dim3A_2339 : vector<16x1xi32> to vector<16xi32>
        %gather3A_2341 = tpu.dynamic_gather %select_n3A_2284[%gather3A_2340] in [0] : vector<16xf32>, vector<16xi32> -> vector<16xf32>
        %add3A_2342 = arith.addf %select_n3A_2284, %gather3A_2341 : vector<16xf32>
        %xor3A_2343 = arith.constant 4 : i32
        %xor3A_2344 = vector.broadcast %xor3A_2343 : i32 to vector<16xi32>
        %xor3A_2345 = arith.xori %iota3A_2137, %xor3A_2344 : vector<16xi32>
        %broadcast_in_dim3A_2346 = vector.shape_cast %xor3A_2345 : vector<16xi32> to vector<16x1xi32>
        %gather3A_2347 = vector.shape_cast %broadcast_in_dim3A_2346 : vector<16x1xi32> to vector<16xi32>
        %gather3A_2348 = tpu.dynamic_gather %select_n3A_2299[%gather3A_2347] in [0] : vector<16xf32>, vector<16xi32> -> vector<16xf32>
        %add3A_2349 = arith.addf %select_n3A_2299, %gather3A_2348 : vector<16xf32>
        %select_n3A_2350 = arith.select %eq3A_2335, %add3A_2342, %add3A_2349 : vector<16xi1>, vector<16xf32>
        %xor3A_2351 = arith.constant 4 : i32
        %xor3A_2352 = vector.broadcast %xor3A_2351 : i32 to vector<16xi32>
        %xor3A_2353 = arith.xori %iota3A_2137, %xor3A_2352 : vector<16xi32>
        %broadcast_in_dim3A_2354 = vector.shape_cast %xor3A_2353 : vector<16xi32> to vector<16x1xi32>
        %gather3A_2355 = vector.shape_cast %broadcast_in_dim3A_2354 : vector<16x1xi32> to vector<16xi32>
        %gather3A_2356 = tpu.dynamic_gather %select_n3A_2314[%gather3A_2355] in [0] : vector<16xf32>, vector<16xi32> -> vector<16xf32>
        %add3A_2357 = arith.addf %select_n3A_2314, %gather3A_2356 : vector<16xf32>
        %xor3A_2358 = arith.constant 4 : i32
        %xor3A_2359 = vector.broadcast %xor3A_2358 : i32 to vector<16xi32>
        %xor3A_2360 = arith.xori %iota3A_2137, %xor3A_2359 : vector<16xi32>
        %broadcast_in_dim3A_2361 = vector.shape_cast %xor3A_2360 : vector<16xi32> to vector<16x1xi32>
        %gather3A_2362 = vector.shape_cast %broadcast_in_dim3A_2361 : vector<16x1xi32> to vector<16xi32>
        %gather3A_2363 = tpu.dynamic_gather %select_n3A_2329[%gather3A_2362] in [0] : vector<16xf32>, vector<16xi32> -> vector<16xf32>
        %add3A_2364 = arith.addf %select_n3A_2329, %gather3A_2363 : vector<16xf32>
        %select_n3A_2365 = arith.select %eq3A_2335, %add3A_2357, %add3A_2364 : vector<16xi1>, vector<16xf32>
        %and3A_2366 = arith.constant 8 : i32
        %and3A_2367 = vector.broadcast %and3A_2366 : i32 to vector<16xi32>
        %and3A_2368 = arith.andi %iota3A_2137, %and3A_2367 : vector<16xi32>
        %eq3A_2369 = arith.constant 0 : i32
        %eq3A_2370 = vector.broadcast %eq3A_2369 : i32 to vector<16xi32>
        %eq3A_2371 = arith.cmpi eq, %and3A_2368, %eq3A_2370 : vector<16xi32>
        %xor3A_2372 = arith.constant 8 : i32
        %xor3A_2373 = vector.broadcast %xor3A_2372 : i32 to vector<16xi32>
        %xor3A_2374 = arith.xori %iota3A_2137, %xor3A_2373 : vector<16xi32>
        %broadcast_in_dim3A_2375 = vector.shape_cast %xor3A_2374 : vector<16xi32> to vector<16x1xi32>
        %gather3A_2376 = vector.shape_cast %broadcast_in_dim3A_2375 : vector<16x1xi32> to vector<16xi32>
        %gather3A_2377 = tpu.dynamic_gather %select_n3A_2350[%gather3A_2376] in [0] : vector<16xf32>, vector<16xi32> -> vector<16xf32>
        %add3A_2378 = arith.addf %select_n3A_2350, %gather3A_2377 : vector<16xf32>
        %xor3A_2379 = arith.constant 8 : i32
        %xor3A_2380 = vector.broadcast %xor3A_2379 : i32 to vector<16xi32>
        %xor3A_2381 = arith.xori %iota3A_2137, %xor3A_2380 : vector<16xi32>
        %broadcast_in_dim3A_2382 = vector.shape_cast %xor3A_2381 : vector<16xi32> to vector<16x1xi32>
        %gather3A_2383 = vector.shape_cast %broadcast_in_dim3A_2382 : vector<16x1xi32> to vector<16xi32>
        %gather3A_2384 = tpu.dynamic_gather %select_n3A_2365[%gather3A_2383] in [0] : vector<16xf32>, vector<16xi32> -> vector<16xf32>
        %add3A_2385 = arith.addf %select_n3A_2365, %gather3A_2384 : vector<16xf32>
        %select_n3A_2386 = arith.select %eq3A_2371, %add3A_2378, %add3A_2385 : vector<16xi1>, vector<16xf32>
        %lt3A_2387 = arith.constant 1.000000e+00 : f32
        %lt3A_2388 = vector.broadcast %lt3A_2387 : f32 to vector<16xf32>
        %lt3A_2389 = arith.cmpf olt, %select_n3A_2386, %lt3A_2388 : vector<16xf32>
        %mul3A_2390 = arith.constant 9.22337203E+18 : f32
        %mul3A_2391 = vector.broadcast %mul3A_2390 : f32 to vector<16xf32>
        %mul3A_2392 = arith.mulf %select_n3A_2386, %mul3A_2391 : vector<16xf32>
        %mul3A_2393 = arith.constant 9.22337203E+18 : f32
        %mul3A_2394 = vector.broadcast %mul3A_2393 : f32 to vector<16xf32>
        %mul3A_2395 = arith.mulf %mul3A_2392, %mul3A_2394 : vector<16xf32>
        %select_n3A_2396 = arith.select %lt3A_2389, %mul3A_2395, %select_n3A_2386 : vector<16xi1>, vector<16xf32>
        %jit3A_2397 = arith.constant -1.260000e+02 : f32
        %jit3A_2398 = arith.constant 0.000000e+00 : f32
        %broadcast_in_dim3A_2399 = vector.broadcast %jit3A_2397 : f32 to vector<16xf32>
        %broadcast_in_dim3A_2400 = vector.broadcast %jit3A_2398 : f32 to vector<16xf32>
        %select_n3A_2401 = arith.select %lt3A_2389, %broadcast_in_dim3A_2399, %broadcast_in_dim3A_2400 : vector<16xi1>, vector<16xf32>
        %ge3A_2402 = arith.constant 1.84467441E+19 : f32
        %ge3A_2403 = vector.broadcast %ge3A_2402 : f32 to vector<16xf32>
        %ge3A_2404 = arith.cmpf oge, %select_n3A_2396, %ge3A_2403 : vector<16xf32>
        %mul3A_2405 = arith.constant 5.42101086E-20 : f32
        %mul3A_2406 = vector.broadcast %mul3A_2405 : f32 to vector<16xf32>
        %mul3A_2407 = arith.mulf %select_n3A_2396, %mul3A_2406 : vector<16xf32>
        %select_n3A_2408 = arith.select %ge3A_2404, %mul3A_2407, %select_n3A_2396 : vector<16xi1>, vector<16xf32>
        %jit3A_2409 = arith.constant 6.400000e+01 : f32
        %jit3A_2410 = arith.constant 0.000000e+00 : f32
        %broadcast_in_dim3A_2411 = vector.broadcast %jit3A_2409 : f32 to vector<16xf32>
        %broadcast_in_dim3A_2412 = vector.broadcast %jit3A_2410 : f32 to vector<16xf32>
        %select_n3A_2413 = arith.select %ge3A_2404, %broadcast_in_dim3A_2411, %broadcast_in_dim3A_2412 : vector<16xi1>, vector<16xf32>
        %add3A_2414 = arith.addf %select_n3A_2401, %select_n3A_2413 : vector<16xf32>
        %ge3A_2415 = arith.constant 4.2949673E+9 : f32
        %ge3A_2416 = vector.broadcast %ge3A_2415 : f32 to vector<16xf32>
        %ge3A_2417 = arith.cmpf oge, %select_n3A_2408, %ge3A_2416 : vector<16xf32>
        %mul3A_2418 = arith.constant 2.32830644E-10 : f32
        %mul3A_2419 = vector.broadcast %mul3A_2418 : f32 to vector<16xf32>
        %mul3A_2420 = arith.mulf %select_n3A_2408, %mul3A_2419 : vector<16xf32>
        %select_n3A_2421 = arith.select %ge3A_2417, %mul3A_2420, %select_n3A_2408 : vector<16xi1>, vector<16xf32>
        %jit3A_2422 = arith.constant 3.200000e+01 : f32
        %jit3A_2423 = arith.constant 0.000000e+00 : f32
        %broadcast_in_dim3A_2424 = vector.broadcast %jit3A_2422 : f32 to vector<16xf32>
        %broadcast_in_dim3A_2425 = vector.broadcast %jit3A_2423 : f32 to vector<16xf32>
        %select_n3A_2426 = arith.select %ge3A_2417, %broadcast_in_dim3A_2424, %broadcast_in_dim3A_2425 : vector<16xi1>, vector<16xf32>
        %add3A_2427 = arith.addf %add3A_2414, %select_n3A_2426 : vector<16xf32>
        %ge3A_2428 = arith.constant 6.553600e+04 : f32
        %ge3A_2429 = vector.broadcast %ge3A_2428 : f32 to vector<16xf32>
        %ge3A_2430 = arith.cmpf oge, %select_n3A_2421, %ge3A_2429 : vector<16xf32>
        %mul3A_2431 = arith.constant 1.52587891E-5 : f32
        %mul3A_2432 = vector.broadcast %mul3A_2431 : f32 to vector<16xf32>
        %mul3A_2433 = arith.mulf %select_n3A_2421, %mul3A_2432 : vector<16xf32>
        %select_n3A_2434 = arith.select %ge3A_2430, %mul3A_2433, %select_n3A_2421 : vector<16xi1>, vector<16xf32>
        %jit3A_2435 = arith.constant 1.600000e+01 : f32
        %jit3A_2436 = arith.constant 0.000000e+00 : f32
        %broadcast_in_dim3A_2437 = vector.broadcast %jit3A_2435 : f32 to vector<16xf32>
        %broadcast_in_dim3A_2438 = vector.broadcast %jit3A_2436 : f32 to vector<16xf32>
        %select_n3A_2439 = arith.select %ge3A_2430, %broadcast_in_dim3A_2437, %broadcast_in_dim3A_2438 : vector<16xi1>, vector<16xf32>
        %add3A_2440 = arith.addf %add3A_2427, %select_n3A_2439 : vector<16xf32>
        %ge3A_2441 = arith.constant 2.560000e+02 : f32
        %ge3A_2442 = vector.broadcast %ge3A_2441 : f32 to vector<16xf32>
        %ge3A_2443 = arith.cmpf oge, %select_n3A_2434, %ge3A_2442 : vector<16xf32>
        %mul3A_2444 = arith.constant 3.906250e-03 : f32
        %mul3A_2445 = vector.broadcast %mul3A_2444 : f32 to vector<16xf32>
        %mul3A_2446 = arith.mulf %select_n3A_2434, %mul3A_2445 : vector<16xf32>
        %select_n3A_2447 = arith.select %ge3A_2443, %mul3A_2446, %select_n3A_2434 : vector<16xi1>, vector<16xf32>
        %jit3A_2448 = arith.constant 8.000000e+00 : f32
        %jit3A_2449 = arith.constant 0.000000e+00 : f32
        %broadcast_in_dim3A_2450 = vector.broadcast %jit3A_2448 : f32 to vector<16xf32>
        %broadcast_in_dim3A_2451 = vector.broadcast %jit3A_2449 : f32 to vector<16xf32>
        %select_n3A_2452 = arith.select %ge3A_2443, %broadcast_in_dim3A_2450, %broadcast_in_dim3A_2451 : vector<16xi1>, vector<16xf32>
        %add3A_2453 = arith.addf %add3A_2440, %select_n3A_2452 : vector<16xf32>
        %ge3A_2454 = arith.constant 1.600000e+01 : f32
        %ge3A_2455 = vector.broadcast %ge3A_2454 : f32 to vector<16xf32>
        %ge3A_2456 = arith.cmpf oge, %select_n3A_2447, %ge3A_2455 : vector<16xf32>
        %mul3A_2457 = arith.constant 6.250000e-02 : f32
        %mul3A_2458 = vector.broadcast %mul3A_2457 : f32 to vector<16xf32>
        %mul3A_2459 = arith.mulf %select_n3A_2447, %mul3A_2458 : vector<16xf32>
        %select_n3A_2460 = arith.select %ge3A_2456, %mul3A_2459, %select_n3A_2447 : vector<16xi1>, vector<16xf32>
        %jit3A_2461 = arith.constant 4.000000e+00 : f32
        %jit3A_2462 = arith.constant 0.000000e+00 : f32
        %broadcast_in_dim3A_2463 = vector.broadcast %jit3A_2461 : f32 to vector<16xf32>
        %broadcast_in_dim3A_2464 = vector.broadcast %jit3A_2462 : f32 to vector<16xf32>
        %select_n3A_2465 = arith.select %ge3A_2456, %broadcast_in_dim3A_2463, %broadcast_in_dim3A_2464 : vector<16xi1>, vector<16xf32>
        %add3A_2466 = arith.addf %add3A_2453, %select_n3A_2465 : vector<16xf32>
        %ge3A_2467 = arith.constant 4.000000e+00 : f32
        %ge3A_2468 = vector.broadcast %ge3A_2467 : f32 to vector<16xf32>
        %ge3A_2469 = arith.cmpf oge, %select_n3A_2460, %ge3A_2468 : vector<16xf32>
        %mul3A_2470 = arith.constant 2.500000e-01 : f32
        %mul3A_2471 = vector.broadcast %mul3A_2470 : f32 to vector<16xf32>
        %mul3A_2472 = arith.mulf %select_n3A_2460, %mul3A_2471 : vector<16xf32>
        %select_n3A_2473 = arith.select %ge3A_2469, %mul3A_2472, %select_n3A_2460 : vector<16xi1>, vector<16xf32>
        %jit3A_2474 = arith.constant 2.000000e+00 : f32
        %jit3A_2475 = arith.constant 0.000000e+00 : f32
        %broadcast_in_dim3A_2476 = vector.broadcast %jit3A_2474 : f32 to vector<16xf32>
        %broadcast_in_dim3A_2477 = vector.broadcast %jit3A_2475 : f32 to vector<16xf32>
        %select_n3A_2478 = arith.select %ge3A_2469, %broadcast_in_dim3A_2476, %broadcast_in_dim3A_2477 : vector<16xi1>, vector<16xf32>
        %add3A_2479 = arith.addf %add3A_2466, %select_n3A_2478 : vector<16xf32>
        %ge3A_2480 = arith.constant 2.000000e+00 : f32
        %ge3A_2481 = vector.broadcast %ge3A_2480 : f32 to vector<16xf32>
        %ge3A_2482 = arith.cmpf oge, %select_n3A_2473, %ge3A_2481 : vector<16xf32>
        %mul3A_2483 = arith.constant 5.000000e-01 : f32
        %mul3A_2484 = vector.broadcast %mul3A_2483 : f32 to vector<16xf32>
        %mul3A_2485 = arith.mulf %select_n3A_2473, %mul3A_2484 : vector<16xf32>
        %select_n3A_2486 = arith.select %ge3A_2482, %mul3A_2485, %select_n3A_2473 : vector<16xi1>, vector<16xf32>
        %jit3A_2487 = arith.constant 1.000000e+00 : f32
        %jit3A_2488 = arith.constant 0.000000e+00 : f32
        %broadcast_in_dim3A_2489 = vector.broadcast %jit3A_2487 : f32 to vector<16xf32>
        %broadcast_in_dim3A_2490 = vector.broadcast %jit3A_2488 : f32 to vector<16xf32>
        %select_n3A_2491 = arith.select %ge3A_2482, %broadcast_in_dim3A_2489, %broadcast_in_dim3A_2490 : vector<16xi1>, vector<16xf32>
        %add3A_2492 = arith.addf %add3A_2479, %select_n3A_2491 : vector<16xf32>
        %gt3A_2493 = arith.constant 1.41421354 : f32
        %gt3A_2494 = vector.broadcast %gt3A_2493 : f32 to vector<16xf32>
        %gt3A_2495 = arith.cmpf ogt, %select_n3A_2486, %gt3A_2494 : vector<16xf32>
        %mul3A_2496 = arith.constant 5.000000e-01 : f32
        %mul3A_2497 = vector.broadcast %mul3A_2496 : f32 to vector<16xf32>
        %mul3A_2498 = arith.mulf %select_n3A_2486, %mul3A_2497 : vector<16xf32>
        %select_n3A_2499 = arith.select %gt3A_2495, %mul3A_2498, %select_n3A_2486 : vector<16xi1>, vector<16xf32>
        %jit3A_2500 = arith.constant 1.000000e+00 : f32
        %jit3A_2501 = arith.constant 0.000000e+00 : f32
        %broadcast_in_dim3A_2502 = vector.broadcast %jit3A_2500 : f32 to vector<16xf32>
        %broadcast_in_dim3A_2503 = vector.broadcast %jit3A_2501 : f32 to vector<16xf32>
        %select_n3A_2504 = arith.select %gt3A_2495, %broadcast_in_dim3A_2502, %broadcast_in_dim3A_2503 : vector<16xi1>, vector<16xf32>
        %add3A_2505 = arith.addf %add3A_2492, %select_n3A_2504 : vector<16xf32>
        %sub3A_2506 = arith.constant 1.000000e+00 : f32
        %sub3A_2507 = vector.broadcast %sub3A_2506 : f32 to vector<16xf32>
        %sub3A_2508 = arith.subf %select_n3A_2499, %sub3A_2507 : vector<16xf32>
        %add3A_2509 = arith.constant 1.000000e+00 : f32
        %add3A_2510 = vector.broadcast %add3A_2509 : f32 to vector<16xf32>
        %add3A_2511 = arith.addf %select_n3A_2499, %add3A_2510 : vector<16xf32>
        %div3A_2512 = arith.divf %sub3A_2508, %add3A_2511 : vector<16xf32>
        %mul3A_2513 = arith.mulf %div3A_2512, %div3A_2512 : vector<16xf32>
        %mul3A_2514 = arith.constant 0.222222224 : f32
        %mul3A_2515 = vector.broadcast %mul3A_2514 : f32 to vector<16xf32>
        %mul3A_2516 = arith.mulf %mul3A_2513, %mul3A_2515 : vector<16xf32>
        %add3A_2517 = arith.constant 0.285714298 : f32
        %add3A_2518 = vector.broadcast %add3A_2517 : f32 to vector<16xf32>
        %add3A_2519 = arith.addf %add3A_2518, %mul3A_2516 : vector<16xf32>
        %mul3A_2520 = arith.mulf %mul3A_2513, %add3A_2519 : vector<16xf32>
        %add3A_2521 = arith.constant 4.000000e-01 : f32
        %add3A_2522 = vector.broadcast %add3A_2521 : f32 to vector<16xf32>
        %add3A_2523 = arith.addf %add3A_2522, %mul3A_2520 : vector<16xf32>
        %mul3A_2524 = arith.mulf %mul3A_2513, %add3A_2523 : vector<16xf32>
        %add3A_2525 = arith.constant 0.666666686 : f32
        %add3A_2526 = vector.broadcast %add3A_2525 : f32 to vector<16xf32>
        %add3A_2527 = arith.addf %add3A_2526, %mul3A_2524 : vector<16xf32>
        %mul3A_2528 = arith.mulf %mul3A_2513, %add3A_2527 : vector<16xf32>
        %add3A_2529 = arith.constant 2.000000e+00 : f32
        %add3A_2530 = vector.broadcast %add3A_2529 : f32 to vector<16xf32>
        %add3A_2531 = arith.addf %add3A_2530, %mul3A_2528 : vector<16xf32>
        %mul3A_2532 = arith.mulf %div3A_2512, %add3A_2531 : vector<16xf32>
        %mul3A_2533 = arith.constant 0.693147182 : f32
        %mul3A_2534 = vector.broadcast %mul3A_2533 : f32 to vector<16xf32>
        %mul3A_2535 = arith.mulf %add3A_2505, %mul3A_2534 : vector<16xf32>
        %add3A_2536 = arith.addf %mul3A_2535, %mul3A_2532 : vector<16xf32>
        %add3A_2537 = arith.addf %max3A_689, %add3A_2536 : vector<16xf32>
        %swap3A_2538 = arith.constant 32 : index
        %swap3A_2539 = tpu.vector_load %arg8[%swap3A_2538] {strides = array<i32>} : memref<64xf32, #tpu.memory_space<vmem>>, vector<16xf32>,
        %swap3A_2540 = vector.shape_cast %swap3A_2539 : vector<16xf32> to vector<16xf32>
        %swap3A_2541 = vector.shape_cast %add3A_2537 : vector<16xf32> to vector<16xf32>
        tpu.vector_store %arg8[%swap3A_2538], %swap3A_2541 {strides = array<i32>} : memref<64xf32, #tpu.memory_space<vmem>>, vector<16xf32>,
        %broadcast_in_dim3A_2542 = arith.constant 0.000000e+00 : f32
        %broadcast_in_dim3A_2543 = vector.broadcast %broadcast_in_dim3A_2542 : f32 to vector<16xf32>
        %broadcast_in_dim3A_2544 = arith.constant 0.000000e+00 : f32
        %broadcast_in_dim3A_2545 = vector.broadcast %broadcast_in_dim3A_2544 : f32 to vector<16xf32>
        %broadcast_in_dim3A_2546 = arith.constant 0.000000e+00 : f32
        %broadcast_in_dim3A_2547 = vector.broadcast %broadcast_in_dim3A_2546 : f32 to vector<16xf32>
        %broadcast_in_dim3A_2548 = arith.constant 0.000000e+00 : f32
        %broadcast_in_dim3A_2549 = vector.broadcast %broadcast_in_dim3A_2548 : f32 to vector<16xf32>
        %broadcast_in_dim3A_2550 = arith.constant 0.000000e+00 : f32
        %broadcast_in_dim3A_2551 = vector.broadcast %broadcast_in_dim3A_2550 : f32 to vector<16xf32>
        %broadcast_in_dim3A_2552 = arith.constant 0.000000e+00 : f32
        %broadcast_in_dim3A_2553 = vector.broadcast %broadcast_in_dim3A_2552 : f32 to vector<16xf32>
        %broadcast_in_dim3A_2554 = arith.constant 0.000000e+00 : f32
        %broadcast_in_dim3A_2555 = vector.broadcast %broadcast_in_dim3A_2554 : f32 to vector<16xf32>
        %broadcast_in_dim3A_2556 = arith.constant 0.000000e+00 : f32
        %broadcast_in_dim3A_2557 = vector.broadcast %broadcast_in_dim3A_2556 : f32 to vector<16xf32>
        %broadcast_in_dim3A_2558 = arith.constant 0.000000e+00 : f32
        %broadcast_in_dim3A_2559 = vector.broadcast %broadcast_in_dim3A_2558 : f32 to vector<16xf32>
        %broadcast_in_dim3A_2560 = arith.constant 0.000000e+00 : f32
        %broadcast_in_dim3A_2561 = vector.broadcast %broadcast_in_dim3A_2560 : f32 to vector<16xf32>
        %broadcast_in_dim3A_2562 = arith.constant 0.000000e+00 : f32
        %broadcast_in_dim3A_2563 = vector.broadcast %broadcast_in_dim3A_2562 : f32 to vector<16xf32>
        %broadcast_in_dim3A_2564 = arith.constant 0.000000e+00 : f32
        %broadcast_in_dim3A_2565 = vector.broadcast %broadcast_in_dim3A_2564 : f32 to vector<16xf32>
        %broadcast_in_dim3A_2566 = arith.constant 0.000000e+00 : f32
        %broadcast_in_dim3A_2567 = vector.broadcast %broadcast_in_dim3A_2566 : f32 to vector<16xf32>
        %broadcast_in_dim3A_2568 = arith.constant 0.000000e+00 : f32
        %broadcast_in_dim3A_2569 = vector.broadcast %broadcast_in_dim3A_2568 : f32 to vector<16xf32>
        %broadcast_in_dim3A_2570 = arith.constant 0.000000e+00 : f32
        %broadcast_in_dim3A_2571 = vector.broadcast %broadcast_in_dim3A_2570 : f32 to vector<16xf32>
        %broadcast_in_dim3A_2572 = arith.constant 0.000000e+00 : f32
        %broadcast_in_dim3A_2573 = vector.broadcast %broadcast_in_dim3A_2572 : f32 to vector<16xf32>
        %scan3A_2574 = arith.constant 0 : i32
        %scan3A_2575 = arith.constant 64 : i32
        %scan3A_2576 = arith.addi %scan3A_2574, %scan3A_2575 : i32
        %scan3A_2577 = arith.constant 2 : i32
        %scan3A_2578:16 = scf.for %scan3A_2992 = %scan3A_2574 to %scan3A_2576 step %scan3A_2577 iter_args(%scan3A_2993 = %broadcast_in_dim3A_2543, %scan3A_2994 = %broadcast_in_dim3A_2545, %scan3A_2995 = %broadcast_in_dim3A_2547, %scan3A_2996 = %broadcast_in_dim3A_2549, %scan3A_2997 = %broadcast_in_dim3A_2551, %scan3A_2998 = %broadcast_in_dim3A_2553, %scan3A_2999 = %broadcast_in_dim3A_2555, %scan3A_3000 = %broadcast_in_dim3A_2557, %scan3A_3001 = %broadcast_in_dim3A_2559, %scan3A_3002 = %broadcast_in_dim3A_2561, %scan3A_3003 = %broadcast_in_dim3A_2563, %scan3A_3004 = %broadcast_in_dim3A_2565, %scan3A_3005 = %broadcast_in_dim3A_2567, %scan3A_3006 = %broadcast_in_dim3A_2569, %scan3A_3007 = %broadcast_in_dim3A_2571, %scan3A_3008 = %broadcast_in_dim3A_2573) -> (vector<16xf32>, vector<16xf32>, vector<16xf32>, vector<16xf32>, vector<16xf32>, vector<16xf32>, vector<16xf32>, vector<16xf32>, vector<16xf32>, vector<16xf32>, vector<16xf32>, vector<16xf32>, vector<16xf32>, vector<16xf32>, vector<16xf32>, vector<16xf32>)  : i32 {
          %mul3A_3009 = arith.constant 16 : i32
          %mul3A_3010 = arith.muli %scan3A_2992, %mul3A_3009 : i32
          %get3A_3011 = arith.index_cast %mul3A_3010 : i32 to index
          %get3A_3012 = tpu.vector_load %arg7[%get3A_3011] {strides = array<i32>} : memref<1024xf32, #tpu.memory_space<vmem>>, vector<16xf32>,
          %get3A_3013 = vector.shape_cast %get3A_3012 : vector<16xf32> to vector<16xf32>
          %mul3A_3014 = arith.constant 16 : i32
          %mul3A_3015 = arith.muli %scan3A_2992, %mul3A_3014 : i32
          %get3A_3016 = arith.constant 16 : i32
          %get3A_3017 = arith.index_cast %get3A_3016 : i32 to index
          %get3A_3018 = arith.index_cast %mul3A_3015 : i32 to index
          %get3A_3019 = tpu.vector_load %arg5[%get3A_3017, %get3A_3018] {strides = array<i32>} : memref<32x1024xf32, #tpu.memory_space<vmem>>, vector<1x16xf32>,
          %get3A_3020 = vector.shape_cast %get3A_3019 : vector<1x16xf32> to vector<16xf32>
          %add3A_3021 = arith.addf %get3A_3020, %get3A_3013 : vector<16xf32>
          %exp3A = math.exp %add3A_3021 : vector<16xf32>
          %add3A_3022 = arith.addf %scan3A_2993, %exp3A : vector<16xf32>
          %mul3A_3023 = arith.constant 16 : i32
          %mul3A_3024 = arith.muli %scan3A_2992, %mul3A_3023 : i32
          %get3A_3025 = arith.constant 17 : i32
          %get3A_3026 = arith.index_cast %get3A_3025 : i32 to index
          %get3A_3027 = arith.index_cast %mul3A_3024 : i32 to index
          %get3A_3028 = tpu.vector_load %arg5[%get3A_3026, %get3A_3027] {strides = array<i32>} : memref<32x1024xf32, #tpu.memory_space<vmem>>, vector<1x16xf32>,
          %get3A_3029 = vector.shape_cast %get3A_3028 : vector<1x16xf32> to vector<16xf32>
          %add3A_3030 = arith.addf %get3A_3029, %get3A_3013 : vector<16xf32>
          %exp3A_3031 = math.exp %add3A_3030 : vector<16xf32>
          %add3A_3032 = arith.addf %scan3A_2994, %exp3A_3031 : vector<16xf32>
          %mul3A_3033 = arith.constant 16 : i32
          %mul3A_3034 = arith.muli %scan3A_2992, %mul3A_3033 : i32
          %get3A_3035 = arith.constant 18 : i32
          %get3A_3036 = arith.index_cast %get3A_3035 : i32 to index
          %get3A_3037 = arith.index_cast %mul3A_3034 : i32 to index
          %get3A_3038 = tpu.vector_load %arg5[%get3A_3036, %get3A_3037] {strides = array<i32>} : memref<32x1024xf32, #tpu.memory_space<vmem>>, vector<1x16xf32>,
          %get3A_3039 = vector.shape_cast %get3A_3038 : vector<1x16xf32> to vector<16xf32>
          %add3A_3040 = arith.addf %get3A_3039, %get3A_3013 : vector<16xf32>
          %exp3A_3041 = math.exp %add3A_3040 : vector<16xf32>
          %add3A_3042 = arith.addf %scan3A_2995, %exp3A_3041 : vector<16xf32>
          %mul3A_3043 = arith.constant 16 : i32
          %mul3A_3044 = arith.muli %scan3A_2992, %mul3A_3043 : i32
          %get3A_3045 = arith.constant 19 : i32
          %get3A_3046 = arith.index_cast %get3A_3045 : i32 to index
          %get3A_3047 = arith.index_cast %mul3A_3044 : i32 to index
          %get3A_3048 = tpu.vector_load %arg5[%get3A_3046, %get3A_3047] {strides = array<i32>} : memref<32x1024xf32, #tpu.memory_space<vmem>>, vector<1x16xf32>,
          %get3A_3049 = vector.shape_cast %get3A_3048 : vector<1x16xf32> to vector<16xf32>
          %add3A_3050 = arith.addf %get3A_3049, %get3A_3013 : vector<16xf32>
          %exp3A_3051 = math.exp %add3A_3050 : vector<16xf32>
          %add3A_3052 = arith.addf %scan3A_2996, %exp3A_3051 : vector<16xf32>
          %mul3A_3053 = arith.constant 16 : i32
          %mul3A_3054 = arith.muli %scan3A_2992, %mul3A_3053 : i32
          %get3A_3055 = arith.constant 20 : i32
          %get3A_3056 = arith.index_cast %get3A_3055 : i32 to index
          %get3A_3057 = arith.index_cast %mul3A_3054 : i32 to index
          %get3A_3058 = tpu.vector_load %arg5[%get3A_3056, %get3A_3057] {strides = array<i32>} : memref<32x1024xf32, #tpu.memory_space<vmem>>, vector<1x16xf32>,
          %get3A_3059 = vector.shape_cast %get3A_3058 : vector<1x16xf32> to vector<16xf32>
          %add3A_3060 = arith.addf %get3A_3059, %get3A_3013 : vector<16xf32>
          %exp3A_3061 = math.exp %add3A_3060 : vector<16xf32>
          %add3A_3062 = arith.addf %scan3A_2997, %exp3A_3061 : vector<16xf32>
          %mul3A_3063 = arith.constant 16 : i32
          %mul3A_3064 = arith.muli %scan3A_2992, %mul3A_3063 : i32
          %get3A_3065 = arith.constant 21 : i32
          %get3A_3066 = arith.index_cast %get3A_3065 : i32 to index
          %get3A_3067 = arith.index_cast %mul3A_3064 : i32 to index
          %get3A_3068 = tpu.vector_load %arg5[%get3A_3066, %get3A_3067] {strides = array<i32>} : memref<32x1024xf32, #tpu.memory_space<vmem>>, vector<1x16xf32>,
          %get3A_3069 = vector.shape_cast %get3A_3068 : vector<1x16xf32> to vector<16xf32>
          %add3A_3070 = arith.addf %get3A_3069, %get3A_3013 : vector<16xf32>
          %exp3A_3071 = math.exp %add3A_3070 : vector<16xf32>
          %add3A_3072 = arith.addf %scan3A_2998, %exp3A_3071 : vector<16xf32>
          %mul3A_3073 = arith.constant 16 : i32
          %mul3A_3074 = arith.muli %scan3A_2992, %mul3A_3073 : i32
          %get3A_3075 = arith.constant 22 : i32
          %get3A_3076 = arith.index_cast %get3A_3075 : i32 to index
          %get3A_3077 = arith.index_cast %mul3A_3074 : i32 to index
          %get3A_3078 = tpu.vector_load %arg5[%get3A_3076, %get3A_3077] {strides = array<i32>} : memref<32x1024xf32, #tpu.memory_space<vmem>>, vector<1x16xf32>,
          %get3A_3079 = vector.shape_cast %get3A_3078 : vector<1x16xf32> to vector<16xf32>
          %add3A_3080 = arith.addf %get3A_3079, %get3A_3013 : vector<16xf32>
          %exp3A_3081 = math.exp %add3A_3080 : vector<16xf32>
          %add3A_3082 = arith.addf %scan3A_2999, %exp3A_3081 : vector<16xf32>
          %mul3A_3083 = arith.constant 16 : i32
          %mul3A_3084 = arith.muli %scan3A_2992, %mul3A_3083 : i32
          %get3A_3085 = arith.constant 23 : i32
          %get3A_3086 = arith.index_cast %get3A_3085 : i32 to index
          %get3A_3087 = arith.index_cast %mul3A_3084 : i32 to index
          %get3A_3088 = tpu.vector_load %arg5[%get3A_3086, %get3A_3087] {strides = array<i32>} : memref<32x1024xf32, #tpu.memory_space<vmem>>, vector<1x16xf32>,
          %get3A_3089 = vector.shape_cast %get3A_3088 : vector<1x16xf32> to vector<16xf32>
          %add3A_3090 = arith.addf %get3A_3089, %get3A_3013 : vector<16xf32>
          %exp3A_3091 = math.exp %add3A_3090 : vector<16xf32>
          %add3A_3092 = arith.addf %scan3A_3000, %exp3A_3091 : vector<16xf32>
          %mul3A_3093 = arith.constant 16 : i32
          %mul3A_3094 = arith.muli %scan3A_2992, %mul3A_3093 : i32
          %get3A_3095 = arith.constant 24 : i32
          %get3A_3096 = arith.index_cast %get3A_3095 : i32 to index
          %get3A_3097 = arith.index_cast %mul3A_3094 : i32 to index
          %get3A_3098 = tpu.vector_load %arg5[%get3A_3096, %get3A_3097] {strides = array<i32>} : memref<32x1024xf32, #tpu.memory_space<vmem>>, vector<1x16xf32>,
          %get3A_3099 = vector.shape_cast %get3A_3098 : vector<1x16xf32> to vector<16xf32>
          %add3A_3100 = arith.addf %get3A_3099, %get3A_3013 : vector<16xf32>
          %exp3A_3101 = math.exp %add3A_3100 : vector<16xf32>
          %add3A_3102 = arith.addf %scan3A_3001, %exp3A_3101 : vector<16xf32>
          %mul3A_3103 = arith.constant 16 : i32
          %mul3A_3104 = arith.muli %scan3A_2992, %mul3A_3103 : i32
          %get3A_3105 = arith.constant 25 : i32
          %get3A_3106 = arith.index_cast %get3A_3105 : i32 to index
          %get3A_3107 = arith.index_cast %mul3A_3104 : i32 to index
          %get3A_3108 = tpu.vector_load %arg5[%get3A_3106, %get3A_3107] {strides = array<i32>} : memref<32x1024xf32, #tpu.memory_space<vmem>>, vector<1x16xf32>,
          %get3A_3109 = vector.shape_cast %get3A_3108 : vector<1x16xf32> to vector<16xf32>
          %add3A_3110 = arith.addf %get3A_3109, %get3A_3013 : vector<16xf32>
          %exp3A_3111 = math.exp %add3A_3110 : vector<16xf32>
          %add3A_3112 = arith.addf %scan3A_3002, %exp3A_3111 : vector<16xf32>
          %mul3A_3113 = arith.constant 16 : i32
          %mul3A_3114 = arith.muli %scan3A_2992, %mul3A_3113 : i32
          %get3A_3115 = arith.constant 26 : i32
          %get3A_3116 = arith.index_cast %get3A_3115 : i32 to index
          %get3A_3117 = arith.index_cast %mul3A_3114 : i32 to index
          %get3A_3118 = tpu.vector_load %arg5[%get3A_3116, %get3A_3117] {strides = array<i32>} : memref<32x1024xf32, #tpu.memory_space<vmem>>, vector<1x16xf32>,
          %get3A_3119 = vector.shape_cast %get3A_3118 : vector<1x16xf32> to vector<16xf32>
          %add3A_3120 = arith.addf %get3A_3119, %get3A_3013 : vector<16xf32>
          %exp3A_3121 = math.exp %add3A_3120 : vector<16xf32>
          %add3A_3122 = arith.addf %scan3A_3003, %exp3A_3121 : vector<16xf32>
          %mul3A_3123 = arith.constant 16 : i32
          %mul3A_3124 = arith.muli %scan3A_2992, %mul3A_3123 : i32
          %get3A_3125 = arith.constant 27 : i32
          %get3A_3126 = arith.index_cast %get3A_3125 : i32 to index
          %get3A_3127 = arith.index_cast %mul3A_3124 : i32 to index
          %get3A_3128 = tpu.vector_load %arg5[%get3A_3126, %get3A_3127] {strides = array<i32>} : memref<32x1024xf32, #tpu.memory_space<vmem>>, vector<1x16xf32>,
          %get3A_3129 = vector.shape_cast %get3A_3128 : vector<1x16xf32> to vector<16xf32>
          %add3A_3130 = arith.addf %get3A_3129, %get3A_3013 : vector<16xf32>
          %exp3A_3131 = math.exp %add3A_3130 : vector<16xf32>
          %add3A_3132 = arith.addf %scan3A_3004, %exp3A_3131 : vector<16xf32>
          %mul3A_3133 = arith.constant 16 : i32
          %mul3A_3134 = arith.muli %scan3A_2992, %mul3A_3133 : i32
          %get3A_3135 = arith.constant 28 : i32
          %get3A_3136 = arith.index_cast %get3A_3135 : i32 to index
          %get3A_3137 = arith.index_cast %mul3A_3134 : i32 to index
          %get3A_3138 = tpu.vector_load %arg5[%get3A_3136, %get3A_3137] {strides = array<i32>} : memref<32x1024xf32, #tpu.memory_space<vmem>>, vector<1x16xf32>,
          %get3A_3139 = vector.shape_cast %get3A_3138 : vector<1x16xf32> to vector<16xf32>
          %add3A_3140 = arith.addf %get3A_3139, %get3A_3013 : vector<16xf32>
          %exp3A_3141 = math.exp %add3A_3140 : vector<16xf32>
          %add3A_3142 = arith.addf %scan3A_3005, %exp3A_3141 : vector<16xf32>
          %mul3A_3143 = arith.constant 16 : i32
          %mul3A_3144 = arith.muli %scan3A_2992, %mul3A_3143 : i32
          %get3A_3145 = arith.constant 29 : i32
          %get3A_3146 = arith.index_cast %get3A_3145 : i32 to index
          %get3A_3147 = arith.index_cast %mul3A_3144 : i32 to index
          %get3A_3148 = tpu.vector_load %arg5[%get3A_3146, %get3A_3147] {strides = array<i32>} : memref<32x1024xf32, #tpu.memory_space<vmem>>, vector<1x16xf32>,
          %get3A_3149 = vector.shape_cast %get3A_3148 : vector<1x16xf32> to vector<16xf32>
          %add3A_3150 = arith.addf %get3A_3149, %get3A_3013 : vector<16xf32>
          %exp3A_3151 = math.exp %add3A_3150 : vector<16xf32>
          %add3A_3152 = arith.addf %scan3A_3006, %exp3A_3151 : vector<16xf32>
          %mul3A_3153 = arith.constant 16 : i32
          %mul3A_3154 = arith.muli %scan3A_2992, %mul3A_3153 : i32
          %get3A_3155 = arith.constant 30 : i32
          %get3A_3156 = arith.index_cast %get3A_3155 : i32 to index
          %get3A_3157 = arith.index_cast %mul3A_3154 : i32 to index
          %get3A_3158 = tpu.vector_load %arg5[%get3A_3156, %get3A_3157] {strides = array<i32>} : memref<32x1024xf32, #tpu.memory_space<vmem>>, vector<1x16xf32>,
          %get3A_3159 = vector.shape_cast %get3A_3158 : vector<1x16xf32> to vector<16xf32>
          %add3A_3160 = arith.addf %get3A_3159, %get3A_3013 : vector<16xf32>
          %exp3A_3161 = math.exp %add3A_3160 : vector<16xf32>
          %add3A_3162 = arith.addf %scan3A_3007, %exp3A_3161 : vector<16xf32>
          %mul3A_3163 = arith.constant 16 : i32
          %mul3A_3164 = arith.muli %scan3A_2992, %mul3A_3163 : i32
          %get3A_3165 = arith.constant 31 : i32
          %get3A_3166 = arith.index_cast %get3A_3165 : i32 to index
          %get3A_3167 = arith.index_cast %mul3A_3164 : i32 to index
          %get3A_3168 = tpu.vector_load %arg5[%get3A_3166, %get3A_3167] {strides = array<i32>} : memref<32x1024xf32, #tpu.memory_space<vmem>>, vector<1x16xf32>,
          %get3A_3169 = vector.shape_cast %get3A_3168 : vector<1x16xf32> to vector<16xf32>
          %add3A_3170 = arith.addf %get3A_3169, %get3A_3013 : vector<16xf32>
          %exp3A_3171 = math.exp %add3A_3170 : vector<16xf32>
          %add3A_3172 = arith.addf %scan3A_3008, %exp3A_3171 : vector<16xf32>
          %scan3A_3173 = arith.constant 1 : i32
          %scan3A_3174 = arith.addi %scan3A_2992, %scan3A_3173 : i32
          %mul3A_3175 = arith.constant 16 : i32
          %mul3A_3176 = arith.muli %scan3A_3174, %mul3A_3175 : i32
          %get3A_3177 = arith.index_cast %mul3A_3176 : i32 to index
          %get3A_3178 = tpu.vector_load %arg7[%get3A_3177] {strides = array<i32>} : memref<1024xf32, #tpu.memory_space<vmem>>, vector<16xf32>,
          %get3A_3179 = vector.shape_cast %get3A_3178 : vector<16xf32> to vector<16xf32>
          %mul3A_3180 = arith.constant 16 : i32
          %mul3A_3181 = arith.muli %scan3A_3174, %mul3A_3180 : i32
          %get3A_3182 = arith.constant 16 : i32
          %get3A_3183 = arith.index_cast %get3A_3182 : i32 to index
          %get3A_3184 = arith.index_cast %mul3A_3181 : i32 to index
          %get3A_3185 = tpu.vector_load %arg5[%get3A_3183, %get3A_3184] {strides = array<i32>} : memref<32x1024xf32, #tpu.memory_space<vmem>>, vector<1x16xf32>,
          %get3A_3186 = vector.shape_cast %get3A_3185 : vector<1x16xf32> to vector<16xf32>
          %add3A_3187 = arith.addf %get3A_3186, %get3A_3179 : vector<16xf32>
          %exp3A_3188 = math.exp %add3A_3187 : vector<16xf32>
          %add3A_3189 = arith.addf %add3A_3022, %exp3A_3188 : vector<16xf32>
          %mul3A_3190 = arith.constant 16 : i32
          %mul3A_3191 = arith.muli %scan3A_3174, %mul3A_3190 : i32
          %get3A_3192 = arith.constant 17 : i32
          %get3A_3193 = arith.index_cast %get3A_3192 : i32 to index
          %get3A_3194 = arith.index_cast %mul3A_3191 : i32 to index
          %get3A_3195 = tpu.vector_load %arg5[%get3A_3193, %get3A_3194] {strides = array<i32>} : memref<32x1024xf32, #tpu.memory_space<vmem>>, vector<1x16xf32>,
          %get3A_3196 = vector.shape_cast %get3A_3195 : vector<1x16xf32> to vector<16xf32>
          %add3A_3197 = arith.addf %get3A_3196, %get3A_3179 : vector<16xf32>
          %exp3A_3198 = math.exp %add3A_3197 : vector<16xf32>
          %add3A_3199 = arith.addf %add3A_3032, %exp3A_3198 : vector<16xf32>
          %mul3A_3200 = arith.constant 16 : i32
          %mul3A_3201 = arith.muli %scan3A_3174, %mul3A_3200 : i32
          %get3A_3202 = arith.constant 18 : i32
          %get3A_3203 = arith.index_cast %get3A_3202 : i32 to index
          %get3A_3204 = arith.index_cast %mul3A_3201 : i32 to index
          %get3A_3205 = tpu.vector_load %arg5[%get3A_3203, %get3A_3204] {strides = array<i32>} : memref<32x1024xf32, #tpu.memory_space<vmem>>, vector<1x16xf32>,
          %get3A_3206 = vector.shape_cast %get3A_3205 : vector<1x16xf32> to vector<16xf32>
          %add3A_3207 = arith.addf %get3A_3206, %get3A_3179 : vector<16xf32>
          %exp3A_3208 = math.exp %add3A_3207 : vector<16xf32>
          %add3A_3209 = arith.addf %add3A_3042, %exp3A_3208 : vector<16xf32>
          %mul3A_3210 = arith.constant 16 : i32
          %mul3A_3211 = arith.muli %scan3A_3174, %mul3A_3210 : i32
          %get3A_3212 = arith.constant 19 : i32
          %get3A_3213 = arith.index_cast %get3A_3212 : i32 to index
          %get3A_3214 = arith.index_cast %mul3A_3211 : i32 to index
          %get3A_3215 = tpu.vector_load %arg5[%get3A_3213, %get3A_3214] {strides = array<i32>} : memref<32x1024xf32, #tpu.memory_space<vmem>>, vector<1x16xf32>,
          %get3A_3216 = vector.shape_cast %get3A_3215 : vector<1x16xf32> to vector<16xf32>
          %add3A_3217 = arith.addf %get3A_3216, %get3A_3179 : vector<16xf32>
          %exp3A_3218 = math.exp %add3A_3217 : vector<16xf32>
          %add3A_3219 = arith.addf %add3A_3052, %exp3A_3218 : vector<16xf32>
          %mul3A_3220 = arith.constant 16 : i32
          %mul3A_3221 = arith.muli %scan3A_3174, %mul3A_3220 : i32
          %get3A_3222 = arith.constant 20 : i32
          %get3A_3223 = arith.index_cast %get3A_3222 : i32 to index
          %get3A_3224 = arith.index_cast %mul3A_3221 : i32 to index
          %get3A_3225 = tpu.vector_load %arg5[%get3A_3223, %get3A_3224] {strides = array<i32>} : memref<32x1024xf32, #tpu.memory_space<vmem>>, vector<1x16xf32>,
          %get3A_3226 = vector.shape_cast %get3A_3225 : vector<1x16xf32> to vector<16xf32>
          %add3A_3227 = arith.addf %get3A_3226, %get3A_3179 : vector<16xf32>
          %exp3A_3228 = math.exp %add3A_3227 : vector<16xf32>
          %add3A_3229 = arith.addf %add3A_3062, %exp3A_3228 : vector<16xf32>
          %mul3A_3230 = arith.constant 16 : i32
          %mul3A_3231 = arith.muli %scan3A_3174, %mul3A_3230 : i32
          %get3A_3232 = arith.constant 21 : i32
          %get3A_3233 = arith.index_cast %get3A_3232 : i32 to index
          %get3A_3234 = arith.index_cast %mul3A_3231 : i32 to index
          %get3A_3235 = tpu.vector_load %arg5[%get3A_3233, %get3A_3234] {strides = array<i32>} : memref<32x1024xf32, #tpu.memory_space<vmem>>, vector<1x16xf32>,
          %get3A_3236 = vector.shape_cast %get3A_3235 : vector<1x16xf32> to vector<16xf32>
          %add3A_3237 = arith.addf %get3A_3236, %get3A_3179 : vector<16xf32>
          %exp3A_3238 = math.exp %add3A_3237 : vector<16xf32>
          %add3A_3239 = arith.addf %add3A_3072, %exp3A_3238 : vector<16xf32>
          %mul3A_3240 = arith.constant 16 : i32
          %mul3A_3241 = arith.muli %scan3A_3174, %mul3A_3240 : i32
          %get3A_3242 = arith.constant 22 : i32
          %get3A_3243 = arith.index_cast %get3A_3242 : i32 to index
          %get3A_3244 = arith.index_cast %mul3A_3241 : i32 to index
          %get3A_3245 = tpu.vector_load %arg5[%get3A_3243, %get3A_3244] {strides = array<i32>} : memref<32x1024xf32, #tpu.memory_space<vmem>>, vector<1x16xf32>,
          %get3A_3246 = vector.shape_cast %get3A_3245 : vector<1x16xf32> to vector<16xf32>
          %add3A_3247 = arith.addf %get3A_3246, %get3A_3179 : vector<16xf32>
          %exp3A_3248 = math.exp %add3A_3247 : vector<16xf32>
          %add3A_3249 = arith.addf %add3A_3082, %exp3A_3248 : vector<16xf32>
          %mul3A_3250 = arith.constant 16 : i32
          %mul3A_3251 = arith.muli %scan3A_3174, %mul3A_3250 : i32
          %get3A_3252 = arith.constant 23 : i32
          %get3A_3253 = arith.index_cast %get3A_3252 : i32 to index
          %get3A_3254 = arith.index_cast %mul3A_3251 : i32 to index
          %get3A_3255 = tpu.vector_load %arg5[%get3A_3253, %get3A_3254] {strides = array<i32>} : memref<32x1024xf32, #tpu.memory_space<vmem>>, vector<1x16xf32>,
          %get3A_3256 = vector.shape_cast %get3A_3255 : vector<1x16xf32> to vector<16xf32>
          %add3A_3257 = arith.addf %get3A_3256, %get3A_3179 : vector<16xf32>
          %exp3A_3258 = math.exp %add3A_3257 : vector<16xf32>
          %add3A_3259 = arith.addf %add3A_3092, %exp3A_3258 : vector<16xf32>
          %mul3A_3260 = arith.constant 16 : i32
          %mul3A_3261 = arith.muli %scan3A_3174, %mul3A_3260 : i32
          %get3A_3262 = arith.constant 24 : i32
          %get3A_3263 = arith.index_cast %get3A_3262 : i32 to index
          %get3A_3264 = arith.index_cast %mul3A_3261 : i32 to index
          %get3A_3265 = tpu.vector_load %arg5[%get3A_3263, %get3A_3264] {strides = array<i32>} : memref<32x1024xf32, #tpu.memory_space<vmem>>, vector<1x16xf32>,
          %get3A_3266 = vector.shape_cast %get3A_3265 : vector<1x16xf32> to vector<16xf32>
          %add3A_3267 = arith.addf %get3A_3266, %get3A_3179 : vector<16xf32>
          %exp3A_3268 = math.exp %add3A_3267 : vector<16xf32>
          %add3A_3269 = arith.addf %add3A_3102, %exp3A_3268 : vector<16xf32>
          %mul3A_3270 = arith.constant 16 : i32
          %mul3A_3271 = arith.muli %scan3A_3174, %mul3A_3270 : i32
          %get3A_3272 = arith.constant 25 : i32
          %get3A_3273 = arith.index_cast %get3A_3272 : i32 to index
          %get3A_3274 = arith.index_cast %mul3A_3271 : i32 to index
          %get3A_3275 = tpu.vector_load %arg5[%get3A_3273, %get3A_3274] {strides = array<i32>} : memref<32x1024xf32, #tpu.memory_space<vmem>>, vector<1x16xf32>,
          %get3A_3276 = vector.shape_cast %get3A_3275 : vector<1x16xf32> to vector<16xf32>
          %add3A_3277 = arith.addf %get3A_3276, %get3A_3179 : vector<16xf32>
          %exp3A_3278 = math.exp %add3A_3277 : vector<16xf32>
          %add3A_3279 = arith.addf %add3A_3112, %exp3A_3278 : vector<16xf32>
          %mul3A_3280 = arith.constant 16 : i32
          %mul3A_3281 = arith.muli %scan3A_3174, %mul3A_3280 : i32
          %get3A_3282 = arith.constant 26 : i32
          %get3A_3283 = arith.index_cast %get3A_3282 : i32 to index
          %get3A_3284 = arith.index_cast %mul3A_3281 : i32 to index
          %get3A_3285 = tpu.vector_load %arg5[%get3A_3283, %get3A_3284] {strides = array<i32>} : memref<32x1024xf32, #tpu.memory_space<vmem>>, vector<1x16xf32>,
          %get3A_3286 = vector.shape_cast %get3A_3285 : vector<1x16xf32> to vector<16xf32>
          %add3A_3287 = arith.addf %get3A_3286, %get3A_3179 : vector<16xf32>
          %exp3A_3288 = math.exp %add3A_3287 : vector<16xf32>
          %add3A_3289 = arith.addf %add3A_3122, %exp3A_3288 : vector<16xf32>
          %mul3A_3290 = arith.constant 16 : i32
          %mul3A_3291 = arith.muli %scan3A_3174, %mul3A_3290 : i32
          %get3A_3292 = arith.constant 27 : i32
          %get3A_3293 = arith.index_cast %get3A_3292 : i32 to index
          %get3A_3294 = arith.index_cast %mul3A_3291 : i32 to index
          %get3A_3295 = tpu.vector_load %arg5[%get3A_3293, %get3A_3294] {strides = array<i32>} : memref<32x1024xf32, #tpu.memory_space<vmem>>, vector<1x16xf32>,
          %get3A_3296 = vector.shape_cast %get3A_3295 : vector<1x16xf32> to vector<16xf32>
          %add3A_3297 = arith.addf %get3A_3296, %get3A_3179 : vector<16xf32>
          %exp3A_3298 = math.exp %add3A_3297 : vector<16xf32>
          %add3A_3299 = arith.addf %add3A_3132, %exp3A_3298 : vector<16xf32>
          %mul3A_3300 = arith.constant 16 : i32
          %mul3A_3301 = arith.muli %scan3A_3174, %mul3A_3300 : i32
          %get3A_3302 = arith.constant 28 : i32
          %get3A_3303 = arith.index_cast %get3A_3302 : i32 to index
          %get3A_3304 = arith.index_cast %mul3A_3301 : i32 to index
          %get3A_3305 = tpu.vector_load %arg5[%get3A_3303, %get3A_3304] {strides = array<i32>} : memref<32x1024xf32, #tpu.memory_space<vmem>>, vector<1x16xf32>,
          %get3A_3306 = vector.shape_cast %get3A_3305 : vector<1x16xf32> to vector<16xf32>
          %add3A_3307 = arith.addf %get3A_3306, %get3A_3179 : vector<16xf32>
          %exp3A_3308 = math.exp %add3A_3307 : vector<16xf32>
          %add3A_3309 = arith.addf %add3A_3142, %exp3A_3308 : vector<16xf32>
          %mul3A_3310 = arith.constant 16 : i32
          %mul3A_3311 = arith.muli %scan3A_3174, %mul3A_3310 : i32
          %get3A_3312 = arith.constant 29 : i32
          %get3A_3313 = arith.index_cast %get3A_3312 : i32 to index
          %get3A_3314 = arith.index_cast %mul3A_3311 : i32 to index
          %get3A_3315 = tpu.vector_load %arg5[%get3A_3313, %get3A_3314] {strides = array<i32>} : memref<32x1024xf32, #tpu.memory_space<vmem>>, vector<1x16xf32>,
          %get3A_3316 = vector.shape_cast %get3A_3315 : vector<1x16xf32> to vector<16xf32>
          %add3A_3317 = arith.addf %get3A_3316, %get3A_3179 : vector<16xf32>
          %exp3A_3318 = math.exp %add3A_3317 : vector<16xf32>
          %add3A_3319 = arith.addf %add3A_3152, %exp3A_3318 : vector<16xf32>
          %mul3A_3320 = arith.constant 16 : i32
          %mul3A_3321 = arith.muli %scan3A_3174, %mul3A_3320 : i32
          %get3A_3322 = arith.constant 30 : i32
          %get3A_3323 = arith.index_cast %get3A_3322 : i32 to index
          %get3A_3324 = arith.index_cast %mul3A_3321 : i32 to index
          %get3A_3325 = tpu.vector_load %arg5[%get3A_3323, %get3A_3324] {strides = array<i32>} : memref<32x1024xf32, #tpu.memory_space<vmem>>, vector<1x16xf32>,
          %get3A_3326 = vector.shape_cast %get3A_3325 : vector<1x16xf32> to vector<16xf32>
          %add3A_3327 = arith.addf %get3A_3326, %get3A_3179 : vector<16xf32>
          %exp3A_3328 = math.exp %add3A_3327 : vector<16xf32>
          %add3A_3329 = arith.addf %add3A_3162, %exp3A_3328 : vector<16xf32>
          %mul3A_3330 = arith.constant 16 : i32
          %mul3A_3331 = arith.muli %scan3A_3174, %mul3A_3330 : i32
          %get3A_3332 = arith.constant 31 : i32
          %get3A_3333 = arith.index_cast %get3A_3332 : i32 to index
          %get3A_3334 = arith.index_cast %mul3A_3331 : i32 to index
          %get3A_3335 = tpu.vector_load %arg5[%get3A_3333, %get3A_3334] {strides = array<i32>} : memref<32x1024xf32, #tpu.memory_space<vmem>>, vector<1x16xf32>,
          %get3A_3336 = vector.shape_cast %get3A_3335 : vector<1x16xf32> to vector<16xf32>
          %add3A_3337 = arith.addf %get3A_3336, %get3A_3179 : vector<16xf32>
          %exp3A_3338 = math.exp %add3A_3337 : vector<16xf32>
          %add3A_3339 = arith.addf %add3A_3172, %exp3A_3338 : vector<16xf32>
          scf.yield %add3A_3189, %add3A_3199, %add3A_3209, %add3A_3219, %add3A_3229, %add3A_3239, %add3A_3249, %add3A_3259, %add3A_3269, %add3A_3279, %add3A_3289, %add3A_3299, %add3A_3309, %add3A_3319, %add3A_3329, %add3A_3339 : vector<16xf32>, vector<16xf32>, vector<16xf32>, vector<16xf32>, vector<16xf32>, vector<16xf32>, vector<16xf32>, vector<16xf32>, vector<16xf32>, vector<16xf32>, vector<16xf32>, vector<16xf32>, vector<16xf32>, vector<16xf32>, vector<16xf32>, vector<16xf32>
        }
        %scan3A_2579 = arith.constant 64 : i32
        %iota3A_2580 = tpu.iota {dimensions = array<i32: 0>} : vector<16xi32>
        %and3A_2581 = arith.constant 1 : i32
        %and3A_2582 = vector.broadcast %and3A_2581 : i32 to vector<16xi32>
        %and3A_2583 = arith.andi %iota3A_2580, %and3A_2582 : vector<16xi32>
        %eq3A_2584 = arith.constant 0 : i32
        %eq3A_2585 = vector.broadcast %eq3A_2584 : i32 to vector<16xi32>
        %eq3A_2586 = arith.cmpi eq, %and3A_2583, %eq3A_2585 : vector<16xi32>
        %xor3A_2587 = arith.constant 1 : i32
        %xor3A_2588 = vector.broadcast %xor3A_2587 : i32 to vector<16xi32>
        %xor3A_2589 = arith.xori %iota3A_2580, %xor3A_2588 : vector<16xi32>
        %broadcast_in_dim3A_2590 = vector.shape_cast %xor3A_2589 : vector<16xi32> to vector<16x1xi32>
        %gather3A_2591 = vector.shape_cast %broadcast_in_dim3A_2590 : vector<16x1xi32> to vector<16xi32>
        %gather3A_2592 = tpu.dynamic_gather %scan3A_2578#0[%gather3A_2591] in [0] : vector<16xf32>, vector<16xi32> -> vector<16xf32>
        %add3A_2593 = arith.addf %scan3A_2578#0, %gather3A_2592 : vector<16xf32>
        %xor3A_2594 = arith.constant 1 : i32
        %xor3A_2595 = vector.broadcast %xor3A_2594 : i32 to vector<16xi32>
        %xor3A_2596 = arith.xori %iota3A_2580, %xor3A_2595 : vector<16xi32>
        %broadcast_in_dim3A_2597 = vector.shape_cast %xor3A_2596 : vector<16xi32> to vector<16x1xi32>
        %gather3A_2598 = vector.shape_cast %broadcast_in_dim3A_2597 : vector<16x1xi32> to vector<16xi32>
        %gather3A_2599 = tpu.dynamic_gather %scan3A_2578#1[%gather3A_2598] in [0] : vector<16xf32>, vector<16xi32> -> vector<16xf32>
        %add3A_2600 = arith.addf %scan3A_2578#1, %gather3A_2599 : vector<16xf32>
        %select_n3A_2601 = arith.select %eq3A_2586, %add3A_2593, %add3A_2600 : vector<16xi1>, vector<16xf32>
        %xor3A_2602 = arith.constant 1 : i32
        %xor3A_2603 = vector.broadcast %xor3A_2602 : i32 to vector<16xi32>
        %xor3A_2604 = arith.xori %iota3A_2580, %xor3A_2603 : vector<16xi32>
        %broadcast_in_dim3A_2605 = vector.shape_cast %xor3A_2604 : vector<16xi32> to vector<16x1xi32>
        %gather3A_2606 = vector.shape_cast %broadcast_in_dim3A_2605 : vector<16x1xi32> to vector<16xi32>
        %gather3A_2607 = tpu.dynamic_gather %scan3A_2578#2[%gather3A_2606] in [0] : vector<16xf32>, vector<16xi32> -> vector<16xf32>
        %add3A_2608 = arith.addf %scan3A_2578#2, %gather3A_2607 : vector<16xf32>
        %xor3A_2609 = arith.constant 1 : i32
        %xor3A_2610 = vector.broadcast %xor3A_2609 : i32 to vector<16xi32>
        %xor3A_2611 = arith.xori %iota3A_2580, %xor3A_2610 : vector<16xi32>
        %broadcast_in_dim3A_2612 = vector.shape_cast %xor3A_2611 : vector<16xi32> to vector<16x1xi32>
        %gather3A_2613 = vector.shape_cast %broadcast_in_dim3A_2612 : vector<16x1xi32> to vector<16xi32>
        %gather3A_2614 = tpu.dynamic_gather %scan3A_2578#3[%gather3A_2613] in [0] : vector<16xf32>, vector<16xi32> -> vector<16xf32>
        %add3A_2615 = arith.addf %scan3A_2578#3, %gather3A_2614 : vector<16xf32>
        %select_n3A_2616 = arith.select %eq3A_2586, %add3A_2608, %add3A_2615 : vector<16xi1>, vector<16xf32>
        %xor3A_2617 = arith.constant 1 : i32
        %xor3A_2618 = vector.broadcast %xor3A_2617 : i32 to vector<16xi32>
        %xor3A_2619 = arith.xori %iota3A_2580, %xor3A_2618 : vector<16xi32>
        %broadcast_in_dim3A_2620 = vector.shape_cast %xor3A_2619 : vector<16xi32> to vector<16x1xi32>
        %gather3A_2621 = vector.shape_cast %broadcast_in_dim3A_2620 : vector<16x1xi32> to vector<16xi32>
        %gather3A_2622 = tpu.dynamic_gather %scan3A_2578#4[%gather3A_2621] in [0] : vector<16xf32>, vector<16xi32> -> vector<16xf32>
        %add3A_2623 = arith.addf %scan3A_2578#4, %gather3A_2622 : vector<16xf32>
        %xor3A_2624 = arith.constant 1 : i32
        %xor3A_2625 = vector.broadcast %xor3A_2624 : i32 to vector<16xi32>
        %xor3A_2626 = arith.xori %iota3A_2580, %xor3A_2625 : vector<16xi32>
        %broadcast_in_dim3A_2627 = vector.shape_cast %xor3A_2626 : vector<16xi32> to vector<16x1xi32>
        %gather3A_2628 = vector.shape_cast %broadcast_in_dim3A_2627 : vector<16x1xi32> to vector<16xi32>
        %gather3A_2629 = tpu.dynamic_gather %scan3A_2578#5[%gather3A_2628] in [0] : vector<16xf32>, vector<16xi32> -> vector<16xf32>
        %add3A_2630 = arith.addf %scan3A_2578#5, %gather3A_2629 : vector<16xf32>
        %select_n3A_2631 = arith.select %eq3A_2586, %add3A_2623, %add3A_2630 : vector<16xi1>, vector<16xf32>
        %xor3A_2632 = arith.constant 1 : i32
        %xor3A_2633 = vector.broadcast %xor3A_2632 : i32 to vector<16xi32>
        %xor3A_2634 = arith.xori %iota3A_2580, %xor3A_2633 : vector<16xi32>
        %broadcast_in_dim3A_2635 = vector.shape_cast %xor3A_2634 : vector<16xi32> to vector<16x1xi32>
        %gather3A_2636 = vector.shape_cast %broadcast_in_dim3A_2635 : vector<16x1xi32> to vector<16xi32>
        %gather3A_2637 = tpu.dynamic_gather %scan3A_2578#6[%gather3A_2636] in [0] : vector<16xf32>, vector<16xi32> -> vector<16xf32>
        %add3A_2638 = arith.addf %scan3A_2578#6, %gather3A_2637 : vector<16xf32>
        %xor3A_2639 = arith.constant 1 : i32
        %xor3A_2640 = vector.broadcast %xor3A_2639 : i32 to vector<16xi32>
        %xor3A_2641 = arith.xori %iota3A_2580, %xor3A_2640 : vector<16xi32>
        %broadcast_in_dim3A_2642 = vector.shape_cast %xor3A_2641 : vector<16xi32> to vector<16x1xi32>
        %gather3A_2643 = vector.shape_cast %broadcast_in_dim3A_2642 : vector<16x1xi32> to vector<16xi32>
        %gather3A_2644 = tpu.dynamic_gather %scan3A_2578#7[%gather3A_2643] in [0] : vector<16xf32>, vector<16xi32> -> vector<16xf32>
        %add3A_2645 = arith.addf %scan3A_2578#7, %gather3A_2644 : vector<16xf32>
        %select_n3A_2646 = arith.select %eq3A_2586, %add3A_2638, %add3A_2645 : vector<16xi1>, vector<16xf32>
        %xor3A_2647 = arith.constant 1 : i32
        %xor3A_2648 = vector.broadcast %xor3A_2647 : i32 to vector<16xi32>
        %xor3A_2649 = arith.xori %iota3A_2580, %xor3A_2648 : vector<16xi32>
        %broadcast_in_dim3A_2650 = vector.shape_cast %xor3A_2649 : vector<16xi32> to vector<16x1xi32>
        %gather3A_2651 = vector.shape_cast %broadcast_in_dim3A_2650 : vector<16x1xi32> to vector<16xi32>
        %gather3A_2652 = tpu.dynamic_gather %scan3A_2578#8[%gather3A_2651] in [0] : vector<16xf32>, vector<16xi32> -> vector<16xf32>
        %add3A_2653 = arith.addf %scan3A_2578#8, %gather3A_2652 : vector<16xf32>
        %xor3A_2654 = arith.constant 1 : i32
        %xor3A_2655 = vector.broadcast %xor3A_2654 : i32 to vector<16xi32>
        %xor3A_2656 = arith.xori %iota3A_2580, %xor3A_2655 : vector<16xi32>
        %broadcast_in_dim3A_2657 = vector.shape_cast %xor3A_2656 : vector<16xi32> to vector<16x1xi32>
        %gather3A_2658 = vector.shape_cast %broadcast_in_dim3A_2657 : vector<16x1xi32> to vector<16xi32>
        %gather3A_2659 = tpu.dynamic_gather %scan3A_2578#9[%gather3A_2658] in [0] : vector<16xf32>, vector<16xi32> -> vector<16xf32>
        %add3A_2660 = arith.addf %scan3A_2578#9, %gather3A_2659 : vector<16xf32>
        %select_n3A_2661 = arith.select %eq3A_2586, %add3A_2653, %add3A_2660 : vector<16xi1>, vector<16xf32>
        %xor3A_2662 = arith.constant 1 : i32
        %xor3A_2663 = vector.broadcast %xor3A_2662 : i32 to vector<16xi32>
        %xor3A_2664 = arith.xori %iota3A_2580, %xor3A_2663 : vector<16xi32>
        %broadcast_in_dim3A_2665 = vector.shape_cast %xor3A_2664 : vector<16xi32> to vector<16x1xi32>
        %gather3A_2666 = vector.shape_cast %broadcast_in_dim3A_2665 : vector<16x1xi32> to vector<16xi32>
        %gather3A_2667 = tpu.dynamic_gather %scan3A_2578#10[%gather3A_2666] in [0] : vector<16xf32>, vector<16xi32> -> vector<16xf32>
        %add3A_2668 = arith.addf %scan3A_2578#10, %gather3A_2667 : vector<16xf32>
        %xor3A_2669 = arith.constant 1 : i32
        %xor3A_2670 = vector.broadcast %xor3A_2669 : i32 to vector<16xi32>
        %xor3A_2671 = arith.xori %iota3A_2580, %xor3A_2670 : vector<16xi32>
        %broadcast_in_dim3A_2672 = vector.shape_cast %xor3A_2671 : vector<16xi32> to vector<16x1xi32>
        %gather3A_2673 = vector.shape_cast %broadcast_in_dim3A_2672 : vector<16x1xi32> to vector<16xi32>
        %gather3A_2674 = tpu.dynamic_gather %scan3A_2578#11[%gather3A_2673] in [0] : vector<16xf32>, vector<16xi32> -> vector<16xf32>
        %add3A_2675 = arith.addf %scan3A_2578#11, %gather3A_2674 : vector<16xf32>
        %select_n3A_2676 = arith.select %eq3A_2586, %add3A_2668, %add3A_2675 : vector<16xi1>, vector<16xf32>
        %xor3A_2677 = arith.constant 1 : i32
        %xor3A_2678 = vector.broadcast %xor3A_2677 : i32 to vector<16xi32>
        %xor3A_2679 = arith.xori %iota3A_2580, %xor3A_2678 : vector<16xi32>
        %broadcast_in_dim3A_2680 = vector.shape_cast %xor3A_2679 : vector<16xi32> to vector<16x1xi32>
        %gather3A_2681 = vector.shape_cast %broadcast_in_dim3A_2680 : vector<16x1xi32> to vector<16xi32>
        %gather3A_2682 = tpu.dynamic_gather %scan3A_2578#12[%gather3A_2681] in [0] : vector<16xf32>, vector<16xi32> -> vector<16xf32>
        %add3A_2683 = arith.addf %scan3A_2578#12, %gather3A_2682 : vector<16xf32>
        %xor3A_2684 = arith.constant 1 : i32
        %xor3A_2685 = vector.broadcast %xor3A_2684 : i32 to vector<16xi32>
        %xor3A_2686 = arith.xori %iota3A_2580, %xor3A_2685 : vector<16xi32>
        %broadcast_in_dim3A_2687 = vector.shape_cast %xor3A_2686 : vector<16xi32> to vector<16x1xi32>
        %gather3A_2688 = vector.shape_cast %broadcast_in_dim3A_2687 : vector<16x1xi32> to vector<16xi32>
        %gather3A_2689 = tpu.dynamic_gather %scan3A_2578#13[%gather3A_2688] in [0] : vector<16xf32>, vector<16xi32> -> vector<16xf32>
        %add3A_2690 = arith.addf %scan3A_2578#13, %gather3A_2689 : vector<16xf32>
        %select_n3A_2691 = arith.select %eq3A_2586, %add3A_2683, %add3A_2690 : vector<16xi1>, vector<16xf32>
        %xor3A_2692 = arith.constant 1 : i32
        %xor3A_2693 = vector.broadcast %xor3A_2692 : i32 to vector<16xi32>
        %xor3A_2694 = arith.xori %iota3A_2580, %xor3A_2693 : vector<16xi32>
        %broadcast_in_dim3A_2695 = vector.shape_cast %xor3A_2694 : vector<16xi32> to vector<16x1xi32>
        %gather3A_2696 = vector.shape_cast %broadcast_in_dim3A_2695 : vector<16x1xi32> to vector<16xi32>
        %gather3A_2697 = tpu.dynamic_gather %scan3A_2578#14[%gather3A_2696] in [0] : vector<16xf32>, vector<16xi32> -> vector<16xf32>
        %add3A_2698 = arith.addf %scan3A_2578#14, %gather3A_2697 : vector<16xf32>
        %xor3A_2699 = arith.constant 1 : i32
        %xor3A_2700 = vector.broadcast %xor3A_2699 : i32 to vector<16xi32>
        %xor3A_2701 = arith.xori %iota3A_2580, %xor3A_2700 : vector<16xi32>
        %broadcast_in_dim3A_2702 = vector.shape_cast %xor3A_2701 : vector<16xi32> to vector<16x1xi32>
        %gather3A_2703 = vector.shape_cast %broadcast_in_dim3A_2702 : vector<16x1xi32> to vector<16xi32>
        %gather3A_2704 = tpu.dynamic_gather %scan3A_2578#15[%gather3A_2703] in [0] : vector<16xf32>, vector<16xi32> -> vector<16xf32>
        %add3A_2705 = arith.addf %scan3A_2578#15, %gather3A_2704 : vector<16xf32>
        %select_n3A_2706 = arith.select %eq3A_2586, %add3A_2698, %add3A_2705 : vector<16xi1>, vector<16xf32>
        %and3A_2707 = arith.constant 2 : i32
        %and3A_2708 = vector.broadcast %and3A_2707 : i32 to vector<16xi32>
        %and3A_2709 = arith.andi %iota3A_2580, %and3A_2708 : vector<16xi32>
        %eq3A_2710 = arith.constant 0 : i32
        %eq3A_2711 = vector.broadcast %eq3A_2710 : i32 to vector<16xi32>
        %eq3A_2712 = arith.cmpi eq, %and3A_2709, %eq3A_2711 : vector<16xi32>
        %xor3A_2713 = arith.constant 2 : i32
        %xor3A_2714 = vector.broadcast %xor3A_2713 : i32 to vector<16xi32>
        %xor3A_2715 = arith.xori %iota3A_2580, %xor3A_2714 : vector<16xi32>
        %broadcast_in_dim3A_2716 = vector.shape_cast %xor3A_2715 : vector<16xi32> to vector<16x1xi32>
        %gather3A_2717 = vector.shape_cast %broadcast_in_dim3A_2716 : vector<16x1xi32> to vector<16xi32>
        %gather3A_2718 = tpu.dynamic_gather %select_n3A_2601[%gather3A_2717] in [0] : vector<16xf32>, vector<16xi32> -> vector<16xf32>
        %add3A_2719 = arith.addf %select_n3A_2601, %gather3A_2718 : vector<16xf32>
        %xor3A_2720 = arith.constant 2 : i32
        %xor3A_2721 = vector.broadcast %xor3A_2720 : i32 to vector<16xi32>
        %xor3A_2722 = arith.xori %iota3A_2580, %xor3A_2721 : vector<16xi32>
        %broadcast_in_dim3A_2723 = vector.shape_cast %xor3A_2722 : vector<16xi32> to vector<16x1xi32>
        %gather3A_2724 = vector.shape_cast %broadcast_in_dim3A_2723 : vector<16x1xi32> to vector<16xi32>
        %gather3A_2725 = tpu.dynamic_gather %select_n3A_2616[%gather3A_2724] in [0] : vector<16xf32>, vector<16xi32> -> vector<16xf32>
        %add3A_2726 = arith.addf %select_n3A_2616, %gather3A_2725 : vector<16xf32>
        %select_n3A_2727 = arith.select %eq3A_2712, %add3A_2719, %add3A_2726 : vector<16xi1>, vector<16xf32>
        %xor3A_2728 = arith.constant 2 : i32
        %xor3A_2729 = vector.broadcast %xor3A_2728 : i32 to vector<16xi32>
        %xor3A_2730 = arith.xori %iota3A_2580, %xor3A_2729 : vector<16xi32>
        %broadcast_in_dim3A_2731 = vector.shape_cast %xor3A_2730 : vector<16xi32> to vector<16x1xi32>
        %gather3A_2732 = vector.shape_cast %broadcast_in_dim3A_2731 : vector<16x1xi32> to vector<16xi32>
        %gather3A_2733 = tpu.dynamic_gather %select_n3A_2631[%gather3A_2732] in [0] : vector<16xf32>, vector<16xi32> -> vector<16xf32>
        %add3A_2734 = arith.addf %select_n3A_2631, %gather3A_2733 : vector<16xf32>
        %xor3A_2735 = arith.constant 2 : i32
        %xor3A_2736 = vector.broadcast %xor3A_2735 : i32 to vector<16xi32>
        %xor3A_2737 = arith.xori %iota3A_2580, %xor3A_2736 : vector<16xi32>
        %broadcast_in_dim3A_2738 = vector.shape_cast %xor3A_2737 : vector<16xi32> to vector<16x1xi32>
        %gather3A_2739 = vector.shape_cast %broadcast_in_dim3A_2738 : vector<16x1xi32> to vector<16xi32>
        %gather3A_2740 = tpu.dynamic_gather %select_n3A_2646[%gather3A_2739] in [0] : vector<16xf32>, vector<16xi32> -> vector<16xf32>
        %add3A_2741 = arith.addf %select_n3A_2646, %gather3A_2740 : vector<16xf32>
        %select_n3A_2742 = arith.select %eq3A_2712, %add3A_2734, %add3A_2741 : vector<16xi1>, vector<16xf32>
        %xor3A_2743 = arith.constant 2 : i32
        %xor3A_2744 = vector.broadcast %xor3A_2743 : i32 to vector<16xi32>
        %xor3A_2745 = arith.xori %iota3A_2580, %xor3A_2744 : vector<16xi32>
        %broadcast_in_dim3A_2746 = vector.shape_cast %xor3A_2745 : vector<16xi32> to vector<16x1xi32>
        %gather3A_2747 = vector.shape_cast %broadcast_in_dim3A_2746 : vector<16x1xi32> to vector<16xi32>
        %gather3A_2748 = tpu.dynamic_gather %select_n3A_2661[%gather3A_2747] in [0] : vector<16xf32>, vector<16xi32> -> vector<16xf32>
        %add3A_2749 = arith.addf %select_n3A_2661, %gather3A_2748 : vector<16xf32>
        %xor3A_2750 = arith.constant 2 : i32
        %xor3A_2751 = vector.broadcast %xor3A_2750 : i32 to vector<16xi32>
        %xor3A_2752 = arith.xori %iota3A_2580, %xor3A_2751 : vector<16xi32>
        %broadcast_in_dim3A_2753 = vector.shape_cast %xor3A_2752 : vector<16xi32> to vector<16x1xi32>
        %gather3A_2754 = vector.shape_cast %broadcast_in_dim3A_2753 : vector<16x1xi32> to vector<16xi32>
        %gather3A_2755 = tpu.dynamic_gather %select_n3A_2676[%gather3A_2754] in [0] : vector<16xf32>, vector<16xi32> -> vector<16xf32>
        %add3A_2756 = arith.addf %select_n3A_2676, %gather3A_2755 : vector<16xf32>
        %select_n3A_2757 = arith.select %eq3A_2712, %add3A_2749, %add3A_2756 : vector<16xi1>, vector<16xf32>
        %xor3A_2758 = arith.constant 2 : i32
        %xor3A_2759 = vector.broadcast %xor3A_2758 : i32 to vector<16xi32>
        %xor3A_2760 = arith.xori %iota3A_2580, %xor3A_2759 : vector<16xi32>
        %broadcast_in_dim3A_2761 = vector.shape_cast %xor3A_2760 : vector<16xi32> to vector<16x1xi32>
        %gather3A_2762 = vector.shape_cast %broadcast_in_dim3A_2761 : vector<16x1xi32> to vector<16xi32>
        %gather3A_2763 = tpu.dynamic_gather %select_n3A_2691[%gather3A_2762] in [0] : vector<16xf32>, vector<16xi32> -> vector<16xf32>
        %add3A_2764 = arith.addf %select_n3A_2691, %gather3A_2763 : vector<16xf32>
        %xor3A_2765 = arith.constant 2 : i32
        %xor3A_2766 = vector.broadcast %xor3A_2765 : i32 to vector<16xi32>
        %xor3A_2767 = arith.xori %iota3A_2580, %xor3A_2766 : vector<16xi32>
        %broadcast_in_dim3A_2768 = vector.shape_cast %xor3A_2767 : vector<16xi32> to vector<16x1xi32>
        %gather3A_2769 = vector.shape_cast %broadcast_in_dim3A_2768 : vector<16x1xi32> to vector<16xi32>
        %gather3A_2770 = tpu.dynamic_gather %select_n3A_2706[%gather3A_2769] in [0] : vector<16xf32>, vector<16xi32> -> vector<16xf32>
        %add3A_2771 = arith.addf %select_n3A_2706, %gather3A_2770 : vector<16xf32>
        %select_n3A_2772 = arith.select %eq3A_2712, %add3A_2764, %add3A_2771 : vector<16xi1>, vector<16xf32>
        %and3A_2773 = arith.constant 4 : i32
        %and3A_2774 = vector.broadcast %and3A_2773 : i32 to vector<16xi32>
        %and3A_2775 = arith.andi %iota3A_2580, %and3A_2774 : vector<16xi32>
        %eq3A_2776 = arith.constant 0 : i32
        %eq3A_2777 = vector.broadcast %eq3A_2776 : i32 to vector<16xi32>
        %eq3A_2778 = arith.cmpi eq, %and3A_2775, %eq3A_2777 : vector<16xi32>
        %xor3A_2779 = arith.constant 4 : i32
        %xor3A_2780 = vector.broadcast %xor3A_2779 : i32 to vector<16xi32>
        %xor3A_2781 = arith.xori %iota3A_2580, %xor3A_2780 : vector<16xi32>
        %broadcast_in_dim3A_2782 = vector.shape_cast %xor3A_2781 : vector<16xi32> to vector<16x1xi32>
        %gather3A_2783 = vector.shape_cast %broadcast_in_dim3A_2782 : vector<16x1xi32> to vector<16xi32>
        %gather3A_2784 = tpu.dynamic_gather %select_n3A_2727[%gather3A_2783] in [0] : vector<16xf32>, vector<16xi32> -> vector<16xf32>
        %add3A_2785 = arith.addf %select_n3A_2727, %gather3A_2784 : vector<16xf32>
        %xor3A_2786 = arith.constant 4 : i32
        %xor3A_2787 = vector.broadcast %xor3A_2786 : i32 to vector<16xi32>
        %xor3A_2788 = arith.xori %iota3A_2580, %xor3A_2787 : vector<16xi32>
        %broadcast_in_dim3A_2789 = vector.shape_cast %xor3A_2788 : vector<16xi32> to vector<16x1xi32>
        %gather3A_2790 = vector.shape_cast %broadcast_in_dim3A_2789 : vector<16x1xi32> to vector<16xi32>
        %gather3A_2791 = tpu.dynamic_gather %select_n3A_2742[%gather3A_2790] in [0] : vector<16xf32>, vector<16xi32> -> vector<16xf32>
        %add3A_2792 = arith.addf %select_n3A_2742, %gather3A_2791 : vector<16xf32>
        %select_n3A_2793 = arith.select %eq3A_2778, %add3A_2785, %add3A_2792 : vector<16xi1>, vector<16xf32>
        %xor3A_2794 = arith.constant 4 : i32
        %xor3A_2795 = vector.broadcast %xor3A_2794 : i32 to vector<16xi32>
        %xor3A_2796 = arith.xori %iota3A_2580, %xor3A_2795 : vector<16xi32>
        %broadcast_in_dim3A_2797 = vector.shape_cast %xor3A_2796 : vector<16xi32> to vector<16x1xi32>
        %gather3A_2798 = vector.shape_cast %broadcast_in_dim3A_2797 : vector<16x1xi32> to vector<16xi32>
        %gather3A_2799 = tpu.dynamic_gather %select_n3A_2757[%gather3A_2798] in [0] : vector<16xf32>, vector<16xi32> -> vector<16xf32>
        %add3A_2800 = arith.addf %select_n3A_2757, %gather3A_2799 : vector<16xf32>
        %xor3A_2801 = arith.constant 4 : i32
        %xor3A_2802 = vector.broadcast %xor3A_2801 : i32 to vector<16xi32>
        %xor3A_2803 = arith.xori %iota3A_2580, %xor3A_2802 : vector<16xi32>
        %broadcast_in_dim3A_2804 = vector.shape_cast %xor3A_2803 : vector<16xi32> to vector<16x1xi32>
        %gather3A_2805 = vector.shape_cast %broadcast_in_dim3A_2804 : vector<16x1xi32> to vector<16xi32>
        %gather3A_2806 = tpu.dynamic_gather %select_n3A_2772[%gather3A_2805] in [0] : vector<16xf32>, vector<16xi32> -> vector<16xf32>
        %add3A_2807 = arith.addf %select_n3A_2772, %gather3A_2806 : vector<16xf32>
        %select_n3A_2808 = arith.select %eq3A_2778, %add3A_2800, %add3A_2807 : vector<16xi1>, vector<16xf32>
        %and3A_2809 = arith.constant 8 : i32
        %and3A_2810 = vector.broadcast %and3A_2809 : i32 to vector<16xi32>
        %and3A_2811 = arith.andi %iota3A_2580, %and3A_2810 : vector<16xi32>
        %eq3A_2812 = arith.constant 0 : i32
        %eq3A_2813 = vector.broadcast %eq3A_2812 : i32 to vector<16xi32>
        %eq3A_2814 = arith.cmpi eq, %and3A_2811, %eq3A_2813 : vector<16xi32>
        %xor3A_2815 = arith.constant 8 : i32
        %xor3A_2816 = vector.broadcast %xor3A_2815 : i32 to vector<16xi32>
        %xor3A_2817 = arith.xori %iota3A_2580, %xor3A_2816 : vector<16xi32>
        %broadcast_in_dim3A_2818 = vector.shape_cast %xor3A_2817 : vector<16xi32> to vector<16x1xi32>
        %gather3A_2819 = vector.shape_cast %broadcast_in_dim3A_2818 : vector<16x1xi32> to vector<16xi32>
        %gather3A_2820 = tpu.dynamic_gather %select_n3A_2793[%gather3A_2819] in [0] : vector<16xf32>, vector<16xi32> -> vector<16xf32>
        %add3A_2821 = arith.addf %select_n3A_2793, %gather3A_2820 : vector<16xf32>
        %xor3A_2822 = arith.constant 8 : i32
        %xor3A_2823 = vector.broadcast %xor3A_2822 : i32 to vector<16xi32>
        %xor3A_2824 = arith.xori %iota3A_2580, %xor3A_2823 : vector<16xi32>
        %broadcast_in_dim3A_2825 = vector.shape_cast %xor3A_2824 : vector<16xi32> to vector<16x1xi32>
        %gather3A_2826 = vector.shape_cast %broadcast_in_dim3A_2825 : vector<16x1xi32> to vector<16xi32>
        %gather3A_2827 = tpu.dynamic_gather %select_n3A_2808[%gather3A_2826] in [0] : vector<16xf32>, vector<16xi32> -> vector<16xf32>
        %add3A_2828 = arith.addf %select_n3A_2808, %gather3A_2827 : vector<16xf32>
        %select_n3A_2829 = arith.select %eq3A_2814, %add3A_2821, %add3A_2828 : vector<16xi1>, vector<16xf32>
        %lt3A_2830 = arith.constant 1.000000e+00 : f32
        %lt3A_2831 = vector.broadcast %lt3A_2830 : f32 to vector<16xf32>
        %lt3A_2832 = arith.cmpf olt, %select_n3A_2829, %lt3A_2831 : vector<16xf32>
        %mul3A_2833 = arith.constant 9.22337203E+18 : f32
        %mul3A_2834 = vector.broadcast %mul3A_2833 : f32 to vector<16xf32>
        %mul3A_2835 = arith.mulf %select_n3A_2829, %mul3A_2834 : vector<16xf32>
        %mul3A_2836 = arith.constant 9.22337203E+18 : f32
        %mul3A_2837 = vector.broadcast %mul3A_2836 : f32 to vector<16xf32>
        %mul3A_2838 = arith.mulf %mul3A_2835, %mul3A_2837 : vector<16xf32>
        %select_n3A_2839 = arith.select %lt3A_2832, %mul3A_2838, %select_n3A_2829 : vector<16xi1>, vector<16xf32>
        %jit3A_2840 = arith.constant -1.260000e+02 : f32
        %jit3A_2841 = arith.constant 0.000000e+00 : f32
        %broadcast_in_dim3A_2842 = vector.broadcast %jit3A_2840 : f32 to vector<16xf32>
        %broadcast_in_dim3A_2843 = vector.broadcast %jit3A_2841 : f32 to vector<16xf32>
        %select_n3A_2844 = arith.select %lt3A_2832, %broadcast_in_dim3A_2842, %broadcast_in_dim3A_2843 : vector<16xi1>, vector<16xf32>
        %ge3A_2845 = arith.constant 1.84467441E+19 : f32
        %ge3A_2846 = vector.broadcast %ge3A_2845 : f32 to vector<16xf32>
        %ge3A_2847 = arith.cmpf oge, %select_n3A_2839, %ge3A_2846 : vector<16xf32>
        %mul3A_2848 = arith.constant 5.42101086E-20 : f32
        %mul3A_2849 = vector.broadcast %mul3A_2848 : f32 to vector<16xf32>
        %mul3A_2850 = arith.mulf %select_n3A_2839, %mul3A_2849 : vector<16xf32>
        %select_n3A_2851 = arith.select %ge3A_2847, %mul3A_2850, %select_n3A_2839 : vector<16xi1>, vector<16xf32>
        %jit3A_2852 = arith.constant 6.400000e+01 : f32
        %jit3A_2853 = arith.constant 0.000000e+00 : f32
        %broadcast_in_dim3A_2854 = vector.broadcast %jit3A_2852 : f32 to vector<16xf32>
        %broadcast_in_dim3A_2855 = vector.broadcast %jit3A_2853 : f32 to vector<16xf32>
        %select_n3A_2856 = arith.select %ge3A_2847, %broadcast_in_dim3A_2854, %broadcast_in_dim3A_2855 : vector<16xi1>, vector<16xf32>
        %add3A_2857 = arith.addf %select_n3A_2844, %select_n3A_2856 : vector<16xf32>
        %ge3A_2858 = arith.constant 4.2949673E+9 : f32
        %ge3A_2859 = vector.broadcast %ge3A_2858 : f32 to vector<16xf32>
        %ge3A_2860 = arith.cmpf oge, %select_n3A_2851, %ge3A_2859 : vector<16xf32>
        %mul3A_2861 = arith.constant 2.32830644E-10 : f32
        %mul3A_2862 = vector.broadcast %mul3A_2861 : f32 to vector<16xf32>
        %mul3A_2863 = arith.mulf %select_n3A_2851, %mul3A_2862 : vector<16xf32>
        %select_n3A_2864 = arith.select %ge3A_2860, %mul3A_2863, %select_n3A_2851 : vector<16xi1>, vector<16xf32>
        %jit3A_2865 = arith.constant 3.200000e+01 : f32
        %jit3A_2866 = arith.constant 0.000000e+00 : f32
        %broadcast_in_dim3A_2867 = vector.broadcast %jit3A_2865 : f32 to vector<16xf32>
        %broadcast_in_dim3A_2868 = vector.broadcast %jit3A_2866 : f32 to vector<16xf32>
        %select_n3A_2869 = arith.select %ge3A_2860, %broadcast_in_dim3A_2867, %broadcast_in_dim3A_2868 : vector<16xi1>, vector<16xf32>
        %add3A_2870 = arith.addf %add3A_2857, %select_n3A_2869 : vector<16xf32>
        %ge3A_2871 = arith.constant 6.553600e+04 : f32
        %ge3A_2872 = vector.broadcast %ge3A_2871 : f32 to vector<16xf32>
        %ge3A_2873 = arith.cmpf oge, %select_n3A_2864, %ge3A_2872 : vector<16xf32>
        %mul3A_2874 = arith.constant 1.52587891E-5 : f32
        %mul3A_2875 = vector.broadcast %mul3A_2874 : f32 to vector<16xf32>
        %mul3A_2876 = arith.mulf %select_n3A_2864, %mul3A_2875 : vector<16xf32>
        %select_n3A_2877 = arith.select %ge3A_2873, %mul3A_2876, %select_n3A_2864 : vector<16xi1>, vector<16xf32>
        %jit3A_2878 = arith.constant 1.600000e+01 : f32
        %jit3A_2879 = arith.constant 0.000000e+00 : f32
        %broadcast_in_dim3A_2880 = vector.broadcast %jit3A_2878 : f32 to vector<16xf32>
        %broadcast_in_dim3A_2881 = vector.broadcast %jit3A_2879 : f32 to vector<16xf32>
        %select_n3A_2882 = arith.select %ge3A_2873, %broadcast_in_dim3A_2880, %broadcast_in_dim3A_2881 : vector<16xi1>, vector<16xf32>
        %add3A_2883 = arith.addf %add3A_2870, %select_n3A_2882 : vector<16xf32>
        %ge3A_2884 = arith.constant 2.560000e+02 : f32
        %ge3A_2885 = vector.broadcast %ge3A_2884 : f32 to vector<16xf32>
        %ge3A_2886 = arith.cmpf oge, %select_n3A_2877, %ge3A_2885 : vector<16xf32>
        %mul3A_2887 = arith.constant 3.906250e-03 : f32
        %mul3A_2888 = vector.broadcast %mul3A_2887 : f32 to vector<16xf32>
        %mul3A_2889 = arith.mulf %select_n3A_2877, %mul3A_2888 : vector<16xf32>
        %select_n3A_2890 = arith.select %ge3A_2886, %mul3A_2889, %select_n3A_2877 : vector<16xi1>, vector<16xf32>
        %jit3A_2891 = arith.constant 8.000000e+00 : f32
        %jit3A_2892 = arith.constant 0.000000e+00 : f32
        %broadcast_in_dim3A_2893 = vector.broadcast %jit3A_2891 : f32 to vector<16xf32>
        %broadcast_in_dim3A_2894 = vector.broadcast %jit3A_2892 : f32 to vector<16xf32>
        %select_n3A_2895 = arith.select %ge3A_2886, %broadcast_in_dim3A_2893, %broadcast_in_dim3A_2894 : vector<16xi1>, vector<16xf32>
        %add3A_2896 = arith.addf %add3A_2883, %select_n3A_2895 : vector<16xf32>
        %ge3A_2897 = arith.constant 1.600000e+01 : f32
        %ge3A_2898 = vector.broadcast %ge3A_2897 : f32 to vector<16xf32>
        %ge3A_2899 = arith.cmpf oge, %select_n3A_2890, %ge3A_2898 : vector<16xf32>
        %mul3A_2900 = arith.constant 6.250000e-02 : f32
        %mul3A_2901 = vector.broadcast %mul3A_2900 : f32 to vector<16xf32>
        %mul3A_2902 = arith.mulf %select_n3A_2890, %mul3A_2901 : vector<16xf32>
        %select_n3A_2903 = arith.select %ge3A_2899, %mul3A_2902, %select_n3A_2890 : vector<16xi1>, vector<16xf32>
        %jit3A_2904 = arith.constant 4.000000e+00 : f32
        %jit3A_2905 = arith.constant 0.000000e+00 : f32
        %broadcast_in_dim3A_2906 = vector.broadcast %jit3A_2904 : f32 to vector<16xf32>
        %broadcast_in_dim3A_2907 = vector.broadcast %jit3A_2905 : f32 to vector<16xf32>
        %select_n3A_2908 = arith.select %ge3A_2899, %broadcast_in_dim3A_2906, %broadcast_in_dim3A_2907 : vector<16xi1>, vector<16xf32>
        %add3A_2909 = arith.addf %add3A_2896, %select_n3A_2908 : vector<16xf32>
        %ge3A_2910 = arith.constant 4.000000e+00 : f32
        %ge3A_2911 = vector.broadcast %ge3A_2910 : f32 to vector<16xf32>
        %ge3A_2912 = arith.cmpf oge, %select_n3A_2903, %ge3A_2911 : vector<16xf32>
        %mul3A_2913 = arith.constant 2.500000e-01 : f32
        %mul3A_2914 = vector.broadcast %mul3A_2913 : f32 to vector<16xf32>
        %mul3A_2915 = arith.mulf %select_n3A_2903, %mul3A_2914 : vector<16xf32>
        %select_n3A_2916 = arith.select %ge3A_2912, %mul3A_2915, %select_n3A_2903 : vector<16xi1>, vector<16xf32>
        %jit3A_2917 = arith.constant 2.000000e+00 : f32
        %jit3A_2918 = arith.constant 0.000000e+00 : f32
        %broadcast_in_dim3A_2919 = vector.broadcast %jit3A_2917 : f32 to vector<16xf32>
        %broadcast_in_dim3A_2920 = vector.broadcast %jit3A_2918 : f32 to vector<16xf32>
        %select_n3A_2921 = arith.select %ge3A_2912, %broadcast_in_dim3A_2919, %broadcast_in_dim3A_2920 : vector<16xi1>, vector<16xf32>
        %add3A_2922 = arith.addf %add3A_2909, %select_n3A_2921 : vector<16xf32>
        %ge3A_2923 = arith.constant 2.000000e+00 : f32
        %ge3A_2924 = vector.broadcast %ge3A_2923 : f32 to vector<16xf32>
        %ge3A_2925 = arith.cmpf oge, %select_n3A_2916, %ge3A_2924 : vector<16xf32>
        %mul3A_2926 = arith.constant 5.000000e-01 : f32
        %mul3A_2927 = vector.broadcast %mul3A_2926 : f32 to vector<16xf32>
        %mul3A_2928 = arith.mulf %select_n3A_2916, %mul3A_2927 : vector<16xf32>
        %select_n3A_2929 = arith.select %ge3A_2925, %mul3A_2928, %select_n3A_2916 : vector<16xi1>, vector<16xf32>
        %jit3A_2930 = arith.constant 1.000000e+00 : f32
        %jit3A_2931 = arith.constant 0.000000e+00 : f32
        %broadcast_in_dim3A_2932 = vector.broadcast %jit3A_2930 : f32 to vector<16xf32>
        %broadcast_in_dim3A_2933 = vector.broadcast %jit3A_2931 : f32 to vector<16xf32>
        %select_n3A_2934 = arith.select %ge3A_2925, %broadcast_in_dim3A_2932, %broadcast_in_dim3A_2933 : vector<16xi1>, vector<16xf32>
        %add3A_2935 = arith.addf %add3A_2922, %select_n3A_2934 : vector<16xf32>
        %gt3A_2936 = arith.constant 1.41421354 : f32
        %gt3A_2937 = vector.broadcast %gt3A_2936 : f32 to vector<16xf32>
        %gt3A_2938 = arith.cmpf ogt, %select_n3A_2929, %gt3A_2937 : vector<16xf32>
        %mul3A_2939 = arith.constant 5.000000e-01 : f32
        %mul3A_2940 = vector.broadcast %mul3A_2939 : f32 to vector<16xf32>
        %mul3A_2941 = arith.mulf %select_n3A_2929, %mul3A_2940 : vector<16xf32>
        %select_n3A_2942 = arith.select %gt3A_2938, %mul3A_2941, %select_n3A_2929 : vector<16xi1>, vector<16xf32>
        %jit3A_2943 = arith.constant 1.000000e+00 : f32
        %jit3A_2944 = arith.constant 0.000000e+00 : f32
        %broadcast_in_dim3A_2945 = vector.broadcast %jit3A_2943 : f32 to vector<16xf32>
        %broadcast_in_dim3A_2946 = vector.broadcast %jit3A_2944 : f32 to vector<16xf32>
        %select_n3A_2947 = arith.select %gt3A_2938, %broadcast_in_dim3A_2945, %broadcast_in_dim3A_2946 : vector<16xi1>, vector<16xf32>
        %add3A_2948 = arith.addf %add3A_2935, %select_n3A_2947 : vector<16xf32>
        %sub3A_2949 = arith.constant 1.000000e+00 : f32
        %sub3A_2950 = vector.broadcast %sub3A_2949 : f32 to vector<16xf32>
        %sub3A_2951 = arith.subf %select_n3A_2942, %sub3A_2950 : vector<16xf32>
        %add3A_2952 = arith.constant 1.000000e+00 : f32
        %add3A_2953 = vector.broadcast %add3A_2952 : f32 to vector<16xf32>
        %add3A_2954 = arith.addf %select_n3A_2942, %add3A_2953 : vector<16xf32>
        %div3A_2955 = arith.divf %sub3A_2951, %add3A_2954 : vector<16xf32>
        %mul3A_2956 = arith.mulf %div3A_2955, %div3A_2955 : vector<16xf32>
        %mul3A_2957 = arith.constant 0.222222224 : f32
        %mul3A_2958 = vector.broadcast %mul3A_2957 : f32 to vector<16xf32>
        %mul3A_2959 = arith.mulf %mul3A_2956, %mul3A_2958 : vector<16xf32>
        %add3A_2960 = arith.constant 0.285714298 : f32
        %add3A_2961 = vector.broadcast %add3A_2960 : f32 to vector<16xf32>
        %add3A_2962 = arith.addf %add3A_2961, %mul3A_2959 : vector<16xf32>
        %mul3A_2963 = arith.mulf %mul3A_2956, %add3A_2962 : vector<16xf32>
        %add3A_2964 = arith.constant 4.000000e-01 : f32
        %add3A_2965 = vector.broadcast %add3A_2964 : f32 to vector<16xf32>
        %add3A_2966 = arith.addf %add3A_2965, %mul3A_2963 : vector<16xf32>
        %mul3A_2967 = arith.mulf %mul3A_2956, %add3A_2966 : vector<16xf32>
        %add3A_2968 = arith.constant 0.666666686 : f32
        %add3A_2969 = vector.broadcast %add3A_2968 : f32 to vector<16xf32>
        %add3A_2970 = arith.addf %add3A_2969, %mul3A_2967 : vector<16xf32>
        %mul3A_2971 = arith.mulf %mul3A_2956, %add3A_2970 : vector<16xf32>
        %add3A_2972 = arith.constant 2.000000e+00 : f32
        %add3A_2973 = vector.broadcast %add3A_2972 : f32 to vector<16xf32>
        %add3A_2974 = arith.addf %add3A_2973, %mul3A_2971 : vector<16xf32>
        %mul3A_2975 = arith.mulf %div3A_2955, %add3A_2974 : vector<16xf32>
        %mul3A_2976 = arith.constant 0.693147182 : f32
        %mul3A_2977 = vector.broadcast %mul3A_2976 : f32 to vector<16xf32>
        %mul3A_2978 = arith.mulf %add3A_2948, %mul3A_2977 : vector<16xf32>
        %add3A_2979 = arith.addf %mul3A_2978, %mul3A_2975 : vector<16xf32>
        %add3A_2980 = arith.addf %max3A_689, %add3A_2979 : vector<16xf32>
        %swap3A_2981 = arith.constant 48 : index
        %swap3A_2982 = tpu.vector_load %arg8[%swap3A_2981] {strides = array<i32>} : memref<64xf32, #tpu.memory_space<vmem>>, vector<16xf32>,
        %swap3A_2983 = vector.shape_cast %swap3A_2982 : vector<16xf32> to vector<16xf32>
        %swap3A_2984 = vector.shape_cast %add3A_2980 : vector<16xf32> to vector<16xf32>
        tpu.vector_store %arg8[%swap3A_2981], %swap3A_2984 {strides = array<i32>} : memref<64xf32, #tpu.memory_space<vmem>>, vector<16xf32>,
        %lt3A_2985 = arith.constant 15 : i32
        %lt3A_2986 = arith.cmpi slt, %scan3A_405, %lt3A_2985 : i32
        %convert_element_type3A_2987 = arith.extui %lt3A_2986 : i1 to i32
        %cond3A_2988 = arith.constant 0 : i32
        %cond3A_2989 = arith.cmpi ne, %convert_element_type3A_2987, %cond3A_2988 : i32
        scf.if %cond3A_2989 {
          %sub3A_2992 = arith.constant 1 : i32
          %sub3A_2993 = arith.subi %sub3A_407, %sub3A_2992 : i32
          %add3A_2994 = arith.constant 32 : i32
          %add3A_2995 = arith.addi %mul3A_2, %add3A_2994 : i32
          %dma_start3A_2996 = arith.constant 0 : i32
          %dma_start3A_2997 = tpu.memref_slice %arg2[%sub3A_2993, %add3A_2995, %dma_start3A_2996] : memref<16x1024x1024xf32, #tpu.memory_space<hbm>> -> memref<1x32x1024xf32, #tpu.memory_space<hbm>>
          %dma_start3A_2998 = tpu.memref_squeeze %dma_start3A_2997 : memref<1x32x1024xf32, #tpu.memory_space<hbm>> -> memref<32x1024xf32, #tpu.memory_space<hbm>>
          %dma_start3A_2999 = arith.constant 0 : i32
          %dma_start3A_3000 = tpu.memref_slice %arg2[%sub3A_2993, %add3A_2995, %dma_start3A_2999] : memref<16x1024x1024xf32, #tpu.memory_space<hbm>> -> memref<1x32x1024xf32, #tpu.memory_space<hbm>>
          %dma_start3A_3001 = tpu.memref_squeeze %dma_start3A_3000 : memref<1x32x1024xf32, #tpu.memory_space<hbm>> -> memref<32x1024xf32, #tpu.memory_space<hbm>>
          tpu.enqueue_dma source(%dma_start3A_3001 : memref<32x1024xf32, #tpu.memory_space<hbm>>) target(%arg5 : memref<32x1024xf32, #tpu.memory_space<vmem>>) target_semaphore(%arg11 : memref<!tpu.dma_semaphore, #tpu.memory_space<semaphore_mem>>)
        } else {
        }
        "tpu.region"() ({
          %run_scoped3A = tpu.sem_alloc : memref<!tpu.dma_semaphore, #tpu.memory_space<semaphore_mem>>
          %dma_start3A_2992 = tpu.memref_slice %arg3[%sub3A_407, %mul3A_2] : memref<16x1024xf32, #tpu.memory_space<hbm>> -> memref<1x64xf32, #tpu.memory_space<hbm>>
          %dma_start3A_2993 = tpu.memref_squeeze %dma_start3A_2992 : memref<1x64xf32, #tpu.memory_space<hbm>> -> memref<64xf32, #tpu.memory_space<hbm>>
          %dma_start3A_2994 = tpu.memref_slice %arg3[%sub3A_407, %mul3A_2] : memref<16x1024xf32, #tpu.memory_space<hbm>> -> memref<1x64xf32, #tpu.memory_space<hbm>>
          %dma_start3A_2995 = tpu.memref_squeeze %dma_start3A_2994 : memref<1x64xf32, #tpu.memory_space<hbm>> -> memref<64xf32, #tpu.memory_space<hbm>>
          tpu.enqueue_dma source(%arg8 : memref<64xf32, #tpu.memory_space<vmem>>) target(%dma_start3A_2995 : memref<64xf32, #tpu.memory_space<hbm>>) target_semaphore(%run_scoped3A : memref<!tpu.dma_semaphore, #tpu.memory_space<semaphore_mem>>)
          %dma_wait3A_2996 = tpu.memref_slice %arg3[%sub3A_407, %mul3A_2] : memref<16x1024xf32, #tpu.memory_space<hbm>> -> memref<1x64xf32, #tpu.memory_space<hbm>>
          %dma_wait3A_2997 = tpu.memref_squeeze %dma_wait3A_2996 : memref<1x64xf32, #tpu.memory_space<hbm>> -> memref<64xf32, #tpu.memory_space<hbm>>
          %dma_wait3A_2998 = tpu.memref_slice %arg3[%sub3A_407, %mul3A_2] : memref<16x1024xf32, #tpu.memory_space<hbm>> -> memref<1x64xf32, #tpu.memory_space<hbm>>
          %dma_wait3A_2999 = tpu.memref_squeeze %dma_wait3A_2998 : memref<1x64xf32, #tpu.memory_space<hbm>> -> memref<64xf32, #tpu.memory_space<hbm>>
          tpu.wait_dma2 semaphore(%run_scoped3A : memref<!tpu.dma_semaphore, #tpu.memory_space<semaphore_mem>>) src(%arg8 : memref<64xf32, #tpu.memory_space<vmem>>) dst(%dma_wait3A_2999 : memref<64xf32, #tpu.memory_space<hbm>>)
          tpu.yield
        }) : () -> ()
        "tpu.region"() ({
          %run_scoped3A = tpu.sem_alloc : memref<!tpu.dma_semaphore, #tpu.memory_space<semaphore_mem>>
          %dma_start3A_2992 = tpu.memref_slice %arg9[%mul3A_2] : memref<1024xf32, #tpu.memory_space<vmem_shared>> -> memref<64xf32, #tpu.memory_space<vmem_shared>>
          %dma_start3A_2993 = tpu.memref_slice %arg9[%mul3A_2] : memref<1024xf32, #tpu.memory_space<vmem_shared>> -> memref<64xf32, #tpu.memory_space<vmem_shared>>
          tpu.enqueue_dma source(%arg8 : memref<64xf32, #tpu.memory_space<vmem>>) target(%dma_start3A_2993 : memref<64xf32, #tpu.memory_space<vmem_shared>>) target_semaphore(%run_scoped3A : memref<!tpu.dma_semaphore, #tpu.memory_space<semaphore_mem>>)
          %dma_wait3A_2994 = tpu.memref_slice %arg9[%mul3A_2] : memref<1024xf32, #tpu.memory_space<vmem_shared>> -> memref<64xf32, #tpu.memory_space<vmem_shared>>
          %dma_wait3A_2995 = tpu.memref_slice %arg9[%mul3A_2] : memref<1024xf32, #tpu.memory_space<vmem_shared>> -> memref<64xf32, #tpu.memory_space<vmem_shared>>
          tpu.wait_dma2 semaphore(%run_scoped3A : memref<!tpu.dma_semaphore, #tpu.memory_space<semaphore_mem>>) src(%arg8 : memref<64xf32, #tpu.memory_space<vmem>>) dst(%dma_wait3A_2995 : memref<64xf32, #tpu.memory_space<vmem_shared>>)
          tpu.yield
        }) : () -> ()
        %barrier3A = arith.constant 0 : index
        tpu.barrier barrier_id(%barrier3A)
        "tpu.region"() ({
          %run_scoped3A = tpu.sem_alloc : memref<!tpu.dma_semaphore, #tpu.memory_space<semaphore_mem>>
          tpu.enqueue_dma source(%arg9 : memref<1024xf32, #tpu.memory_space<vmem_shared>>) target(%arg6 : memref<1024xf32, #tpu.memory_space<vmem>>) target_semaphore(%run_scoped3A : memref<!tpu.dma_semaphore, #tpu.memory_space<semaphore_mem>>)
          tpu.wait_dma2 semaphore(%run_scoped3A : memref<!tpu.dma_semaphore, #tpu.memory_space<semaphore_mem>>) src(%arg9 : memref<1024xf32, #tpu.memory_space<vmem_shared>>) dst(%arg6 : memref<1024xf32, #tpu.memory_space<vmem>>)
          tpu.yield
        }) : () -> ()
        %barrier3A_2990 = arith.constant 0 : index
        tpu.barrier barrier_id(%barrier3A_2990)
        %scan3A_2991 = arith.constant 0 : i32
        scf.yield %scan3A_2991 : i32
      }
      %scan3A_404 = arith.constant 16 : i32
    } else {
    }
    return
  }
}

module attributes {stable_mosaic.version = 14 : i64} {
  func.func @_fwd_body(%arg0: i32, %arg1: memref<1x1024x1024xf32, #tpu.memory_space<vmem>>, %arg2: memref<1x1x1024xf32, #tpu.memory_space<vmem>>, %arg3: memref<1024xf32, #tpu.memory_space<vmem>>) attributes {dimension_semantics = [#tpu.dimension_semantics<arbitrary>], iteration_bounds = array<i64: 15>, scalar_prefetch = 0 : i64, scratch_operands = 1 : i64, tpu.core_type = #tpu.core_type<tc>, window_params = [{transform_indices = @transform_0, window_bounds = array<i64: 1, 1024, 1024>}, {transform_indices = @transform_1, window_bounds = array<i64: 1, 1, 1024>}]} {
    %eq3A = arith.constant 0 : i32
    %eq3A_0 = arith.cmpi eq, %arg0, %eq3A : i32
    %convert_element_type3A = arith.extui %eq3A_0 : i1 to i32
    %cond3A = arith.constant 0 : i32
    %cond3A_1 = arith.cmpi ne, %convert_element_type3A, %cond3A : i32
    scf.if %cond3A_1 {
      %broadcast_in_dim3A_24 = arith.constant 0.000000e+00 : f32
      %broadcast_in_dim3A_25 = vector.broadcast %broadcast_in_dim3A_24 : f32 to vector<1024xf32>
      %swap3A_26 = arith.constant 0 : index
      %swap3A_27 = vector.load %arg3[%swap3A_26] : memref<1024xf32, #tpu.memory_space<vmem>>, vector<1024xf32>
      tpu.vector_store %arg3[%swap3A_26], %broadcast_in_dim3A_25 {strides = array<i32>} : memref<1024xf32, #tpu.memory_space<vmem>>, vector<1024xf32>,
    } else {
    }
    %get3A = arith.constant 0 : index
    %get3A_2 = vector.load %arg3[%get3A] : memref<1024xf32, #tpu.memory_space<vmem>>, vector<1024xf32>
    %reduce_max3A = vector.shape_cast %get3A_2 : vector<1024xf32> to vector<1x1024xf32>
    %reduce_max3A_3 = arith.constant dense<0xFF800000> : vector<1xf32>
    %reduce_max3A_4 = vector.multi_reduction <maximumf>, %reduce_max3A, %reduce_max3A_3 [1] : vector<1x1024xf32> to vector<1xf32>
    %reduce_max3A_5 = vector.shape_cast %reduce_max3A_4 : vector<1xf32> to vector<1x1xf32>
    %reduce_max3A_6 = vector.extract %reduce_max3A_5[0, 0] : f32 from vector<1x1xf32>
    %get3A_7 = arith.constant 0 : index
    %get3A_8 = arith.constant 0 : index
    %get3A_9 = arith.constant 0 : index
    %get3A_10 = vector.load %arg1[%get3A_7, %get3A_8, %get3A_9] : memref<1x1024x1024xf32, #tpu.memory_space<vmem>>, vector<1x1024x1024xf32>
    %get3A_11 = vector.shape_cast %get3A_10 : vector<1x1024x1024xf32> to vector<1024x1024xf32>
    %sub3A = vector.broadcast %reduce_max3A_6 : f32 to vector<1024xf32>
    %sub3A_12 = arith.subf %get3A_2, %sub3A : vector<1024xf32>
    %broadcast_in_dim3A = vector.shape_cast %sub3A_12 : vector<1024xf32> to vector<1024x1xf32>
    %add3A = vector.broadcast %broadcast_in_dim3A : vector<1024x1xf32> to vector<1024x1024xf32>
    %add3A_13 = arith.addf %get3A_11, %add3A : vector<1024x1024xf32>
    %exp3A = math.exp %add3A_13 : vector<1024x1024xf32>
    %reduce_sum3A = arith.constant dense<0.000000e+00> : vector<1024xf32>
    %reduce_sum3A_14 = vector.multi_reduction <add>, %exp3A, %reduce_sum3A [0] : vector<1024x1024xf32> to vector<1024xf32>
    %log3A = math.log %reduce_sum3A_14 : vector<1024xf32>
    %add3A_15 = vector.broadcast %reduce_max3A_6 : f32 to vector<1024xf32>
    %add3A_16 = arith.addf %add3A_15, %log3A : vector<1024xf32>
    %swap3A = arith.constant 0 : index
    %swap3A_17 = arith.constant 0 : index
    %swap3A_18 = arith.constant 0 : index
    %swap3A_19 = vector.load %arg2[%swap3A, %swap3A_17, %swap3A_18] : memref<1x1x1024xf32, #tpu.memory_space<vmem>>, vector<1x1x1024xf32>
    %swap3A_20 = vector.shape_cast %swap3A_19 : vector<1x1x1024xf32> to vector<1024xf32>
    %swap3A_21 = vector.shape_cast %add3A_16 : vector<1024xf32> to vector<1x1x1024xf32>
    tpu.vector_store %arg2[%swap3A, %swap3A_17, %swap3A_18], %swap3A_21 {strides = array<i32>} : memref<1x1x1024xf32, #tpu.memory_space<vmem>>, vector<1x1x1024xf32>,
    %swap3A_22 = arith.constant 0 : index
    %swap3A_23 = vector.load %arg3[%swap3A_22] : memref<1024xf32, #tpu.memory_space<vmem>>, vector<1024xf32>
    tpu.vector_store %arg3[%swap3A_22], %add3A_16 {strides = array<i32>} : memref<1024xf32, #tpu.memory_space<vmem>>, vector<1024xf32>,
    return
  }
  func.func @transform_0(%arg0: i32) -> (i32, i32, i32) {
    %c0_i32 = arith.constant 0 : i32
    %c0_i32_0 = arith.constant 0 : i32
    %c0_i32_1 = arith.constant 0 : i32
    return %arg0, %c0_i32, %c0_i32_0 : i32, i32, i32
  }
  func.func @transform_1(%arg0: i32) -> (i32, i32, i32) {
    %c0_i32 = arith.constant 0 : i32
    %c0_i32_0 = arith.constant 0 : i32
    %c0_i32_1 = arith.constant 0 : i32
    return %arg0, %c0_i32, %c0_i32_0 : i32, i32, i32
  }
}

module attributes {stable_mosaic.version = 14 : i64} {
  func.func @_fin_body(%arg0: i32, %arg1: memref<1x1024x1024xf32, #tpu.memory_space<vmem>>, %arg2: memref<1x1x1024xf32, #tpu.memory_space<vmem>>, %arg3: memref<1x1x1024xf32, #tpu.memory_space<vmem>>, %arg4: memref<1x1x1024xf32, #tpu.memory_space<vmem>>, %arg5: memref<1x1024x1024xf32, #tpu.memory_space<vmem>>) attributes {dimension_semantics = [#tpu.dimension_semantics<arbitrary>], iteration_bounds = array<i64: 16>, scalar_prefetch = 0 : i64, scratch_operands = 0 : i64, tpu.core_type = #tpu.core_type<tc>, window_params = [{transform_indices = @transform_0, window_bounds = array<i64: 1, 1024, 1024>}, {transform_indices = @transform_1, window_bounds = array<i64: 1, 1, 1024>}, {transform_indices = @transform_2, window_bounds = array<i64: 1, 1, 1024>}, {transform_indices = @transform_3, window_bounds = array<i64: 1, 1, 1024>}, {transform_indices = @transform_4, window_bounds = array<i64: 1, 1024, 1024>}]} {
    %get3A = arith.constant 0 : index
    %get3A_0 = arith.constant 0 : index
    %get3A_1 = arith.constant 0 : index
    %get3A_2 = vector.load %arg2[%get3A, %get3A_0, %get3A_1] : memref<1x1x1024xf32, #tpu.memory_space<vmem>>, vector<1x1x1024xf32>
    %get3A_3 = vector.shape_cast %get3A_2 : vector<1x1x1024xf32> to vector<1024xf32>
    %get3A_4 = arith.constant 0 : index
    %get3A_5 = arith.constant 0 : index
    %get3A_6 = arith.constant 0 : index
    %get3A_7 = vector.load %arg3[%get3A_4, %get3A_5, %get3A_6] : memref<1x1x1024xf32, #tpu.memory_space<vmem>>, vector<1x1x1024xf32>
    %get3A_8 = vector.shape_cast %get3A_7 : vector<1x1x1024xf32> to vector<1024xf32>
    %get3A_9 = arith.constant 0 : index
    %get3A_10 = arith.constant 0 : index
    %get3A_11 = arith.constant 0 : index
    %get3A_12 = vector.load %arg4[%get3A_9, %get3A_10, %get3A_11] : memref<1x1x1024xf32, #tpu.memory_space<vmem>>, vector<1x1x1024xf32>
    %get3A_13 = vector.shape_cast %get3A_12 : vector<1x1x1024xf32> to vector<1024xf32>
    %add3A = arith.addf %get3A_3, %get3A_8 : vector<1024xf32>
    %reduce_max3A = vector.shape_cast %add3A : vector<1024xf32> to vector<1x1024xf32>
    %reduce_max3A_14 = arith.constant dense<0xFF800000> : vector<1xf32>
    %reduce_max3A_15 = vector.multi_reduction <maximumf>, %reduce_max3A, %reduce_max3A_14 [1] : vector<1x1024xf32> to vector<1xf32>
    %reduce_max3A_16 = vector.shape_cast %reduce_max3A_15 : vector<1xf32> to vector<1x1xf32>
    %reduce_max3A_17 = vector.extract %reduce_max3A_16[0, 0] : f32 from vector<1x1xf32>
    %sub3A = vector.broadcast %reduce_max3A_17 : f32 to vector<1024xf32>
    %sub3A_18 = arith.subf %add3A, %sub3A : vector<1024xf32>
    %exp3A = math.exp %sub3A_18 : vector<1024xf32>
    %reduce_sum3A = vector.shape_cast %exp3A : vector<1024xf32> to vector<1x1024xf32>
    %reduce_sum3A_19 = arith.constant dense<0.000000e+00> : vector<1xf32>
    %reduce_sum3A_20 = vector.multi_reduction <add>, %reduce_sum3A, %reduce_sum3A_19 [1] : vector<1x1024xf32> to vector<1xf32>
    %reduce_sum3A_21 = vector.shape_cast %reduce_sum3A_20 : vector<1xf32> to vector<1x1xf32>
    %reduce_sum3A_22 = vector.extract %reduce_sum3A_21[0, 0] : f32 from vector<1x1xf32>
    %log3A = math.log %reduce_sum3A_22 : f32
    %add3A_23 = arith.addf %reduce_max3A_17, %log3A : f32
    %get3A_24 = arith.constant 0 : index
    %get3A_25 = arith.constant 0 : index
    %get3A_26 = arith.constant 0 : index
    %get3A_27 = vector.load %arg1[%get3A_24, %get3A_25, %get3A_26] : memref<1x1024x1024xf32, #tpu.memory_space<vmem>>, vector<1x1024x1024xf32>
    %get3A_28 = vector.shape_cast %get3A_27 : vector<1x1024x1024xf32> to vector<1024x1024xf32>
    %broadcast_in_dim3A = vector.shape_cast %get3A_13 : vector<1024xf32> to vector<1x1024xf32>
    %add3A_29 = vector.broadcast %broadcast_in_dim3A : vector<1x1024xf32> to vector<1024x1024xf32>
    %add3A_30 = arith.addf %get3A_28, %add3A_29 : vector<1024x1024xf32>
    %sub3A_31 = vector.broadcast %add3A_23 : f32 to vector<1024xf32>
    %sub3A_32 = arith.subf %get3A_3, %sub3A_31 : vector<1024xf32>
    %broadcast_in_dim3A_33 = vector.shape_cast %sub3A_32 : vector<1024xf32> to vector<1024x1xf32>
    %add3A_34 = vector.broadcast %broadcast_in_dim3A_33 : vector<1024x1xf32> to vector<1024x1024xf32>
    %add3A_35 = arith.addf %add3A_30, %add3A_34 : vector<1024x1024xf32>
    %swap3A = arith.constant 0 : index
    %swap3A_36 = arith.constant 0 : index
    %swap3A_37 = arith.constant 0 : index
    %swap3A_38 = vector.load %arg5[%swap3A, %swap3A_36, %swap3A_37] : memref<1x1024x1024xf32, #tpu.memory_space<vmem>>, vector<1x1024x1024xf32>
    %swap3A_39 = vector.shape_cast %swap3A_38 : vector<1x1024x1024xf32> to vector<1024x1024xf32>
    %swap3A_40 = vector.shape_cast %add3A_35 : vector<1024x1024xf32> to vector<1x1024x1024xf32>
    tpu.vector_store %arg5[%swap3A, %swap3A_36, %swap3A_37], %swap3A_40 {strides = array<i32>} : memref<1x1024x1024xf32, #tpu.memory_space<vmem>>, vector<1x1024x1024xf32>,
    return
  }
  func.func @transform_0(%arg0: i32) -> (i32, i32, i32) {
    %c0_i32 = arith.constant 0 : i32
    %c0_i32_0 = arith.constant 0 : i32
    %c0_i32_1 = arith.constant 0 : i32
    return %arg0, %c0_i32, %c0_i32_0 : i32, i32, i32
  }
  func.func @transform_1(%arg0: i32) -> (i32, i32, i32) {
    %c0_i32 = arith.constant 0 : i32
    %c0_i32_0 = arith.constant 0 : i32
    %c0_i32_1 = arith.constant 0 : i32
    return %arg0, %c0_i32, %c0_i32_0 : i32, i32, i32
  }
  func.func @transform_2(%arg0: i32) -> (i32, i32, i32) {
    %c0_i32 = arith.constant 0 : i32
    %c0_i32_0 = arith.constant 0 : i32
    %c0_i32_1 = arith.constant 0 : i32
    return %arg0, %c0_i32, %c0_i32_0 : i32, i32, i32
  }
  func.func @transform_3(%arg0: i32) -> (i32, i32, i32) {
    %c0_i32 = arith.constant 0 : i32
    %c0_i32_0 = arith.constant 0 : i32
    %c0_i32_1 = arith.constant 0 : i32
    return %arg0, %c0_i32, %c0_i32_0 : i32, i32, i32
  }
  func.func @transform_4(%arg0: i32) -> (i32, i32, i32) {
    %c0_i32 = arith.constant 0 : i32
    %c0_i32_0 = arith.constant 0 : i32
    %c0_i32_1 = arith.constant 0 : i32
    return %arg0, %c0_i32, %c0_i32_0 : i32, i32, i32
  }
}

</mosaic_0001>

<sc_bundles>
// kernel: kernel.5.cloned.1.call-start
scs
__scs_entry_jumppad:
0x0: {  	(pc) =	sbr.rel $0x88, $3  }
0x1: {  	(tag) =	ssettag $0x0;
	lr =	simm.s32 $0x1  }
0x2: {  	[smem:$0x3FA0] =	sst lr;
	_ =	strace $0xD0000000  }
0x3: {  	_ = 	snop  }
0x4: {  	_ = 	snop  }
0x5: {  	_ = 	snop  }
0x6: {  	_ = 	snop  }
0x7: {  	_ = 	snop  }
__scs_overlays_trampoline_lowered:
0x8: {  	[smem:$0x3FAF] =	sst s0  }
0x9: {  	[smem:$0x3FB0] =	sst s1  }
0xa: {  	[smem:$0x3FB1] =	sst s2  }
0xb: {  	[smem:$0x3FB2] =	sst s3  }
0xc: {  	[smem:$0x3FB3] =	sst s4  }
0xd: {  	[smem:$0x3FB4] =	sst s5  }
0xe: {  	[smem:$0x3FB5] =	sst s6  }
0xf: {  	[smem:$0x3FB6] =	sst s7  }
0x10: {  	[smem:$0x3FB7] =	sst s8  }
0x11: {  	[smem:$0x3FB8] =	sst s9;
	s0 =	simm.s32 @!p0 $0x0  }
0x12: {  	s1 =	sld [smem:$0x3F9E];
	s0 =	simm.s32 @p0 $0x1  }
0x13: {  	[smem:$0x3FB9] =	sst s0;
	s0 =	simm.s32 @!p1 $0x0  }
0x14: {  	s2 =	sld [smem:$0x3F9D];
	s0 =	simm.s32 @p1 $0x1  }
0x15: {  	[smem:$0x3FBA] =	sst s0;
	s0 =	simm.s32 @!p2 $0x0  }
0x16: {  	s3 =	sld [smem:$0x3FDB];
	s0 =	simm.s32 @p2 $0x1  }
0x17: {  	s4 =	simm.s32 $0x1BF5;
	[smem:$0x3FBC] =	sst s0  }
0x18: {  	s0 =	sld [smem:$0x3F9F];
	_ =	swait.ge [sflag:s4], $0x0  }
0x19: {  	s7 =	sld [smem:$0x3FA0]  }
0x1a: {  	s8 =	sadd.s32 $0xFFFFE003, lr  }
0x1b: {  	s9 =	sadd.s32 $0xFFFFFEF7, lr;
	s5 =	simm.s32 $0xFFFFFFFF;
	p2 =	slt.u32 s8, $0xFFFFF086  }
0x1c: {  	p1 =	slt.u32 s9, $0xF7A;
	s5 =	simm.s32 @!p2 $0x0  }
0x1d: {  	s5 =	simm.s32 @p1 $0x1;
	p0 =	seq.s32 s7, s2  }
0x1e: {  	s7 =	smul.u32 @!p0 $0xF7A, s2;
	p2 =	seq.s32 @!p0 s5, $0x0  }
0x1f: {  	s9 =	smul.u32 $0xF7A, s1;
	s8 =	simm.s32 @!p0 $0x1BF5;
	p2 =	por !p2, p0  }
0x20: {  	[sflag:s8] =	ssyncset.s32 @!p0 $0xFFFFF086;
	s6 =	sadd.s32 @!p0 s3, s7;
	s7 =	simm.s32 @!p0 $0x108  }
0x21: {  	s3 =	sadd.s32 s3, s9;
	s6 =	sadd.s32 @!p0 $0x88, s6;
	s7 =	simm.s32 @p2 $0x1082  }
0x22: {  	[simem:s7], [sflag:s8] =	dma.local @!p0 [hbm:s6], $0xF7A  }
0x23: {  	s9 =	sor.u32 $0xD0000000, s2;
	s6 =	simm.s32 $0x108;
	_ =	swait.ge @!p0 [sflag:s8], $0x0  }
0x24: {  	s3 =	sadd.s32 $0x88, s3;
	s6 =	simm.s32 @!p1 $0x1082;
	[sflag:s4] =	ssyncset.s32 $0xFFFFF086  }
0x25: {  	[simem:s6], [sflag:s4] =	dma.local [hbm:s3], $0xF7A  }
0x26: {  	[smem:$0x3FA0] =	sst s1;
	(tag) =	ssettag s2;
	_ =	strace s9  }
0x27: {  	s1 =	sld [smem:$0x3FB0]  }
0x28: {  	s2 =	sld [smem:$0x3FB1]  }
0x29: {  	s4 =	sld [smem:$0x3FB3]  }
0x2a: {  	p0 =	seq.s32 s5, $0x0;
	s5 =	sld [smem:$0x3FB4]  }
0x2b: {  	s6 =	sld [smem:$0x3FB5]  }
0x2c: {  	s7 =	sld [smem:$0x3FB6]  }
0x2d: {  	s3 =	simm.s32 $0x108;
	s8 =	sld [smem:$0x3FB7]  }
0x2e: {  	s3 =	simm.s32 @!p0 $0x1082;
	s9 =	sld [smem:$0x3FB8]  }
0x2f: {  	lr =	sadd.s32 s0, s3;
	s0 =	sld [smem:$0x3FAF]  }
0x30: {  	s3 =	sld [smem:$0x3FB2]  }
0x31: {  	[smem:$0x3FBB] =	sst s10  }
0x32: {  	s10 =	sld [smem:$0x3FB9];
	_ =	sdelay $0x3  }
0x33: {  	p0 =	seq.s32 s10, $0x1;
	s10 =	sld [smem:$0x3FBB];
	_ =	sdelay $0x3  }
0x34: {  	[smem:$0x3FBB] =	sst s10  }
0x35: {  	s10 =	sld [smem:$0x3FBA];
	_ =	sdelay $0x3  }
0x36: {  	p1 =	seq.s32 s10, $0x1;
	s10 =	sld [smem:$0x3FBB];
	_ =	sdelay $0x3  }
0x37: {  	[smem:$0x3FBB] =	sst s10  }
0x38: {  	s10 =	sld [smem:$0x3FBC]  }
0x39: {  	_ = 	snop;
	(pc) =	sbr.ind lr, $3  }
0x3a: {  	_ = 	snop  }
0x3b: {  	_ = 	snop  }
0x3c: {  	p2 =	seq.s32 s10, $0x1;
	s10 =	sld [smem:$0x3FBB]  }
0x3d: {  	_ =	shalt  }
0x3e: {  	_ =	shalt  }
0x3f: {  	_ =	shalt  }
0x40: {  	_ =	shalt  }
0x41: {  	_ =	shalt  }
0x42: {  	_ =	shalt  }
0x43: {  	_ =	shalt  }
0x44: {  	_ =	shalt  }
0x45: {  	_ =	shalt  }
0x46: {  	_ =	shalt  }
0x47: {  	_ =	shalt  }
0x48: {  	_ =	shalt  }
0x49: {  	_ =	shalt  }
0x4a: {  	_ =	shalt  }
0x4b: {  	_ =	shalt  }
0x4c: {  	_ =	shalt  }
0x4d: {  	_ =	shalt  }
0x4e: {  	_ =	shalt  }
0x4f: {  	_ =	shalt  }
0x50: {  	_ =	shalt  }
0x51: {  	_ =	shalt  }
0x52: {  	_ =	shalt  }
0x53: {  	_ =	shalt  }
0x54: {  	_ =	shalt  }
0x55: {  	_ =	shalt  }
0x56: {  	_ =	shalt  }
0x57: {  	_ =	shalt  }
0x58: {  	_ =	shalt  }
0x59: {  	_ =	shalt  }
0x5a: {  	_ =	shalt  }
0x5b: {  	_ =	shalt  }
0x5c: {  	_ =	shalt  }
0x5d: {  	_ =	shalt  }
0x5e: {  	_ =	shalt  }
0x5f: {  	_ =	shalt  }
0x60: {  	_ =	shalt  }
0x61: {  	_ =	shalt  }
0x62: {  	_ =	shalt  }
0x63: {  	_ =	shalt  }
0x64: {  	_ =	shalt  }
0x65: {  	_ =	shalt  }
0x66: {  	_ =	shalt  }
0x67: {  	_ =	shalt  }
0x68: {  	_ =	shalt  }
0x69: {  	_ =	shalt  }
0x6a: {  	_ =	shalt  }
0x6b: {  	_ =	shalt  }
0x6c: {  	_ =	shalt  }
0x6d: {  	_ =	shalt  }
0x6e: {  	_ =	shalt  }
0x6f: {  	_ =	shalt  }
0x70: {  	_ =	shalt  }
0x71: {  	_ =	shalt  }
0x72: {  	_ =	shalt  }
0x73: {  	_ =	shalt  }
0x74: {  	_ =	shalt  }
0x75: {  	_ =	shalt  }
0x76: {  	_ =	shalt  }
0x77: {  	_ =	shalt  }
0x78: {  	_ =	shalt  }
0x79: {  	_ =	shalt  }
0x7a: {  	_ =	shalt  }
0x7b: {  	_ =	shalt  }
0x7c: {  	_ =	shalt  }
0x7d: {  	_ =	shalt  }
0x7e: {  	_ =	shalt  }
0x7f: {  	_ =	shalt  }
0x80: {  	_ =	shalt  }
0x81: {  	_ =	shalt  }
0x82: {  	_ =	shalt  }
0x83: {  	_ =	shalt  }
0x84: {  	_ =	shalt  }
0x85: {  	_ =	shalt  }
0x86: {  	_ =	shalt  }
0x87: {  	_ =	shalt  }
.Lfunc_end0:
.L_simem_size_0:
called_computation_lowered:
.L_overlay_start_0:
0x88: {  	s2 =	sld [smem:$0x3FD9]  }
0x89: {  	s3 =	sld [smem:$0x3FFE];
	_ =	sdelay $0x1  }
0x8a: {  	s1 =	srdreg.scid  }
0x8b: {  	s0 =	sand.u32 $0x1, s1  }
0x8c: {  	s18 =	sshll.u32 s0, $0xA;
	s2 =	sadd.s32 s3, s2  }
0x8d: {  	s2 =	sadd.s32 s2, s18  }
0x8e: {  	[smem:$0x3FC7] =	sst s2  }
0x8f: {  	_ = 	snop  }
0x90: {  	s2 =	sld [smem:$0x3FC9]  }
0x91: {  	s19 =	sld [smem:$0x3FD0];
	(tm) =	ssettm $0x1  }
0x92: {  	s4 =	sld [smem:$0x3FFB];
	_ =	sdelay $0x3  }
0x93: {  	_ =	strace s4  }
0x94: {  	s4 =	sld [smem:$0x3FFC];
	_ =	sdelay $0x3  }
0x95: {  	_ =	strace s4  }
0x96: {  	s4 =	sld [smem:$0x3FFD];
	_ =	sdelay $0x3  }
0x97: {  	_ =	strace s4  }
0x98: {  	_ =	strace $0x8FFFFFFF  }
0x99: {  	s20 =	sld [smem:$0x3FDB];
	_ =	sdelay $0x1  }
0x9a: {  	s5 =	simm.s32 $_scs_section_size  }
0x9b: {  	s6 =	simm.s32 $_size__tile_overlayer_lowered;
	s7 =	simm.s32 $_tile_overlayer_lowered  }
0x9c: {  	s23 =	simm.s32 $0x1BFF;
	s22 =	sshll.u32 s7, $0x1;
	s4 =	sadd.s32 s5, s20  }
0x9d: {  	s8 =	simm.s32 $0x0;
	s21 =	sshll.u32 s6, $0x1;
	s6 =	sadd.s32 s22, s4  }
0x9e: {  	[timem:s8], [sflag:s23] =	dma.local [hbm:s6], s21  }
0x9f: {  	_ =	swait.ge [sflag:s23], s21  }
0xa0: {  	s5 =	ssub.s32 $0x0, s21;
	[sflag:s23] =	ssyncset.done $0x0  }
0xa1: {  	[sflag:s23] =	ssyncadd.s32 s5;
	_ =	sdelay $0x1  }
0xa2: {  	s24 =	simm.s32 $0x1B8B  }
0xa3: {  	_ =	swait.ge [sflag:s24], $0x1  }
0xa4: {  	[sflag:s24] =	ssyncset.done $0x0  }
0xa5: {  	s25 =	simm.s32 $0x1B8E;
	[sflag:s24] =	ssyncadd.s32 $0xFFFFFFFF  }
0xa6: {  	s26 =	simm.s32 $execute0_lowered;
	[smem:$0x3FD2] =	sst s25  }
0xa7: {  	s5 =	sshll.u32 s26, $0x1;
	_ =	strace $0x80000046;
	[dreg:$0x1] =	wrdreg $0xFFFFFFFF  }
0xa8: {  	s28 =	simm.s32 $_size_execute0_lowered;
	s4 =	sadd.s32 s4, s5;
	[dreg:$0x0] =	wrdreg $0x0  }
0xa9: {  	s5 =	sshll.u32 s28, $0x1;
	[dreg:$0x2] =	wrdreg s4  }
0xaa: {  	[dreg:$0x3] =	wrdreg s5  }
0xab: {  	[dreg:$0x4] =	wrdreg $0xC0  }
0xac: {  	_ =	task [dreg:s8], $0x5FFFF  }
0xad: {  	[dreg:$0x1] =	wrdreg $0xFFFFFFFF  }
0xae: {  	[dreg:$0x0] =	wrdreg $0x60  }
0xaf: {  	[dreg:$0x2] =	wrdreg s2  }
0xb0: {  	[dreg:$0x3] =	wrdreg s19  }
0xb1: {  	[dreg:$0x4] =	wrdreg $0x108800  }
0xb2: {  	[dreg:$0x5] =	wrdreg $0x9  }
0xb3: {  	_ =	task.clear_ibuf [dreg:s8], $0x6FFFF;
	_ =	strace $0x90000046  }
0xb4: {  	s29 =	simm.s32 $0x9;
	_ =	strace $0x80000048  }
0xb5: {  	_ =	swait.ge [sflag:s29], $0x1  }
0xb6: {  	[sflag:s29] =	ssyncadd.s32 $0xFFFFFFFF  }
0xb7: {  	_ =	strace $0x90000048  }
0xb8: {  	_ =	sfence  }
0xb9: {  	s30 =	sld [smem:$0x0];
	_ =	sdelay $0x2  }
0xba: {  	s31 =	sshll.u32 s1, $0xD;
	s1 =	sshrl.u32 s1, $0x2  }
0xbb: {  	s3 =	sand.u32 $0x4000, s31;
	s1 =	sadd.s32 s1, s30  }
0xbc: {  	s0 =	sor.u32 s3, s0;
	s1 =	sshll.u32 s1, $0x11  }
0xbd: {  	s0 =	sor.u32 s1, s0  }
0xbe: {  	s0 =	sadd.s32 $0x8F2B, s0  }
0xbf: {  	[sflag:s0] =	ssyncadd.remote.s32 $0x1  }
0xc0: {  	_ =	sfence.sel $0xFFFF  }
0xc1: {  	[dreg:$0x0] =	wrdreg $0xFFFFFFFF;
	(pc) =	sbr.abs _section_cstart, $3  }
0xc2: {  	[dreg:$0x1] =	wrdreg $0xFFFFFFFF  }
0xc3: {  	_ =	task.clear_ibuf [dreg:s8], $0x2FFFF;
	_ =	strace $0x9FFFFFFF  }
0xc4: {  	(tm) =	ssettm $0x7FFFFFFF  }
0xc5: {  	_ =	shalt  }
tec
execute0_lowered:
.L_overlay_start_1:
0x0: {  	(tag) =	ssettag $0x1  }
0x1: {  	s0 =	srdreg.scid  }
0x2: {  	s0 =	sand.u32 $0x1, s0  }
0x3: {  	p0 =	seq.s32 s0, $0x1  }
.Ltmp0:
0x4: {  	_ = 	snop;
	(pc) =	sbr.rel @p0 .LBB2_11-.Ltmp0, $4  }
0x5: {  	_ = 	snop  }
0x6: {  	s1 =	simm.s32 $0x0  }
0x7: {  	[smem:$0x7FF] =	sst s1  }
0x8: {  	_ =	strace $0x80000047  }
0x9: {  	v0 =	vimm.f32 $0.0e+00  }
0xa: {  	[tilespmem:$0x10000] =	vst v0  }
0xb: {  	[tilespmem:$0x10010] =	vst v0  }
0xc: {  	[tilespmem:$0x10020] =	vst v0  }
0xd: {  	[tilespmem:$0x10030] =	vst v0  }
0xe: {  	[tilespmem:$0x10040] =	vst v0  }
0xf: {  	[tilespmem:$0x10050] =	vst v0  }
0x10: {  	[tilespmem:$0x10060] =	vst v0  }
0x11: {  	[tilespmem:$0x10070] =	vst v0  }
0x12: {  	[tilespmem:$0x10080] =	vst v0  }
0x13: {  	[tilespmem:$0x10090] =	vst v0  }
0x14: {  	[tilespmem:$0x100A0] =	vst v0  }
0x15: {  	[tilespmem:$0x100B0] =	vst v0  }
0x16: {  	[tilespmem:$0x100C0] =	vst v0  }
0x17: {  	[tilespmem:$0x100D0] =	vst v0  }
0x18: {  	[tilespmem:$0x100E0] =	vst v0  }
0x19: {  	[tilespmem:$0x100F0] =	vst v0  }
0x1a: {  	[tilespmem:$0x10100] =	vst v0  }
0x1b: {  	[tilespmem:$0x10110] =	vst v0  }
0x1c: {  	[tilespmem:$0x10120] =	vst v0  }
0x1d: {  	[tilespmem:$0x10130] =	vst v0  }
0x1e: {  	[tilespmem:$0x10140] =	vst v0  }
0x1f: {  	[tilespmem:$0x10150] =	vst v0  }
0x20: {  	[tilespmem:$0x10160] =	vst v0  }
0x21: {  	[tilespmem:$0x10170] =	vst v0  }
0x22: {  	[tilespmem:$0x10180] =	vst v0  }
0x23: {  	[tilespmem:$0x10190] =	vst v0  }
0x24: {  	[tilespmem:$0x101A0] =	vst v0  }
0x25: {  	[tilespmem:$0x101B0] =	vst v0  }
0x26: {  	[tilespmem:$0x101C0] =	vst v0  }
0x27: {  	[tilespmem:$0x101D0] =	vst v0  }
0x28: {  	[tilespmem:$0x101E0] =	vst v0  }
0x29: {  	[tilespmem:$0x101F0] =	vst v0  }
0x2a: {  	[tilespmem:$0x10200] =	vst v0  }
0x2b: {  	[tilespmem:$0x10210] =	vst v0  }
0x2c: {  	[tilespmem:$0x10220] =	vst v0  }
0x2d: {  	[tilespmem:$0x10230] =	vst v0  }
0x2e: {  	[tilespmem:$0x10240] =	vst v0  }
0x2f: {  	[tilespmem:$0x10250] =	vst v0  }
0x30: {  	[tilespmem:$0x10260] =	vst v0  }
0x31: {  	[tilespmem:$0x10270] =	vst v0  }
0x32: {  	[tilespmem:$0x10280] =	vst v0  }
0x33: {  	[tilespmem:$0x10290] =	vst v0  }
0x34: {  	[tilespmem:$0x102A0] =	vst v0  }
0x35: {  	[tilespmem:$0x102B0] =	vst v0  }
0x36: {  	[tilespmem:$0x102C0] =	vst v0  }
0x37: {  	[tilespmem:$0x102D0] =	vst v0  }
0x38: {  	v1 =	vimm.s32 $0x76543210;
	[tilespmem:$0x102E0] =	vst v0  }
0x39: {  	v2 =	vimm.s32 $0xFEDCBA98;
	v3 =	vimm.s32 $0xBA98FEDC;
	[tilespmem:$0x102F0] =	vst v0  }
0x3a: {  	v4 =	vimm.s32 $0x32107654;
	v5 =	vimm.s32 $0xDCFE98BA;
	[tilespmem:$0x10300] =	vst v0  }
0x3b: {  	v6 =	vimm.s32 $0xEFCDAB89;
	v7 =	vimm.s32 $0x67452301;
	vm0 =	vcmask $0xB08;
	[tilespmem:$0x10310] =	vst v0  }
0x3c: {  	vm1 =	vcmask $0x300;
	vm2 =	vcmask $0x1710;
	vm3 =	vcmask $0x700;
	[tilespmem:$0x10320] =	vst v0  }
0x3d: {  	v1 =	vunpack.c.l.s4.s8 v1;
	v2 =	vunpack.c.l.s4.s8 v2;
	[tilespmem:$0x10330] =	vst v0;
	v3 =	vunpack.c.l.s4.s8 v3  }
0x3e: {  	[tilespmem:$0x10340] =	vst v0;
	v4 =	vunpack.c.l.s4.s8 v4;
	v5 =	vunpack.c.l.s4.s8 v5;
	v6 =	vunpack.c.l.s4.s8 v6  }
0x3f: {  	[tilespmem:$0x10350] =	vst v0;
	v7 =	vunpack.c.l.s4.s8 v7;
	vm0 =	vmor vm1, vm0;
	vm1 =	vcmask $0x1310  }
0x40: {  	[tilespmem:$0x10360] =	vst v0;
	vm0 =	vmor vm0, vm1;
	vm1 =	vcmask $0x1B18;
	v1 =	vunpack.c.0.s8.s32 v1  }
0x41: {  	[tilespmem:$0x10370] =	vst v0;
	v2 =	vunpack.c.0.s8.s32 v2;
	v3 =	vunpack.c.0.s8.s32 v3;
	v4 =	vunpack.c.0.s8.s32 v4  }
0x42: {  	[tilespmem:$0x10380] =	vst v0;
	v5 =	vunpack.c.0.s8.s32 v5;
	vm0 =	vmor vm0, vm1;
	vm1 =	vcmask $0x2320  }
0x43: {  	s24 =	rddreg [dreg:$0x0];
	[tilespmem:$0x10390] =	vst v0;
	v6 =	vunpack.c.0.s8.s32 v6;
	vm0 =	vmor vm0, vm1;
	vm1 =	vcmask $0x2B28  }
0x44: {  	s3 =	stileid.u32;
	s28 =	simm.s32 $0x0;
	s29 =	rddreg [dreg:$0x2];
	[tilespmem:$0x103A0] =	vst v0;
	v7 =	vunpack.c.0.s8.s32 v7;
	v2 =	vand.u32 $0xF, v2;
	vm0 =	vmor vm0, vm1  }
0x45: {  	s31 =	simm.s32 $0x8000;
	[tilespmem:$0x103B0] =	vst v0;
	s0 =	sshll.u32 s3, $0x6;
	s1 =	sshll.u32 s3, $0x10;
	vm1 =	vcmask $0x3330;
	v1 =	vcombine.low v2, v1;
	v2 =	vimm.s32 $0x54761032  }
0x46: {  	[tilespmem:$0x103C0] =	vst v0;
	s2 =	sshll.u32 s3, $0x9;
	s3 =	sshll.u32 s3, $0xD;
	s4 =	sor.u32 $0xE00000, s1;
	vm0 =	vmor vm0, vm1;
	vm1 =	vcmask $0x3B38;
	v2 =	vunpack.c.l.s4.s8 v2  }
0x47: {  	[tilespmem:$0x103D0] =	vst v0;
	s2 =	sor.u32 s2, s0;
	s1 =	sor.u32 $0xE08000, s1;
	[dreg:$0x4] =	wrdreg s4;
	v3 =	vcombine.low v4, v3;
	vm0 =	vmor vm0, vm1;
	vm1 =	vmor vm3, vm2  }
0x48: {  	[tilespmem:$0x103E0] =	vst v0;
	s3 =	sadd.s32 s3, s24;
	s0 =	sadd.s32 s0, s29;
	[dreg:$0x5] =	wrdreg s1;
	vm2 =	vcmask $0x2720;
	vm3 =	vcmask $0xF00;
	v8 =	vunpack.c.0.s8.s32 v2  }
0x49: {  	[tilespmem:$0x103F0] =	vst v0;
	s25 =	sand.u32 $0x1C40, s2;
	s26 =	sadd.s32 $0x1E0000, s3;
	[dreg:$0x7] =	wrdreg s0;
	vm1 =	vmor vm1, vm2;
	vm2 =	vcmask $0x3730;
	v2 =	vcombine.low v7, v6  }
0x4a: {  	[tilespmem:s28], [sflag:$0x1] =	stream.linear.gather [hbm4b:s26+s28], $0x8000, $0x38;
	vm1 =	vmor vm1, vm2;
	vm2 =	vcmask $0x2F20;
	v4 =	vcombine.low v8, v5;
	[tilespmem:$0x108C0] =	vst v63  }
0x4b: {  	s15 =	simm.s32 $0x0;
	s30 =	sadd.s32 $0x1E1000, s3;
	[dreg:$0x6] =	wrdreg s25;
	v7 =	vand.u32 $0xF, v3;
	vm2 =	vmor vm3, vm2  }
0x4c: {  	[tilespmem:s31], [sflag:$0x2] =	stream.linear.gather [hbm4b:s30+s28], $0x8000, $0x38;
	vm3 =	vmmov $0xff;
	v5 =	vand.u32 $0xF, v2;
	v6 =	vand.u32 $0xF, v4;
	[tilespmem:$0x108C0] =	vst v63  }
.LBB2_2:
0x4d: {  	v9 =	vld [tilespmem:$0x10000]  }
0x4e: {  	v8 =	vld [tilespmem:$0x10010]  }
0x4f: {  	v10 =	vld [tilespmem:$0x10020]  }
0x50: {  	v11 =	vld [tilespmem:$0x10030]  }
0x51: {  	v12 =	vld [tilespmem:$0x10040]  }
0x52: {  	v13 =	vld [tilespmem:$0x10050]  }
0x53: {  	v14 =	vld [tilespmem:$0x10060];
	v8 =	vmax.f32 v9, v8  }
0x54: {  	v8 =	vmax.f32 v8, v10;
	v10 =	vld [tilespmem:$0x10070]  }
0x55: {  	v8 =	vmax.f32 v8, v11;
	v11 =	vld [tilespmem:$0x10080]  }
0x56: {  	v8 =	vmax.f32 v8, v12;
	v12 =	vld [tilespmem:$0x10090]  }
0x57: {  	v8 =	vmax.f32 v8, v13;
	v13 =	vld [tilespmem:$0x100A0]  }
0x58: {  	v8 =	vmax.f32 v8, v14;
	v14 =	vld [tilespmem:$0x100B0]  }
0x59: {  	v8 =	vmax.f32 v8, v10;
	v10 =	vld [tilespmem:$0x100C0]  }
0x5a: {  	v8 =	vmax.f32 v8, v11;
	v11 =	vld [tilespmem:$0x100D0]  }
0x5b: {  	v8 =	vmax.f32 v8, v12;
	v12 =	vld [tilespmem:$0x100E0]  }
0x5c: {  	v8 =	vmax.f32 v8, v13;
	v13 =	vld [tilespmem:$0x100F0]  }
0x5d: {  	v8 =	vmax.f32 v8, v14;
	v14 =	vld [tilespmem:$0x10100]  }
0x5e: {  	v8 =	vmax.f32 v8, v10;
	v10 =	vld [tilespmem:$0x10110]  }
0x5f: {  	v8 =	vmax.f32 v8, v11;
	v11 =	vld [tilespmem:$0x10120]  }
0x60: {  	v8 =	vmax.f32 v8, v12;
	v12 =	vld [tilespmem:$0x10130]  }
0x61: {  	v8 =	vmax.f32 v8, v13;
	v13 =	vld [tilespmem:$0x10140]  }
0x62: {  	v8 =	vmax.f32 v8, v14;
	v14 =	vld [tilespmem:$0x10150]  }
0x63: {  	v8 =	vmax.f32 v8, v10;
	v10 =	vld [tilespmem:$0x10160]  }
0x64: {  	v8 =	vmax.f32 v8, v11;
	v11 =	vld [tilespmem:$0x10170]  }
0x65: {  	v8 =	vmax.f32 v8, v12;
	v12 =	vld [tilespmem:$0x10180]  }
0x66: {  	v8 =	vmax.f32 v8, v13;
	v13 =	vld [tilespmem:$0x10190]  }
0x67: {  	v8 =	vmax.f32 v8, v14;
	v14 =	vld [tilespmem:$0x101A0]  }
0x68: {  	v8 =	vmax.f32 v8, v10;
	v10 =	vld [tilespmem:$0x101B0]  }
0x69: {  	v8 =	vmax.f32 v8, v11;
	v11 =	vld [tilespmem:$0x101C0]  }
0x6a: {  	v8 =	vmax.f32 v8, v12;
	v12 =	vld [tilespmem:$0x101D0]  }
0x6b: {  	v8 =	vmax.f32 v8, v13;
	v13 =	vld [tilespmem:$0x101E0]  }
0x6c: {  	v8 =	vmax.f32 v8, v14;
	v14 =	vld [tilespmem:$0x101F0]  }
0x6d: {  	v8 =	vmax.f32 v8, v10;
	v10 =	vld [tilespmem:$0x10200]  }
0x6e: {  	v8 =	vmax.f32 v8, v11;
	v11 =	vld [tilespmem:$0x10210]  }
0x6f: {  	v8 =	vmax.f32 v8, v12;
	v12 =	vld [tilespmem:$0x10220]  }
0x70: {  	v8 =	vmax.f32 v8, v13;
	v13 =	vld [tilespmem:$0x10230]  }
0x71: {  	v8 =	vmax.f32 v8, v14;
	v14 =	vld [tilespmem:$0x10240]  }
0x72: {  	v8 =	vmax.f32 v8, v10;
	v10 =	vld [tilespmem:$0x10250]  }
0x73: {  	v8 =	vmax.f32 v8, v11;
	v11 =	vld [tilespmem:$0x10260]  }
0x74: {  	v8 =	vmax.f32 v8, v12;
	v12 =	vld [tilespmem:$0x10270]  }
0x75: {  	v8 =	vmax.f32 v8, v13;
	v13 =	vld [tilespmem:$0x10280]  }
0x76: {  	v8 =	vmax.f32 v8, v14;
	v14 =	vld [tilespmem:$0x10290]  }
0x77: {  	v8 =	vmax.f32 v8, v10;
	v10 =	vld [tilespmem:$0x102A0]  }
0x78: {  	v8 =	vmax.f32 v8, v11;
	v11 =	vld [tilespmem:$0x102B0]  }
0x79: {  	v8 =	vmax.f32 v8, v12;
	v12 =	vld [tilespmem:$0x102C0]  }
0x7a: {  	v8 =	vmax.f32 v8, v13;
	v13 =	vld [tilespmem:$0x102D0]  }
0x7b: {  	v8 =	vmax.f32 v8, v14;
	v14 =	vld [tilespmem:$0x102E0]  }
0x7c: {  	v8 =	vmax.f32 v8, v10;
	v10 =	vld [tilespmem:$0x102F0]  }
0x7d: {  	v8 =	vmax.f32 v8, v11;
	v11 =	vld [tilespmem:$0x10300]  }
0x7e: {  	v8 =	vmax.f32 v8, v12;
	v12 =	vld [tilespmem:$0x10310]  }
0x7f: {  	v8 =	vmax.f32 v8, v13;
	v13 =	vld [tilespmem:$0x10320]  }
0x80: {  	v8 =	vmax.f32 v8, v14;
	v14 =	vld [tilespmem:$0x10330]  }
0x81: {  	v8 =	vmax.f32 v8, v10;
	v10 =	vld [tilespmem:$0x10340]  }
0x82: {  	v8 =	vmax.f32 v8, v11;
	v11 =	vld [tilespmem:$0x10350]  }
0x83: {  	v8 =	vmax.f32 v8, v12;
	v12 =	vld [tilespmem:$0x10360]  }
0x84: {  	v8 =	vmax.f32 v8, v13;
	v13 =	vld [tilespmem:$0x10370]  }
0x85: {  	v8 =	vmax.f32 v8, v14;
	v14 =	vld [tilespmem:$0x10380]  }
0x86: {  	v8 =	vmax.f32 v8, v10;
	v10 =	vld [tilespmem:$0x10390]  }
0x87: {  	v8 =	vmax.f32 v8, v11;
	v11 =	vld [tilespmem:$0x103A0]  }
0x88: {  	v8 =	vmax.f32 v8, v12;
	v12 =	vld [tilespmem:$0x103B0]  }
0x89: {  	v8 =	vmax.f32 v8, v13;
	v13 =	vld [tilespmem:$0x103C0]  }
0x8a: {  	v8 =	vmax.f32 v8, v14;
	v14 =	vld [tilespmem:$0x103D0]  }
0x8b: {  	v8 =	vmax.f32 v8, v10;
	v10 =	vld [tilespmem:$0x103E0]  }
0x8c: {  	v8 =	vmax.f32 v8, v11;
	v11 =	vld [tilespmem:$0x103F0]  }
0x8d: {  	v8 =	vmax.f32 v8, v12  }
0x8e: {  	v8 =	vmax.f32 v8, v13  }
0x8f: {  	v8 =	vmax.f32 v8, v14  }
0x90: {  	v8 =	vmax.f32 v8, v10  }
0x91: {  	v8 =	vmax.f32 v8, v11  }
0x92: {  	v10 =	vperm.xlane v8, v1;
	_ =	sdelay $0x1  }
0x93: {  	v8 =	vmax.f32 v8, v10  }
0x94: {  	v10 =	vperm.xlane v8, v3;
	_ =	sdelay $0x1  }
0x95: {  	v8 =	vmax.f32 v8, v10  }
0x96: {  	v10 =	vperm.xlane v8, v4;
	_ =	sdelay $0x1  }
0x97: {  	v8 =	vmax.f32 v8, v10;
	v10 =	vld [tilespmem:$0x10010]  }
0x98: {  	v12 =	vld [tilespmem:$0x10020];
	v11 =	vperm.xlane v8, v2  }
0x99: {  	v13 =	vld [tilespmem:$0x10030]  }
0x9a: {  	v8 =	vmax.f32 v8, v11;
	v11 =	vld [tilespmem:$0x10040]  }
0x9b: {  	v14 =	vld [tilespmem:$0x10050];
	v9 =	vsub.f32 v9, v8  }
0x9c: {  	v15 =	vld [tilespmem:$0x10060];
	v10 =	vsub.f32 v10, v8  }
0x9d: {  	[tilespmem:$0x10400] =	vst v9;
	v9 =	vsub.f32 v12, v8;
	v12 =	vld [tilespmem:$0x10070]  }
0x9e: {  	[tilespmem:$0x10410] =	vst v10;
	v10 =	vsub.f32 v13, v8;
	v13 =	vld [tilespmem:$0x10080]  }
0x9f: {  	[tilespmem:$0x10420] =	vst v9;
	v9 =	vsub.f32 v11, v8;
	v11 =	vld [tilespmem:$0x10090]  }
0xa0: {  	[tilespmem:$0x10430] =	vst v10;
	v10 =	vsub.f32 v14, v8;
	v14 =	vld [tilespmem:$0x100A0]  }
0xa1: {  	[tilespmem:$0x10440] =	vst v9;
	v9 =	vsub.f32 v15, v8;
	v15 =	vld [tilespmem:$0x100B0]  }
0xa2: {  	[tilespmem:$0x10450] =	vst v10;
	v10 =	vsub.f32 v12, v8;
	v12 =	vld [tilespmem:$0x100C0]  }
0xa3: {  	[tilespmem:$0x10460] =	vst v9;
	v9 =	vsub.f32 v13, v8;
	v13 =	vld [tilespmem:$0x100D0]  }
0xa4: {  	[tilespmem:$0x10470] =	vst v10;
	v10 =	vsub.f32 v11, v8;
	v11 =	vld [tilespmem:$0x100E0]  }
0xa5: {  	[tilespmem:$0x10480] =	vst v9;
	v9 =	vsub.f32 v14, v8;
	v14 =	vld [tilespmem:$0x100F0]  }
0xa6: {  	[tilespmem:$0x10490] =	vst v10;
	v10 =	vsub.f32 v15, v8;
	v15 =	vld [tilespmem:$0x10100]  }
0xa7: {  	[tilespmem:$0x104A0] =	vst v9;
	v9 =	vsub.f32 v12, v8;
	v12 =	vld [tilespmem:$0x10110]  }
0xa8: {  	[tilespmem:$0x104B0] =	vst v10;
	v10 =	vsub.f32 v13, v8;
	v13 =	vld [tilespmem:$0x10120]  }
0xa9: {  	[tilespmem:$0x104C0] =	vst v9;
	v9 =	vsub.f32 v11, v8;
	v11 =	vld [tilespmem:$0x10130]  }
0xaa: {  	[tilespmem:$0x104D0] =	vst v10;
	v10 =	vsub.f32 v14, v8;
	v14 =	vld [tilespmem:$0x10140]  }
0xab: {  	[tilespmem:$0x104E0] =	vst v9;
	v9 =	vsub.f32 v15, v8;
	v15 =	vld [tilespmem:$0x10150]  }
0xac: {  	[tilespmem:$0x104F0] =	vst v10;
	v10 =	vsub.f32 v12, v8;
	v12 =	vld [tilespmem:$0x10160]  }
0xad: {  	[tilespmem:$0x10500] =	vst v9;
	v9 =	vsub.f32 v13, v8;
	v13 =	vld [tilespmem:$0x10170]  }
0xae: {  	[tilespmem:$0x10510] =	vst v10;
	v10 =	vsub.f32 v11, v8;
	v11 =	vld [tilespmem:$0x10180]  }
0xaf: {  	[tilespmem:$0x10520] =	vst v9;
	v9 =	vsub.f32 v14, v8;
	v14 =	vld [tilespmem:$0x10190]  }
0xb0: {  	[tilespmem:$0x10530] =	vst v10;
	v10 =	vsub.f32 v15, v8;
	v15 =	vld [tilespmem:$0x101A0]  }
0xb1: {  	[tilespmem:$0x10540] =	vst v9;
	v9 =	vsub.f32 v12, v8;
	v12 =	vld [tilespmem:$0x101B0]  }
0xb2: {  	[tilespmem:$0x10550] =	vst v10;
	v10 =	vsub.f32 v13, v8;
	v13 =	vld [tilespmem:$0x101C0]  }
0xb3: {  	[tilespmem:$0x10560] =	vst v9;
	v9 =	vsub.f32 v11, v8;
	v11 =	vld [tilespmem:$0x101D0]  }
0xb4: {  	[tilespmem:$0x10570] =	vst v10;
	v10 =	vsub.f32 v14, v8;
	v14 =	vld [tilespmem:$0x101E0]  }
0xb5: {  	[tilespmem:$0x10580] =	vst v9;
	v9 =	vsub.f32 v15, v8;
	v15 =	vld [tilespmem:$0x101F0]  }
0xb6: {  	[tilespmem:$0x10590] =	vst v10;
	v10 =	vsub.f32 v12, v8;
	v12 =	vld [tilespmem:$0x10200]  }
0xb7: {  	[tilespmem:$0x105A0] =	vst v9;
	v9 =	vsub.f32 v13, v8;
	v13 =	vld [tilespmem:$0x10210]  }
0xb8: {  	[tilespmem:$0x105B0] =	vst v10;
	v10 =	vsub.f32 v11, v8;
	v11 =	vld [tilespmem:$0x10220]  }
0xb9: {  	[tilespmem:$0x105C0] =	vst v9;
	v9 =	vsub.f32 v14, v8;
	v14 =	vld [tilespmem:$0x10230]  }
0xba: {  	[tilespmem:$0x105D0] =	vst v10;
	v10 =	vsub.f32 v15, v8;
	v15 =	vld [tilespmem:$0x10240]  }
0xbb: {  	[tilespmem:$0x105E0] =	vst v9;
	v9 =	vsub.f32 v12, v8;
	v12 =	vld [tilespmem:$0x10250]  }
0xbc: {  	[tilespmem:$0x105F0] =	vst v10;
	v10 =	vsub.f32 v13, v8;
	v13 =	vld [tilespmem:$0x10260]  }
0xbd: {  	[tilespmem:$0x10600] =	vst v9;
	v9 =	vsub.f32 v11, v8;
	v11 =	vld [tilespmem:$0x10270]  }
0xbe: {  	[tilespmem:$0x10610] =	vst v10;
	v10 =	vsub.f32 v14, v8;
	v14 =	vld [tilespmem:$0x10280]  }
0xbf: {  	[tilespmem:$0x10620] =	vst v9;
	v9 =	vsub.f32 v15, v8;
	v15 =	vld [tilespmem:$0x10290]  }
0xc0: {  	[tilespmem:$0x10630] =	vst v10;
	v10 =	vsub.f32 v12, v8;
	v12 =	vld [tilespmem:$0x102A0]  }
0xc1: {  	[tilespmem:$0x10640] =	vst v9;
	v9 =	vsub.f32 v13, v8;
	v13 =	vld [tilespmem:$0x102B0]  }
0xc2: {  	[tilespmem:$0x10650] =	vst v10;
	v10 =	vsub.f32 v11, v8;
	v11 =	vld [tilespmem:$0x102C0]  }
0xc3: {  	[tilespmem:$0x10660] =	vst v9;
	v9 =	vsub.f32 v14, v8;
	v14 =	vld [tilespmem:$0x102D0]  }
0xc4: {  	[tilespmem:$0x10670] =	vst v10;
	v10 =	vsub.f32 v15, v8;
	v15 =	vld [tilespmem:$0x102E0]  }
0xc5: {  	[tilespmem:$0x10680] =	vst v9;
	v9 =	vsub.f32 v12, v8;
	v12 =	vld [tilespmem:$0x102F0]  }
0xc6: {  	[tilespmem:$0x10690] =	vst v10;
	v10 =	vsub.f32 v13, v8;
	v13 =	vld [tilespmem:$0x10300]  }
0xc7: {  	[tilespmem:$0x106A0] =	vst v9;
	v9 =	vsub.f32 v11, v8;
	v11 =	vld [tilespmem:$0x10310]  }
0xc8: {  	[tilespmem:$0x106B0] =	vst v10;
	v10 =	vsub.f32 v14, v8;
	v14 =	vld [tilespmem:$0x10320]  }
0xc9: {  	[tilespmem:$0x106C0] =	vst v9;
	v9 =	vsub.f32 v15, v8;
	v15 =	vld [tilespmem:$0x10330]  }
0xca: {  	[tilespmem:$0x106D0] =	vst v10;
	v10 =	vsub.f32 v12, v8;
	v12 =	vld [tilespmem:$0x10340]  }
0xcb: {  	[tilespmem:$0x106E0] =	vst v9;
	v9 =	vsub.f32 v13, v8;
	v13 =	vld [tilespmem:$0x10350]  }
0xcc: {  	[tilespmem:$0x106F0] =	vst v10;
	v10 =	vsub.f32 v11, v8;
	v11 =	vld [tilespmem:$0x10360]  }
0xcd: {  	[tilespmem:$0x10700] =	vst v9;
	v9 =	vsub.f32 v14, v8;
	v14 =	vld [tilespmem:$0x10370]  }
0xce: {  	[tilespmem:$0x10710] =	vst v10;
	v10 =	vsub.f32 v15, v8;
	v15 =	vld [tilespmem:$0x10380]  }
0xcf: {  	[tilespmem:$0x10720] =	vst v9;
	v9 =	vsub.f32 v12, v8;
	v12 =	vld [tilespmem:$0x10390]  }
0xd0: {  	[tilespmem:$0x10730] =	vst v10;
	v10 =	vsub.f32 v13, v8;
	v13 =	vld [tilespmem:$0x103A0]  }
0xd1: {  	[tilespmem:$0x10740] =	vst v9;
	v9 =	vsub.f32 v11, v8;
	v11 =	vld [tilespmem:$0x103B0]  }
0xd2: {  	[tilespmem:$0x10750] =	vst v10;
	v10 =	vsub.f32 v14, v8;
	v14 =	vld [tilespmem:$0x103C0]  }
0xd3: {  	[tilespmem:$0x10760] =	vst v9;
	v9 =	vsub.f32 v15, v8;
	v15 =	vld [tilespmem:$0x103D0]  }
0xd4: {  	[tilespmem:$0x10770] =	vst v10;
	v10 =	vsub.f32 v12, v8;
	v12 =	vld [tilespmem:$0x103E0]  }
0xd5: {  	[tilespmem:$0x10780] =	vst v9;
	v9 =	vsub.f32 v13, v8;
	v13 =	vld [tilespmem:$0x103F0]  }
0xd6: {  	[tilespmem:$0x10790] =	vst v10;
	v10 =	vsub.f32 v11, v8  }
0xd7: {  	[tilespmem:$0x107A0] =	vst v9;
	v9 =	vsub.f32 v14, v8  }
0xd8: {  	[tilespmem:$0x107B0] =	vst v10;
	v10 =	vsub.f32 v15, v8  }
0xd9: {  	[tilespmem:$0x107C0] =	vst v9;
	v9 =	vsub.f32 v12, v8  }
0xda: {  	[tilespmem:$0x107D0] =	vst v10;
	v10 =	vsub.f32 v13, v8  }
0xdb: {  	[tilespmem:$0x107E0] =	vst v9  }
0xdc: {  	s0 =	simm.s32 $0x1;
	[tilespmem:$0x107F0] =	vst v10  }
0xdd: {  	_ =	swait.ge [sflag:s0], $0x8000  }
0xde: {  	s1 =	simm.s32 $0x0;
	s2 =	simm.s32 $0x10400;
	[sflag:s0] =	ssyncset.done $0x0  }
0xdf: {  	s30 =	sand.u32 $0x60, s1;
	s4 =	sand.u32 $0x1C00, s1;
	[sflag:s0] =	ssyncadd.s32 $0xFFFF8000  }
0xe0: {  	s31 =	sor.u32 s30, s4;
	v10 =	vld [tilespmem:s2+$0x0]  }
0xe1: {  	s3 =	sor.u32 s1, s1;
	v9 =	vld [tilespmem:s31+$0x280]  }
0xe2: {  	s3 =	sor.u32 $0x380, s3;
	v11 =	vld [tilespmem:s31+$0x200]  }
0xe3: {  	s16 =	sor.u32 $0x2380, s4;
	v12 =	vld [tilespmem:s3+$0x0]  }
0xe4: {  	s8 =	sor.u32 s30, s16;
	v13 =	vld [tilespmem:s31+$0x0]  }
0xe5: {  	v14 =	vld [tilespmem:s8+$0x0]  }
0xe6: {  	s5 =	sand.u32 $0x3, s1;
	v15 =	vld [tilespmem:s31+$0x180]  }
0xe7: {  	s7 =	sshll.u32 s5, $0x5;
	s17 =	sor.u32 $0x2000, s4;
	v16 =	vld [tilespmem:s31+$0x80]  }
0xe8: {  	s6 =	sadd.s32 $0x0, s7;
	s10 =	sor.u32 s30, s17;
	v18 =	vld [tilespmem:s31+$0x100]  }
0xe9: {  	s14 =	sor.u32 $0x2080, s4;
	s11 =	sor.u32 $0x300, s6;
	v19 =	vld [tilespmem:s10+$0x0]  }
0xea: {  	s20 =	sor.u32 $0x2280, s4;
	s13 =	sor.u32 s30, s14;
	v20 =	vld [tilespmem:s11+$0x0]  }
0xeb: {  	s1 =	sand.u32 $0x380, s1;
	s18 =	sor.u32 $0x10, s30;
	s21 =	sor.u32 s30, s20;
	v21 =	vld [tilespmem:s13+$0x0]  }
0xec: {  	s12 =	sor.u32 $0x2180, s4;
	s1 =	sor.u32 s18, s1;
	v24 =	vld [tilespmem:s21+$0x0];
	v9 =	vadd.f32 v9, v10  }
0xed: {  	s22 =	sor.u32 $0x2300, s4;
	s8 =	sor.u32 s30, s12;
	v25 =	vld [tilespmem:s1+$0x10400];
	v11 =	vadd.f32 v11, v10  }
0xee: {  	s23 =	sor.u32 s18, s22;
	v22 =	vld [tilespmem:s8+$0x0];
	v13 =	vadd.f32 v13, v10;
	v16 =	vadd.f32 v16, v10;
	v9 =	vmul.f32 $1.442695020e+00, v9  }
0xef: {  	s19 =	sor.u32 s18, s4;
	s3 =	sadd.s32 $0x10, s6;
	v26 =	vld [tilespmem:s23+$0x0];
	v15 =	vadd.f32 v15, v10;
	v20 =	vadd.f32 v20, v10;
	v11 =	vmul.f32 $1.442695020e+00, v11  }
0xf0: {  	s7 =	sor.u32 $0x2100, s4;
	v28 =	vld [tilespmem:s19+$0x200];
	s9 =	sor.u32 $0x300, s3;
	v18 =	vadd.f32 v18, v10;
	v14 =	vadd.f32 v14, v10;
	(erf) = vpow2.f32 v9  }
0xf1: {  	v17 =	vld [tilespmem:s9+$0x0];
	s9 =	sor.u32 s18, s7;
	s7 =	sor.u32 s30, s7;
	(erf) = vpow2.f32 v11;
	v11 =	vmul.f32 $1.442695020e+00, v16;
	v16 =	vadd.f32 v19, v10  }
0xf2: {  	v21 =	vadd.f32 v21, v10;
	v24 =	vadd.f32 v24, v10;
	v15 =	vmul.f32 $1.442695020e+00, v15;
	v19 =	vld [tilespmem:s7+$0x0]  }
0xf3: {  	v23 =	vld [tilespmem:s9+$0x0];
	v22 =	vadd.f32 v22, v10;
	v20 =	vmul.f32 $1.442695020e+00, v20;
	v16 =	vmul.f32 $1.442695020e+00, v16  }
0xf4: {  	s24 =	sor.u32 s18, s20;
	v18 =	vmul.f32 $1.442695020e+00, v18;
	v13 =	vmul.f32 $1.442695020e+00, v13;
	v9 =	vadd.f32 v12, v10;
	v12 =	vld [tilespmem:s19+$0x0]  }
0xf5: {  	v26 =	vadd.f32 v26, v25;
	v14 =	vmul.f32 $1.442695020e+00, v14;
	s7 =	sor.u32 s30, s22;
	(erf) = vpow2.f32 v16;
	v16 =	vld [tilespmem:s24+$0x0]  }
0xf6: {  	v17 =	vadd.f32 v17, v25;
	(erf) = vpow2.f32 v15;
	v15 =	vmul.f32 $1.442695020e+00, v22;
	v22 =	vld [tilespmem:s7+$0x0]  }
0xf7: {  	s25 =	sor.u32 s18, s12;
	v24 =	vmul.f32 $1.442695020e+00, v24;
	v27 =	vadd.f32 v19, v10;
	v19 =	vmul.f32 $1.442695020e+00, v21;
	v21 =	vld [tilespmem:s19+$0x100]  }
0xf8: {  	v17 =	vmul.f32 $1.442695020e+00, v17;
	(erf) = vpow2.f32 v18;
	v18 =	vadd.f32 v23, v25;
	v23 =	vld [tilespmem:s25+$0x0]  }
0xf9: {  	v38 =	vadd.f32 v28, v25;
	v9 =	vmul.f32 $1.442695020e+00, v9;
	(erf) = vpow2.f32 v15;
	v15 =	vld [tilespmem:s19+$0x80]  }
0xfa: {  	s29 =	sor.u32 s18, s14;
	v12 =	vadd.f32 v12, v25;
	(erf) = vpow2.f32 v19;
	v18 =	vmul.f32 $1.442695020e+00, v18  }
0xfb: {  	s4 =	sor.u32 $0x2200, s4;
	v34 =	vld [tilespmem:s29+$0x0];
	s28 =	sor.u32 $0x380, s3;
	v19 =	vadd.f32 v16, v25;
	(erf) = vpow2.f32 v11;
	v16 =	vpop (erf);
	v11 =	vadd.f32 v22, v10  }
0xfc: {  	s26 =	sor.u32 s18, s4;
	v31 =	vld [tilespmem:s28+$0x0];
	(erf) = vpow2.f32 v14;
	v14 =	vadd.f32 v21, v25;
	v16 =	vadd.f32 v16, v0  }
0xfd: {  	s0 =	sor.u32 s30, s4;
	v22 =	vld [tilespmem:s26+$0x0];
	(erf) = vpow2.f32 v20;
	v23 =	vadd.f32 v23, v25;
	v11 =	vmul.f32 $1.442695020e+00, v11  }
0xfe: {  	v20 =	vpop (erf);
	(erf) = vpow2.f32 v13;
	v13 =	vld [tilespmem:s0+$0x0];
	v15 =	vadd.f32 v15, v25;
	v33 =	vmul.f32 $1.442695020e+00, v14  }
0xff: {  	v21 =	vld [tilespmem:s19+$0x280];
	v29 =	vpop (erf);
	(erf) = vpow2.f32 v9;
	v9 =	vadd.f32 v20, v0;
	v20 =	vmul.f32 $1.442695020e+00, v27  }
0x100: {  	s30 =	sor.u32 s18, s17;
	v27 =	vmul.f32 $1.442695020e+00, v12;
	v12 =	vadd.f32 v34, v25;
	v14 =	vpop (erf);
	(erf) = vpow2.f32 v24  }
0x101: {  	v24 =	vmul.f32 $1.442695020e+00, v26;
	v26 =	vld [tilespmem:s30+$0x0];
	v39 =	vmul.f32 $1.442695020e+00, v15;
	v15 =	vadd.f32 v31, v25;
	v42 =	vpop (erf)  }
0x102: {  	s31 =	sor.u32 s18, s16;
	v22 =	vadd.f32 v22, v25;
	(erf) = vpow2.f32 v20;
	v20 =	vmul.f32 $1.442695020e+00, v23;
	v32 =	vpop (erf)  }
0x103: {  	v23 =	vld [tilespmem:s31+$0x0];
	(erf) = vpow2.f32 v24;
	v36 =	vmul.f32 $1.442695020e+00, v15;
	v30 =	vpop (erf);
	v10 =	vadd.f32 v13, v10  }
0x104: {  	v21 =	vadd.f32 v21, v25;
	v28 =	vmul.f32 $1.442695020e+00, v22;
	v13 =	vld [tilespmem:s19+$0x180];
	v37 =	vpop (erf);
	(erf) = vpow2.f32 v11  }
0x105: {  	v24 =	vimm.f32 $0.0e+00;
	v10 =	vmul.f32 $1.442695020e+00, v10;
	(erf) = vpow2.f32 v18  }
0x106: {  	v11 =	vadd.f32 v26, v25;
	v18 =	vmul.f32 $1.442695020e+00, v21;
	(erf) = vpow2.f32 v20  }
0x107: {  	v22 =	vpop (erf);
	v26 =	vimm.f32 $0.0e+00;
	v21 =	vimm.f32 $0.0e+00;
	(erf) = vpow2.f32 v10  }
0x108: {  	v34 =	vpop (erf);
	v15 =	vadd.f32 v23, v25;
	v41 =	vmul.f32 $1.442695020e+00, v11;
	v11 =	vmul.f32 $1.442695020e+00, v12  }
0x109: {  	v31 =	vpop (erf);
	v10 =	vadd.f32 v13, v25;
	(erf) = vpow2.f32 v18;
	v25 =	vadd.f32 v14, v0  }
0x10a: {  	v35 =	vpop (erf);
	v40 =	vmul.f32 $1.442695020e+00, v15;
	v14 =	vimm.f32 $0.0e+00;
	v13 =	vimm.f32 $0.0e+00  }
0x10b: {  	v18 =	vimm.f32 $0.0e+00;
	v15 =	vimm.f32 $0.0e+00;
	v12 =	vpop (erf);
	(erf) = vpow2.f32 v17  }
0x10c: {  	v17 =	vimm.f32 $0.0e+00;
	v20 =	vadd.f32 v12, v0;
	(erf) = vpow2.f32 v28  }
0x10d: {  	s20 =	simm.s32 $0x20;
	s16 =	simm.s32 $0x0;
	v28 =	vadd.f32 v42, v0;
	v42 =	vmul.f32 $1.442695020e+00, v10;
	v12 =	vimm.f32 $0.0e+00  }
0x10e: {  	s17 =	simm.s32 $0x10420;
	s18 =	simm.s32 $0x100;
	s19 =	simm.s32 $0x1;
	v10 =	vimm.f32 $0.0e+00;
	v43 =	vpop (erf);
	(erf) = vpow2.f32 v11;
	v11 =	vimm.f32 $0.0e+00  }
.LBB2_3:
0x10f: {  	s1 =	sand.u32 $0x3, s19;
	s0 =	sand.u32 $0x60, s20;
	s12 =	sand.u32 $0x1C00, s18;
	v26 =	vadd.f32 v29, v26;
	v44 =	vmul.f32 $1.442695020e+00, v38;
	(erf) = vpow2.f32 v33;
	v33 =	vpop (erf)  }
0x110: {  	v21 =	vadd.f32 v37, v21;
	v12 =	vadd.f32 v43, v12;
	s1 =	sshll.u32 s1, $0x5;
	v23 =	vld [tilespmem:s17+$0x0];
	s6 =	sor.u32 s0, s12;
	s23 =	sor.u32 $0x2300, s12;
	v37 =	vpop (erf);
	(erf) = vpow2.f32 v39  }
0x111: {  	s3 =	sor.u32 s18, s20;
	v11 =	vadd.f32 v32, v11;
	s2 =	sor.u32 $0x2380, s12;
	v38 =	vld [tilespmem:s6+$0x280];
	s1 =	sadd.s32 s1, s18;
	v14 =	vadd.f32 v37, v14;
	(erf) = vpow2.f32 v44;
	v29 =	vpop (erf)  }
0x112: {  	v17 =	vadd.f32 v30, v17;
	s3 =	sor.u32 $0x380, s3;
	v32 =	vld [tilespmem:s6+$0x200];
	s5 =	sor.u32 $0x300, s1;
	s8 =	sadd.s32 $0x10, s1;
	v12 =	vadd.f32 v29, v12;
	(erf) = vpow2.f32 v41;
	v29 =	vpop (erf)  }
0x113: {  	s7 =	sand.u32 $0x380, s20;
	v19 =	vmul.f32 $1.442695020e+00, v19;
	s10 =	sor.u32 $0x2280, s12;
	v30 =	vld [tilespmem:s3+$0x0];
	s11 =	sor.u32 $0x300, s8;
	v11 =	vadd.f32 v29, v11;
	v29 =	vpop (erf);
	(erf) = vpow2.f32 v42  }
0x114: {  	v10 =	vadd.f32 v34, v10;
	s25 =	sor.u32 $0x2100, s12;
	s14 =	sor.u32 $0x2180, s12;
	s3 =	sor.u32 s0, s2;
	v37 =	vld [tilespmem:s6+$0x0];
	v13 =	vadd.f32 v29, v13;
	v29 =	vpop (erf);
	(erf) = vpow2.f32 v36  }
0x115: {  	v24 =	vadd.f32 v31, v24;
	v18 =	vadd.f32 v35, v18;
	s26 =	sor.u32 $0x2080, s12;
	s9 =	sor.u32 s0, s14;
	s1 =	sor.u32 s0, s25;
	v34 =	vld [tilespmem:s3+$0x0];
	v31 =	vpop (erf);
	(erf) = vpow2.f32 v40  }
0x116: {  	s28 =	sor.u32 $0x2000, s12;
	s29 =	sor.u32 $0x2200, s12;
	s4 =	sor.u32 s0, s10;
	v16 =	vadd.f32 v29, v16;
	v35 =	vld [tilespmem:s6+$0x180];
	v10 =	vadd.f32 v31, v10;
	v29 =	vpop (erf);
	(erf) = vpow2.f32 v19  }
0x117: {  	s30 =	sor.u32 $0x10, s0;
	s24 =	sor.u32 s0, s28;
	v14 =	vadd.f32 v33, v14;
	s3 =	sor.u32 s0, s23;
	v19 =	vld [tilespmem:s6+$0x80];
	v13 =	vadd.f32 v29, v13;
	(erf) = vpow2.f32 v27;
	v27 =	vpop (erf)  }
0x118: {  	s7 =	sor.u32 s30, s7;
	s21 =	sor.u32 s30, s12;
	s14 =	sor.u32 s30, s14;
	v29 =	vadd.f32 v32, v23;
	v31 =	vld [tilespmem:s11+$0x0];
	v17 =	vadd.f32 v27, v17;
	v27 =	vpop (erf)  }
0x119: {  	s22 =	sor.u32 s0, s29;
	s12 =	sor.u32 s30, s23;
	v33 =	vadd.f32 v38, v23;
	v32 =	vld [tilespmem:s6+$0x100];
	s6 =	sor.u32 s30, s10;
	v28 =	vadd.f32 v27, v28;
	v27 =	vpop (erf)  }
0x11a: {  	v15 =	vadd.f32 v22, v15;
	v29 =	vmul.f32 $1.442695020e+00, v29;
	s10 =	sor.u32 s0, s26;
	v36 =	vld [tilespmem:s24+$0x0];
	s24 =	sor.u32 $0x380, s8;
	s8 =	sor.u32 s30, s25;
	v21 =	vadd.f32 v27, v21;
	v22 =	vpop (erf)  }
0x11b: {  	v41 =	vmul.f32 $1.442695020e+00, v33;
	s0 =	sor.u32 s30, s28;
	v27 =	vadd.f32 v37, v23;
	s25 =	sor.u32 s30, s29;
	v35 =	vadd.f32 v35, v23;
	v37 =	vld [tilespmem:s5+$0x0];
	s5 =	sor.u32 s30, s26;
	v38 =	vpop (erf)  }
0x11c: {  	s16 =	sadd.s32 $0x2, s16;
	s23 =	sor.u32 s30, s2;
	v19 =	vadd.f32 v19, v23;
	v39 =	vld [tilespmem:s10+$0x0];
	v26 =	vadd.f32 v38, v26;
	v38 =	vpop (erf)  }
0x11d: {  	p0 =	slt.u32 s16, $0x3E;
	v34 =	vadd.f32 v34, v23;
	v40 =	vld [tilespmem:s9+$0x0];
	(erf) = vpow2.f32 v41;
	v25 =	vadd.f32 v38, v25;
	v33 =	vpop (erf)  }
0x11e: {  	v30 =	vadd.f32 v30, v23;
	v38 =	vld [tilespmem:s8+$0x0];
	(erf) = vpow2.f32 v29;
	v18 =	vadd.f32 v33, v18;
	v29 =	vpop (erf)  }
0x11f: {  	v9 =	vadd.f32 v22, v9;
	v33 =	vmul.f32 $1.442695020e+00, v19;
	v19 =	vadd.f32 v36, v23;
	v36 =	vld [tilespmem:s21+$0x0];
	v22 =	vpop (erf)  }
0x120: {  	v35 =	vmul.f32 $1.442695020e+00, v35;
	v37 =	vadd.f32 v37, v23;
	v41 =	vld [tilespmem:s1+$0x0];
	v20 =	vadd.f32 v22, v20;
	v22 =	vpop (erf)  }
0x121: {  	v30 =	vmul.f32 $1.442695020e+00, v30;
	v32 =	vadd.f32 v32, v23;
	v19 =	vmul.f32 $1.442695020e+00, v19;
	v42 =	vld [tilespmem:s4+$0x0]  }
0x122: {  	v39 =	vadd.f32 v39, v23;
	v24 =	vadd.f32 v22, v24;
	v37 =	vmul.f32 $1.442695020e+00, v37;
	v43 =	vld [tilespmem:s7+$0x10400]  }
0x123: {  	v44 =	vmul.f32 $1.442695020e+00, v32;
	v32 =	vadd.f32 v40, v23;
	v40 =	vld [tilespmem:s12+$0x0];
	(erf) = vpow2.f32 v19  }
0x124: {  	v27 =	vmul.f32 $1.442695020e+00, v27;
	v15 =	vadd.f32 v29, v15;
	v19 =	vld [tilespmem:s6+$0x0];
	(erf) = vpow2.f32 v35  }
0x125: {  	v34 =	vmul.f32 $1.442695020e+00, v34;
	v29 =	vmul.f32 $1.442695020e+00, v32;
	v35 =	vadd.f32 v41, v23;
	v32 =	vld [tilespmem:s3+$0x0]  }
0x126: {  	v39 =	vmul.f32 $1.442695020e+00, v39;
	v41 =	vadd.f32 v42, v23;
	v42 =	vld [tilespmem:s21+$0x100];
	(erf) = vpow2.f32 v44;
	v22 =	vpop (erf)  }
0x127: {  	v36 =	vadd.f32 v36, v43;
	v31 =	vadd.f32 v31, v43;
	v44 =	vld [tilespmem:s14+$0x0];
	v45 =	vpop (erf);
	(erf) = vpow2.f32 v29  }
0x128: {  	v29 =	vadd.f32 v38, v43;
	v46 =	vld [tilespmem:s21+$0x80];
	v38 =	vadd.f32 v40, v43;
	(erf) = vpow2.f32 v39  }
0x129: {  	v39 =	vmul.f32 $1.442695020e+00, v41;
	v40 =	vld [tilespmem:s21+$0x200];
	v19 =	vadd.f32 v19, v43;
	(erf) = vpow2.f32 v33  }
0x12a: {  	v41 =	vmul.f32 $1.442695020e+00, v29;
	v32 =	vadd.f32 v32, v23;
	v47 =	vld [tilespmem:s25+$0x0];
	(erf) = vpow2.f32 v34  }
0x12b: {  	v33 =	vadd.f32 v42, v43;
	v34 =	vld [tilespmem:s21+$0x280];
	v42 =	vmul.f32 $1.442695020e+00, v31;
	(erf) = vpow2.f32 v37  }
0x12c: {  	v16 =	vadd.f32 v22, v16;
	v22 =	vmul.f32 $1.442695020e+00, v32;
	v31 =	vld [tilespmem:s24+$0x0];
	(erf) = vpow2.f32 v27;
	v29 =	vpop (erf)  }
0x12d: {  	v27 =	vld [tilespmem:s22+$0x0];
	v37 =	vadd.f32 v46, v43;
	v33 =	vmul.f32 $1.442695020e+00, v33;
	v46 =	vpop (erf);
	(erf) = vpow2.f32 v30  }
0x12e: {  	v52 =	vmul.f32 $1.442695020e+00, v35;
	v9 =	vadd.f32 v45, v9;
	v45 =	vmul.f32 $1.442695020e+00, v38;
	v35 =	vld [tilespmem:s5+$0x0]  }
0x12f: {  	v44 =	vadd.f32 v44, v43;
	v48 =	vld [tilespmem:s0+$0x0];
	v47 =	vadd.f32 v47, v43;
	v49 =	vpop (erf);
	(erf) = vpow2.f32 v39  }
0x130: {  	v38 =	vadd.f32 v40, v43;
	v40 =	vadd.f32 v34, v43;
	(erf) = vpow2.f32 v52;
	v32 =	vpop (erf)  }
0x131: {  	v44 =	vmul.f32 $1.442695020e+00, v44;
	v50 =	vadd.f32 v31, v43;
	v47 =	vmul.f32 $1.442695020e+00, v47;
	v51 =	vld [tilespmem:s23+$0x0];
	v30 =	vpop (erf)  }
0x132: {  	v39 =	vmul.f32 $1.442695020e+00, v37;
	v23 =	vadd.f32 v27, v23;
	v52 =	vld [tilespmem:s21+$0x180];
	v37 =	vpop (erf);
	(erf) = vpow2.f32 v45  }
0x133: {  	v27 =	vmul.f32 $1.442695020e+00, v36;
	v45 =	vadd.f32 v35, v43;
	(erf) = vpow2.f32 v22;
	v22 =	vpop (erf)  }
0x134: {  	v23 =	vmul.f32 $1.442695020e+00, v23;
	v48 =	vadd.f32 v48, v43;
	v34 =	vpop (erf);
	(erf) = vpow2.f32 v41  }
0x135: {  	v53 =	vmul.f32 $1.442695020e+00, v40;
	v31 =	vpop (erf);
	(erf) = vpow2.f32 v44  }
.Ltmp1:
0x136: {  	v36 =	vmul.f32 $1.442695020e+00, v50;
	v44 =	vadd.f32 v51, v43;
	v35 =	vpop (erf);
	(erf) = vpow2.f32 v23;
	(pc) =	sbr.rel @p0 .LBB2_3-.Ltmp1, $4  }
0x137: {  	v41 =	vmul.f32 $1.442695020e+00, v48;
	v23 =	vadd.f32 v52, v43;
	(erf) = vpow2.f32 v53  }
0x138: {  	v25 =	vadd.f32 v46, v25;
	v45 =	vmul.f32 $1.442695020e+00, v45;
	v40 =	vpop (erf);
	(erf) = vpow2.f32 v42  }
0x139: {  	s17 =	sadd.s32 $0x20, s17;
	v20 =	vadd.f32 v40, v20;
	v40 =	vmul.f32 $1.442695020e+00, v44;
	v43 =	vpop (erf);
	(erf) = vpow2.f32 v47  }
0x13a: {  	s19 =	sadd.s32 $0x1, s19;
	s20 =	sadd.s32 $0x20, s20;
	s18 =	sadd.s32 $0x100, s18;
	v28 =	vadd.f32 v49, v28;
	v42 =	vmul.f32 $1.442695020e+00, v23;
	(erf) = vpow2.f32 v45  }
0x13b: {  	v23 =	vmul.f32 $1.442695020e+00, v38;
	_ =	sdelay $0x1  }
0x13c: {  	(erf) = vpow2.f32 v33;
	v54 =	vpop (erf)  }
0x13d: {  	v55 =	vpop (erf);
	(erf) = vpow2.f32 v39  }
0x13e: {  	(erf) = vpow2.f32 v23;
	v23 =	vpop (erf)  }
0x13f: {  	(erf) = vpow2.f32 v41;
	v56 =	vpop (erf)  }
0x140: {  	(erf) = vpow2.f32 v42;
	v57 =	vpop (erf)  }
0x141: {  	v19 =	vmul.f32 $1.442695020e+00, v19;
	(erf) = vpow2.f32 v36;
	v58 =	vpop (erf)  }
0x142: {  	(erf) = vpow2.f32 v40;
	v59 =	vpop (erf)  }
0x143: {  	(erf) = vpow2.f32 v19;
	v60 =	vpop (erf)  }
0x144: {  	v19 =	vadd.f32 v29, v26;
	(erf) = vpow2.f32 v27;
	v26 =	vpop (erf)  }
0x145: {  	v21 =	vadd.f32 v37, v21;
	v12 =	vadd.f32 v43, v12;
	v27 =	vpop (erf)  }
0x146: {  	v11 =	vadd.f32 v32, v11;
	v17 =	vadd.f32 v30, v17;
	v29 =	vpop (erf)  }
0x147: {  	v10 =	vadd.f32 v34, v10;
	v12 =	vadd.f32 v23, v12;
	v23 =	vpop (erf)  }
0x148: {  	v24 =	vadd.f32 v31, v24;
	v14 =	vadd.f32 v55, v14;
	v30 =	vpop (erf)  }
0x149: {  	v18 =	vadd.f32 v35, v18;
	v15 =	vadd.f32 v22, v15;
	v31 =	vpop (erf)  }
0x14a: {  	v14 =	vadd.f32 v54, v14;
	v11 =	vadd.f32 v56, v11;
	v61 =	vpop (erf)  }
0x14b: {  	v13 =	vadd.f32 v57, v13;
	v16 =	vadd.f32 v58, v16;
	v62 =	vpop (erf)  }
0x14c: {  	v10 =	vadd.f32 v59, v10;
	v17 =	vadd.f32 v26, v17;
	v26 =	vpop (erf)  }
0x14d: {  	v27 =	vadd.f32 v27, v28;
	v28 =	vperm.xlane v16, v5;
	v21 =	vadd.f32 v29, v21;
	v22 =	vpop (erf)  }
0x14e: {  	v9 =	vadd.f32 v23, v9;
	v22 =	vadd.f32 v22, v24  }
0x14f: {  	v16 =	vadd.f32 v28, v16;
	v24 =	vadd.f32 v31, v25;
	v25 =	vperm.xlane v21, v5  }
0x150: {  	v19 =	vadd.f32 v30, v19;
	v18 =	vadd.f32 v61, v18;
	v23 =	vperm.xlane v22, v5  }
0x151: {  	v20 =	vadd.f32 v26, v20;
	v21 =	vadd.f32 v25, v21;
	v25 =	vperm.xlane v9, v5  }
0x152: {  	v26 =	vperm.xlane v24, v5;
	v22 =	vadd.f32 v23, v22;
	v23 =	vperm.xlane v27, v5  }
0x153: {  	v15 =	vadd.f32 v62, v15;
	v9 =	vadd.f32 v25, v9;
	v25 =	vperm.xlane v17, v5  }
0x154: {  	v24 =	vadd.f32 v26, v24;
	v23 =	vadd.f32 v23, v27;
	v21 =	vsel vm0, v22, v21  }
0x155: {  	v9 =	vsel vm0, v9, v16;
	v16 =	vperm.xlane v19, v5;
	v17 =	vadd.f32 v25, v17  }
0x156: {  	v25 =	vperm.xlane v15, v5;
	v22 =	vsel vm0, v23, v24;
	v23 =	vperm.xlane v10, v5  }
0x157: {  	v13 =	vadd.f32 v60, v13;
	v24 =	vperm.xlane v18, v5;
	v16 =	vadd.f32 v16, v19  }
0x158: {  	v19 =	vperm.xlane v11, v5;
	v15 =	vadd.f32 v25, v15;
	v10 =	vadd.f32 v23, v10  }
0x159: {  	v18 =	vadd.f32 v24, v18;
	v23 =	vperm.xlane v12, v5;
	v24 =	vperm.xlane v20, v5  }
0x15a: {  	v11 =	vadd.f32 v19, v11;
	v19 =	vperm.xlane v14, v5;
	v16 =	vsel vm0, v16, v17  }
0x15b: {  	v17 =	vperm.xlane v22, v6;
	v12 =	vadd.f32 v23, v12;
	v23 =	vperm.xlane v13, v5  }
0x15c: {  	v10 =	vsel vm0, v10, v18;
	v18 =	vadd.f32 v24, v20;
	v14 =	vadd.f32 v19, v14  }
0x15d: {  	v17 =	vadd.f32 v17, v22;
	v13 =	vadd.f32 v23, v13;
	v11 =	vsel vm0, v12, v11  }
0x15e: {  	v12 =	vperm.xlane v21, v6;
	v14 =	vsel vm0, v14, v15;
	v15 =	vperm.xlane v9, v6  }
0x15f: {  	v19 =	vperm.xlane v11, v6;
	v13 =	vsel vm0, v13, v18;
	v18 =	vperm.xlane v10, v6  }
0x160: {  	v20 =	vperm.xlane v14, v6;
	v9 =	vadd.f32 v15, v9;
	v15 =	vperm.xlane v16, v6  }
0x161: {  	v12 =	vadd.f32 v12, v21;
	v10 =	vadd.f32 v18, v10;
	v18 =	vperm.xlane v13, v6  }
0x162: {  	v11 =	vadd.f32 v19, v11;
	v15 =	vadd.f32 v15, v16  }
0x163: {  	v14 =	vadd.f32 v20, v14;
	v13 =	vadd.f32 v18, v13  }
0x164: {  	v12 =	vsel vm1, v12, v17;
	v9 =	vsel vm1, v9, v10;
	v10 =	vsel vm1, v15, v11  }
0x165: {  	v15 =	vperm.xlane v10, v7;
	v11 =	vsel vm1, v13, v14;
	v13 =	vperm.xlane v12, v7  }
0x166: {  	v14 =	vperm.xlane v9, v7;
	v16 =	vperm.xlane v11, v7  }
0x167: {  	v10 =	vadd.f32 v15, v10;
	v12 =	vadd.f32 v13, v12  }
0x168: {  	v9 =	vadd.f32 v14, v9;
	v11 =	vadd.f32 v16, v11;
	_ =	sdelay $0x1  }
0x169: {  	v9 =	vsel vm2, v12, v9;
	v10 =	vsel vm2, v10, v11  }
0x16a: {  	v11 =	vperm.xlane v9, v1;
	v12 =	vperm.xlane v10, v1;
	_ =	sdelay $0x1  }
0x16b: {  	v9 =	vadd.f32 v11, v9;
	v10 =	vadd.f32 v12, v10;
	_ =	sdelay $0x1  }
0x16c: {  	v9 =	vsel vm3, v9, v10  }
0x16d: {  	v10 =	vmul.f32 $9.223372030e+18, v9;
	_ =	sdelay $0x1  }
0x16e: {  	v10 =	vmul.f32 $9.223372030e+18, v10  }
0x16f: {  	vm4 =	vlt.f32 v9, $1.000000000e+00  }
0x170: {  	v9 =	vsel vm4, v10, v9  }
0x171: {  	v10 =	vmul.f32 $5.421010860e-20, v9  }
0x172: {  	vm5 =	vge.f32 v9, $1.844674410e+19  }
0x173: {  	v9 =	vsel vm5, v10, v9  }
0x174: {  	v10 =	vmul.f32 $2.328306440e-10, v9  }
0x175: {  	vm6 =	vge.f32 v9, $4.294967300e+09  }
0x176: {  	v9 =	vsel vm6, v10, v9  }
0x177: {  	v10 =	vmul.f32 $1.525878910e-05, v9  }
0x178: {  	vm7 =	vge.f32 v9, $6.553600000e+04  }
0x179: {  	v9 =	vsel vm7, v10, v9  }
0x17a: {  	v10 =	vmul.f32 $3.906250000e-03, v9  }
0x17b: {  	vm8 =	vge.f32 v9, $2.560000000e+02  }
0x17c: {  	v9 =	vsel vm8, v10, v9  }
0x17d: {  	v10 =	vmul.f32 $6.250000000e-02, v9  }
0x17e: {  	vm9 =	vge.f32 v9, $1.600000000e+01  }
0x17f: {  	v9 =	vsel vm9, v10, v9  }
0x180: {  	v10 =	vmul.f32 $2.500000000e-01, v9  }
0x181: {  	vm10 =	vge.f32 v9, $4.000000000e+00  }
0x182: {  	v9 =	vsel vm10, v10, v9  }
0x183: {  	v10 =	vmul.f32 $5.000000000e-01, v9  }
0x184: {  	vm11 =	vge.f32 v9, $2.000000000e+00  }
0x185: {  	v9 =	vsel vm11, v10, v9  }
0x186: {  	v10 =	vmul.f32 $5.000000000e-01, v9  }
0x187: {  	vm12 =	vgt.f32 v9, $1.414213540e+00  }
0x188: {  	v9 =	vsel vm12, v10, v9  }
0x189: {  	v10 =	vadd.f32 $1.000000000e+00, v9;
	_ =	sdelay $0x1  }
0x18a: {  	(erf) = vrcp.f32 v10;
	_ =	sdelay $0x7  }
0x18b: {  	v9 =	vadd.f32 $-1.000000000e+00, v9  }
0x18c: {  	v10 =	vpop (erf)  }
0x18d: {  	v10 =	vmul.f32 v10, v9;
	_ =	sdelay $0x1  }
0x18e: {  	v9 =	vimm.f32 $0.0e+00;
	v11 =	vmul.f32 v10, v10  }
0x18f: {  	v12 =	vsel vm4, $0xC2FC0000, v9;
	v13 =	vsel vm5, $0x42800000, v9  }
0x190: {  	v12 =	vadd.f32 v13, v12;
	v13 =	vmul.f32 $2.222222240e-01, v11  }
0x191: {  	v14 =	vsel vm6, $0x42000000, v9  }
0x192: {  	v12 =	vadd.f32 v14, v12;
	v13 =	vadd.f32 $2.857142980e-01, v13  }
0x193: {  	v14 =	vsel vm7, $0x41800000, v9  }
0x194: {  	v12 =	vadd.f32 v14, v12;
	v13 =	vmul.f32 v13, v11  }
0x195: {  	v14 =	vsel vm8, $0x41000000, v9  }
0x196: {  	v12 =	vadd.f32 v14, v12;
	v13 =	vadd.f32 $4.000000060e-01, v13  }
0x197: {  	v14 =	vsel vm9, $0x40800000, v9  }
0x198: {  	v12 =	vadd.f32 v14, v12;
	v13 =	vmul.f32 v13, v11  }
0x199: {  	v14 =	vsel vm10, $0x40000000, v9  }
0x19a: {  	v12 =	vadd.f32 v14, v12;
	v13 =	vadd.f32 $6.666666860e-01, v13  }
0x19b: {  	v14 =	vsel vm11, $0x3F800000, v9  }
0x19c: {  	v12 =	vadd.f32 v14, v12;
	v11 =	vmul.f32 v13, v11  }
0x19d: {  	v13 =	vsel vm12, $0x3F800000, v9  }
0x19e: {  	v12 =	vadd.f32 v13, v12;
	v11 =	vadd.f32 $2.000000000e+00, v11;
	_ =	sdelay $0x1  }
0x19f: {  	v10 =	vmul.f32 v11, v10;
	v11 =	vmul.f32 $6.931471820e-01, v12;
	_ =	sdelay $0x1  }
0x1a0: {  	v10 =	vadd.f32 v10, v11;
	_ =	sdelay $0x1  }
0x1a1: {  	s8 =	simm.s32 $0x0;
	v10 =	vadd.f32 v10, v8  }
0x1a2: {  	s18 =	sand.u32 $0x1C00, s8  }
0x1a3: {  	s0 =	simm.s32 $0x10400;
	s16 =	sand.u32 $0x60, s8;
	s5 =	sor.u32 $0x4100, s18;
	[tilespmem:$0x10800] =	vst v10  }
0x1a4: {  	s1 =	sor.u32 $0x4280, s18;
	s17 =	sor.u32 s16, s5;
	v10 =	vld [tilespmem:s0+$0x0]  }
0x1a5: {  	s3 =	sor.u32 $0x6000, s18;
	s19 =	sor.u32 s16, s1;
	v11 =	vld [tilespmem:s17+$0x0]  }
0x1a6: {  	s7 =	sor.u32 $0x4200, s18;
	s2 =	sor.u32 s16, s3;
	v12 =	vld [tilespmem:s19+$0x0]  }
0x1a7: {  	s9 =	sor.u32 $0x6200, s18;
	s21 =	sor.u32 s16, s7;
	v14 =	vld [tilespmem:s2+$0x0]  }
0x1a8: {  	s10 =	sor.u32 $0x4380, s18;
	s23 =	sor.u32 s16, s9;
	v15 =	vld [tilespmem:s21+$0x0]  }
0x1a9: {  	s6 =	sor.u32 $0x4080, s18;
	s24 =	sor.u32 s16, s10;
	v17 =	vld [tilespmem:s23+$0x0]  }
0x1aa: {  	s25 =	sor.u32 $0x6380, s18;
	s4 =	sor.u32 s16, s6;
	v18 =	vld [tilespmem:s24+$0x0]  }
0x1ab: {  	s26 =	sor.u32 $0x4000, s18;
	s28 =	sor.u32 s16, s25;
	v19 =	vld [tilespmem:s4+$0x0]  }
0x1ac: {  	s29 =	sor.u32 s16, s26;
	s17 =	sor.u32 $0x6280, s18;
	v22 =	vld [tilespmem:s28+$0x0]  }
0x1ad: {  	s19 =	sor.u32 $0x6300, s18;
	v23 =	vld [tilespmem:s29+$0x0];
	s20 =	sor.u32 s16, s17  }
0x1ae: {  	s2 =	sor.u32 $0x4180, s18;
	s22 =	sor.u32 s16, s19;
	v13 =	vld [tilespmem:s20+$0x0]  }
0x1af: {  	s0 =	sor.u32 $0x10, s16;
	s11 =	sor.u32 s16, s2;
	v16 =	vld [tilespmem:s22+$0x0]  }
0x1b0: {  	v34 =	vimm.f32 $0.0e+00;
	s12 =	sor.u32 s0, s7;
	v20 =	vld [tilespmem:s11+$0x0];
	v14 =	vadd.f32 v14, v10  }
0x1b1: {  	v33 =	vimm.f32 $0.0e+00;
	s30 =	sor.u32 $0x4300, s18;
	s10 =	sor.u32 s0, s10;
	v21 =	vld [tilespmem:s12+$0x0];
	v11 =	vadd.f32 v11, v10;
	v15 =	vadd.f32 v15, v10  }
0x1b2: {  	s31 =	sor.u32 s0, s30;
	v24 =	vld [tilespmem:s10+$0x0];
	v12 =	vadd.f32 v12, v10;
	v18 =	vadd.f32 v18, v10;
	v14 =	vmul.f32 $1.442695020e+00, v14  }
0x1b3: {  	s1 =	sor.u32 s0, s1;
	v25 =	vld [tilespmem:s31+$0x0];
	v17 =	vadd.f32 v17, v10;
	v11 =	vmul.f32 $1.442695020e+00, v11;
	v15 =	vmul.f32 $1.442695020e+00, v15  }
0x1b4: {  	s8 =	sand.u32 $0x380, s8;
	s12 =	sor.u32 s16, s30;
	v28 =	vld [tilespmem:s1+$0x0];
	v12 =	vmul.f32 $1.442695020e+00, v12;
	(erf) = vpow2.f32 v14;
	v14 =	vadd.f32 v19, v10  }
0x1b5: {  	s8 =	sor.u32 s0, s8;
	v22 =	vadd.f32 v22, v10;
	(erf) = vpow2.f32 v11;
	v11 =	vmul.f32 $1.442695020e+00, v18;
	v18 =	vld [tilespmem:s12+$0x0]  }
0x1b6: {  	s23 =	sor.u32 s0, s26;
	s26 =	sor.u32 s0, s2;
	v16 =	vadd.f32 v16, v10;
	(erf) = vpow2.f32 v12;
	v12 =	vmul.f32 $1.442695020e+00, v14;
	v14 =	vld [tilespmem:s8+$0x10400]  }
0x1b7: {  	s13 =	sor.u32 $0x6080, s18;
	s9 =	sor.u32 s0, s9;
	v31 =	vld [tilespmem:s26+$0x0];
	v13 =	vadd.f32 v13, v10;
	v17 =	vmul.f32 $1.442695020e+00, v17;
	(erf) = vpow2.f32 v15  }
0x1b8: {  	s14 =	sor.u32 s16, s13;
	v20 =	vadd.f32 v20, v10;
	v19 =	vld [tilespmem:s9+$0x0];
	(erf) = vpow2.f32 v11;
	v11 =	vmul.f32 $1.442695020e+00, v16  }
0x1b9: {  	s20 =	sor.u32 $0x6100, s18;
	v22 =	vmul.f32 $1.442695020e+00, v22;
	s9 =	sor.u32 s0, s13;
	v13 =	vmul.f32 $1.442695020e+00, v13;
	v15 =	vadd.f32 v23, v10;
	v23 =	vld [tilespmem:s14+$0x0]  }
0x1ba: {  	s21 =	sor.u32 s16, s20;
	v20 =	vmul.f32 $1.442695020e+00, v20;
	v16 =	vld [tilespmem:s9+$0x0];
	(erf) = vpow2.f32 v11;
	v18 =	vadd.f32 v18, v10  }
0x1bb: {  	v26 =	vld [tilespmem:s21+$0x0];
	s8 =	sor.u32 s0, s20;
	(erf) = vpow2.f32 v17;
	v17 =	vadd.f32 v21, v14;
	v27 =	vadd.f32 v25, v14  }
0x1bc: {  	s3 =	sor.u32 s0, s3;
	v15 =	vmul.f32 $1.442695020e+00, v15;
	v11 =	vld [tilespmem:s8+$0x0];
	v24 =	vadd.f32 v24, v14;
	v28 =	vadd.f32 v28, v14  }
0x1bd: {  	s29 =	sor.u32 s0, s19;
	v21 =	vld [tilespmem:s3+$0x0];
	(erf) = vpow2.f32 v12;
	v12 =	vmul.f32 $1.442695020e+00, v18;
	v18 =	vadd.f32 v19, v14  }
0x1be: {  	s28 =	sor.u32 $0x6180, s18;
	s24 =	sor.u32 s0, s5;
	s22 =	sor.u32 s0, s6;
	v63 =	vld [tilespmem:s29+$0x0];
	(erf) = vpow2.f32 v13;
	v13 =	vadd.f32 v23, v10;
	v17 =	vmul.f32 $1.442695020e+00, v17  }
0x1bf: {  	s25 =	sor.u32 s0, s25;
	s30 =	sor.u32 s0, s28;
	s0 =	sor.u32 s0, s17;
	v19 =	vld [tilespmem:s22+$0x0];
	v25 =	vpop (erf);
	v16 =	vadd.f32 v16, v14;
	v39 =	vmul.f32 $1.442695020e+00, v24;
	(erf) = vpow2.f32 v15  }
0x1c0: {  	v24 =	vld [tilespmem:s0+$0x0];
	v23 =	vpop (erf);
	v15 =	vadd.f32 v26, v10;
	v18 =	vmul.f32 $1.442695020e+00, v18;
	(erf) = vpow2.f32 v12  }
0x1c1: {  	v26 =	vld [tilespmem:s23+$0x0];
	v23 =	vadd.f32 v23, v9;
	v13 =	vmul.f32 $1.442695020e+00, v13;
	v11 =	vadd.f32 v11, v14  }
0x1c2: {  	v12 =	vld [tilespmem:s24+$0x0];
	v44 =	vmul.f32 $1.442695020e+00, v16;
	v15 =	vmul.f32 $1.442695020e+00, v15;
	v37 =	vadd.f32 v21, v14  }
0x1c3: {  	v21 =	vadd.f32 v31, v14;
	v31 =	vadd.f32 v63, v14;
	(erf) = vpow2.f32 v13  }
0x1c4: {  	v29 =	vld [tilespmem:s25+$0x0];
	v19 =	vadd.f32 v19, v14;
	v30 =	vmul.f32 $1.442695020e+00, v11;
	(erf) = vpow2.f32 v22  }
0x1c5: {  	v11 =	vld [tilespmem:s30+$0x0];
	v47 =	vmul.f32 $1.442695020e+00, v31;
	v46 =	vadd.f32 v24, v14;
	v24 =	vimm.f32 $0.0e+00  }
0x1c6: {  	s31 =	sor.u32 s16, s28;
	v22 =	vpop (erf);
	v13 =	vadd.f32 v26, v14;
	v16 =	vmul.f32 $1.442695020e+00, v19;
	(erf) = vpow2.f32 v15  }
0x1c7: {  	v19 =	vld [tilespmem:s31+$0x0];
	v38 =	vpop (erf);
	v15 =	vadd.f32 v22, v9;
	v22 =	vimm.f32 $0.0e+00;
	v12 =	vadd.f32 v12, v14  }
0x1c8: {  	(erf) = vpow2.f32 v17;
	v26 =	vpop (erf);
	v17 =	vimm.f32 $0.0e+00;
	v45 =	vmul.f32 $1.442695020e+00, v13  }
0x1c9: {  	v13 =	vadd.f32 v29, v14;
	v29 =	vmul.f32 $1.442695020e+00, v21;
	(erf) = vpow2.f32 v18;
	v31 =	vpop (erf)  }
0x1ca: {  	v18 =	vimm.f32 $0.0e+00;
	v12 =	vmul.f32 $1.442695020e+00, v12;
	v11 =	vadd.f32 v11, v14;
	v41 =	vpop (erf)  }
0x1cb: {  	(erf) = vpow2.f32 v16;
	v16 =	vimm.f32 $0.0e+00;
	v14 =	vimm.f32 $0.0e+00;
	v36 =	vpop (erf)  }
0x1cc: {  	v42 =	vmul.f32 $1.442695020e+00, v13;
	v13 =	vimm.f32 $0.0e+00;
	v21 =	vadd.f32 v19, v10;
	v40 =	vpop (erf)  }
0x1cd: {  	s19 =	simm.s32 $0x10420;
	v32 =	vmul.f32 $1.442695020e+00, v11;
	(erf) = vpow2.f32 v12;
	v11 =	vimm.f32 $0.0e+00;
	v43 =	vpop (erf)  }
0x1ce: {  	s18 =	simm.s32 $0x20;
	s16 =	simm.s32 $0x0;
	s17 =	simm.s32 $0x100;
	v19 =	vimm.f32 $0.0e+00;
	v12 =	vimm.f32 $0.0e+00;
	v10 =	vimm.f32 $0.0e+00;
	v35 =	vpop (erf)  }
.LBB2_5:
0x1cf: {  	s26 =	sand.u32 $0x60, s18;
	s1 =	sand.u32 $0x1C00, s17;
	s12 =	sand.u32 $0x380, s18;
	v48 =	vmul.f32 $1.442695020e+00, v21;
	v49 =	vpop (erf);
	(erf) = vpow2.f32 v45  }
0x1d0: {  	v9 =	vadd.f32 v38, v9;
	v25 =	vadd.f32 v25, v34;
	s6 =	sor.u32 $0x4100, s1;
	s9 =	sor.u32 $0x4280, s1;
	s5 =	sor.u32 $0x6180, s1;
	(erf) = vpow2.f32 v44  }
0x1d1: {  	v27 =	vmul.f32 $1.442695020e+00, v27;
	s0 =	sor.u32 $0x4080, s1;
	s3 =	sor.u32 $0x4180, s1;
	s28 =	sor.u32 $0x6300, s1;
	v22 =	vadd.f32 v49, v22;
	v21 =	vld [tilespmem:s19+$0x0];
	(erf) = vpow2.f32 v47  }
0x1d2: {  	v34 =	vmul.f32 $1.442695020e+00, v37;
	s8 =	sor.u32 $0x4200, s1;
	s14 =	sor.u32 $0x6100, s1;
	s2 =	sor.u32 s26, s6;
	v37 =	vpop (erf);
	(erf) = vpow2.f32 v39  }
0x1d3: {  	v13 =	vadd.f32 v41, v13;
	s30 =	sor.u32 $0x6280, s1;
	s11 =	sor.u32 s26, s8;
	v38 =	vld [tilespmem:s2+$0x0];
	s2 =	sor.u32 s26, s9;
	v39 =	vpop (erf);
	(erf) = vpow2.f32 v48  }
0x1d4: {  	v18 =	vadd.f32 v43, v18;
	s31 =	sor.u32 $0x6000, s1;
	v43 =	vmul.f32 $1.442695020e+00, v46;
	s4 =	sor.u32 s26, s30;
	v41 =	vld [tilespmem:s2+$0x0];
	s2 =	sor.u32 $0x4300, s1;
	v44 =	vpop (erf);
	(erf) = vpow2.f32 v27  }
0x1d5: {  	s10 =	sor.u32 $0x6080, s1;
	s21 =	sor.u32 s26, s31;
	s20 =	sor.u32 s26, s5;
	v27 =	vadd.f32 v40, v33;
	v45 =	vld [tilespmem:s4+$0x0];
	v9 =	vadd.f32 v44, v9;
	v33 =	vpop (erf);
	(erf) = vpow2.f32 v42  }
0x1d6: {  	v28 =	vmul.f32 $1.442695020e+00, v28;
	s7 =	sor.u32 $0x4380, s1;
	s23 =	sor.u32 s26, s14;
	s4 =	sor.u32 $0x10, s26;
	v40 =	vld [tilespmem:s21+$0x0];
	v13 =	vadd.f32 v33, v13;
	v33 =	vpop (erf);
	(erf) = vpow2.f32 v43  }
0x1d7: {  	v16 =	vadd.f32 v26, v16;
	v14 =	vadd.f32 v31, v14;
	s21 =	sor.u32 s26, s28;
	s29 =	sor.u32 s4, s12;
	v42 =	vld [tilespmem:s11+$0x0];
	s11 =	sor.u32 $0x6200, s1;
	v26 =	vpop (erf);
	(erf) = vpow2.f32 v30  }
0x1d8: {  	v24 =	vadd.f32 v36, v24;
	s13 =	sor.u32 $0x6380, s1;
	s25 =	sor.u32 s4, s9;
	s12 =	sor.u32 s26, s11;
	v30 =	vld [tilespmem:s21+$0x0];
	v23 =	vadd.f32 v26, v23;
	(erf) = vpow2.f32 v20;
	v20 =	vpop (erf)  }
0x1d9: {  	s22 =	sor.u32 s4, s6;
	s1 =	sor.u32 $0x4000, s1;
	v26 =	vadd.f32 v38, v21;
	v31 =	vld [tilespmem:s12+$0x0];
	s12 =	sor.u32 s4, s11;
	v18 =	vadd.f32 v20, v18;
	(erf) = vpow2.f32 v34;
	v20 =	vpop (erf)  }
0x1da: {  	v17 =	vadd.f32 v37, v17;
	s6 =	sor.u32 s26, s7;
	s8 =	sor.u32 s4, s8;
	s21 =	sor.u32 s4, s3;
	v22 =	vadd.f32 v20, v22;
	(erf) = vpow2.f32 v28;
	v20 =	vpop (erf)  }
0x1db: {  	v11 =	vadd.f32 v35, v11;
	s9 =	sor.u32 s26, s0;
	s14 =	sor.u32 s4, s14;
	v26 =	vmul.f32 $1.442695020e+00, v26;
	v28 =	vld [tilespmem:s6+$0x0];
	s6 =	sor.u32 s26, s10;
	v14 =	vadd.f32 v20, v14;
	v20 =	vpop (erf)  }
0x1dc: {  	s24 =	sor.u32 s4, s5;
	v35 =	vadd.f32 v40, v21;
	v34 =	vld [tilespmem:s9+$0x0];
	s9 =	sor.u32 s26, s3;
	s3 =	sor.u32 s4, s10;
	v16 =	vadd.f32 v20, v16;
	v20 =	vpop (erf);
	(erf) = vpow2.f32 v29  }
0x1dd: {  	s5 =	sor.u32 s4, s0;
	v36 =	vadd.f32 v42, v21;
	s10 =	sor.u32 s26, s13;
	v29 =	vld [tilespmem:s9+$0x0];
	s9 =	sor.u32 s26, s2;
	v30 =	vadd.f32 v30, v21;
	v37 =	vpop (erf);
	(erf) = vpow2.f32 v32  }
0x1de: {  	s0 =	sor.u32 s4, s13;
	s11 =	sor.u32 s26, s1;
	v32 =	vadd.f32 v41, v21;
	v41 =	vmul.f32 $1.442695020e+00, v35;
	v38 =	vld [tilespmem:s8+$0x0];
	s8 =	sor.u32 s4, s7;
	v11 =	vadd.f32 v37, v11;
	v37 =	vpop (erf)  }
0x1df: {  	v19 =	vadd.f32 v39, v19;
	v36 =	vmul.f32 $1.442695020e+00, v36;
	s7 =	sor.u32 s4, s31;
	v40 =	vld [tilespmem:s10+$0x0];
	s10 =	sor.u32 s4, s2;
	s2 =	sor.u32 s4, s28;
	v17 =	vadd.f32 v37, v17;
	v37 =	vpop (erf)  }
0x1e0: {  	s16 =	sadd.s32 $0x2, s16;
	s1 =	sor.u32 s4, s1;
	s26 =	sor.u32 s4, s30;
	v42 =	vmul.f32 $1.442695020e+00, v32;
	v39 =	vld [tilespmem:s11+$0x0];
	v28 =	vadd.f32 v28, v21;
	(erf) = vpow2.f32 v41;
	v35 =	vpop (erf)  }
0x1e1: {  	p0 =	slt.u32 s16, $0x3E;
	v12 =	vadd.f32 v20, v12;
	v34 =	vadd.f32 v34, v21;
	v41 =	vld [tilespmem:s8+$0x0];
	(erf) = vpow2.f32 v26;
	v20 =	vpop (erf)  }
0x1e2: {  	v26 =	vadd.f32 v29, v21;
	v28 =	vmul.f32 $1.442695020e+00, v28;
	v29 =	vld [tilespmem:s10+$0x0];
	(erf) = vpow2.f32 v42;
	v32 =	vpop (erf)  }
0x1e3: {  	v42 =	vmul.f32 $1.442695020e+00, v34;
	v43 =	vld [tilespmem:s12+$0x0];
	(erf) = vpow2.f32 v36;
	v34 =	vadd.f32 v32, v25;
	v25 =	vpop (erf)  }
0x1e4: {  	v24 =	vadd.f32 v33, v24;
	v36 =	vadd.f32 v45, v21;
	v32 =	vld [tilespmem:s9+$0x0];
	(erf) = vpow2.f32 v28  }
0x1e5: {  	v30 =	vmul.f32 $1.442695020e+00, v30;
	v40 =	vadd.f32 v40, v21;
	v28 =	vadd.f32 v39, v21;
	v39 =	vld [tilespmem:s6+$0x0];
	v33 =	vpop (erf)  }
0x1e6: {  	v31 =	vadd.f32 v31, v21;
	v10 =	vadd.f32 v20, v10;
	v46 =	vld [tilespmem:s29+$0x10400];
	v20 =	vpop (erf)  }
0x1e7: {  	v28 =	vmul.f32 $1.442695020e+00, v28;
	v44 =	vld [tilespmem:s3+$0x0];
	(erf) = vpow2.f32 v30;
	v12 =	vadd.f32 v20, v12  }
0x1e8: {  	v15 =	vadd.f32 v25, v15;
	v10 =	vadd.f32 v33, v10;
	v30 =	vmul.f32 $1.442695020e+00, v31;
	v31 =	vld [tilespmem:s14+$0x0]  }
0x1e9: {  	v19 =	vadd.f32 v35, v19;
	v36 =	vmul.f32 $1.442695020e+00, v36;
	v32 =	vadd.f32 v32, v21;
	v45 =	vld [tilespmem:s23+$0x0];
	v25 =	vpop (erf)  }
0x1ea: {  	v33 =	vadd.f32 v37, v27;
	v20 =	vmul.f32 $1.442695020e+00, v26;
	v35 =	vld [tilespmem:s25+$0x0];
	v47 =	vpop (erf);
	(erf) = vpow2.f32 v30  }
0x1eb: {  	v37 =	vadd.f32 v38, v46;
	v27 =	vadd.f32 v29, v46;
	v29 =	vld [tilespmem:s7+$0x0];
	(erf) = vpow2.f32 v42;
	v48 =	vpop (erf)  }
0x1ec: {  	v30 =	vmul.f32 $1.442695020e+00, v32;
	v32 =	vadd.f32 v43, v46;
	v42 =	vld [tilespmem:s2+$0x0];
	v38 =	vpop (erf);
	(erf) = vpow2.f32 v36  }
0x1ed: {  	v36 =	vadd.f32 v39, v21;
	v43 =	vld [tilespmem:s5+$0x0];
	v49 =	vmul.f32 $1.442695020e+00, v37;
	(erf) = vpow2.f32 v28;
	v26 =	vpop (erf)  }
0x1ee: {  	v44 =	vadd.f32 v44, v46;
	v37 =	vadd.f32 v45, v21;
	v45 =	vld [tilespmem:s1+$0x0];
	(erf) = vpow2.f32 v30  }
0x1ef: {  	v23 =	vadd.f32 v47, v23;
	v36 =	vmul.f32 $1.442695020e+00, v36;
	v30 =	vadd.f32 v41, v46;
	v47 =	vld [tilespmem:s22+$0x0]  }
0x1f0: {  	v50 =	vmul.f32 $1.442695020e+00, v40;
	v28 =	vadd.f32 v35, v46;
	v35 =	vadd.f32 v31, v46;
	v40 =	vld [tilespmem:s0+$0x0];
	v31 =	vpop (erf)  }
0x1f1: {  	v51 =	vmul.f32 $1.442695020e+00, v37;
	v39 =	vmul.f32 $1.442695020e+00, v30;
	v37 =	vadd.f32 v29, v46;
	v52 =	vld [tilespmem:s21+$0x0]  }
0x1f2: {  	v30 =	vmul.f32 $1.442695020e+00, v35;
	v29 =	vadd.f32 v43, v46;
	v35 =	vld [tilespmem:s24+$0x0];
	(erf) = vpow2.f32 v36  }
0x1f3: {  	v44 =	vmul.f32 $1.442695020e+00, v44;
	v53 =	vadd.f32 v42, v46;
	v57 =	vadd.f32 v45, v46;
	v41 =	vpop (erf)  }
0x1f4: {  	v32 =	vmul.f32 $1.442695020e+00, v32;
	v54 =	vld [tilespmem:s20+$0x0];
	v55 =	vmul.f32 $1.442695020e+00, v29;
	v29 =	vadd.f32 v47, v46;
	v36 =	vpop (erf)  }
0x1f5: {  	v45 =	vmul.f32 $1.442695020e+00, v57;
	v56 =	vld [tilespmem:s26+$0x0];
	v42 =	vadd.f32 v40, v46;
	v40 =	vpop (erf);
	(erf) = vpow2.f32 v50  }
.Ltmp2:
0x1f6: {  	v50 =	vmul.f32 $1.442695020e+00, v29;
	v29 =	vadd.f32 v52, v46;
	v43 =	vpop (erf);
	(erf) = vpow2.f32 v51;
	(pc) =	sbr.rel @p0 .LBB2_5-.Ltmp2, $4  }
0x1f7: {  	v51 =	vadd.f32 v35, v46;
	v42 =	vmul.f32 $1.442695020e+00, v42;
	v35 =	vpop (erf);
	(erf) = vpow2.f32 v49  }
0x1f8: {  	v15 =	vadd.f32 v48, v15;
	v29 =	vmul.f32 $1.442695020e+00, v29;
	(erf) = vpow2.f32 v32  }
0x1f9: {  	v47 =	vmul.f32 $1.442695020e+00, v53;
	v21 =	vadd.f32 v54, v21;
	(erf) = vpow2.f32 v55  }
0x1fa: {  	s17 =	sadd.s32 $0x100, s17;
	s18 =	sadd.s32 $0x20, s18;
	s19 =	sadd.s32 $0x20, s19;
	v32 =	vmul.f32 $1.442695020e+00, v51;
	v46 =	vadd.f32 v56, v46;
	(erf) = vpow2.f32 v50  }
0x1fb: {  	(erf) = vpow2.f32 v45  }
0x1fc: {  	v21 =	vmul.f32 $1.442695020e+00, v21;
	(erf) = vpow2.f32 v44  }
0x1fd: {  	v54 =	vpop (erf);
	v27 =	vmul.f32 $1.442695020e+00, v27;
	(erf) = vpow2.f32 v47  }
0x1fe: {  	v55 =	vpop (erf);
	(erf) = vpow2.f32 v39  }
0x1ff: {  	v56 =	vpop (erf);
	(erf) = vpow2.f32 v21  }
0x200: {  	v21 =	vmul.f32 $1.442695020e+00, v46;
	v57 =	vpop (erf);
	(erf) = vpow2.f32 v27  }
0x201: {  	v27 =	vpop (erf);
	(erf) = vpow2.f32 v42  }
0x202: {  	v58 =	vpop (erf);
	(erf) = vpow2.f32 v21;
	v21 =	vmul.f32 $1.442695020e+00, v37  }
0x203: {  	v28 =	vmul.f32 $1.442695020e+00, v28  }
0x204: {  	v59 =	vpop (erf);
	(erf) = vpow2.f32 v30  }
0x205: {  	v9 =	vadd.f32 v38, v9;
	v25 =	vadd.f32 v25, v34;
	(erf) = vpow2.f32 v20;
	v20 =	vpop (erf)  }
0x206: {  	v13 =	vadd.f32 v41, v13;
	v18 =	vadd.f32 v43, v18;
	(erf) = vpow2.f32 v21;
	v21 =	vpop (erf)  }
0x207: {  	v16 =	vadd.f32 v26, v16;
	v14 =	vadd.f32 v31, v14;
	(erf) = vpow2.f32 v28;
	v28 =	vpop (erf)  }
0x208: {  	v24 =	vadd.f32 v36, v24;
	v11 =	vadd.f32 v35, v11;
	v30 =	vpop (erf);
	(erf) = vpow2.f32 v29  }
0x209: {  	v22 =	vadd.f32 v54, v22;
	v17 =	vadd.f32 v55, v17;
	v60 =	vpop (erf);
	(erf) = vpow2.f32 v32  }
0x20a: {  	v19 =	vadd.f32 v56, v19;
	v13 =	vadd.f32 v27, v13;
	v27 =	vpop (erf)  }
0x20b: {  	v9 =	vadd.f32 v57, v9;
	v24 =	vadd.f32 v58, v24;
	v26 =	vpop (erf)  }
0x20c: {  	v23 =	vadd.f32 v59, v23;
	v18 =	vadd.f32 v20, v18;
	v31 =	vpop (erf)  }
0x20d: {  	v21 =	vadd.f32 v21, v22;
	v29 =	vadd.f32 v40, v33;
	v20 =	vpop (erf)  }
0x20e: {  	v14 =	vadd.f32 v28, v14;
	v16 =	vadd.f32 v30, v16;
	v22 =	vpop (erf)  }
0x20f: {  	v12 =	vadd.f32 v60, v12;
	v11 =	vadd.f32 v27, v11;
	v28 =	vpop (erf)  }
0x210: {  	v17 =	vadd.f32 v26, v17;
	v10 =	vadd.f32 v22, v10;
	v27 =	vpop (erf)  }
0x211: {  	v19 =	vadd.f32 v20, v19;
	v20 =	vadd.f32 v31, v29;
	v26 =	vpop (erf)  }
0x212: {  	v15 =	vadd.f32 v27, v15;
	v22 =	vpop (erf);
	v10 =	vadd.f32 v26, v10;
	v26 =	vperm.xlane v24, v5  }
0x213: {  	v25 =	vadd.f32 v28, v25;
	v12 =	vadd.f32 v22, v12;
	v22 =	vperm.xlane v18, v5  }
0x214: {  	v28 =	vperm.xlane v15, v5;
	v24 =	vadd.f32 v26, v24;
	v26 =	vperm.xlane v9, v5  }
0x215: {  	v27 =	vperm.xlane v10, v5;
	v18 =	vadd.f32 v22, v18;
	v22 =	vperm.xlane v23, v5  }
0x216: {  	v15 =	vadd.f32 v28, v15;
	v9 =	vadd.f32 v26, v9  }
0x217: {  	v10 =	vadd.f32 v27, v10;
	v22 =	vadd.f32 v22, v23;
	v18 =	vsel vm0, v18, v24  }
0x218: {  	v23 =	vperm.xlane v16, v5;
	v24 =	vperm.xlane v21, v5;
	v9 =	vsel vm0, v9, v15  }
0x219: {  	v15 =	vperm.xlane v25, v5;
	v10 =	vsel vm0, v22, v10;
	v22 =	vperm.xlane v11, v5  }
0x21a: {  	v16 =	vadd.f32 v23, v16;
	v21 =	vadd.f32 v24, v21;
	v23 =	vperm.xlane v12, v5  }
0x21b: {  	v24 =	vperm.xlane v20, v5;
	v11 =	vadd.f32 v22, v11;
	v22 =	vperm.xlane v19, v5  }
0x21c: {  	v15 =	vadd.f32 v15, v25;
	v25 =	vperm.xlane v17, v5;
	v12 =	vadd.f32 v23, v12  }
0x21d: {  	v23 =	vperm.xlane v14, v5;
	v19 =	vadd.f32 v22, v19;
	v22 =	vperm.xlane v13, v5  }
0x21e: {  	v17 =	vadd.f32 v25, v17;
	v11 =	vsel vm0, v11, v16;
	v16 =	vadd.f32 v24, v20  }
0x21f: {  	v15 =	vsel vm0, v15, v21;
	v14 =	vadd.f32 v23, v14;
	v13 =	vadd.f32 v22, v13  }
0x220: {  	v20 =	vperm.xlane v10, v6;
	v12 =	vsel vm0, v19, v12;
	v19 =	vperm.xlane v18, v6  }
0x221: {  	v14 =	vsel vm0, v14, v17;
	v13 =	vsel vm0, v13, v16;
	v16 =	vperm.xlane v9, v6  }
0x222: {  	v10 =	vadd.f32 v20, v10;
	v17 =	vadd.f32 v19, v18;
	v18 =	vperm.xlane v11, v6  }
0x223: {  	v19 =	vperm.xlane v12, v6;
	v9 =	vadd.f32 v16, v9;
	v16 =	vperm.xlane v15, v6  }
0x224: {  	v20 =	vperm.xlane v14, v6;
	v11 =	vadd.f32 v18, v11;
	v18 =	vperm.xlane v13, v6  }
0x225: {  	v12 =	vadd.f32 v19, v12;
	v15 =	vadd.f32 v16, v15  }
0x226: {  	v14 =	vadd.f32 v20, v14;
	v13 =	vadd.f32 v18, v13  }
0x227: {  	v10 =	vsel vm1, v17, v10;
	v9 =	vsel vm1, v9, v11;
	v11 =	vsel vm1, v15, v12  }
0x228: {  	v12 =	vsel vm1, v13, v14;
	v13 =	vperm.xlane v10, v7;
	v14 =	vperm.xlane v9, v7  }
0x229: {  	v15 =	vperm.xlane v11, v7;
	v16 =	vperm.xlane v12, v7  }
0x22a: {  	v10 =	vadd.f32 v13, v10;
	v9 =	vadd.f32 v14, v9  }
0x22b: {  	v11 =	vadd.f32 v15, v11;
	v12 =	vadd.f32 v16, v12;
	_ =	sdelay $0x1  }
0x22c: {  	v9 =	vsel vm2, v10, v9;
	v10 =	vsel vm2, v11, v12  }
0x22d: {  	v11 =	vperm.xlane v9, v1;
	v12 =	vperm.xlane v10, v1;
	_ =	sdelay $0x1  }
0x22e: {  	v9 =	vadd.f32 v11, v9;
	v10 =	vadd.f32 v12, v10;
	_ =	sdelay $0x1  }
0x22f: {  	v9 =	vsel vm3, v9, v10  }
0x230: {  	v10 =	vmul.f32 $9.223372030e+18, v9;
	_ =	sdelay $0x1  }
0x231: {  	v10 =	vmul.f32 $9.223372030e+18, v10  }
0x232: {  	vm4 =	vlt.f32 v9, $1.000000000e+00  }
0x233: {  	v9 =	vsel vm4, v10, v9  }
0x234: {  	v10 =	vmul.f32 $5.421010860e-20, v9  }
0x235: {  	vm5 =	vge.f32 v9, $1.844674410e+19  }
0x236: {  	v9 =	vsel vm5, v10, v9  }
0x237: {  	v10 =	vmul.f32 $2.328306440e-10, v9  }
0x238: {  	vm6 =	vge.f32 v9, $4.294967300e+09  }
0x239: {  	v9 =	vsel vm6, v10, v9  }
0x23a: {  	v10 =	vmul.f32 $1.525878910e-05, v9  }
0x23b: {  	vm7 =	vge.f32 v9, $6.553600000e+04  }
0x23c: {  	v9 =	vsel vm7, v10, v9  }
0x23d: {  	v10 =	vmul.f32 $3.906250000e-03, v9  }
0x23e: {  	vm8 =	vge.f32 v9, $2.560000000e+02  }
0x23f: {  	v9 =	vsel vm8, v10, v9  }
0x240: {  	v10 =	vmul.f32 $6.250000000e-02, v9  }
0x241: {  	vm9 =	vge.f32 v9, $1.600000000e+01  }
0x242: {  	v9 =	vsel vm9, v10, v9  }
0x243: {  	v10 =	vmul.f32 $2.500000000e-01, v9  }
0x244: {  	vm10 =	vge.f32 v9, $4.000000000e+00  }
0x245: {  	v9 =	vsel vm10, v10, v9  }
0x246: {  	v10 =	vmul.f32 $5.000000000e-01, v9  }
0x247: {  	vm11 =	vge.f32 v9, $2.000000000e+00  }
0x248: {  	v9 =	vsel vm11, v10, v9  }
0x249: {  	v10 =	vmul.f32 $5.000000000e-01, v9  }
0x24a: {  	vm12 =	vgt.f32 v9, $1.414213540e+00  }
0x24b: {  	v9 =	vsel vm12, v10, v9  }
0x24c: {  	v10 =	vadd.f32 $1.000000000e+00, v9;
	_ =	sdelay $0x1  }
0x24d: {  	(erf) = vrcp.f32 v10;
	_ =	sdelay $0x7  }
0x24e: {  	v9 =	vadd.f32 $-1.000000000e+00, v9  }
0x24f: {  	v10 =	vpop (erf)  }
0x250: {  	v9 =	vmul.f32 v10, v9;
	_ =	sdelay $0x1  }
0x251: {  	v10 =	vmul.f32 v9, v9  }
0x252: {  	v11 =	vsel vm4, $0xC2FC0000, v0;
	v12 =	vsel vm5, $0x42800000, v0  }
0x253: {  	v11 =	vadd.f32 v12, v11;
	v12 =	vmul.f32 $2.222222240e-01, v10  }
0x254: {  	v13 =	vsel vm6, $0x42000000, v0  }
0x255: {  	v11 =	vadd.f32 v13, v11;
	v12 =	vadd.f32 $2.857142980e-01, v12  }
0x256: {  	v13 =	vsel vm7, $0x41800000, v0  }
0x257: {  	v11 =	vadd.f32 v13, v11;
	v12 =	vmul.f32 v12, v10  }
0x258: {  	v13 =	vsel vm8, $0x41000000, v0  }
0x259: {  	v11 =	vadd.f32 v13, v11;
	v12 =	vadd.f32 $4.000000060e-01, v12  }
0x25a: {  	v13 =	vsel vm9, $0x40800000, v0  }
0x25b: {  	v11 =	vadd.f32 v13, v11;
	v12 =	vmul.f32 v12, v10  }
0x25c: {  	v13 =	vsel vm10, $0x40000000, v0  }
0x25d: {  	v11 =	vadd.f32 v13, v11;
	v12 =	vadd.f32 $6.666666860e-01, v12  }
0x25e: {  	v13 =	vsel vm11, $0x3F800000, v0  }
0x25f: {  	v11 =	vadd.f32 v13, v11;
	v10 =	vmul.f32 v12, v10  }
0x260: {  	v12 =	vsel vm12, $0x3F800000, v0  }
0x261: {  	v11 =	vadd.f32 v12, v11;
	v10 =	vadd.f32 $2.000000000e+00, v10;
	_ =	sdelay $0x1  }
0x262: {  	v9 =	vmul.f32 v10, v9;
	v10 =	vmul.f32 $6.931471820e-01, v11;
	_ =	sdelay $0x1  }
0x263: {  	p0 =	seq.s32 s15, $0xF;
	v9 =	vadd.f32 v9, v10  }
0x264: {  	s0 =	rddreg [dreg:$0x4];
	s1 =	sshll.u32 @!p0 s15, $0x14  }
0x265: {  	[dreg:$0x8] =	wrdreg s1;
	s0 =	ssub.s32 @!p0 s0, s1;
	v9 =	vadd.f32 v9, v8  }
0x266: {  	s1 =	rddreg [dreg:$0x0];
	s0 =	sshrl.u32 @!p0 s0, $0x3  }
0x267: {  	s3 =	simm.s32 $0x2;
	s0 =	sadd.s32 @!p0 s1, s0;
	s1 =	simm.s32 @!p0 $0x0;
	[tilespmem:$0x10810] =	vst v9  }
0x268: {  	[tilespmem:s1], [sflag:$0x1] =	stream.linear.gather @!p0 [hbm4b:s0+s1], $0x8000, $0x38;
	[tilespmem:$0x108C0] =	vst v63  }
0x269: {  	_ =	swait.ge [sflag:s3], $0x8000  }
0x26a: {  	s7 =	simm.s32 $0x0;
	s4 =	simm.s32 $0x10400;
	[sflag:s3] =	ssyncset.done $0x0  }
0x26b: {  	s8 =	sand.u32 $0x1C00, s7;
	s5 =	sor.u32 s7, s7;
	[sflag:s3] =	ssyncadd.s32 $0xFFFF8000  }
0x26c: {  	s6 =	sand.u32 $0x60, s7;
	s9 =	sor.u32 $0x8000, s8;
	s10 =	sor.u32 $0x380, s5;
	v9 =	vld [tilespmem:s4+$0x0]  }
0x26d: {  	s11 =	sor.u32 s6, s9;
	v10 =	vld [tilespmem:s10+$0x8000]  }
0x26e: {  	s2 =	sor.u32 $0xA000, s8;
	v11 =	vld [tilespmem:s11+$0x80]  }
0x26f: {  	s3 =	sor.u32 s6, s2;
	v12 =	vld [tilespmem:s11+$0x200]  }
0x270: {  	s0 =	sor.u32 $0xA080, s8;
	v13 =	vld [tilespmem:s3+$0x0]  }
0x271: {  	s12 =	sor.u32 s6, s0;
	v14 =	vld [tilespmem:s11+$0x0]  }
0x272: {  	v15 =	vld [tilespmem:s12+$0x0]  }
0x273: {  	v16 =	vld [tilespmem:s11+$0x280]  }
0x274: {  	s14 =	sor.u32 $0x10, s6;
	v17 =	vld [tilespmem:s11+$0x180]  }
0x275: {  	s16 =	sor.u32 $0xA180, s8;
	s17 =	sor.u32 s14, s9;
	v19 =	vld [tilespmem:s11+$0x100]  }
0x276: {  	s18 =	sor.u32 s6, s16;
	v21 =	vld [tilespmem:s17+$0x80]  }
0x277: {  	s13 =	sand.u32 $0x3, s7;
	s7 =	sand.u32 $0x380, s7;
	v22 =	vld [tilespmem:s18+$0x0]  }
0x278: {  	s5 =	sor.u32 $0xA100, s8;
	s7 =	sor.u32 s14, s7;
	v23 =	vld [tilespmem:s17+$0x180]  }
0x279: {  	s31 =	sor.u32 s14, s5;
	v27 =	vld [tilespmem:s7+$0x10400]  }
0x27a: {  	s19 =	sor.u32 $0xA380, s8;
	s10 =	sor.u32 s6, s5;
	v62 =	vld [tilespmem:s31+$0x0];
	v11 =	vadd.f32 v11, v9  }
0x27b: {  	v34 =	vimm.f32 $0.0e+00;
	s22 =	sor.u32 $0xA280, s8;
	s3 =	sshll.u32 s13, $0x5;
	s12 =	sor.u32 s14, s19;
	v18 =	vld [tilespmem:s10+$0x0];
	v12 =	vadd.f32 v12, v9;
	v24 =	vadd.f32 v14, v9  }
0x27c: {  	s24 =	sor.u32 s6, s22;
	v33 =	vimm.f32 $0.0e+00;
	s4 =	sadd.s32 $0x0, s3;
	v26 =	vld [tilespmem:s12+$0x0];
	v15 =	vadd.f32 v15, v9;
	v13 =	vadd.f32 v13, v9  }
0x27d: {  	s11 =	sor.u32 $0x300, s4;
	v14 =	vimm.f32 $0.0e+00;
	v10 =	vadd.f32 v10, v9;
	v29 =	vadd.f32 v22, v9;
	v22 =	vld [tilespmem:s24+$0x0]  }
0x27e: {  	s20 =	sor.u32 $0xA200, s8;
	v20 =	vld [tilespmem:s11+$0x8000];
	v21 =	vadd.f32 v21, v27;
	v11 =	vmul.f32 $1.442695020e+00, v11;
	v12 =	vmul.f32 $1.442695020e+00, v12  }
0x27f: {  	v25 =	vld [tilespmem:s17+$0x0];
	s13 =	sor.u32 s6, s20;
	v32 =	vadd.f32 v17, v9;
	v13 =	vmul.f32 $1.442695020e+00, v13;
	v15 =	vmul.f32 $1.442695020e+00, v15  }
0x280: {  	s29 =	sor.u32 s14, s2;
	v42 =	vadd.f32 v62, v27;
	(erf) = vpow2.f32 v11;
	v11 =	vmul.f32 $1.442695020e+00, v24;
	v24 =	vld [tilespmem:s13+$0x0]  }
0x281: {  	s9 =	sor.u32 s6, s19;
	v17 =	vld [tilespmem:s29+$0x0];
	v18 =	vadd.f32 v18, v9;
	v10 =	vmul.f32 $1.442695020e+00, v10;
	v46 =	vmul.f32 $1.442695020e+00, v21  }
0x282: {  	s21 =	sor.u32 $0xA300, s8;
	s25 =	sor.u32 s14, s20;
	v28 =	vld [tilespmem:s9+$0x0];
	v31 =	vadd.f32 v22, v9;
	(erf) = vpow2.f32 v11;
	v11 =	vadd.f32 v19, v9  }
0x283: {  	s23 =	sor.u32 s14, s21;
	v19 =	vadd.f32 v20, v9;
	v20 =	vadd.f32 v26, v27;
	v26 =	vld [tilespmem:s25+$0x0];
	(erf) = vpow2.f32 v15  }
0x284: {  	v15 =	vadd.f32 v16, v9;
	v16 =	vld [tilespmem:s23+$0x0];
	(erf) = vpow2.f32 v12;
	v11 =	vmul.f32 $1.442695020e+00, v11  }
0x285: {  	s6 =	sor.u32 s6, s21;
	v61 =	vld [tilespmem:s17+$0x200];
	v12 =	vmul.f32 $1.442695020e+00, v19;
	v20 =	vmul.f32 $1.442695020e+00, v20;
	v19 =	vadd.f32 v24, v9  }
0x286: {  	s7 =	sor.u32 s14, s22;
	v17 =	vadd.f32 v17, v27;
	v15 =	vmul.f32 $1.442695020e+00, v15;
	v24 =	vld [tilespmem:s6+$0x0];
	(erf) = vpow2.f32 v13  }
0x287: {  	s26 =	sor.u32 s14, s16;
	v13 =	vld [tilespmem:s7+$0x0];
	(erf) = vpow2.f32 v11;
	v11 =	vadd.f32 v28, v9;
	v19 =	vmul.f32 $1.442695020e+00, v19  }
0x288: {  	v28 =	vld [tilespmem:s26+$0x0];
	(erf) = vpow2.f32 v12;
	v12 =	vmul.f32 $1.442695020e+00, v29;
	v29 =	vadd.f32 v26, v27  }
0x289: {  	v30 =	vld [tilespmem:s17+$0x100];
	v16 =	vadd.f32 v16, v27;
	v22 =	vmul.f32 $1.442695020e+00, v11;
	(erf) = vpow2.f32 v15  }
0x28a: {  	(erf) = vpow2.f32 v10;
	v10 =	vmul.f32 $1.442695020e+00, v31;
	v31 =	vadd.f32 v23, v27  }
0x28b: {  	s4 =	sadd.s32 $0x10, s4;
	v23 =	vadd.f32 v61, v27;
	v24 =	vadd.f32 v24, v9;
	(erf) = vpow2.f32 v19  }
0x28c: {  	s28 =	sor.u32 $0x300, s4;
	v9 =	vld [tilespmem:s17+$0x280];
	v15 =	vmul.f32 $1.442695020e+00, v16;
	v13 =	vadd.f32 v13, v27;
	(erf) = vpow2.f32 v10  }
0x28d: {  	s0 =	sor.u32 s14, s0;
	v16 =	vld [tilespmem:s28+$0x8000];
	v26 =	vadd.f32 v28, v27;
	v37 =	vmul.f32 $1.442695020e+00, v23;
	v19 =	vmul.f32 $1.442695020e+00, v24  }
0x28e: {  	v10 =	vld [tilespmem:s0+$0x0];
	v24 =	vadd.f32 v25, v27;
	v25 =	vadd.f32 v30, v27;
	v44 =	vmul.f32 $1.442695020e+00, v13  }
0x28f: {  	s30 =	sor.u32 $0x380, s4;
	v21 =	vimm.f32 $0.0e+00;
	v11 =	vpop (erf);
	v63 =	vmul.f32 $1.442695020e+00, v26;
	v26 =	vmul.f32 $1.442695020e+00, v17  }
0x290: {  	v11 =	vadd.f32 v11, v14;
	v28 =	vld [tilespmem:s30+$0x8000];
	v23 =	vpop (erf);
	v30 =	vmul.f32 $1.442695020e+00, v25;
	v41 =	vmul.f32 $1.442695020e+00, v24  }
0x291: {  	v17 =	vimm.f32 $0.0e+00;
	v25 =	vmul.f32 $1.442695020e+00, v31;
	(erf) = vpow2.f32 v19;
	v36 =	vpop (erf)  }
0x292: {  	v31 =	vimm.f32 $0.0e+00;
	v19 =	vimm.f32 $0.0e+00;
	v9 =	vadd.f32 v9, v27;
	v35 =	vpop (erf)  }
0x293: {  	v16 =	vadd.f32 v16, v27;
	(erf) = vpow2.f32 v12;
	v12 =	vpop (erf);
	v45 =	vadd.f32 v10, v27  }
0x294: {  	(erf) = vpow2.f32 v15;
	v10 =	vimm.f32 $0.0e+00;
	v15 =	vimm.f32 $0.0e+00;
	v39 =	vpop (erf)  }
0x295: {  	v24 =	vmul.f32 $1.442695020e+00, v9;
	v9 =	vadd.f32 v28, v27;
	v13 =	vmul.f32 $1.442695020e+00, v16;
	v40 =	vpop (erf)  }
0x296: {  	v12 =	vadd.f32 v12, v14;
	v27 =	vimm.f32 $0.0e+00;
	v28 =	vimm.f32 $0.0e+00;
	v38 =	vpop (erf)  }
0x297: {  	s18 =	simm.s32 $0x0;
	s19 =	simm.s32 $0x10420;
	s20 =	simm.s32 $0x100;
	v16 =	vimm.f32 $0.0e+00;
	v43 =	vmul.f32 $1.442695020e+00, v9;
	(erf) = vpow2.f32 v13;
	v47 =	vpop (erf)  }
0x298: {  	s21 =	simm.s32 $0x1;
	s22 =	simm.s32 $0x20;
	s17 =	sxor.u32 $0xF, s15;
	v13 =	vimm.f32 $0.0e+00;
	v9 =	vimm.f32 $0.0e+00;
	(erf) = vpow2.f32 v63;
	v48 =	vpop (erf)  }
.LBB2_7:
0x299: {  	s0 =	sand.u32 $0x1C00, s20;
	s1 =	sor.u32 s20, s22;
	s2 =	sand.u32 $0x380, s22;
	v14 =	vadd.f32 v47, v14;
	v45 =	vmul.f32 $1.442695020e+00, v45;
	v47 =	vpop (erf);
	(erf) = vpow2.f32 v30  }
0x29a: {  	s25 =	sand.u32 $0x60, s22;
	v34 =	vadd.f32 v48, v34;
	v30 =	vld [tilespmem:s19+$0x0];
	s3 =	sor.u32 $0x8000, s0;
	s1 =	sor.u32 $0x380, s1;
	v27 =	vadd.f32 v47, v27;
	(erf) = vpow2.f32 v44  }
0x29b: {  	s4 =	sand.u32 $0x3, s21;
	v33 =	vadd.f32 v36, v33;
	v36 =	vmul.f32 $1.442695020e+00, v42;
	s12 =	sor.u32 $0xA280, s0;
	s7 =	sor.u32 s25, s3;
	v44 =	vld [tilespmem:s1+$0x8000];
	(erf) = vpow2.f32 v46  }
0x29c: {  	v21 =	vadd.f32 v39, v21;
	s4 =	sshll.u32 s4, $0x5;
	s11 =	sor.u32 $0xA080, s0;
	s1 =	sor.u32 $0xA000, s0;
	v46 =	vmul.f32 $1.442695020e+00, v18;
	v42 =	vld [tilespmem:s7+$0x80];
	v39 =	vpop (erf);
	(erf) = vpow2.f32 v41  }
0x29d: {  	v28 =	vadd.f32 v35, v28;
	v16 =	vadd.f32 v40, v16;
	s13 =	sadd.s32 s4, s20;
	s5 =	sor.u32 s25, s11;
	s4 =	sor.u32 s25, s1;
	v41 =	vld [tilespmem:s7+$0x200];
	(erf) = vpow2.f32 v43  }
0x29e: {  	v32 =	vmul.f32 $1.442695020e+00, v32;
	s14 =	sor.u32 $0xA180, s0;
	s9 =	sor.u32 $0xA380, s0;
	s10 =	sor.u32 $0x300, s13;
	v10 =	vadd.f32 v39, v10;
	v35 =	vld [tilespmem:s4+$0x0];
	(erf) = vpow2.f32 v46;
	v18 =	vpop (erf)  }
0x29f: {  	v31 =	vadd.f32 v38, v31;
	s8 =	sor.u32 $0xA100, s0;
	s28 =	sor.u32 $0xA200, s0;
	s6 =	sor.u32 s25, s14;
	v39 =	vld [tilespmem:s7+$0x0];
	v13 =	vadd.f32 v18, v13;
	(erf) = vpow2.f32 v37;
	v18 =	vpop (erf)  }
0x2a0: {  	s23 =	sor.u32 $0xA300, s0;
	s16 =	sor.u32 $0x10, s25;
	v43 =	vmul.f32 $1.442695020e+00, v29;
	v37 =	vld [tilespmem:s5+$0x0];
	s5 =	sor.u32 s25, s12;
	v10 =	vadd.f32 v18, v10;
	(erf) = vpow2.f32 v32;
	v18 =	vpop (erf)  }
0x2a1: {  	s0 =	sor.u32 s25, s23;
	s29 =	sor.u32 s16, s12;
	s4 =	sor.u32 s25, s9;
	v32 =	vadd.f32 v42, v30;
	v40 =	vld [tilespmem:s7+$0x280];
	v16 =	vadd.f32 v18, v16;
	(erf) = vpow2.f32 v22;
	v18 =	vpop (erf)  }
0x2a2: {  	v19 =	vadd.f32 v23, v19;
	s24 =	sor.u32 s16, s3;
	s3 =	sor.u32 s16, s23;
	s12 =	sor.u32 s25, s8;
	v29 =	vld [tilespmem:s7+$0x180];
	v13 =	vadd.f32 v18, v13;
	v18 =	vpop (erf);
	(erf) = vpow2.f32 v43  }
0x2a3: {  	s23 =	sor.u32 s16, s11;
	s31 =	sor.u32 s16, s28;
	s13 =	sadd.s32 $0x10, s13;
	v43 =	vmul.f32 $1.442695020e+00, v32;
	v23 =	vld [tilespmem:s7+$0x100];
	v32 =	vadd.f32 v41, v30;
	v38 =	vpop (erf);
	(erf) = vpow2.f32 v20  }
0x2a4: {  	s26 =	sor.u32 $0x300, s13;
	v20 =	vadd.f32 v44, v30;
	s7 =	sor.u32 s16, s2;
	s2 =	sor.u32 s16, s14;
	v21 =	vadd.f32 v18, v21;
	v41 =	vld [tilespmem:s12+$0x0];
	v18 =	vpop (erf);
	(erf) = vpow2.f32 v45  }
0x2a5: {  	s9 =	sor.u32 s16, s9;
	v32 =	vmul.f32 $1.442695020e+00, v32;
	v42 =	vld [tilespmem:s10+$0x8000];
	v37 =	vadd.f32 v37, v30;
	s10 =	sor.u32 s25, s28;
	s25 =	sor.u32 $0x380, s13;
	(erf) = vpow2.f32 v43;
	v22 =	vpop (erf)  }
0x2a6: {  	s18 =	sadd.s32 $0x2, s18;
	s30 =	sor.u32 s16, s1;
	v39 =	vadd.f32 v39, v30;
	s28 =	sor.u32 s16, s8;
	v11 =	vadd.f32 v18, v11;
	v43 =	vld [tilespmem:s24+$0x80];
	v18 =	vpop (erf);
	(erf) = vpow2.f32 v36  }
0x2a7: {  	p1 =	slt.u32 s18, $0x3E;
	v35 =	vadd.f32 v35, v30;
	v19 =	vadd.f32 v22, v19;
	v36 =	vld [tilespmem:s6+$0x0];
	v22 =	vpop (erf);
	(erf) = vpow2.f32 v25  }
0x2a8: {  	v27 =	vadd.f32 v38, v27;
	v25 =	vmul.f32 $1.442695020e+00, v39;
	v39 =	vld [tilespmem:s24+$0x180];
	v38 =	vpop (erf);
	(erf) = vpow2.f32 v24  }
0x2a9: {  	v14 =	vadd.f32 v18, v14;
	v24 =	vmul.f32 $1.442695020e+00, v35;
	v17 =	vadd.f32 v22, v17;
	v44 =	vld [tilespmem:s24+$0x0];
	v22 =	vpop (erf)  }
0x2aa: {  	v18 =	vadd.f32 v41, v30;
	v35 =	vld [tilespmem:s9+$0x0];
	v15 =	vadd.f32 v22, v15;
	v22 =	vpop (erf);
	(erf) = vpow2.f32 v26  }
0x2ab: {  	v37 =	vmul.f32 $1.442695020e+00, v37;
	v26 =	vadd.f32 v42, v30;
	v41 =	vld [tilespmem:s4+$0x0];
	v9 =	vadd.f32 v22, v9;
	v22 =	vpop (erf)  }
0x2ac: {  	v28 =	vadd.f32 v38, v28;
	v36 =	vadd.f32 v36, v30;
	v42 =	vld [tilespmem:s10+$0x0];
	(erf) = vpow2.f32 v25;
	v25 =	vpop (erf)  }
0x2ad: {  	v23 =	vadd.f32 v23, v30;
	v34 =	vadd.f32 v22, v34;
	v45 =	vld [tilespmem:s7+$0x10400];
	(erf) = vpow2.f32 v37;
	v22 =	vpop (erf)  }
0x2ae: {  	v37 =	vadd.f32 v40, v30;
	v38 =	vld [tilespmem:s5+$0x0];
	v40 =	vpop (erf);
	(erf) = vpow2.f32 v32;
	v33 =	vadd.f32 v22, v33  }
0x2af: {  	v26 =	vmul.f32 $1.442695020e+00, v26;
	v9 =	vadd.f32 v25, v9;
	v22 =	vmul.f32 $1.442695020e+00, v23;
	v23 =	vld [tilespmem:s3+$0x0];
	v25 =	vpop (erf)  }
0x2b0: {  	v32 =	vmul.f32 $1.442695020e+00, v37;
	v37 =	vmul.f32 $1.442695020e+00, v20;
	v46 =	vld [tilespmem:s24+$0x100];
	v17 =	vadd.f32 v25, v17;
	v20 =	vpop (erf)  }
0x2b1: {  	v25 =	vadd.f32 v42, v30;
	v42 =	vld [tilespmem:s0+$0x0];
	(erf) = vpow2.f32 v24;
	v15 =	vadd.f32 v20, v15;
	v20 =	vpop (erf)  }
0x2b2: {  	v24 =	vld [tilespmem:s29+$0x0];
	v35 =	vadd.f32 v35, v45;
	(erf) = vpow2.f32 v22;
	v31 =	vadd.f32 v20, v31  }
0x2b3: {  	v22 =	vadd.f32 v41, v30;
	v49 =	vadd.f32 v43, v45;
	v25 =	vmul.f32 $1.442695020e+00, v25;
	v41 =	vld [tilespmem:s31+$0x0];
	v43 =	vpop (erf)  }
0x2b4: {  	v47 =	vld [tilespmem:s2+$0x0];
	v48 =	vadd.f32 v23, v45;
	v20 =	vmul.f32 $1.442695020e+00, v35;
	v12 =	vadd.f32 v43, v12  }
0x2b5: {  	v38 =	vadd.f32 v38, v30;
	v22 =	vmul.f32 $1.442695020e+00, v22;
	v23 =	vpop (erf);
	(erf) = vpow2.f32 v26  }
0x2b6: {  	v26 =	vmul.f32 $1.442695020e+00, v36;
	v42 =	vadd.f32 v42, v30;
	v43 =	vld [tilespmem:s24+$0x200];
	(erf) = vpow2.f32 v32;
	v36 =	vpop (erf)  }
0x2b7: {  	v11 =	vadd.f32 v40, v11;
	v32 =	vadd.f32 v29, v30;
	v48 =	vmul.f32 $1.442695020e+00, v48;
	v40 =	vld [tilespmem:s24+$0x280];
	v35 =	vpop (erf)  }
0x2b8: {  	v51 =	vadd.f32 v24, v45;
	v50 =	vld [tilespmem:s26+$0x8000];
	v29 =	vadd.f32 v41, v45;
	(erf) = vpow2.f32 v37  }
0x2b9: {  	v24 =	vmul.f32 $1.442695020e+00, v38;
	v38 =	vld [tilespmem:s30+$0x0];
	v37 =	vadd.f32 v47, v45;
	(erf) = vpow2.f32 v25  }
0x2ba: {  	v30 =	vadd.f32 v46, v45;
	v42 =	vmul.f32 $1.442695020e+00, v42;
	v25 =	vadd.f32 v44, v45;
	v44 =	vld [tilespmem:s25+$0x8000];
	v46 =	vpop (erf)  }
0x2bb: {  	v47 =	vadd.f32 v39, v45;
	v43 =	vadd.f32 v43, v45;
	v52 =	vld [tilespmem:s28+$0x0];
	v39 =	vpop (erf);
	(erf) = vpow2.f32 v24  }
0x2bc: {  	v30 =	vmul.f32 $1.442695020e+00, v30;
	v54 =	vmul.f32 $1.442695020e+00, v37;
	v24 =	vadd.f32 v40, v45;
	v53 =	vld [tilespmem:s23+$0x0]  }
0x2bd: {  	v41 =	vmul.f32 $1.442695020e+00, v25;
	v37 =	vmul.f32 $1.442695020e+00, v43;
	v43 =	vadd.f32 v50, v45  }
0x2be: {  	v25 =	vmul.f32 $1.442695020e+00, v47;
	v50 =	vadd.f32 v38, v45;
	v40 =	vpop (erf);
	(erf) = vpow2.f32 v42  }
.Ltmp3:
0x2bf: {  	v24 =	vmul.f32 $1.442695020e+00, v24;
	v55 =	vadd.f32 v44, v45;
	v44 =	vmul.f32 $1.442695020e+00, v51;
	v38 =	vpop (erf);
	(pc) =	sbr.rel @p1 .LBB2_7-.Ltmp3, $4  }
0x2c0: {  	v51 =	vmul.f32 $1.442695020e+00, v43;
	v42 =	vadd.f32 v52, v45;
	(erf) = vpow2.f32 v26  }
0x2c1: {  	v43 =	vmul.f32 $1.442695020e+00, v55;
	v45 =	vadd.f32 v53, v45;
	v47 =	vpop (erf);
	(erf) = vpow2.f32 v48  }
0x2c2: {  	s19 =	sadd.s32 $0x20, s19;
	v26 =	vmul.f32 $1.442695020e+00, v50;
	v48 =	vpop (erf);
	(erf) = vpow2.f32 v51  }
0x2c3: {  	s21 =	sadd.s32 $0x1, s21;
	s22 =	sadd.s32 $0x20, s22;
	s20 =	sadd.s32 $0x100, s20;
	v12 =	vadd.f32 v46, v12;
	v46 =	vmul.f32 $1.442695020e+00, v49;
	(erf) = vpow2.f32 v54  }
0x2c4: {  	(erf) = vpow2.f32 v30  }
0x2c5: {  	v18 =	vmul.f32 $1.442695020e+00, v18;
	(erf) = vpow2.f32 v44  }
0x2c6: {  	(erf) = vpow2.f32 v46  }
0x2c7: {  	v30 =	vpop (erf);
	(erf) = vpow2.f32 v41  }
0x2c8: {  	v55 =	vpop (erf);
	(erf) = vpow2.f32 v43  }
0x2c9: {  	v32 =	vmul.f32 $1.442695020e+00, v32;
	(erf) = vpow2.f32 v18;
	v18 =	vpop (erf)  }
0x2ca: {  	(erf) = vpow2.f32 v37;
	v56 =	vpop (erf)  }
0x2cb: {  	v29 =	vmul.f32 $1.442695020e+00, v29;
	(erf) = vpow2.f32 v32;
	v57 =	vpop (erf)  }
0x2cc: {  	v58 =	vmul.f32 $1.442695020e+00, v45;
	(erf) = vpow2.f32 v22;
	v22 =	vpop (erf)  }
0x2cd: {  	v59 =	vpop (erf);
	(erf) = vpow2.f32 v29;
	v29 =	vmul.f32 $1.442695020e+00, v42  }
0x2ce: {  	v60 =	vpop (erf);
	(erf) = vpow2.f32 v20  }
0x2cf: {  	v14 =	vadd.f32 v47, v14;
	v21 =	vadd.f32 v39, v21;
	v61 =	vpop (erf);
	(erf) = vpow2.f32 v58  }
0x2d0: {  	v28 =	vadd.f32 v35, v28;
	v16 =	vadd.f32 v40, v16;
	v62 =	vpop (erf);
	(erf) = vpow2.f32 v29  }
0x2d1: {  	v19 =	vadd.f32 v23, v19;
	v10 =	vadd.f32 v55, v10;
	v29 =	vpop (erf);
	(erf) = vpow2.f32 v25  }
0x2d2: {  	v27 =	vadd.f32 v30, v27;
	v13 =	vadd.f32 v18, v13;
	v25 =	vpop (erf);
	(erf) = vpow2.f32 v24  }
0x2d3: {  	v30 =	vadd.f32 v36, v33;
	v10 =	vadd.f32 v56, v10;
	v18 =	vpop (erf);
	(erf) = vpow2.f32 v26  }
0x2d4: {  	v16 =	vadd.f32 v57, v16;
	v13 =	vadd.f32 v22, v13;
	v26 =	vpop (erf)  }
0x2d5: {  	v20 =	vadd.f32 v48, v34;
	v21 =	vadd.f32 v59, v21;
	v22 =	vpop (erf)  }
0x2d6: {  	v27 =	vadd.f32 v60, v27;
	v11 =	vadd.f32 v61, v11;
	v23 =	vpop (erf)  }
0x2d7: {  	v19 =	vadd.f32 v62, v19;
	v24 =	vadd.f32 v38, v31;
	v31 =	vpop (erf)  }
0x2d8: {  	v14 =	vadd.f32 v29, v14;
	v17 =	vadd.f32 v25, v17;
	v25 =	vpop (erf)  }
0x2d9: {  	v18 =	vadd.f32 v18, v28;
	v9 =	vadd.f32 v22, v9;
	v22 =	vpop (erf)  }
0x2da: {  	v15 =	vadd.f32 v26, v15;
	v20 =	vadd.f32 v23, v20;
	v23 =	vpop (erf)  }
0x2db: {  	v9 =	vadd.f32 v31, v9;
	v25 =	vadd.f32 v25, v30;
	v26 =	vpop (erf)  }
0x2dc: {  	v17 =	vadd.f32 v22, v17;
	v15 =	vadd.f32 v23, v15;
	v23 =	vperm.xlane v19, v5;
	v22 =	vpop (erf)  }
0x2dd: {  	v24 =	vadd.f32 v26, v24;
	v12 =	vadd.f32 v22, v12;
	v22 =	vperm.xlane v11, v5  }
0x2de: {  	v19 =	vadd.f32 v23, v19;
	v23 =	vperm.xlane v21, v5;
	v26 =	vperm.xlane v15, v5  }
0x2df: {  	v28 =	vperm.xlane v24, v5;
	v11 =	vadd.f32 v22, v11;
	v22 =	vperm.xlane v18, v5  }
0x2e0: {  	v21 =	vadd.f32 v23, v21;
	v15 =	vadd.f32 v26, v15  }
0x2e1: {  	v11 =	vsel vm0, v19, v11;
	v18 =	vadd.f32 v22, v18;
	v19 =	vadd.f32 v28, v24  }
0x2e2: {  	v23 =	vperm.xlane v25, v5;
	v15 =	vsel vm0, v21, v15;
	v21 =	vperm.xlane v16, v5  }
0x2e3: {  	v22 =	vperm.xlane v14, v5;
	v18 =	vsel vm0, v18, v19;
	v19 =	vperm.xlane v12, v5  }
0x2e4: {  	v24 =	vperm.xlane v9, v5;
	v16 =	vadd.f32 v21, v16;
	v21 =	vperm.xlane v17, v5  }
0x2e5: {  	v14 =	vadd.f32 v22, v14;
	v22 =	vperm.xlane v13, v5;
	v12 =	vadd.f32 v19, v12  }
0x2e6: {  	v19 =	vadd.f32 v23, v25;
	v17 =	vadd.f32 v21, v17;
	v21 =	vperm.xlane v20, v5  }
0x2e7: {  	v23 =	vperm.xlane v27, v5;
	v13 =	vadd.f32 v22, v13;
	v22 =	vperm.xlane v10, v5  }
0x2e8: {  	v9 =	vadd.f32 v24, v9;
	v14 =	vsel vm0, v16, v14;
	v16 =	vadd.f32 v21, v20  }
0x2e9: {  	v20 =	vadd.f32 v23, v27;
	v12 =	vsel vm0, v12, v19;
	v10 =	vadd.f32 v22, v10  }
0x2ea: {  	v13 =	vsel vm0, v17, v13;
	v17 =	vperm.xlane v11, v6;
	v19 =	vperm.xlane v15, v6  }
0x2eb: {  	v16 =	vsel vm0, v16, v20;
	v9 =	vsel vm0, v10, v9;
	v10 =	vperm.xlane v18, v6  }
0x2ec: {  	v11 =	vadd.f32 v17, v11;
	v15 =	vadd.f32 v19, v15;
	v17 =	vperm.xlane v14, v6  }
0x2ed: {  	v19 =	vperm.xlane v13, v6;
	v20 =	vperm.xlane v9, v6;
	v10 =	vadd.f32 v10, v18  }
0x2ee: {  	v18 =	vperm.xlane v12, v6;
	v14 =	vadd.f32 v17, v14;
	v17 =	vperm.xlane v16, v6  }
0x2ef: {  	v13 =	vadd.f32 v19, v13;
	v9 =	vadd.f32 v20, v9  }
0x2f0: {  	v12 =	vadd.f32 v18, v12;
	v16 =	vadd.f32 v17, v16;
	v10 =	vsel vm1, v10, v14  }
0x2f1: {  	v11 =	vsel vm1, v11, v15;
	v14 =	vperm.xlane v10, v7  }
0x2f2: {  	v12 =	vsel vm1, v12, v13;
	v9 =	vsel vm1, v16, v9;
	v13 =	vperm.xlane v11, v7  }
0x2f3: {  	v15 =	vperm.xlane v12, v7;
	v16 =	vperm.xlane v9, v7  }
0x2f4: {  	v10 =	vadd.f32 v14, v10;
	v11 =	vadd.f32 v13, v11  }
0x2f5: {  	v12 =	vadd.f32 v15, v12;
	v9 =	vadd.f32 v16, v9;
	_ =	sdelay $0x1  }
0x2f6: {  	v10 =	vsel vm2, v11, v10;
	v9 =	vsel vm2, v12, v9  }
0x2f7: {  	v11 =	vperm.xlane v10, v1;
	v12 =	vperm.xlane v9, v1;
	_ =	sdelay $0x1  }
0x2f8: {  	v10 =	vadd.f32 v11, v10;
	v9 =	vadd.f32 v12, v9;
	_ =	sdelay $0x1  }
0x2f9: {  	v9 =	vsel vm3, v10, v9  }
0x2fa: {  	v10 =	vmul.f32 $9.223372030e+18, v9;
	_ =	sdelay $0x1  }
0x2fb: {  	v10 =	vmul.f32 $9.223372030e+18, v10  }
0x2fc: {  	vm4 =	vlt.f32 v9, $1.000000000e+00  }
0x2fd: {  	v9 =	vsel vm4, v10, v9  }
0x2fe: {  	v10 =	vmul.f32 $5.421010860e-20, v9  }
0x2ff: {  	vm5 =	vge.f32 v9, $1.844674410e+19  }
0x300: {  	v9 =	vsel vm5, v10, v9  }
0x301: {  	v10 =	vmul.f32 $2.328306440e-10, v9  }
0x302: {  	vm6 =	vge.f32 v9, $4.294967300e+09  }
0x303: {  	v9 =	vsel vm6, v10, v9  }
0x304: {  	v10 =	vmul.f32 $1.525878910e-05, v9  }
0x305: {  	vm7 =	vge.f32 v9, $6.553600000e+04  }
0x306: {  	v9 =	vsel vm7, v10, v9  }
0x307: {  	v10 =	vmul.f32 $3.906250000e-03, v9  }
0x308: {  	vm8 =	vge.f32 v9, $2.560000000e+02  }
0x309: {  	v9 =	vsel vm8, v10, v9  }
0x30a: {  	v10 =	vmul.f32 $6.250000000e-02, v9  }
0x30b: {  	vm9 =	vge.f32 v9, $1.600000000e+01  }
0x30c: {  	v9 =	vsel vm9, v10, v9  }
0x30d: {  	v10 =	vmul.f32 $2.500000000e-01, v9  }
0x30e: {  	vm10 =	vge.f32 v9, $4.000000000e+00  }
0x30f: {  	v9 =	vsel vm10, v10, v9  }
0x310: {  	v10 =	vmul.f32 $5.000000000e-01, v9  }
0x311: {  	vm11 =	vge.f32 v9, $2.000000000e+00  }
0x312: {  	v9 =	vsel vm11, v10, v9  }
0x313: {  	v10 =	vmul.f32 $5.000000000e-01, v9  }
0x314: {  	vm12 =	vgt.f32 v9, $1.414213540e+00  }
0x315: {  	v9 =	vsel vm12, v10, v9  }
0x316: {  	v10 =	vadd.f32 $1.000000000e+00, v9;
	_ =	sdelay $0x1  }
0x317: {  	(erf) = vrcp.f32 v10;
	_ =	sdelay $0x7  }
0x318: {  	v9 =	vadd.f32 $-1.000000000e+00, v9  }
0x319: {  	v10 =	vpop (erf)  }
0x31a: {  	v10 =	vmul.f32 v10, v9;
	_ =	sdelay $0x1  }
0x31b: {  	v9 =	vimm.f32 $0.0e+00;
	v11 =	vmul.f32 v10, v10  }
0x31c: {  	v12 =	vsel vm4, $0xC2FC0000, v9;
	v13 =	vsel vm5, $0x42800000, v9  }
0x31d: {  	v12 =	vadd.f32 v13, v12;
	v13 =	vmul.f32 $2.222222240e-01, v11  }
0x31e: {  	v14 =	vsel vm6, $0x42000000, v9  }
0x31f: {  	v12 =	vadd.f32 v14, v12;
	v13 =	vadd.f32 $2.857142980e-01, v13  }
0x320: {  	v14 =	vsel vm7, $0x41800000, v9  }
0x321: {  	v12 =	vadd.f32 v14, v12;
	v13 =	vmul.f32 v13, v11  }
0x322: {  	v14 =	vsel vm8, $0x41000000, v9  }
0x323: {  	v12 =	vadd.f32 v14, v12;
	v13 =	vadd.f32 $4.000000060e-01, v13  }
0x324: {  	v14 =	vsel vm9, $0x40800000, v9  }
0x325: {  	v12 =	vadd.f32 v14, v12;
	v13 =	vmul.f32 v13, v11  }
0x326: {  	v14 =	vsel vm10, $0x40000000, v9  }
0x327: {  	v12 =	vadd.f32 v14, v12;
	v13 =	vadd.f32 $6.666666860e-01, v13  }
0x328: {  	v14 =	vsel vm11, $0x3F800000, v9  }
0x329: {  	v12 =	vadd.f32 v14, v12;
	v11 =	vmul.f32 v13, v11  }
0x32a: {  	v13 =	vsel vm12, $0x3F800000, v9  }
0x32b: {  	v12 =	vadd.f32 v13, v12;
	v11 =	vadd.f32 $2.000000000e+00, v11;
	_ =	sdelay $0x1  }
0x32c: {  	v10 =	vmul.f32 v11, v10;
	v11 =	vmul.f32 $6.931471820e-01, v12;
	_ =	sdelay $0x1  }
0x32d: {  	v10 =	vadd.f32 v10, v11;
	_ =	sdelay $0x1  }
0x32e: {  	s8 =	simm.s32 $0x0;
	v10 =	vadd.f32 v10, v8  }
0x32f: {  	s20 =	sand.u32 $0x1C00, s8  }
0x330: {  	s0 =	simm.s32 $0x10400;
	s18 =	sand.u32 $0x60, s8;
	s5 =	sor.u32 $0xC100, s20;
	[tilespmem:$0x10820] =	vst v10  }
0x331: {  	s1 =	sor.u32 $0xC280, s20;
	s12 =	sor.u32 s18, s5;
	v10 =	vld [tilespmem:s0+$0x0]  }
0x332: {  	s19 =	sor.u32 $0xE280, s20;
	s13 =	sor.u32 s18, s1;
	v11 =	vld [tilespmem:s12+$0x0]  }
0x333: {  	s3 =	sor.u32 $0xE000, s20;
	s14 =	sor.u32 s18, s19;
	v12 =	vld [tilespmem:s13+$0x0]  }
0x334: {  	s7 =	sor.u32 $0xC200, s20;
	s2 =	sor.u32 s18, s3;
	v13 =	vld [tilespmem:s14+$0x0]  }
0x335: {  	s21 =	sor.u32 $0xE300, s20;
	s16 =	sor.u32 s18, s7;
	v14 =	vld [tilespmem:s2+$0x0]  }
0x336: {  	s9 =	sor.u32 $0xE200, s20;
	s22 =	sor.u32 s18, s21;
	v15 =	vld [tilespmem:s16+$0x0]  }
0x337: {  	s10 =	sor.u32 $0xC380, s20;
	s23 =	sor.u32 s18, s9;
	v16 =	vld [tilespmem:s22+$0x0]  }
0x338: {  	s6 =	sor.u32 $0xC080, s20;
	s24 =	sor.u32 s18, s10;
	v17 =	vld [tilespmem:s23+$0x0]  }
0x339: {  	s25 =	sor.u32 $0xE380, s20;
	s4 =	sor.u32 s18, s6;
	v18 =	vld [tilespmem:s24+$0x0]  }
0x33a: {  	s26 =	sor.u32 $0xC000, s20;
	s28 =	sor.u32 s18, s25;
	v19 =	vld [tilespmem:s4+$0x0]  }
0x33b: {  	s29 =	sor.u32 s18, s26;
	s2 =	sor.u32 $0xC180, s20;
	v22 =	vld [tilespmem:s28+$0x0]  }
0x33c: {  	s0 =	sor.u32 $0x10, s18;
	v23 =	vld [tilespmem:s29+$0x0];
	s11 =	sor.u32 s18, s2  }
0x33d: {  	v33 =	vimm.f32 $0.0e+00;
	s12 =	sor.u32 s0, s7;
	v20 =	vld [tilespmem:s11+$0x0];
	v14 =	vadd.f32 v14, v10  }
0x33e: {  	s30 =	sor.u32 $0xC300, s20;
	v34 =	vimm.f32 $0.0e+00;
	s10 =	sor.u32 s0, s10;
	v21 =	vld [tilespmem:s12+$0x0];
	v11 =	vadd.f32 v11, v10;
	v15 =	vadd.f32 v15, v10  }
0x33f: {  	s14 =	sor.u32 $0xE100, s20;
	s31 =	sor.u32 s0, s30;
	v24 =	vld [tilespmem:s10+$0x0];
	v12 =	vadd.f32 v12, v10;
	v18 =	vadd.f32 v18, v10;
	v14 =	vmul.f32 $1.442695020e+00, v14  }
0x340: {  	s16 =	sor.u32 s18, s14;
	v25 =	vld [tilespmem:s31+$0x0];
	v16 =	vadd.f32 v16, v10;
	v11 =	vmul.f32 $1.442695020e+00, v11;
	v15 =	vmul.f32 $1.442695020e+00, v15  }
0x341: {  	s8 =	sand.u32 $0x380, s8;
	s11 =	sor.u32 s18, s30;
	v26 =	vld [tilespmem:s16+$0x0];
	v12 =	vmul.f32 $1.442695020e+00, v12;
	(erf) = vpow2.f32 v14;
	v14 =	vadd.f32 v19, v10  }
0x342: {  	s8 =	sor.u32 s0, s8;
	v17 =	vadd.f32 v17, v10;
	(erf) = vpow2.f32 v11;
	v11 =	vmul.f32 $1.442695020e+00, v18;
	v18 =	vld [tilespmem:s11+$0x0]  }
0x343: {  	s1 =	sor.u32 s0, s1;
	v13 =	vadd.f32 v13, v10;
	(erf) = vpow2.f32 v12;
	v12 =	vmul.f32 $1.442695020e+00, v14;
	v14 =	vld [tilespmem:s8+$0x10400]  }
0x344: {  	s9 =	sor.u32 s0, s9;
	s12 =	sor.u32 $0xE080, s20;
	v28 =	vld [tilespmem:s1+$0x0];
	v22 =	vadd.f32 v22, v10;
	v17 =	vmul.f32 $1.442695020e+00, v17;
	(erf) = vpow2.f32 v15  }
0x345: {  	s13 =	sor.u32 s18, s12;
	v20 =	vadd.f32 v20, v10;
	v19 =	vld [tilespmem:s9+$0x0];
	(erf) = vpow2.f32 v11;
	v11 =	vmul.f32 $1.442695020e+00, v16  }
0x346: {  	v13 =	vmul.f32 $1.442695020e+00, v13;
	v22 =	vmul.f32 $1.442695020e+00, v22;
	s9 =	sor.u32 s0, s12;
	v15 =	vadd.f32 v23, v10;
	v23 =	vld [tilespmem:s13+$0x0]  }
0x347: {  	s23 =	sor.u32 s0, s26;
	s26 =	sor.u32 s0, s2;
	v20 =	vmul.f32 $1.442695020e+00, v20;
	v16 =	vld [tilespmem:s9+$0x0];
	(erf) = vpow2.f32 v11;
	v18 =	vadd.f32 v18, v10  }
0x348: {  	v31 =	vld [tilespmem:s26+$0x0];
	s8 =	sor.u32 s0, s14;
	(erf) = vpow2.f32 v17;
	v17 =	vadd.f32 v21, v14;
	v27 =	vadd.f32 v25, v14  }
0x349: {  	s3 =	sor.u32 s0, s3;
	v15 =	vmul.f32 $1.442695020e+00, v15;
	v11 =	vld [tilespmem:s8+$0x0];
	v24 =	vadd.f32 v24, v14;
	v28 =	vadd.f32 v28, v14  }
0x34a: {  	s29 =	sor.u32 s0, s21;
	v21 =	vld [tilespmem:s3+$0x0];
	(erf) = vpow2.f32 v12;
	v12 =	vmul.f32 $1.442695020e+00, v18;
	v18 =	vadd.f32 v19, v14  }
0x34b: {  	s28 =	sor.u32 $0xE180, s20;
	s22 =	sor.u32 s0, s6;
	s24 =	sor.u32 s0, s5;
	v63 =	vld [tilespmem:s29+$0x0];
	(erf) = vpow2.f32 v13;
	v13 =	vadd.f32 v23, v10;
	v17 =	vmul.f32 $1.442695020e+00, v17  }
0x34c: {  	s25 =	sor.u32 s0, s25;
	s30 =	sor.u32 s0, s28;
	s0 =	sor.u32 s0, s19;
	v19 =	vld [tilespmem:s22+$0x0];
	v25 =	vpop (erf);
	v16 =	vadd.f32 v16, v14;
	v39 =	vmul.f32 $1.442695020e+00, v24;
	(erf) = vpow2.f32 v15  }
0x34d: {  	v24 =	vld [tilespmem:s0+$0x0];
	v23 =	vpop (erf);
	v15 =	vadd.f32 v26, v10;
	v18 =	vmul.f32 $1.442695020e+00, v18;
	(erf) = vpow2.f32 v12  }
0x34e: {  	v26 =	vld [tilespmem:s23+$0x0];
	v23 =	vadd.f32 v23, v9;
	v13 =	vmul.f32 $1.442695020e+00, v13;
	v11 =	vadd.f32 v11, v14  }
0x34f: {  	v12 =	vld [tilespmem:s24+$0x0];
	v44 =	vmul.f32 $1.442695020e+00, v16;
	v15 =	vmul.f32 $1.442695020e+00, v15;
	v37 =	vadd.f32 v21, v14  }
0x350: {  	v21 =	vadd.f32 v31, v14;
	v31 =	vadd.f32 v63, v14;
	(erf) = vpow2.f32 v13  }
0x351: {  	v29 =	vld [tilespmem:s25+$0x0];
	v19 =	vadd.f32 v19, v14;
	v30 =	vmul.f32 $1.442695020e+00, v11;
	(erf) = vpow2.f32 v22  }
0x352: {  	v11 =	vld [tilespmem:s30+$0x0];
	v47 =	vmul.f32 $1.442695020e+00, v31;
	v46 =	vadd.f32 v24, v14;
	v24 =	vimm.f32 $0.0e+00  }
0x353: {  	s31 =	sor.u32 s18, s28;
	v22 =	vpop (erf);
	v13 =	vadd.f32 v26, v14;
	v16 =	vmul.f32 $1.442695020e+00, v19;
	(erf) = vpow2.f32 v15  }
0x354: {  	v19 =	vld [tilespmem:s31+$0x0];
	v38 =	vpop (erf);
	v15 =	vadd.f32 v22, v9;
	v22 =	vimm.f32 $0.0e+00;
	v12 =	vadd.f32 v12, v14  }
0x355: {  	(erf) = vpow2.f32 v17;
	v26 =	vpop (erf);
	v17 =	vimm.f32 $0.0e+00;
	v45 =	vmul.f32 $1.442695020e+00, v13  }
0x356: {  	v13 =	vadd.f32 v29, v14;
	v29 =	vmul.f32 $1.442695020e+00, v21;
	(erf) = vpow2.f32 v18;
	v31 =	vpop (erf)  }
0x357: {  	v18 =	vimm.f32 $0.0e+00;
	v12 =	vmul.f32 $1.442695020e+00, v12;
	v11 =	vadd.f32 v11, v14;
	v41 =	vpop (erf)  }
0x358: {  	(erf) = vpow2.f32 v16;
	v16 =	vimm.f32 $0.0e+00;
	v14 =	vimm.f32 $0.0e+00;
	v36 =	vpop (erf)  }
0x359: {  	v42 =	vmul.f32 $1.442695020e+00, v13;
	v13 =	vimm.f32 $0.0e+00;
	v21 =	vadd.f32 v19, v10;
	v40 =	vpop (erf)  }
0x35a: {  	s21 =	simm.s32 $0x10420;
	v32 =	vmul.f32 $1.442695020e+00, v11;
	(erf) = vpow2.f32 v12;
	v11 =	vimm.f32 $0.0e+00;
	v43 =	vpop (erf)  }
0x35b: {  	s20 =	simm.s32 $0x20;
	s18 =	simm.s32 $0x0;
	s19 =	simm.s32 $0x100;
	v19 =	vimm.f32 $0.0e+00;
	v12 =	vimm.f32 $0.0e+00;
	v10 =	vimm.f32 $0.0e+00;
	v35 =	vpop (erf)  }
.LBB2_9:
0x35c: {  	s29 =	sand.u32 $0x60, s20;
	s4 =	sand.u32 $0x1C00, s19;
	s10 =	sand.u32 $0x380, s20;
	v48 =	vmul.f32 $1.442695020e+00, v21;
	v49 =	vpop (erf);
	(erf) = vpow2.f32 v45  }
0x35d: {  	v9 =	vadd.f32 v38, v9;
	v25 =	vadd.f32 v25, v34;
	s12 =	sor.u32 $0xC100, s4;
	s8 =	sor.u32 $0xC280, s4;
	s26 =	sor.u32 $0xE180, s4;
	(erf) = vpow2.f32 v44  }
0x35e: {  	v27 =	vmul.f32 $1.442695020e+00, v27;
	s5 =	sor.u32 $0xC080, s4;
	s2 =	sor.u32 $0xC180, s4;
	s30 =	sor.u32 $0xE300, s4;
	v22 =	vadd.f32 v49, v22;
	v21 =	vld [tilespmem:s21+$0x0];
	(erf) = vpow2.f32 v47  }
0x35f: {  	v34 =	vmul.f32 $1.442695020e+00, v37;
	s7 =	sor.u32 $0xC200, s4;
	s6 =	sor.u32 $0xE100, s4;
	s0 =	sor.u32 s29, s12;
	v37 =	vpop (erf);
	(erf) = vpow2.f32 v39  }
0x360: {  	v13 =	vadd.f32 v41, v13;
	s13 =	sor.u32 s29, s7;
	s1 =	sor.u32 s29, s8;
	v38 =	vld [tilespmem:s0+$0x0];
	s0 =	sor.u32 $0xE280, s4;
	v39 =	vpop (erf);
	(erf) = vpow2.f32 v48  }
0x361: {  	v18 =	vadd.f32 v43, v18;
	s14 =	sor.u32 $0xC300, s4;
	s3 =	sor.u32 $0xE000, s4;
	v43 =	vmul.f32 $1.442695020e+00, v46;
	v41 =	vld [tilespmem:s1+$0x0];
	s1 =	sor.u32 s29, s0;
	v44 =	vpop (erf);
	(erf) = vpow2.f32 v27  }
0x362: {  	s11 =	sor.u32 $0xE080, s4;
	s16 =	sor.u32 s29, s3;
	s22 =	sor.u32 s29, s26;
	v27 =	vadd.f32 v40, v33;
	v45 =	vld [tilespmem:s1+$0x0];
	v9 =	vadd.f32 v44, v9;
	v33 =	vpop (erf);
	(erf) = vpow2.f32 v42  }
0x363: {  	v28 =	vmul.f32 $1.442695020e+00, v28;
	s9 =	sor.u32 $0xC380, s4;
	s25 =	sor.u32 s29, s6;
	s1 =	sor.u32 $0x10, s29;
	v40 =	vld [tilespmem:s16+$0x0];
	v13 =	vadd.f32 v33, v13;
	v33 =	vpop (erf);
	(erf) = vpow2.f32 v43  }
0x364: {  	v16 =	vadd.f32 v26, v16;
	v14 =	vadd.f32 v31, v14;
	s16 =	sor.u32 s29, s30;
	s31 =	sor.u32 s1, s10;
	v42 =	vld [tilespmem:s13+$0x0];
	s13 =	sor.u32 $0xE200, s4;
	v26 =	vpop (erf);
	(erf) = vpow2.f32 v30  }
0x365: {  	v24 =	vadd.f32 v36, v24;
	s28 =	sor.u32 s1, s8;
	s23 =	sor.u32 s29, s13;
	v30 =	vld [tilespmem:s16+$0x0];
	s16 =	sor.u32 $0xE380, s4;
	v23 =	vadd.f32 v26, v23;
	(erf) = vpow2.f32 v20;
	v20 =	vpop (erf)  }
0x366: {  	s10 =	sor.u32 $0xC000, s4;
	s24 =	sor.u32 s1, s12;
	v26 =	vadd.f32 v38, v21;
	s12 =	sor.u32 s1, s13;
	v31 =	vld [tilespmem:s23+$0x0];
	v18 =	vadd.f32 v20, v18;
	(erf) = vpow2.f32 v34;
	v20 =	vpop (erf)  }
0x367: {  	v17 =	vadd.f32 v37, v17;
	s4 =	sor.u32 s29, s9;
	s13 =	sor.u32 s1, s7;
	s23 =	sor.u32 s1, s2;
	v22 =	vadd.f32 v20, v22;
	(erf) = vpow2.f32 v28;
	v20 =	vpop (erf)  }
0x368: {  	v11 =	vadd.f32 v35, v11;
	s8 =	sor.u32 s29, s11;
	s7 =	sor.u32 s29, s5;
	v26 =	vmul.f32 $1.442695020e+00, v26;
	v28 =	vld [tilespmem:s4+$0x0];
	s4 =	sor.u32 s1, s6;
	v14 =	vadd.f32 v20, v14;
	v20 =	vpop (erf)  }
0x369: {  	s26 =	sor.u32 s1, s26;
	s2 =	sor.u32 s29, s2;
	v35 =	vadd.f32 v40, v21;
	v34 =	vld [tilespmem:s7+$0x0];
	s7 =	sor.u32 s1, s11;
	v16 =	vadd.f32 v20, v16;
	v20 =	vpop (erf);
	(erf) = vpow2.f32 v29  }
0x36a: {  	s6 =	sor.u32 s29, s16;
	v36 =	vadd.f32 v42, v21;
	s11 =	sor.u32 s29, s14;
	v29 =	vld [tilespmem:s2+$0x0];
	v30 =	vadd.f32 v30, v21;
	s2 =	sor.u32 s1, s5;
	v37 =	vpop (erf);
	(erf) = vpow2.f32 v32  }
0x36b: {  	s29 =	sor.u32 s29, s10;
	v32 =	vadd.f32 v41, v21;
	v41 =	vmul.f32 $1.442695020e+00, v35;
	s5 =	sor.u32 s1, s16;
	v38 =	vld [tilespmem:s13+$0x0];
	s13 =	sor.u32 s1, s9;
	v11 =	vadd.f32 v37, v11;
	v37 =	vpop (erf)  }
0x36c: {  	v19 =	vadd.f32 v39, v19;
	s14 =	sor.u32 s1, s14;
	v36 =	vmul.f32 $1.442695020e+00, v36;
	s9 =	sor.u32 s1, s3;
	v40 =	vld [tilespmem:s6+$0x0];
	s6 =	sor.u32 s1, s30;
	v17 =	vadd.f32 v37, v17;
	v37 =	vpop (erf)  }
0x36d: {  	s18 =	sadd.s32 $0x2, s18;
	s3 =	sor.u32 s1, s10;
	v42 =	vmul.f32 $1.442695020e+00, v32;
	v39 =	vld [tilespmem:s29+$0x0];
	v28 =	vadd.f32 v28, v21;
	s29 =	sor.u32 s1, s0;
	(erf) = vpow2.f32 v41;
	v35 =	vpop (erf)  }
0x36e: {  	p1 =	slt.u32 s18, $0x3E;
	v12 =	vadd.f32 v20, v12;
	v34 =	vadd.f32 v34, v21;
	v41 =	vld [tilespmem:s13+$0x0];
	(erf) = vpow2.f32 v26;
	v20 =	vpop (erf)  }
0x36f: {  	v26 =	vadd.f32 v29, v21;
	v28 =	vmul.f32 $1.442695020e+00, v28;
	v29 =	vld [tilespmem:s14+$0x0];
	(erf) = vpow2.f32 v42;
	v32 =	vpop (erf)  }
0x370: {  	v42 =	vmul.f32 $1.442695020e+00, v34;
	v43 =	vld [tilespmem:s12+$0x0];
	(erf) = vpow2.f32 v36;
	v34 =	vadd.f32 v32, v25;
	v25 =	vpop (erf)  }
0x371: {  	v24 =	vadd.f32 v33, v24;
	v36 =	vadd.f32 v45, v21;
	v32 =	vld [tilespmem:s11+$0x0];
	(erf) = vpow2.f32 v28  }
0x372: {  	v30 =	vmul.f32 $1.442695020e+00, v30;
	v40 =	vadd.f32 v40, v21;
	v28 =	vadd.f32 v39, v21;
	v39 =	vld [tilespmem:s8+$0x0];
	v33 =	vpop (erf)  }
0x373: {  	v31 =	vadd.f32 v31, v21;
	v10 =	vadd.f32 v20, v10;
	v46 =	vld [tilespmem:s31+$0x10400];
	v20 =	vpop (erf)  }
0x374: {  	v28 =	vmul.f32 $1.442695020e+00, v28;
	v44 =	vld [tilespmem:s7+$0x0];
	(erf) = vpow2.f32 v30;
	v12 =	vadd.f32 v20, v12  }
0x375: {  	v15 =	vadd.f32 v25, v15;
	v10 =	vadd.f32 v33, v10;
	v30 =	vmul.f32 $1.442695020e+00, v31;
	v31 =	vld [tilespmem:s4+$0x0]  }
0x376: {  	v19 =	vadd.f32 v35, v19;
	v36 =	vmul.f32 $1.442695020e+00, v36;
	v32 =	vadd.f32 v32, v21;
	v45 =	vld [tilespmem:s25+$0x0];
	v25 =	vpop (erf)  }
0x377: {  	v33 =	vadd.f32 v37, v27;
	v20 =	vmul.f32 $1.442695020e+00, v26;
	v35 =	vld [tilespmem:s28+$0x0];
	v47 =	vpop (erf);
	(erf) = vpow2.f32 v30  }
0x378: {  	v37 =	vadd.f32 v38, v46;
	v27 =	vadd.f32 v29, v46;
	v29 =	vld [tilespmem:s9+$0x0];
	(erf) = vpow2.f32 v42;
	v48 =	vpop (erf)  }
0x379: {  	v30 =	vmul.f32 $1.442695020e+00, v32;
	v32 =	vadd.f32 v43, v46;
	v42 =	vld [tilespmem:s6+$0x0];
	v38 =	vpop (erf);
	(erf) = vpow2.f32 v36  }
0x37a: {  	v36 =	vadd.f32 v39, v21;
	v43 =	vld [tilespmem:s2+$0x0];
	v49 =	vmul.f32 $1.442695020e+00, v37;
	(erf) = vpow2.f32 v28;
	v26 =	vpop (erf)  }
0x37b: {  	v44 =	vadd.f32 v44, v46;
	v37 =	vadd.f32 v45, v21;
	v45 =	vld [tilespmem:s3+$0x0];
	(erf) = vpow2.f32 v30  }
0x37c: {  	v23 =	vadd.f32 v47, v23;
	v36 =	vmul.f32 $1.442695020e+00, v36;
	v30 =	vadd.f32 v41, v46;
	v47 =	vld [tilespmem:s24+$0x0]  }
0x37d: {  	v50 =	vmul.f32 $1.442695020e+00, v40;
	v28 =	vadd.f32 v35, v46;
	v35 =	vadd.f32 v31, v46;
	v40 =	vld [tilespmem:s5+$0x0];
	v31 =	vpop (erf)  }
0x37e: {  	v51 =	vmul.f32 $1.442695020e+00, v37;
	v39 =	vmul.f32 $1.442695020e+00, v30;
	v37 =	vadd.f32 v29, v46;
	v52 =	vld [tilespmem:s23+$0x0]  }
0x37f: {  	v30 =	vmul.f32 $1.442695020e+00, v35;
	v29 =	vadd.f32 v43, v46;
	v35 =	vld [tilespmem:s26+$0x0];
	(erf) = vpow2.f32 v36  }
0x380: {  	v44 =	vmul.f32 $1.442695020e+00, v44;
	v53 =	vadd.f32 v42, v46;
	v57 =	vadd.f32 v45, v46;
	v41 =	vpop (erf)  }
0x381: {  	v32 =	vmul.f32 $1.442695020e+00, v32;
	v54 =	vld [tilespmem:s22+$0x0];
	v55 =	vmul.f32 $1.442695020e+00, v29;
	v29 =	vadd.f32 v47, v46;
	v36 =	vpop (erf)  }
0x382: {  	v45 =	vmul.f32 $1.442695020e+00, v57;
	v56 =	vld [tilespmem:s29+$0x0];
	v42 =	vadd.f32 v40, v46;
	v40 =	vpop (erf);
	(erf) = vpow2.f32 v50  }
.Ltmp4:
0x383: {  	v50 =	vmul.f32 $1.442695020e+00, v29;
	v29 =	vadd.f32 v52, v46;
	v43 =	vpop (erf);
	(erf) = vpow2.f32 v51;
	(pc) =	sbr.rel @p1 .LBB2_9-.Ltmp4, $4  }
0x384: {  	v51 =	vadd.f32 v35, v46;
	v42 =	vmul.f32 $1.442695020e+00, v42;
	v35 =	vpop (erf);
	(erf) = vpow2.f32 v49  }
0x385: {  	v15 =	vadd.f32 v48, v15;
	v29 =	vmul.f32 $1.442695020e+00, v29;
	(erf) = vpow2.f32 v32  }
0x386: {  	v47 =	vmul.f32 $1.442695020e+00, v53;
	v21 =	vadd.f32 v54, v21;
	(erf) = vpow2.f32 v55  }
0x387: {  	s19 =	sadd.s32 $0x100, s19;
	s20 =	sadd.s32 $0x20, s20;
	s21 =	sadd.s32 $0x20, s21;
	v32 =	vmul.f32 $1.442695020e+00, v51;
	v46 =	vadd.f32 v56, v46;
	(erf) = vpow2.f32 v50  }
0x388: {  	(erf) = vpow2.f32 v45  }
0x389: {  	v21 =	vmul.f32 $1.442695020e+00, v21;
	v27 =	vmul.f32 $1.442695020e+00, v27  }
0x38a: {  	v60 =	vmul.f32 $1.442695020e+00, v37;
	(erf) = vpow2.f32 v44  }
0x38b: {  	v53 =	vpop (erf);
	v28 =	vmul.f32 $1.442695020e+00, v28;
	v9 =	vadd.f32 v38, v9;
	(erf) = vpow2.f32 v47  }
0x38c: {  	v25 =	vadd.f32 v25, v34;
	v13 =	vadd.f32 v41, v13;
	v54 =	vpop (erf);
	(erf) = vpow2.f32 v39  }
0x38d: {  	v18 =	vadd.f32 v43, v18;
	v43 =	vadd.f32 v40, v33;
	v55 =	vpop (erf);
	(erf) = vpow2.f32 v21  }
0x38e: {  	v16 =	vadd.f32 v26, v16;
	v56 =	vmul.f32 $1.442695020e+00, v46;
	v57 =	vpop (erf);
	(erf) = vpow2.f32 v27  }
0x38f: {  	v14 =	vadd.f32 v31, v14;
	v24 =	vadd.f32 v36, v24;
	v58 =	vpop (erf);
	(erf) = vpow2.f32 v42  }
0x390: {  	v11 =	vadd.f32 v35, v11;
	v22 =	vadd.f32 v53, v22;
	v59 =	vpop (erf);
	(erf) = vpow2.f32 v56  }
0x391: {  	v17 =	vadd.f32 v54, v17;
	v19 =	vadd.f32 v55, v19;
	v61 =	vpop (erf);
	(erf) = vpow2.f32 v30  }
0x392: {  	v9 =	vadd.f32 v57, v9;
	v24 =	vadd.f32 v59, v24;
	(erf) = vpow2.f32 v20  }
0x393: {  	v13 =	vadd.f32 v58, v13;
	v62 =	vpop (erf);
	v23 =	vadd.f32 v61, v23;
	(erf) = vpow2.f32 v60  }
0x394: {  	v63 =	vpop (erf);
	v18 =	vadd.f32 v62, v18;
	v57 =	vperm.xlane v24, v5;
	v60 =	vperm.xlane v9, v5  }
0x395: {  	(erf) = vpow2.f32 v28;
	v38 =	vpop (erf);
	v21 =	vadd.f32 v63, v22;
	v58 =	vperm.xlane v23, v5  }
0x396: {  	(erf) = vpow2.f32 v29;
	v14 =	vadd.f32 v38, v14;
	v55 =	vperm.xlane v18, v5  }
0x397: {  	v41 =	vpop (erf);
	v24 =	vadd.f32 v57, v24;
	v9 =	vadd.f32 v60, v9;
	(erf) = vpow2.f32 v32  }
0x398: {  	v44 =	vpop (erf);
	v16 =	vadd.f32 v41, v16;
	v22 =	vadd.f32 v58, v23;
	v29 =	vperm.xlane v21, v5  }
0x399: {  	v32 =	vperm.xlane v13, v5;
	v46 =	vpop (erf);
	v12 =	vadd.f32 v44, v12;
	v18 =	vadd.f32 v55, v18  }
0x39a: {  	v34 =	vperm.xlane v14, v5;
	v47 =	vpop (erf);
	v11 =	vadd.f32 v46, v11;
	v21 =	vadd.f32 v29, v21  }
0x39b: {  	v63 =	vperm.xlane v16, v5;
	v13 =	vadd.f32 v32, v13;
	v48 =	vpop (erf);
	v17 =	vadd.f32 v47, v17  }
0x39c: {  	v18 =	vsel vm0, v18, v24;
	v14 =	vadd.f32 v34, v14;
	v49 =	vpop (erf);
	v56 =	vadd.f32 v48, v43  }
0x39d: {  	v62 =	vperm.xlane v11, v5;
	v16 =	vadd.f32 v63, v16;
	v37 =	vperm.xlane v18, v6;
	v50 =	vpop (erf)  }
0x39e: {  	v19 =	vadd.f32 v49, v19;
	v35 =	vperm.xlane v17, v5;
	v10 =	vadd.f32 v50, v10  }
0x39f: {  	v51 =	vpop (erf);
	v11 =	vadd.f32 v62, v11;
	v33 =	vperm.xlane v56, v5;
	v40 =	vadd.f32 v37, v18  }
0x3a0: {  	v52 =	vpop (erf);
	v25 =	vadd.f32 v51, v25;
	v30 =	vperm.xlane v19, v5;
	v17 =	vadd.f32 v35, v17  }
0x3a1: {  	v53 =	vpop (erf);
	v15 =	vadd.f32 v52, v15;
	v11 =	vsel vm0, v11, v16;
	v36 =	vadd.f32 v33, v56  }
0x3a2: {  	v54 =	vpop (erf);
	v10 =	vadd.f32 v53, v10;
	v28 =	vperm.xlane v25, v5;
	v19 =	vadd.f32 v30, v19  }
0x3a3: {  	v14 =	vsel vm0, v14, v17;
	v12 =	vadd.f32 v54, v12;
	v61 =	vperm.xlane v15, v5  }
0x3a4: {  	v41 =	vperm.xlane v11, v6;
	v13 =	vsel vm0, v13, v36;
	v59 =	vperm.xlane v10, v5  }
0x3a5: {  	v45 =	vperm.xlane v14, v6;
	v15 =	vadd.f32 v61, v15;
	v31 =	vperm.xlane v12, v5  }
0x3a6: {  	v11 =	vadd.f32 v41, v11;
	v44 =	vperm.xlane v13, v6;
	v10 =	vadd.f32 v59, v10  }
0x3a7: {  	v9 =	vsel vm0, v9, v15;
	v15 =	vadd.f32 v28, v25;
	v12 =	vadd.f32 v31, v12  }
0x3a8: {  	v14 =	vadd.f32 v45, v14;
	v10 =	vsel vm0, v22, v10;
	v39 =	vperm.xlane v9, v6  }
0x3a9: {  	v15 =	vsel vm0, v15, v21;
	v12 =	vsel vm0, v19, v12;
	v38 =	vperm.xlane v10, v6  }
0x3aa: {  	v13 =	vadd.f32 v44, v13;
	v42 =	vperm.xlane v15, v6;
	v43 =	vperm.xlane v12, v6  }
0x3ab: {  	v9 =	vadd.f32 v39, v9;
	v10 =	vadd.f32 v38, v10  }
0x3ac: {  	v47 =	vsel vm1, v13, v14;
	v15 =	vadd.f32 v42, v15;
	v12 =	vadd.f32 v43, v12  }
0x3ad: {  	v50 =	vperm.xlane v47, v7;
	v9 =	vsel vm1, v9, v11  }
0x3ae: {  	v10 =	vsel vm1, v40, v10;
	v49 =	vperm.xlane v9, v7;
	v46 =	vsel vm1, v15, v12  }
0x3af: {  	v48 =	vperm.xlane v10, v7;
	v15 =	vperm.xlane v46, v7  }
0x3b0: {  	v12 =	vadd.f32 v50, v47;
	v9 =	vadd.f32 v49, v9  }
0x3b1: {  	v10 =	vadd.f32 v48, v10;
	v11 =	vadd.f32 v15, v46;
	_ =	sdelay $0x1  }
0x3b2: {  	v9 =	vsel vm2, v10, v9;
	v51 =	vsel vm2, v11, v12  }
0x3b3: {  	v52 =	vperm.xlane v9, v1;
	v12 =	vperm.xlane v51, v1;
	_ =	sdelay $0x1  }
0x3b4: {  	v9 =	vadd.f32 v52, v9;
	v10 =	vadd.f32 v12, v51;
	_ =	sdelay $0x1  }
0x3b5: {  	v9 =	vsel vm3, v9, v10  }
0x3b6: {  	v10 =	vmul.f32 $9.223372030e+18, v9;
	_ =	sdelay $0x1  }
0x3b7: {  	v10 =	vmul.f32 $9.223372030e+18, v10  }
0x3b8: {  	vm4 =	vlt.f32 v9, $1.000000000e+00  }
0x3b9: {  	v9 =	vsel vm4, v10, v9  }
0x3ba: {  	v10 =	vmul.f32 $5.421010860e-20, v9  }
0x3bb: {  	vm5 =	vge.f32 v9, $1.844674410e+19  }
0x3bc: {  	v9 =	vsel vm5, v10, v9  }
0x3bd: {  	v10 =	vmul.f32 $2.328306440e-10, v9  }
0x3be: {  	vm6 =	vge.f32 v9, $4.294967300e+09  }
0x3bf: {  	v9 =	vsel vm6, v10, v9  }
0x3c0: {  	v10 =	vmul.f32 $1.525878910e-05, v9  }
0x3c1: {  	vm7 =	vge.f32 v9, $6.553600000e+04  }
0x3c2: {  	v9 =	vsel vm7, v10, v9  }
0x3c3: {  	v10 =	vmul.f32 $3.906250000e-03, v9  }
0x3c4: {  	vm8 =	vge.f32 v9, $2.560000000e+02  }
0x3c5: {  	v9 =	vsel vm8, v10, v9  }
0x3c6: {  	v10 =	vmul.f32 $6.250000000e-02, v9  }
0x3c7: {  	vm9 =	vge.f32 v9, $1.600000000e+01  }
0x3c8: {  	v9 =	vsel vm9, v10, v9  }
0x3c9: {  	v10 =	vmul.f32 $2.500000000e-01, v9  }
0x3ca: {  	vm10 =	vge.f32 v9, $4.000000000e+00  }
0x3cb: {  	v9 =	vsel vm10, v10, v9  }
0x3cc: {  	v10 =	vmul.f32 $5.000000000e-01, v9  }
0x3cd: {  	vm11 =	vge.f32 v9, $2.000000000e+00  }
0x3ce: {  	v9 =	vsel vm11, v10, v9  }
0x3cf: {  	v10 =	vmul.f32 $5.000000000e-01, v9  }
0x3d0: {  	vm12 =	vgt.f32 v9, $1.414213540e+00  }
0x3d1: {  	v9 =	vsel vm12, v10, v9  }
0x3d2: {  	v10 =	vadd.f32 $1.000000000e+00, v9;
	_ =	sdelay $0x1  }
0x3d3: {  	(erf) = vrcp.f32 v10;
	_ =	sdelay $0x7  }
0x3d4: {  	v9 =	vadd.f32 $-1.000000000e+00, v9  }
0x3d5: {  	v10 =	vpop (erf)  }
0x3d6: {  	v9 =	vmul.f32 v10, v9;
	_ =	sdelay $0x1  }
0x3d7: {  	v10 =	vmul.f32 v9, v9  }
0x3d8: {  	v53 =	vsel vm4, $0xC2FC0000, v0;
	v54 =	vsel vm5, $0x42800000, v0  }
0x3d9: {  	v11 =	vadd.f32 v54, v53;
	v55 =	vmul.f32 $2.222222240e-01, v10  }
0x3da: {  	v56 =	vsel vm6, $0x42000000, v0  }
0x3db: {  	v11 =	vadd.f32 v56, v11;
	v12 =	vadd.f32 $2.857142980e-01, v55  }
0x3dc: {  	v57 =	vsel vm7, $0x41800000, v0  }
0x3dd: {  	v11 =	vadd.f32 v57, v11;
	v12 =	vmul.f32 v12, v10  }
0x3de: {  	v58 =	vsel vm8, $0x41000000, v0  }
0x3df: {  	v11 =	vadd.f32 v58, v11;
	v12 =	vadd.f32 $4.000000060e-01, v12  }
0x3e0: {  	v59 =	vsel vm9, $0x40800000, v0  }
0x3e1: {  	v11 =	vadd.f32 v59, v11;
	v12 =	vmul.f32 v12, v10  }
0x3e2: {  	v60 =	vsel vm10, $0x40000000, v0  }
0x3e3: {  	v11 =	vadd.f32 v60, v11;
	v12 =	vadd.f32 $6.666666860e-01, v12  }
0x3e4: {  	v61 =	vsel vm11, $0x3F800000, v0  }
0x3e5: {  	v11 =	vadd.f32 v61, v11;
	v10 =	vmul.f32 v12, v10  }
0x3e6: {  	v62 =	vsel vm12, $0x3F800000, v0  }
0x3e7: {  	v11 =	vadd.f32 v62, v11;
	v10 =	vadd.f32 $2.000000000e+00, v10;
	_ =	sdelay $0x1  }
0x3e8: {  	v63 =	vmul.f32 $6.931471820e-01, v11;
	v9 =	vmul.f32 v10, v9;
	_ =	sdelay $0x1  }
0x3e9: {  	s0 =	rddreg [dreg:$0x5];
	v9 =	vadd.f32 v9, v63  }
0x3ea: {  	s1 =	rddreg [dreg:$0x8]  }
0x3eb: {  	s0 =	ssub.s32 @!p0 s0, s1;
	v8 =	vadd.f32 v9, v8  }
0x3ec: {  	s2 =	simm.s32 @!p0 $0x8000;
	s1 =	rddreg [dreg:$0x0];
	s0 =	sshrl.u32 @!p0 s0, $0x3  }
0x3ed: {  	s21 =	sshll.u32 s17, $0xA;
	s0 =	sadd.s32 @!p0 s1, s0;
	s1 =	simm.s32 @!p0 $0x0;
	[tilespmem:$0x10830] =	vst v8  }
0x3ee: {  	[tilespmem:s2], [sflag:$0x2] =	stream.linear.gather @!p0 [hbm4b:s0+s1], $0x8000, $0x38;
	[tilespmem:$0x108C0] =	vst v63  }
0x3ef: {  	s22 =	sshll.u32 s17, $0x7;
	s23 =	rddreg [dreg:$0x6];
	s0 =	sand.u32 $0x2000, s21  }
0x3f0: {  	s1 =	sand.u32 $0x380, s22;
	s0 =	sor.u32 s0, s23  }
0x3f1: {  	s0 =	sor.u32 s1, s0  }
0x3f2: {  	s24 =	rddreg [dreg:$0x1];
	s25 =	simm.s32 $0x0;
	s0 =	sshrl.u32 s0, $0x3  }
0x3f3: {  	s26 =	simm.s32 $0x10800;
	s28 =	simm.s32 $0x3;
	s0 =	sadd.s32 s24, s0  }
0x3f4: {  	[hbm4b:s0+s25] =	stream.linear.scatter [tilespmem:s26], [sflag:$0x3], $0x40, $0x38;
	[tilespmem:$0x108C0] =	vst v63  }
0x3f5: {  	_ =	swait.ge [sflag:s28], $0x40  }
0x3f6: {  	[sflag:s28] =	ssyncset.done $0x0  }
0x3f7: {  	s29 =	rddreg [dreg:$0x7];
	[sflag:s28] =	ssyncadd.s32 $0xFFFFFFC0  }
0x3f8: {  	[spmem:s29] =	stream.linear.scatter [tilespmem:s26], [sflag:$0x3], $0x40, $0x38;
	[tilespmem:$0x108C0] =	vst v63  }
0x3f9: {  	_ =	swait.ge [sflag:s28], $0x40  }
0x3fa: {  	[sflag:s28] =	ssyncset.done $0x0  }
0x3fb: {  	[sflag:s28] =	ssyncadd.s32 $0xFFFFFFC0  }
0x3fc: {  	s15 =	sadd.s32 $0x1, s15;
	[bflag:$0x0] =	sbarrier.arrive $0xFFFF  }
0x3fd: {  	s31 =	simm.s32 $0x10000;
	p0 =	sne.s32 s15, $0x10;
	s30 =	rddreg [dreg:$0x2]  }
0x3fe: {  	[tilespmem:s31], [sflag:$0x3] =	stream.linear.gather [spmem:s30], $0x400, $0x38;
	[tilespmem:$0x108C0] =	vst v63  }
.Ltmp5:
0x3ff: {  	_ =	swait.ge [sflag:s28], $0x400;
	(pc) =	sbr.rel @p0 .LBB2_2-.Ltmp5, $3  }
0x400: {  	[sflag:s28] =	ssyncset.done $0x0  }
0x401: {  	[sflag:s28] =	ssyncadd.s32 $0xFFFFFC00  }
0x402: {  	[bflag:$0x0] =	sbarrier.arrive $0xFFFF;
	_ =	sdelay $0x1  }
.LBB2_11:
0x403: {  	_ =	sfence.sel $0x180000  }
0x404: {  	[bflag:$0x0] =	sbarrier.arrive $0xFFFF  }
0x405: {  	_ =	strace $0x90000047  }
0x406: {  	s0 =	stileid.u32;
	[bflag:$0x2] =	sbarrier.arrive $0xFFFF  }
0x407: {  	p0 =	sne.s32 s0, $0x0;
	s0 =	rddreg [dreg:$0x3]  }
0x408: {  	s0 =	sadd.s32 @!p0 $0x100000, s0  }
0x409: {  	[sflag:s0] =	ssyncadd.tile.s32 @!p0 $0x1;
	_ =	shalt  }
.Lfunc_end2:
_tile_overlayer_lowered:
.L_overlay_start_2:
0x40a: {  	(tag) =	ssettag $0x2  }
0x40b: {  	s0 =	rddreg [dreg:$0x0];
	s2 =	stileid.u32  }
0x40c: {  	s1 =	rddreg [dreg:$0x1];
	p0 =	sne.s32 s2, $0x0  }
0x40d: {  	s3 =	rddreg [dreg:$0x2];
	[bflag:$0x3] =	sbarrier.arrive $0xFFFF;
	s2 =	simm.s32 @!p0 $0x1C03  }
0x40e: {  	[timem:s3], [sflag:s2] =	dma.local @!p0 [hbm:s0], s1  }
0x40f: {  	s0 =	simm.s32 @!p0 $0x3  }
0x410: {  	_ =	swait.ge @!p0 [sflag:s0], s1  }
0x411: {  	s1 =	ssub.s32 @!p0 $0x0, s1;
	[sflag:s0] =	ssyncset.done @!p0 $0x0  }
0x412: {  	[sflag:s0] =	ssyncadd.s32 @!p0 s1  }
0x413: {  	[bflag:$0x3] =	sbarrier.arrive $0xFFFF  }
0x414: {  	_ =	shalt  }

</sc_bundles>
